<compile_context>
chip_gen: v7x
topology: tpu7x:2x2x1
jax: 0.10.2.dev20260603
libtpu: 0.0.44.dev20260713+nightly
codegen_flags: <defaults>
</compile_context>

<pallas_src>
import functools

import jax
import jax.numpy as jnp
from jax import lax
from jax.experimental import pallas as pl
from jax.experimental.pallas import tpu as pltpu
from jax.experimental.pallas import tpu_sc as plsc

N = 10000
E = 320000
H = 128
HEADS = 4
DH = H // HEADS
G = 16
NC, NS = 2, 16
NW = NC * NS
CHUNK = 80
GIT = (2 * E) // NW // CHUNK
SIT = E // NW // CHUNK
EPW = E // NW
NPAD = 10240
NPT = NPAD // NS
BE = 1280
NEB = E // BE
ISD = float(DH) ** -0.5

_MESH = plsc.VectorSubcoreMesh(core_axis_name="c", subcore_axis_name="s")



@functools.partial(
    pl.kernel,
    out_type=jax.ShapeDtypeStruct((2 * E, H), jnp.float32),
    mesh=_MESH,
    scratch_types=[
        pltpu.VMEM((GIT, CHUNK), jnp.int32),
        pltpu.VMEM((2, CHUNK, H), jnp.float32),
        pltpu.SemaphoreType.DMA((2,)),
    ],
)
def _sc_gather(table, idx3, out, idx_v, buf, sem):
    wid = lax.axis_index("s") * NC + lax.axis_index("c")
    base = wid * (GIT * CHUNK)
    pltpu.sync_copy(idx3.at[wid], idx_v)
    pltpu.async_copy(table.at[idx_v.at[0]], buf.at[0], sem.at[0])

    def body(k, carry):
        slot = lax.rem(k, 2)
        nslot = lax.rem(k + 1, 2)

        @pl.when(k + 1 < GIT)
        def _():
            pltpu.async_copy(table.at[idx_v.at[k + 1]], buf.at[nslot],
                             sem.at[nslot])

        pltpu.make_async_copy(table.at[idx_v.at[k]], buf.at[slot],
                              sem.at[slot]).wait()
        pltpu.sync_copy(buf.at[slot], out.at[pl.ds(base + k * CHUNK, CHUNK)])
        return carry

    lax.fori_loop(0, GIT, body, 0)


def _make_sc_scatter(w):
    @functools.partial(
        pl.kernel,
        out_type=jax.ShapeDtypeStruct((NC * NPAD, w), jnp.float32),
        mesh=_MESH,
        scratch_types=[
            pltpu.VMEM((SIT, CHUNK), jnp.int32),
            pltpu.VMEM((2, CHUNK, w), jnp.float32),
            pltpu.VMEM_SHARED((NPAD, w), jnp.float32),
            pltpu.SemaphoreType.DMA((2,)),
        ],
    )
    def scat(vals, src3, z_v, out, idx_v, vbuf, acc, sem):
        cid = lax.axis_index("c")
        sid = lax.axis_index("s")
        wid = sid * NC + cid
        pltpu.sync_copy(z_v.at[pl.ds(sid * NPT, NPT)],
                        acc.at[pl.ds(sid * NPT, NPT)])
        plsc.subcore_barrier()

        base = wid * EPW
        pltpu.sync_copy(src3.at[wid], idx_v)
        pltpu.async_copy(vals.at[pl.ds(base, CHUNK)], vbuf.at[0], sem.at[0])

        def body(k, carry):
            slot = lax.rem(k, 2)
            nslot = lax.rem(k + 1, 2)

            @pl.when(k + 1 < SIT)
            def _():
                pltpu.async_copy(vals.at[pl.ds(base + (k + 1) * CHUNK, CHUNK)],
                                 vbuf.at[nslot], sem.at[nslot])

            pltpu.make_async_copy(vals.at[pl.ds(base + k * CHUNK, CHUNK)],
                                  vbuf.at[slot], sem.at[slot]).wait()
            pltpu.sync_copy(vbuf.at[slot], acc.at[idx_v.at[k]], add=True)
            return carry

        lax.fori_loop(0, SIT, body, 0)
        plsc.subcore_barrier()
        pltpu.sync_copy(acc.at[pl.ds(sid * NPT, NPT)],
                        out.at[pl.ds(cid * NPAD + sid * NPT, NPT)])

    return scat


_sc_scatter_v = _make_sc_scatter(H)



def _mm(a, b):
    return lax.dot_general(a.astype(jnp.bfloat16), b.astype(jnp.bfloat16),
                           (((1,), (0,)), ((), ())),
                           preferred_element_type=jnp.float32)


def _head_expand():
    lane_head = lax.broadcasted_iota(jnp.int32, (HEADS, H), 1) // DH
    row = lax.broadcasted_iota(jnp.int32, (HEADS, H), 0)
    return (lane_head == row).astype(jnp.float32)


def _graph_onehot(ids, rows):
    return (ids[...] == lax.broadcasted_iota(jnp.int32, (rows, G), 1)
            ).astype(jnp.float32)


def _attn_body(hs, hp, hd, s1, s2, gma, bta, bs, bd, gg, wb1s, wb1p, wb1d,
               bb1, wb2, bb2, wb3, bb3, wv1p, wv1d, bv1, wv2, bv2, wv3, bv3,
               lg_o, v_o, gm_o):
    i = pl.program_id(0)
    gg_ = gg[...]
    hs_ = hs[...] * (_graph_onehot(bs, BE) @ gg_)
    hd_ = hd[...] * (_graph_onehot(bd, BE) @ gg_)
    mu = s1[0:1, :] * (1.0 / E)
    var = s2[0:1, :] * (1.0 / E) - mu * mu
    hp_ = (hp[...] - mu) * lax.rsqrt(var + 1e-5) * gma[...] + bta[...]
    t = jax.nn.gelu(_mm(hs_, wb1s[...]) + _mm(hp_, wb1p[...])
                    + _mm(hd_, wb1d[...]) + bb1[...])
    t = jax.nn.gelu(_mm(t, wb2[...]) + bb2[...])
    lg = _mm(t, wb3[...]) + bb3[...]
    u = jax.nn.gelu(_mm(hp_, wv1p[...]) + _mm(hd_, wv1d[...]) + bv1[...])
    u = jax.nn.gelu(_mm(u, wv2[...]) + bv2[...])
    v = _mm(u, wv3[...]) + bv3[...]
    lg_o[...] = lg
    v_o[...] = v
    m = jnp.max(lg)

    @pl.when(i == 0)
    def _():
        gm_o[...] = jnp.full((8, 128), -3e38, jnp.float32)

    gm_o[...] = jnp.maximum(gm_o[...], m)


def _edge_attn(hs, hp, hd, hpstats, bsrc, bdst, gg, p):
    eb = lambda w: pl.BlockSpec((BE, w), lambda i: (i, 0))
    cb = lambda a: pl.BlockSpec(a.shape, lambda i: (0,) * a.ndim)
    wb1s, wb1p, wb1d = p['B1'][0][:H], p['B1'][0][H:2 * H], p['B1'][0][2 * H:]
    wv1p, wv1d = p['V1'][0][:H], p['V1'][0][H:]
    s1, s2, gma, bta = hpstats
    args = (hs, hp, hd, s1, s2, gma, bta, bsrc, bdst, gg,
            wb1s, wb1p, wb1d, p['B1'][1].reshape(1, H),
            p['B2'][0], p['B2'][1].reshape(1, H),
            p['B3'][0], p['B3'][1].reshape(1, HEADS),
            wv1p, wv1d, p['V1'][1].reshape(1, H),
            p['V2'][0], p['V2'][1].reshape(1, H),
            p['V3'][0], p['V3'][1].reshape(1, H))
    sb = pl.BlockSpec((8, 128), lambda i: (0, 0))
    bb = pl.BlockSpec((1, H), lambda i: (0, 0))
    return pl.pallas_call(
        _attn_body,
        grid=(NEB,),
        in_specs=[eb(H), eb(H), eb(H), sb, sb, bb, bb, eb(1), eb(1), cb(gg)]
                 + [cb(a) for a in args[10:]],
        out_specs=[eb(HEADS), eb(H), pl.BlockSpec((8, 128), lambda i: (0, 0))],
        out_shape=[jax.ShapeDtypeStruct((E, HEADS), jnp.float32),
                   jax.ShapeDtypeStruct((E, H), jnp.float32),
                   jax.ShapeDtypeStruct((8, 128), jnp.float32)],
    )(*args)


def _weight_body(lg, v, gm, p_o, e_o):
    r4 = _head_expand()
    eb = jnp.exp((lg[...] - gm[0:1, 0:1]) * ISD) @ r4
    e_o[...] = eb
    p_o[...] = eb * v[...]


def _edge_weight(lg, v, gm):
    eb = lambda w: pl.BlockSpec((BE, w), lambda i: (i, 0))
    return pl.pallas_call(
        _weight_body,
        grid=(NEB,),
        in_specs=[eb(HEADS), eb(H), pl.BlockSpec((8, 128), lambda i: (0, 0))],
        out_specs=[eb(H), eb(H)],
        out_shape=[jax.ShapeDtypeStruct((E, H), jnp.float32),
                   jax.ShapeDtypeStruct((E, H), jnp.float32)],
    )(lg, v, gm)


def _node_body_common(hv, ggp, av0, av1, as0, as1, bid, wo, g0, b0, f1w, f1b,
                      f2w, f2b, g1, b1, wg1, bg1, wg2, bg2, wg3, bg3):
    oh = _graph_onehot(bid, N)
    hvg = hv[...] * (oh @ ggp[...])
    sden = as0[...] + as1[...]
    agg = av0[...] + av1[...]
    agg = jnp.where(sden > 0.0, agg / sden, 0.0)
    x = hvg + agg @ wo[...]
    mu = jnp.mean(x, axis=0, keepdims=True)
    xc = x - mu
    var = jnp.mean(xc * xc, axis=0, keepdims=True)
    x = xc * lax.rsqrt(var + 1e-5) * g0[...] + b0[...]
    f = f2b[...]
    for cix in range(4):
        hid = jnp.maximum(x @ f1w[:, cix * H:(cix + 1) * H]
                          + f1b[:, cix * H:(cix + 1) * H], 0.0)
        f = f + hid @ f2w[cix * H:(cix + 1) * H, :]
    y = x + f
    mu2 = jnp.mean(y, axis=0, keepdims=True)
    yc = y - mu2
    var2 = jnp.mean(yc * yc, axis=0, keepdims=True)
    h_pre = yc * lax.rsqrt(var2 + 1e-5) * g1[...] + b1[...]
    c = lax.dot_general(oh, h_pre, (((0,), (0,)), ((), ())))
    cnt = lax.dot_general(oh, jnp.ones((N, 1), jnp.float32),
                          (((0,), (0,)), ((), ())))
    c = c / jnp.maximum(cnt, 1.0)
    gg = jnp.maximum(c @ wg1[...] + bg1[...], 0.0)
    gg = jnp.maximum(gg @ wg2[...] + bg2[...], 0.0)
    gg = jax.nn.sigmoid(gg @ wg3[...] + bg3[...])
    return h_pre, gg, oh


def _node_body_mid(*refs):
    h_o, gg_o = refs[-2], refs[-1]
    h_pre, gg, _ = _node_body_common(*refs[:-2])
    h_o[...] = h_pre
    gg_o[...] = gg


def _node_body_last(*refs):
    wr, br, out = refs[-3], refs[-2], refs[-1]
    h_pre, gg, oh = _node_body_common(*refs[:-3])
    hv = h_pre * (oh @ gg)
    lgt = hv @ wr[...] + br[...]
    mx = jnp.max(lgt, axis=1, keepdims=True)
    sh = lgt - mx
    out[...] = sh - jnp.log(jnp.sum(jnp.exp(sh), axis=1, keepdims=True))


def _node(hv, ggp, av0, av1, as0, as1, bid2, p, readout):
    args = [hv, ggp, av0, av1, as0, as1, bid2,
            p['WO'], p['bn0'][0].reshape(1, H), p['bn0'][1].reshape(1, H),
            p['F1'][0], p['F1'][1].reshape(1, 4 * H),
            p['F2'][0], p['F2'][1].reshape(1, H),
            p['bn1'][0].reshape(1, H), p['bn1'][1].reshape(1, H),
            p['G1'][0], p['G1'][1].reshape(1, H),
            p['G2'][0], p['G2'][1].reshape(1, H),
            p['G3'][0], p['G3'][1].reshape(1, H)]
    if readout is None:
        body = _node_body_mid
        out_shape = [jax.ShapeDtypeStruct((N, H), jnp.float32),
                     jax.ShapeDtypeStruct((G, H), jnp.float32)]
    else:
        args += [readout[0], readout[1].reshape(1, 20)]
        body = _node_body_last
        out_shape = jax.ShapeDtypeStruct((N, 20), jnp.float32)
    return pl.pallas_call(body, out_shape=out_shape)(*args)


def _eupd_body(hs, hp, hd, s1, s2, gma, bta, we1s, we1p, we1d, be1,
               we2, be2, we3, be3, y_o, s1_o, s2_o):
    i = pl.program_id(0)
    mu = s1[0:1, :] * (1.0 / E)
    var = s2[0:1, :] * (1.0 / E) - mu * mu
    hp_ = (hp[...] - mu) * lax.rsqrt(var + 1e-5) * gma[...] + bta[...]
    m = jax.nn.gelu(_mm(hp_, we1p[...]) + _mm(hs[...], we1s[...])
                    + _mm(hd[...], we1d[...]) + be1[...])
    m = jax.nn.gelu(_mm(m, we2[...]) + be2[...])
    m = _mm(m, we3[...]) + be3[...]
    y = hp_ + m
    y_o[...] = y

    @pl.when(i == 0)
    def _():
        s1_o[...] = jnp.zeros((8, 128), jnp.float32)
        s2_o[...] = jnp.zeros((8, 128), jnp.float32)

    s1_o[...] = s1_o[...] + jnp.sum(y, axis=0, keepdims=True)
    s2_o[...] = s2_o[...] + jnp.sum(y * y, axis=0, keepdims=True)


def _edge_update(hs, hp, hd, hpstats, p):
    eb = lambda w: pl.BlockSpec((BE, w), lambda i: (i, 0))
    cb = lambda a: pl.BlockSpec(a.shape, lambda i: (0,) * a.ndim)
    we1s, we1p, we1d = p['E1'][0][:H], p['E1'][0][H:2 * H], p['E1'][0][2 * H:]
    s1, s2, gma, bta = hpstats
    args = (hs, hp, hd, s1, s2, gma, bta,
            we1s, we1p, we1d, p['E1'][1].reshape(1, H),
            p['E2'][0], p['E2'][1].reshape(1, H),
            p['E3'][0], p['E3'][1].reshape(1, H))
    acc = pl.BlockSpec((8, 128), lambda i: (0, 0))
    bb = pl.BlockSpec((1, H), lambda i: (0, 0))
    return pl.pallas_call(
        _eupd_body,
        grid=(NEB,),
        in_specs=[eb(H), eb(H), eb(H), acc, acc, bb, bb]
                 + [cb(a) for a in args[7:]],
        out_specs=[eb(H), acc, acc],
        out_shape=[jax.ShapeDtypeStruct((E, H), jnp.float32),
                   jax.ShapeDtypeStruct((8, 128), jnp.float32),
                   jax.ShapeDtypeStruct((8, 128), jnp.float32)],
    )(*args)



def kernel(h_V, h_P, P_idx, batch_id, params):
    idx3g = P_idx.reshape(NW, GIT, CHUNK)
    src3 = P_idx[0].reshape(NW, SIT, CHUNK)
    bid2 = batch_id.reshape(N, 1)
    bsrc = batch_id[P_idx[0]].reshape(E, 1)
    bdst = batch_id[P_idx[1]].reshape(E, 1)
    z_v = jnp.zeros((NPAD, H), jnp.float32)

    hp = h_P
    s1z = jnp.zeros((8, 128), jnp.float32)
    s2z = jnp.full((8, 128), float(E) * (1.0 - 1e-5), jnp.float32)
    hpstats = (s1z, s2z, jnp.ones((1, H), jnp.float32),
               jnp.zeros((1, H), jnp.float32))
    hv = h_V
    gg = jnp.ones((G, H), jnp.float32)
    g = _sc_gather(hv, idx3g)
    hs, hd = g[:E], g[E:]
    layers = params['layers']
    for l, p in enumerate(layers):
        lg, v, gm = _edge_attn(hs, hp, hd, hpstats, bsrc, bdst, gg, p)
        p_arr, ew = _edge_weight(lg, v, gm)
        acc_v = _sc_scatter_v(p_arr, src3, z_v)
        acc_s = _sc_scatter_v(ew, src3, z_v)
        last = l == len(layers) - 1
        res = _node(hv, gg, acc_v[:N], acc_v[NPAD:NPAD + N], acc_s[:N],
                    acc_s[NPAD:NPAD + N], bid2, p,
                    params['readout'] if last else None)
        if last:
            return res
        hv, gg = res
        g = _sc_gather(hv, idx3g)
        hs, hd = g[:E], g[E:]
        y, s1, s2 = _edge_update(hs, hp, hd, hpstats, p)
        hp = y
        hpstats = (s1, s2, p['bne'][0].reshape(1, H),
                   p['bne'][1].reshape(1, H))

# --- scband reference (transcript-rebuilt; emitter-appended) ---
"""Pipeline reference for scband-pi-fold-model-695784701979 (READ-ONLY COPY).

The authoritative reference and input builder live on the scoring server;
editing this copy changes nothing except your own understanding.
"""

import jax, jax.numpy as jnp
import numpy as np

H = 128
NUM_LAYERS = 3
N_HEADS = 4
N_GRAPHS = 16
N_NODES = 10000
N_EDGES = 320000


def _lin(key, din, dout):
    k1, _ = jax.random.split(key)
    lim = float(np.sqrt(6.0 / (din + dout)))
    W = jax.random.uniform(k1, (din, dout), minval=-lim, maxval=lim, dtype=jnp.float32)
    b = jnp.zeros((dout,), dtype=jnp.float32)
    return (W, b)


def make_params(key):
    layers = []
    for l in range(NUM_LAYERS):
        key, *ks = jax.random.split(key, 20)
        p = {}
        p['V1'] = _lin(ks[0], 2 * H, H)
        p['V2'] = _lin(ks[1], H, H)
        p['V3'] = _lin(ks[2], H, H)
        p['B1'] = _lin(ks[3], 3 * H, H)
        p['B2'] = _lin(ks[4], H, H)
        p['B3'] = _lin(ks[5], H, N_HEADS)
        p['WO'] = _lin(ks[6], H, H)[0]
        p['bn0'] = (jnp.ones((H,), jnp.float32), jnp.zeros((H,), jnp.float32))
        p['bn1'] = (jnp.ones((H,), jnp.float32), jnp.zeros((H,), jnp.float32))
        p['F1'] = _lin(ks[7], H, 4 * H)
        p['F2'] = _lin(ks[8], 4 * H, H)
        p['E1'] = _lin(ks[9], 3 * H, H)
        p['E2'] = _lin(ks[10], H, H)
        p['E3'] = _lin(ks[11], H, H)
        p['bne'] = (jnp.ones((H,), jnp.float32), jnp.zeros((H,), jnp.float32))
        p['G1'] = _lin(ks[12], H, H)
        p['G2'] = _lin(ks[13], H, H)
        p['G3'] = _lin(ks[14], H, H)
        layers.append(p)
    key, kr = jax.random.split(key)
    return {'layers': layers, 'readout': _lin(kr, H, 20)}


def setup_inputs(seed: int = 0):
    key = jax.random.key(seed)
    k1, k2, k3, k4, k5 = jax.random.split(key, 5)
    h_V = jax.random.normal(k1, (N_NODES, H), dtype=jnp.float32)
    h_P = jax.random.normal(k2, (N_EDGES, H), dtype=jnp.float32)
    P_idx = jax.random.randint(k3, (2, N_EDGES), 0, N_NODES, dtype=jnp.int32)
    batch_id = jnp.sort(jax.random.randint(k4, (N_NODES,), 0, N_GRAPHS, dtype=jnp.int32))
    params = make_params(k5)
    return {'h_V': h_V, 'h_P': h_P, 'P_idx': P_idx, 'batch_id': batch_id, 'params': params}


def _bn(x, gb):
    g, b = gb
    mu = jnp.mean(x, axis=0, keepdims=True)
    var = jnp.var(x, axis=0, keepdims=True)
    return (x - mu) / jnp.sqrt(var + 1e-5) * g + b


def _mlp3(x, p1, p2, p3):
    x = jax.nn.gelu(x @ p1[0] + p1[1])
    x = jax.nn.gelu(x @ p2[0] + p2[1])
    return x @ p3[0] + p3[1]


def _scatter_softmax(logits, idx, n):
    m = jax.ops.segment_max(logits, idx, num_segments=n)
    m = jnp.where(jnp.isfinite(m), m, 0.0)
    e = jnp.exp(logits - m[idx])
    s = jax.ops.segment_sum(e, idx, num_segments=n)
    return e / (s[idx] + 1e-9)


def _forward(h_V, h_P, P_idx, batch_id, params):
    N = h_V.shape[0]
    src = P_idx[0]
    dst = P_idx[1]
    d_h = H // N_HEADS
    for p in params['layers']:
        h_EV = jnp.concatenate([h_P, h_V[dst]], axis=-1)
        w = _mlp3(jnp.concatenate([h_V[src], h_EV], axis=-1), p['B1'], p['B2'], p['B3'])
        attend_logits = w.reshape(-1, N_HEADS, 1) / np.sqrt(d_h)
        V = _mlp3(h_EV, p['V1'], p['V2'], p['V3']).reshape(-1, N_HEADS, d_h)
        attend = _scatter_softmax(attend_logits, src, N)
        agg = jax.ops.segment_sum(attend * V, src, num_segments=N).reshape(N, H)
        dh = agg @ p['WO']
        h_V = _bn(h_V + dh, p['bn0'])
        dh = jax.nn.relu(h_V @ p['F1'][0] + p['F1'][1]) @ p['F2'][0] + p['F2'][1]
        h_V = _bn(h_V + dh, p['bn1'])
        h_EV2 = jnp.concatenate([h_V[src], h_P, h_V[dst]], axis=-1)
        m = jax.nn.gelu(h_EV2 @ p['E1'][0] + p['E1'][1])
        m = jax.nn.gelu(m @ p['E2'][0] + p['E2'][1])
        m = m @ p['E3'][0] + p['E3'][1]
        h_P = _bn(h_P + m, p['bne'])
        c_V = jax.ops.segment_sum(h_V, batch_id, num_segments=N_GRAPHS)
        cnt = jax.ops.segment_sum(jnp.ones((N, 1), jnp.float32), batch_id, num_segments=N_GRAPHS)
        c_V = c_V / jnp.maximum(cnt, 1.0)
        g = jax.nn.relu(c_V @ p['G1'][0] + p['G1'][1])
        g = jax.nn.relu(g @ p['G2'][0] + p['G2'][1])
        g = jax.nn.sigmoid(g @ p['G3'][0] + p['G3'][1])
        h_V = h_V * g[batch_id]
    logits = h_V @ params['readout'][0] + params['readout'][1]
    log_probs = jax.nn.log_softmax(logits, axis=-1)
    return log_probs


def reference(h_V, h_P, P_idx, batch_id, params):
    return _forward(h_V, h_P, P_idx, batch_id, params)

if __name__ == "__main__":
    import jax
    _d = setup_inputs()
    print(jax.jit(kernel)(*tuple(_d.values())))

</pallas_src>

<mosaic_0001>
#map = affine_map<(d0, d1) -> (0, 0)>
#map1 = affine_map<(d0, d1) -> (0, 0, 0)>
module attributes {stable_mosaic.version = 14 : i64} {
  func.func @_sc_gather(%arg0: i32, %arg1: i32, %arg2: memref<10000x128xf32, #tpu.memory_space<hbm>>, %arg3: memref<32x250x80xi32, #tpu.memory_space<hbm>>, %arg4: memref<640000x128xf32, #tpu.memory_space<hbm>>, %arg5: memref<250x80xi32, #tpu.memory_space<vmem>>, %arg6: memref<2x80x128xf32, #tpu.memory_space<vmem>>, %arg7: memref<2x!tpu.dma_semaphore, #tpu.memory_space<semaphore_mem>>) attributes {dimension_semantics = [#tpu.dimension_semantics<core_parallel>, #tpu.dimension_semantics<subcore_parallel>], iteration_bounds = array<i64: 2, 16>, scalar_prefetch = 0 : i64, scratch_operands = 3 : i64, tpu.core_type = #tpu.core_type<sc_vector_subcore>, window_params = [{transform_indices = #map}, {transform_indices = #map1}, {transform_indices = #map}]} {
    %mul3A = arith.constant 2 : i32
    %mul3A_0 = arith.muli %arg1, %mul3A : i32
    %add3A = arith.addi %mul3A_0, %arg0 : i32
    %mul3A_1 = arith.constant 20000 : i32
    %mul3A_2 = arith.muli %add3A, %mul3A_1 : i32
    "tpu.region"() ({
      %run_scoped3A = tpu.sem_alloc : memref<!tpu.dma_semaphore, #tpu.memory_space<semaphore_mem>>
      %dma_start3A_22 = arith.constant 0 : i32
      %dma_start3A_23 = arith.constant 0 : i32
      %dma_start3A_24 = tpu.memref_slice %arg3[%add3A, %dma_start3A_22, %dma_start3A_23] : memref<32x250x80xi32, #tpu.memory_space<hbm>> -> memref<1x250x80xi32, #tpu.memory_space<hbm>>
      %dma_start3A_25 = tpu.memref_squeeze %dma_start3A_24 : memref<1x250x80xi32, #tpu.memory_space<hbm>> -> memref<250x80xi32, #tpu.memory_space<hbm>>
      %dma_start3A_26 = arith.constant 0 : i32
      %dma_start3A_27 = arith.constant 0 : i32
      %dma_start3A_28 = tpu.memref_slice %arg3[%add3A, %dma_start3A_26, %dma_start3A_27] : memref<32x250x80xi32, #tpu.memory_space<hbm>> -> memref<1x250x80xi32, #tpu.memory_space<hbm>>
      %dma_start3A_29 = tpu.memref_squeeze %dma_start3A_28 : memref<1x250x80xi32, #tpu.memory_space<hbm>> -> memref<250x80xi32, #tpu.memory_space<hbm>>
      tpu.enqueue_dma source(%dma_start3A_29 : memref<250x80xi32, #tpu.memory_space<hbm>>) target(%arg5 : memref<250x80xi32, #tpu.memory_space<vmem>>) target_semaphore(%run_scoped3A : memref<!tpu.dma_semaphore, #tpu.memory_space<semaphore_mem>>)
      %dma_wait3A = arith.constant 0 : i32
      %dma_wait3A_30 = arith.constant 0 : i32
      %dma_wait3A_31 = tpu.memref_slice %arg3[%add3A, %dma_wait3A, %dma_wait3A_30] : memref<32x250x80xi32, #tpu.memory_space<hbm>> -> memref<1x250x80xi32, #tpu.memory_space<hbm>>
      %dma_wait3A_32 = tpu.memref_squeeze %dma_wait3A_31 : memref<1x250x80xi32, #tpu.memory_space<hbm>> -> memref<250x80xi32, #tpu.memory_space<hbm>>
      %dma_wait3A_33 = arith.constant 0 : i32
      %dma_wait3A_34 = arith.constant 0 : i32
      %dma_wait3A_35 = tpu.memref_slice %arg3[%add3A, %dma_wait3A_33, %dma_wait3A_34] : memref<32x250x80xi32, #tpu.memory_space<hbm>> -> memref<1x250x80xi32, #tpu.memory_space<hbm>>
      %dma_wait3A_36 = tpu.memref_squeeze %dma_wait3A_35 : memref<1x250x80xi32, #tpu.memory_space<hbm>> -> memref<250x80xi32, #tpu.memory_space<hbm>>
      tpu.wait_dma2 semaphore(%run_scoped3A : memref<!tpu.dma_semaphore, #tpu.memory_space<semaphore_mem>>) src(%dma_wait3A_36 : memref<250x80xi32, #tpu.memory_space<hbm>>) dst(%arg5 : memref<250x80xi32, #tpu.memory_space<vmem>>)
      tpu.yield
    }) : () -> ()
    %dma_start3A = arith.constant 0 : i32
    %dma_start3A_3 = arith.constant 0 : i32
    %dma_start3A_4 = arith.constant 0 : i32
    %dma_start3A_5 = arith.constant 0 : i32
    %dma_start3A_6 = arith.constant 0 : i32
    %dma_start3A_7 = tpu.memref_slice %arg6[%dma_start3A_3, %dma_start3A_5, %dma_start3A_6] : memref<2x80x128xf32, #tpu.memory_space<vmem>> -> memref<1x80x128xf32, #tpu.memory_space<vmem>>
    %dma_start3A_8 = tpu.memref_squeeze %dma_start3A_7 : memref<1x80x128xf32, #tpu.memory_space<vmem>> -> memref<80x128xf32, #tpu.memory_space<vmem>>
    %dma_start3A_9 = arith.constant 0 : i32
    %dma_start3A_10 = tpu.memref_slice %arg5[%dma_start3A, %dma_start3A_9] : memref<250x80xi32, #tpu.memory_space<vmem>> -> memref<1x80xi32, #tpu.memory_space<vmem>>
    %dma_start3A_11 = tpu.memref_squeeze %dma_start3A_10 : memref<1x80xi32, #tpu.memory_space<vmem>> -> memref<80xi32, #tpu.memory_space<vmem>>
    %dma_start3A_12 = arith.constant 0 : i32
    %dma_start3A_13 = arith.constant 0 : i32
    %dma_start3A_14 = tpu.memref_slice %arg2[%dma_start3A_12, %dma_start3A_13] : memref<10000x128xf32, #tpu.memory_space<hbm>> -> memref<10000x128xf32, #tpu.memory_space<hbm>>
    %dma_start3A_15 = tpu.memref_slice %arg7[%dma_start3A_4] : memref<2x!tpu.dma_semaphore, #tpu.memory_space<semaphore_mem>> -> memref<1x!tpu.dma_semaphore, #tpu.memory_space<semaphore_mem>>
    %dma_start3A_16 = tpu.memref_squeeze %dma_start3A_15 : memref<1x!tpu.dma_semaphore, #tpu.memory_space<semaphore_mem>> -> memref<!tpu.dma_semaphore, #tpu.memory_space<semaphore_mem>>
    tpu.enqueue_indirect_dma source(%dma_start3A_14 : memref<10000x128xf32, #tpu.memory_space<hbm>>) target(%dma_start3A_8 : memref<80x128xf32, #tpu.memory_space<vmem>>) offsets(%dma_start3A_11 : memref<80xi32, #tpu.memory_space<vmem>>) semaphore(%dma_start3A_16 : memref<!tpu.dma_semaphore, #tpu.memory_space<semaphore_mem>>)
    %scan3A = arith.constant 0 : i32
    %scan3A_17 = arith.constant 0 : i32
    %scan3A_18 = arith.constant 250 : i32
    %scan3A_19 = arith.addi %scan3A_17, %scan3A_18 : i32
    %scan3A_20 = arith.constant 1 : i32
    scf.for %scan3A_22 = %scan3A_17 to %scan3A_19 step %scan3A_20  : i32 {
      %rem3A = arith.constant 2 : i32
      %rem3A_23 = arith.remsi %scan3A_22, %rem3A : i32
      %add3A_24 = arith.constant 1 : i32
      %add3A_25 = arith.addi %scan3A_22, %add3A_24 : i32
      %rem3A_26 = arith.constant 2 : i32
      %rem3A_27 = arith.remsi %add3A_25, %rem3A_26 : i32
      %add3A_28 = arith.constant 1 : i32
      %add3A_29 = arith.addi %scan3A_22, %add3A_28 : i32
      %lt3A = arith.constant 250 : i32
      %lt3A_30 = arith.cmpi slt, %add3A_29, %lt3A : i32
      %convert_element_type3A = arith.extui %lt3A_30 : i1 to i32
      %cond3A = arith.constant 0 : i32
      %cond3A_31 = arith.cmpi ne, %convert_element_type3A, %cond3A : i32
      scf.if %cond3A_31 {
        %add3A_46 = arith.constant 1 : i32
        %add3A_47 = arith.addi %scan3A_22, %add3A_46 : i32
        %dma_start3A_48 = arith.constant 0 : i32
        %dma_start3A_49 = arith.constant 0 : i32
        %dma_start3A_50 = tpu.memref_slice %arg6[%rem3A_27, %dma_start3A_48, %dma_start3A_49] : memref<2x80x128xf32, #tpu.memory_space<vmem>> -> memref<1x80x128xf32, #tpu.memory_space<vmem>>
        %dma_start3A_51 = tpu.memref_squeeze %dma_start3A_50 : memref<1x80x128xf32, #tpu.memory_space<vmem>> -> memref<80x128xf32, #tpu.memory_space<vmem>>
        %dma_start3A_52 = arith.constant 0 : i32
        %dma_start3A_53 = tpu.memref_slice %arg5[%add3A_47, %dma_start3A_52] : memref<250x80xi32, #tpu.memory_space<vmem>> -> memref<1x80xi32, #tpu.memory_space<vmem>>
        %dma_start3A_54 = tpu.memref_squeeze %dma_start3A_53 : memref<1x80xi32, #tpu.memory_space<vmem>> -> memref<80xi32, #tpu.memory_space<vmem>>
        %dma_start3A_55 = arith.constant 0 : i32
        %dma_start3A_56 = arith.constant 0 : i32
        %dma_start3A_57 = tpu.memref_slice %arg2[%dma_start3A_55, %dma_start3A_56] : memref<10000x128xf32, #tpu.memory_space<hbm>> -> memref<10000x128xf32, #tpu.memory_space<hbm>>
        %dma_start3A_58 = tpu.memref_slice %arg7[%rem3A_27] : memref<2x!tpu.dma_semaphore, #tpu.memory_space<semaphore_mem>> -> memref<1x!tpu.dma_semaphore, #tpu.memory_space<semaphore_mem>>
        %dma_start3A_59 = tpu.memref_squeeze %dma_start3A_58 : memref<1x!tpu.dma_semaphore, #tpu.memory_space<semaphore_mem>> -> memref<!tpu.dma_semaphore, #tpu.memory_space<semaphore_mem>>
        tpu.enqueue_indirect_dma source(%dma_start3A_57 : memref<10000x128xf32, #tpu.memory_space<hbm>>) target(%dma_start3A_51 : memref<80x128xf32, #tpu.memory_space<vmem>>) offsets(%dma_start3A_54 : memref<80xi32, #tpu.memory_space<vmem>>) semaphore(%dma_start3A_59 : memref<!tpu.dma_semaphore, #tpu.memory_space<semaphore_mem>>)
      } else {
      }
      %dma_wait3A = arith.constant 0 : i32
      %dma_wait3A_32 = arith.constant 0 : i32
      %dma_wait3A_33 = tpu.memref_slice %arg6[%rem3A_23, %dma_wait3A, %dma_wait3A_32] : memref<2x80x128xf32, #tpu.memory_space<vmem>> -> memref<1x80x128xf32, #tpu.memory_space<vmem>>
      %dma_wait3A_34 = tpu.memref_squeeze %dma_wait3A_33 : memref<1x80x128xf32, #tpu.memory_space<vmem>> -> memref<80x128xf32, #tpu.memory_space<vmem>>
      %dma_wait3A_35 = arith.constant 0 : i32
      %dma_wait3A_36 = tpu.memref_slice %arg5[%scan3A_22, %dma_wait3A_35] : memref<250x80xi32, #tpu.memory_space<vmem>> -> memref<1x80xi32, #tpu.memory_space<vmem>>
      %dma_wait3A_37 = tpu.memref_squeeze %dma_wait3A_36 : memref<1x80xi32, #tpu.memory_space<vmem>> -> memref<80xi32, #tpu.memory_space<vmem>>
      %dma_wait3A_38 = arith.constant 0 : i32
      %dma_wait3A_39 = arith.constant 0 : i32
      %dma_wait3A_40 = tpu.memref_slice %arg2[%dma_wait3A_38, %dma_wait3A_39] : memref<10000x128xf32, #tpu.memory_space<hbm>> -> memref<10000x128xf32, #tpu.memory_space<hbm>>
      %dma_wait3A_41 = tpu.memref_slice %arg7[%rem3A_23] : memref<2x!tpu.dma_semaphore, #tpu.memory_space<semaphore_mem>> -> memref<1x!tpu.dma_semaphore, #tpu.memory_space<semaphore_mem>>
      %dma_wait3A_42 = tpu.memref_squeeze %dma_wait3A_41 : memref<1x!tpu.dma_semaphore, #tpu.memory_space<semaphore_mem>> -> memref<!tpu.dma_semaphore, #tpu.memory_space<semaphore_mem>>
      tpu.wait_indirect_dma semaphore(%dma_wait3A_42 : memref<!tpu.dma_semaphore, #tpu.memory_space<semaphore_mem>>) src(%dma_wait3A_40 : memref<10000x128xf32, #tpu.memory_space<hbm>>) dst(%dma_wait3A_34 : memref<80x128xf32, #tpu.memory_space<vmem>>)
      %mul3A_43 = arith.constant 80 : i32
      %mul3A_44 = arith.muli %scan3A_22, %mul3A_43 : i32
      %add3A_45 = arith.addi %mul3A_2, %mul3A_44 : i32
      "tpu.region"() ({
        %run_scoped3A = tpu.sem_alloc : memref<!tpu.dma_semaphore, #tpu.memory_space<semaphore_mem>>
        %dma_start3A_46 = arith.constant 0 : i32
        %dma_start3A_47 = arith.constant 0 : i32
        %dma_start3A_48 = tpu.memref_slice %arg6[%rem3A_23, %dma_start3A_46, %dma_start3A_47] : memref<2x80x128xf32, #tpu.memory_space<vmem>> -> memref<1x80x128xf32, #tpu.memory_space<vmem>>
        %dma_start3A_49 = tpu.memref_squeeze %dma_start3A_48 : memref<1x80x128xf32, #tpu.memory_space<vmem>> -> memref<80x128xf32, #tpu.memory_space<vmem>>
        %dma_start3A_50 = arith.constant 0 : i32
        %dma_start3A_51 = tpu.memref_slice %arg4[%add3A_45, %dma_start3A_50] : memref<640000x128xf32, #tpu.memory_space<hbm>> -> memref<80x128xf32, #tpu.memory_space<hbm>>
        %dma_start3A_52 = arith.constant 0 : i32
        %dma_start3A_53 = tpu.memref_slice %arg4[%add3A_45, %dma_start3A_52] : memref<640000x128xf32, #tpu.memory_space<hbm>> -> memref<80x128xf32, #tpu.memory_space<hbm>>
        %dma_start3A_54 = arith.constant 0 : i32
        %dma_start3A_55 = arith.constant 0 : i32
        %dma_start3A_56 = tpu.memref_slice %arg6[%rem3A_23, %dma_start3A_54, %dma_start3A_55] : memref<2x80x128xf32, #tpu.memory_space<vmem>> -> memref<1x80x128xf32, #tpu.memory_space<vmem>>
        %dma_start3A_57 = tpu.memref_squeeze %dma_start3A_56 : memref<1x80x128xf32, #tpu.memory_space<vmem>> -> memref<80x128xf32, #tpu.memory_space<vmem>>
        tpu.enqueue_dma source(%dma_start3A_57 : memref<80x128xf32, #tpu.memory_space<vmem>>) target(%dma_start3A_53 : memref<80x128xf32, #tpu.memory_space<hbm>>) target_semaphore(%run_scoped3A : memref<!tpu.dma_semaphore, #tpu.memory_space<semaphore_mem>>)
        %dma_wait3A_58 = arith.constant 0 : i32
        %dma_wait3A_59 = arith.constant 0 : i32
        %dma_wait3A_60 = tpu.memref_slice %arg6[%rem3A_23, %dma_wait3A_58, %dma_wait3A_59] : memref<2x80x128xf32, #tpu.memory_space<vmem>> -> memref<1x80x128xf32, #tpu.memory_space<vmem>>
        %dma_wait3A_61 = tpu.memref_squeeze %dma_wait3A_60 : memref<1x80x128xf32, #tpu.memory_space<vmem>> -> memref<80x128xf32, #tpu.memory_space<vmem>>
        %dma_wait3A_62 = arith.constant 0 : i32
        %dma_wait3A_63 = tpu.memref_slice %arg4[%add3A_45, %dma_wait3A_62] : memref<640000x128xf32, #tpu.memory_space<hbm>> -> memref<80x128xf32, #tpu.memory_space<hbm>>
        %dma_wait3A_64 = arith.constant 0 : i32
        %dma_wait3A_65 = tpu.memref_slice %arg4[%add3A_45, %dma_wait3A_64] : memref<640000x128xf32, #tpu.memory_space<hbm>> -> memref<80x128xf32, #tpu.memory_space<hbm>>
        %dma_wait3A_66 = arith.constant 0 : i32
        %dma_wait3A_67 = arith.constant 0 : i32
        %dma_wait3A_68 = tpu.memref_slice %arg6[%rem3A_23, %dma_wait3A_66, %dma_wait3A_67] : memref<2x80x128xf32, #tpu.memory_space<vmem>> -> memref<1x80x128xf32, #tpu.memory_space<vmem>>
        %dma_wait3A_69 = tpu.memref_squeeze %dma_wait3A_68 : memref<1x80x128xf32, #tpu.memory_space<vmem>> -> memref<80x128xf32, #tpu.memory_space<vmem>>
        tpu.wait_dma2 semaphore(%run_scoped3A : memref<!tpu.dma_semaphore, #tpu.memory_space<semaphore_mem>>) src(%dma_wait3A_69 : memref<80x128xf32, #tpu.memory_space<vmem>>) dst(%dma_wait3A_65 : memref<80x128xf32, #tpu.memory_space<hbm>>)
        tpu.yield
      }) : () -> ()
    }
    %scan3A_21 = arith.constant 250 : i32
    return
  }
}

#map = affine_map<(d0, d1) -> (0, 0)>
#map1 = affine_map<(d0, d1) -> (0, 0, 0)>
module attributes {stable_mosaic.version = 14 : i64} {
  func.func @scat(%arg0: i32, %arg1: i32, %arg2: memref<320000x128xf32, #tpu.memory_space<hbm>>, %arg3: memref<32x125x80xi32, #tpu.memory_space<hbm>>, %arg4: memref<10240x128xf32, #tpu.memory_space<hbm>>, %arg5: memref<20480x128xf32, #tpu.memory_space<hbm>>, %arg6: memref<125x80xi32, #tpu.memory_space<vmem>>, %arg7: memref<2x80x128xf32, #tpu.memory_space<vmem>>, %arg8: memref<10240x128xf32, #tpu.memory_space<vmem_shared>>, %arg9: memref<2x!tpu.dma_semaphore, #tpu.memory_space<semaphore_mem>>) attributes {dimension_semantics = [#tpu.dimension_semantics<core_parallel>, #tpu.dimension_semantics<subcore_parallel>], iteration_bounds = array<i64: 2, 16>, scalar_prefetch = 0 : i64, scratch_operands = 4 : i64, tpu.core_type = #tpu.core_type<sc_vector_subcore>, window_params = [{transform_indices = #map}, {transform_indices = #map1}, {transform_indices = #map}, {transform_indices = #map}]} {
    %mul3A = arith.constant 2 : i32
    %mul3A_0 = arith.muli %arg1, %mul3A : i32
    %add3A = arith.addi %mul3A_0, %arg0 : i32
    %mul3A_1 = arith.constant 640 : i32
    %mul3A_2 = arith.muli %arg1, %mul3A_1 : i32
    %mul3A_3 = arith.constant 640 : i32
    %mul3A_4 = arith.muli %arg1, %mul3A_3 : i32
    "tpu.region"() ({
      %run_scoped3A = tpu.sem_alloc : memref<!tpu.dma_semaphore, #tpu.memory_space<semaphore_mem>>
      %dma_start3A_35 = arith.constant 0 : i32
      %dma_start3A_36 = tpu.memref_slice %arg8[%mul3A_4, %dma_start3A_35] : memref<10240x128xf32, #tpu.memory_space<vmem_shared>> -> memref<640x128xf32, #tpu.memory_space<vmem_shared>>
      %dma_start3A_37 = arith.constant 0 : i32
      %dma_start3A_38 = tpu.memref_slice %arg4[%mul3A_2, %dma_start3A_37] : memref<10240x128xf32, #tpu.memory_space<hbm>> -> memref<640x128xf32, #tpu.memory_space<hbm>>
      tpu.enqueue_dma source(%dma_start3A_38 : memref<640x128xf32, #tpu.memory_space<hbm>>) target(%dma_start3A_36 : memref<640x128xf32, #tpu.memory_space<vmem_shared>>) target_semaphore(%run_scoped3A : memref<!tpu.dma_semaphore, #tpu.memory_space<semaphore_mem>>)
      %dma_wait3A = arith.constant 0 : i32
      %dma_wait3A_39 = tpu.memref_slice %arg8[%mul3A_4, %dma_wait3A] : memref<10240x128xf32, #tpu.memory_space<vmem_shared>> -> memref<640x128xf32, #tpu.memory_space<vmem_shared>>
      %dma_wait3A_40 = arith.constant 0 : i32
      %dma_wait3A_41 = tpu.memref_slice %arg4[%mul3A_2, %dma_wait3A_40] : memref<10240x128xf32, #tpu.memory_space<hbm>> -> memref<640x128xf32, #tpu.memory_space<hbm>>
      tpu.wait_dma2 semaphore(%run_scoped3A : memref<!tpu.dma_semaphore, #tpu.memory_space<semaphore_mem>>) src(%dma_wait3A_41 : memref<640x128xf32, #tpu.memory_space<hbm>>) dst(%dma_wait3A_39 : memref<640x128xf32, #tpu.memory_space<vmem_shared>>)
      tpu.yield
    }) : () -> ()
    %barrier3A = arith.constant 0 : index
    tpu.barrier barrier_id(%barrier3A)
    %mul3A_5 = arith.constant 10000 : i32
    %mul3A_6 = arith.muli %add3A, %mul3A_5 : i32
    "tpu.region"() ({
      %run_scoped3A = tpu.sem_alloc : memref<!tpu.dma_semaphore, #tpu.memory_space<semaphore_mem>>
      %dma_start3A_35 = arith.constant 0 : i32
      %dma_start3A_36 = arith.constant 0 : i32
      %dma_start3A_37 = tpu.memref_slice %arg3[%add3A, %dma_start3A_35, %dma_start3A_36] : memref<32x125x80xi32, #tpu.memory_space<hbm>> -> memref<1x125x80xi32, #tpu.memory_space<hbm>>
      %dma_start3A_38 = tpu.memref_squeeze %dma_start3A_37 : memref<1x125x80xi32, #tpu.memory_space<hbm>> -> memref<125x80xi32, #tpu.memory_space<hbm>>
      %dma_start3A_39 = arith.constant 0 : i32
      %dma_start3A_40 = arith.constant 0 : i32
      %dma_start3A_41 = tpu.memref_slice %arg3[%add3A, %dma_start3A_39, %dma_start3A_40] : memref<32x125x80xi32, #tpu.memory_space<hbm>> -> memref<1x125x80xi32, #tpu.memory_space<hbm>>
      %dma_start3A_42 = tpu.memref_squeeze %dma_start3A_41 : memref<1x125x80xi32, #tpu.memory_space<hbm>> -> memref<125x80xi32, #tpu.memory_space<hbm>>
      tpu.enqueue_dma source(%dma_start3A_42 : memref<125x80xi32, #tpu.memory_space<hbm>>) target(%arg6 : memref<125x80xi32, #tpu.memory_space<vmem>>) target_semaphore(%run_scoped3A : memref<!tpu.dma_semaphore, #tpu.memory_space<semaphore_mem>>)
      %dma_wait3A = arith.constant 0 : i32
      %dma_wait3A_43 = arith.constant 0 : i32
      %dma_wait3A_44 = tpu.memref_slice %arg3[%add3A, %dma_wait3A, %dma_wait3A_43] : memref<32x125x80xi32, #tpu.memory_space<hbm>> -> memref<1x125x80xi32, #tpu.memory_space<hbm>>
      %dma_wait3A_45 = tpu.memref_squeeze %dma_wait3A_44 : memref<1x125x80xi32, #tpu.memory_space<hbm>> -> memref<125x80xi32, #tpu.memory_space<hbm>>
      %dma_wait3A_46 = arith.constant 0 : i32
      %dma_wait3A_47 = arith.constant 0 : i32
      %dma_wait3A_48 = tpu.memref_slice %arg3[%add3A, %dma_wait3A_46, %dma_wait3A_47] : memref<32x125x80xi32, #tpu.memory_space<hbm>> -> memref<1x125x80xi32, #tpu.memory_space<hbm>>
      %dma_wait3A_49 = tpu.memref_squeeze %dma_wait3A_48 : memref<1x125x80xi32, #tpu.memory_space<hbm>> -> memref<125x80xi32, #tpu.memory_space<hbm>>
      tpu.wait_dma2 semaphore(%run_scoped3A : memref<!tpu.dma_semaphore, #tpu.memory_space<semaphore_mem>>) src(%dma_wait3A_49 : memref<125x80xi32, #tpu.memory_space<hbm>>) dst(%arg6 : memref<125x80xi32, #tpu.memory_space<vmem>>)
      tpu.yield
    }) : () -> ()
    %dma_start3A = arith.constant 0 : i32
    %dma_start3A_7 = arith.constant 0 : i32
    %dma_start3A_8 = arith.constant 0 : i32
    %dma_start3A_9 = arith.constant 0 : i32
    %dma_start3A_10 = tpu.memref_slice %arg7[%dma_start3A, %dma_start3A_8, %dma_start3A_9] : memref<2x80x128xf32, #tpu.memory_space<vmem>> -> memref<1x80x128xf32, #tpu.memory_space<vmem>>
    %dma_start3A_11 = tpu.memref_squeeze %dma_start3A_10 : memref<1x80x128xf32, #tpu.memory_space<vmem>> -> memref<80x128xf32, #tpu.memory_space<vmem>>
    %dma_start3A_12 = arith.constant 0 : i32
    %dma_start3A_13 = tpu.memref_slice %arg2[%mul3A_6, %dma_start3A_12] : memref<320000x128xf32, #tpu.memory_space<hbm>> -> memref<80x128xf32, #tpu.memory_space<hbm>>
    %dma_start3A_14 = tpu.memref_slice %arg9[%dma_start3A_7] : memref<2x!tpu.dma_semaphore, #tpu.memory_space<semaphore_mem>> -> memref<1x!tpu.dma_semaphore, #tpu.memory_space<semaphore_mem>>
    %dma_start3A_15 = tpu.memref_squeeze %dma_start3A_14 : memref<1x!tpu.dma_semaphore, #tpu.memory_space<semaphore_mem>> -> memref<!tpu.dma_semaphore, #tpu.memory_space<semaphore_mem>>
    %dma_start3A_16 = arith.constant 0 : i32
    %dma_start3A_17 = arith.constant 0 : i32
    %dma_start3A_18 = tpu.memref_slice %arg7[%dma_start3A, %dma_start3A_16, %dma_start3A_17] : memref<2x80x128xf32, #tpu.memory_space<vmem>> -> memref<1x80x128xf32, #tpu.memory_space<vmem>>
    %dma_start3A_19 = tpu.memref_squeeze %dma_start3A_18 : memref<1x80x128xf32, #tpu.memory_space<vmem>> -> memref<80x128xf32, #tpu.memory_space<vmem>>
    %dma_start3A_20 = arith.constant 0 : i32
    %dma_start3A_21 = tpu.memref_slice %arg2[%mul3A_6, %dma_start3A_20] : memref<320000x128xf32, #tpu.memory_space<hbm>> -> memref<80x128xf32, #tpu.memory_space<hbm>>
    tpu.enqueue_dma source(%dma_start3A_21 : memref<80x128xf32, #tpu.memory_space<hbm>>) target(%dma_start3A_19 : memref<80x128xf32, #tpu.memory_space<vmem>>) target_semaphore(%dma_start3A_15 : memref<!tpu.dma_semaphore, #tpu.memory_space<semaphore_mem>>)
    %scan3A = arith.constant 0 : i32
    %scan3A_22 = arith.constant 0 : i32
    %scan3A_23 = arith.constant 125 : i32
    %scan3A_24 = arith.addi %scan3A_22, %scan3A_23 : i32
    %scan3A_25 = arith.constant 1 : i32
    scf.for %scan3A_35 = %scan3A_22 to %scan3A_24 step %scan3A_25  : i32 {
      %rem3A = arith.constant 2 : i32
      %rem3A_36 = arith.remsi %scan3A_35, %rem3A : i32
      %add3A_37 = arith.constant 1 : i32
      %add3A_38 = arith.addi %scan3A_35, %add3A_37 : i32
      %rem3A_39 = arith.constant 2 : i32
      %rem3A_40 = arith.remsi %add3A_38, %rem3A_39 : i32
      %add3A_41 = arith.constant 1 : i32
      %add3A_42 = arith.addi %scan3A_35, %add3A_41 : i32
      %lt3A = arith.constant 125 : i32
      %lt3A_43 = arith.cmpi slt, %add3A_42, %lt3A : i32
      %convert_element_type3A = arith.extui %lt3A_43 : i1 to i32
      %cond3A = arith.constant 0 : i32
      %cond3A_44 = arith.cmpi ne, %convert_element_type3A, %cond3A : i32
      scf.if %cond3A_44 {
        %add3A_61 = arith.constant 1 : i32
        %add3A_62 = arith.addi %scan3A_35, %add3A_61 : i32
        %mul3A_63 = arith.constant 80 : i32
        %mul3A_64 = arith.muli %add3A_62, %mul3A_63 : i32
        %add3A_65 = arith.addi %mul3A_6, %mul3A_64 : i32
        %dma_start3A_66 = arith.constant 0 : i32
        %dma_start3A_67 = arith.constant 0 : i32
        %dma_start3A_68 = tpu.memref_slice %arg7[%rem3A_40, %dma_start3A_66, %dma_start3A_67] : memref<2x80x128xf32, #tpu.memory_space<vmem>> -> memref<1x80x128xf32, #tpu.memory_space<vmem>>
        %dma_start3A_69 = tpu.memref_squeeze %dma_start3A_68 : memref<1x80x128xf32, #tpu.memory_space<vmem>> -> memref<80x128xf32, #tpu.memory_space<vmem>>
        %dma_start3A_70 = arith.constant 0 : i32
        %dma_start3A_71 = tpu.memref_slice %arg2[%add3A_65, %dma_start3A_70] : memref<320000x128xf32, #tpu.memory_space<hbm>> -> memref<80x128xf32, #tpu.memory_space<hbm>>
        %dma_start3A_72 = tpu.memref_slice %arg9[%rem3A_40] : memref<2x!tpu.dma_semaphore, #tpu.memory_space<semaphore_mem>> -> memref<1x!tpu.dma_semaphore, #tpu.memory_space<semaphore_mem>>
        %dma_start3A_73 = tpu.memref_squeeze %dma_start3A_72 : memref<1x!tpu.dma_semaphore, #tpu.memory_space<semaphore_mem>> -> memref<!tpu.dma_semaphore, #tpu.memory_space<semaphore_mem>>
        %dma_start3A_74 = arith.constant 0 : i32
        %dma_start3A_75 = arith.constant 0 : i32
        %dma_start3A_76 = tpu.memref_slice %arg7[%rem3A_40, %dma_start3A_74, %dma_start3A_75] : memref<2x80x128xf32, #tpu.memory_space<vmem>> -> memref<1x80x128xf32, #tpu.memory_space<vmem>>
        %dma_start3A_77 = tpu.memref_squeeze %dma_start3A_76 : memref<1x80x128xf32, #tpu.memory_space<vmem>> -> memref<80x128xf32, #tpu.memory_space<vmem>>
        %dma_start3A_78 = arith.constant 0 : i32
        %dma_start3A_79 = tpu.memref_slice %arg2[%add3A_65, %dma_start3A_78] : memref<320000x128xf32, #tpu.memory_space<hbm>> -> memref<80x128xf32, #tpu.memory_space<hbm>>
        tpu.enqueue_dma source(%dma_start3A_79 : memref<80x128xf32, #tpu.memory_space<hbm>>) target(%dma_start3A_77 : memref<80x128xf32, #tpu.memory_space<vmem>>) target_semaphore(%dma_start3A_73 : memref<!tpu.dma_semaphore, #tpu.memory_space<semaphore_mem>>)
      } else {
      }
      %mul3A_45 = arith.constant 80 : i32
      %mul3A_46 = arith.muli %scan3A_35, %mul3A_45 : i32
      %add3A_47 = arith.addi %mul3A_6, %mul3A_46 : i32
      %dma_wait3A = arith.constant 0 : i32
      %dma_wait3A_48 = arith.constant 0 : i32
      %dma_wait3A_49 = tpu.memref_slice %arg7[%rem3A_36, %dma_wait3A, %dma_wait3A_48] : memref<2x80x128xf32, #tpu.memory_space<vmem>> -> memref<1x80x128xf32, #tpu.memory_space<vmem>>
      %dma_wait3A_50 = tpu.memref_squeeze %dma_wait3A_49 : memref<1x80x128xf32, #tpu.memory_space<vmem>> -> memref<80x128xf32, #tpu.memory_space<vmem>>
      %dma_wait3A_51 = arith.constant 0 : i32
      %dma_wait3A_52 = tpu.memref_slice %arg2[%add3A_47, %dma_wait3A_51] : memref<320000x128xf32, #tpu.memory_space<hbm>> -> memref<80x128xf32, #tpu.memory_space<hbm>>
      %dma_wait3A_53 = tpu.memref_slice %arg9[%rem3A_36] : memref<2x!tpu.dma_semaphore, #tpu.memory_space<semaphore_mem>> -> memref<1x!tpu.dma_semaphore, #tpu.memory_space<semaphore_mem>>
      %dma_wait3A_54 = tpu.memref_squeeze %dma_wait3A_53 : memref<1x!tpu.dma_semaphore, #tpu.memory_space<semaphore_mem>> -> memref<!tpu.dma_semaphore, #tpu.memory_space<semaphore_mem>>
      %dma_wait3A_55 = arith.constant 0 : i32
      %dma_wait3A_56 = arith.constant 0 : i32
      %dma_wait3A_57 = tpu.memref_slice %arg7[%rem3A_36, %dma_wait3A_55, %dma_wait3A_56] : memref<2x80x128xf32, #tpu.memory_space<vmem>> -> memref<1x80x128xf32, #tpu.memory_space<vmem>>
      %dma_wait3A_58 = tpu.memref_squeeze %dma_wait3A_57 : memref<1x80x128xf32, #tpu.memory_space<vmem>> -> memref<80x128xf32, #tpu.memory_space<vmem>>
      %dma_wait3A_59 = arith.constant 0 : i32
      %dma_wait3A_60 = tpu.memref_slice %arg2[%add3A_47, %dma_wait3A_59] : memref<320000x128xf32, #tpu.memory_space<hbm>> -> memref<80x128xf32, #tpu.memory_space<hbm>>
      tpu.wait_dma2 semaphore(%dma_wait3A_54 : memref<!tpu.dma_semaphore, #tpu.memory_space<semaphore_mem>>) src(%dma_wait3A_60 : memref<80x128xf32, #tpu.memory_space<hbm>>) dst(%dma_wait3A_58 : memref<80x128xf32, #tpu.memory_space<vmem>>)
      "tpu.region"() ({
        %run_scoped3A = tpu.sem_alloc : memref<!tpu.dma_semaphore, #tpu.memory_space<semaphore_mem>>
        %dma_start3A_61 = arith.constant 0 : i32
        %dma_start3A_62 = arith.constant 0 : i32
        %dma_start3A_63 = tpu.memref_slice %arg7[%rem3A_36, %dma_start3A_61, %dma_start3A_62] : memref<2x80x128xf32, #tpu.memory_space<vmem>> -> memref<1x80x128xf32, #tpu.memory_space<vmem>>
        %dma_start3A_64 = tpu.memref_squeeze %dma_start3A_63 : memref<1x80x128xf32, #tpu.memory_space<vmem>> -> memref<80x128xf32, #tpu.memory_space<vmem>>
        %dma_start3A_65 = arith.constant 0 : i32
        %dma_start3A_66 = tpu.memref_slice %arg6[%scan3A_35, %dma_start3A_65] : memref<125x80xi32, #tpu.memory_space<vmem>> -> memref<1x80xi32, #tpu.memory_space<vmem>>
        %dma_start3A_67 = tpu.memref_squeeze %dma_start3A_66 : memref<1x80xi32, #tpu.memory_space<vmem>> -> memref<80xi32, #tpu.memory_space<vmem>>
        %dma_start3A_68 = arith.constant 0 : i32
        %dma_start3A_69 = arith.constant 0 : i32
        %dma_start3A_70 = tpu.memref_slice %arg8[%dma_start3A_68, %dma_start3A_69] : memref<10240x128xf32, #tpu.memory_space<vmem_shared>> -> memref<10240x128xf32, #tpu.memory_space<vmem_shared>>
        tpu.enqueue_indirect_dma source(%dma_start3A_64 : memref<80x128xf32, #tpu.memory_space<vmem>>) target(%dma_start3A_70 : memref<10240x128xf32, #tpu.memory_space<vmem_shared>>) offsets(%dma_start3A_67 : memref<80xi32, #tpu.memory_space<vmem>>) semaphore(%run_scoped3A : memref<!tpu.dma_semaphore, #tpu.memory_space<semaphore_mem>>) {add = true}
        %dma_wait3A_71 = arith.constant 0 : i32
        %dma_wait3A_72 = arith.constant 0 : i32
        %dma_wait3A_73 = tpu.memref_slice %arg7[%rem3A_36, %dma_wait3A_71, %dma_wait3A_72] : memref<2x80x128xf32, #tpu.memory_space<vmem>> -> memref<1x80x128xf32, #tpu.memory_space<vmem>>
        %dma_wait3A_74 = tpu.memref_squeeze %dma_wait3A_73 : memref<1x80x128xf32, #tpu.memory_space<vmem>> -> memref<80x128xf32, #tpu.memory_space<vmem>>
        %dma_wait3A_75 = arith.constant 0 : i32
        %dma_wait3A_76 = tpu.memref_slice %arg6[%scan3A_35, %dma_wait3A_75] : memref<125x80xi32, #tpu.memory_space<vmem>> -> memref<1x80xi32, #tpu.memory_space<vmem>>
        %dma_wait3A_77 = tpu.memref_squeeze %dma_wait3A_76 : memref<1x80xi32, #tpu.memory_space<vmem>> -> memref<80xi32, #tpu.memory_space<vmem>>
        %dma_wait3A_78 = arith.constant 0 : i32
        %dma_wait3A_79 = arith.constant 0 : i32
        %dma_wait3A_80 = tpu.memref_slice %arg8[%dma_wait3A_78, %dma_wait3A_79] : memref<10240x128xf32, #tpu.memory_space<vmem_shared>> -> memref<10240x128xf32, #tpu.memory_space<vmem_shared>>
        tpu.wait_indirect_dma semaphore(%run_scoped3A : memref<!tpu.dma_semaphore, #tpu.memory_space<semaphore_mem>>) src(%dma_wait3A_74 : memref<80x128xf32, #tpu.memory_space<vmem>>) dst(%dma_wait3A_80 : memref<10240x128xf32, #tpu.memory_space<vmem_shared>>)
        tpu.yield
      }) : () -> ()
    }
    %scan3A_26 = arith.constant 125 : i32
    %barrier3A_27 = arith.constant 0 : index
    tpu.barrier barrier_id(%barrier3A_27)
    %mul3A_28 = arith.constant 640 : i32
    %mul3A_29 = arith.muli %arg1, %mul3A_28 : i32
    %mul3A_30 = arith.constant 10240 : i32
    %mul3A_31 = arith.muli %arg0, %mul3A_30 : i32
    %mul3A_32 = arith.constant 640 : i32
    %mul3A_33 = arith.muli %arg1, %mul3A_32 : i32
    %add3A_34 = arith.addi %mul3A_31, %mul3A_33 : i32
    "tpu.region"() ({
      %run_scoped3A = tpu.sem_alloc : memref<!tpu.dma_semaphore, #tpu.memory_space<semaphore_mem>>
      %dma_start3A_35 = arith.constant 0 : i32
      %dma_start3A_36 = tpu.memref_slice %arg5[%add3A_34, %dma_start3A_35] : memref<20480x128xf32, #tpu.memory_space<hbm>> -> memref<640x128xf32, #tpu.memory_space<hbm>>
      %dma_start3A_37 = arith.constant 0 : i32
      %dma_start3A_38 = tpu.memref_slice %arg8[%mul3A_29, %dma_start3A_37] : memref<10240x128xf32, #tpu.memory_space<vmem_shared>> -> memref<640x128xf32, #tpu.memory_space<vmem_shared>>
      tpu.enqueue_dma source(%dma_start3A_38 : memref<640x128xf32, #tpu.memory_space<vmem_shared>>) target(%dma_start3A_36 : memref<640x128xf32, #tpu.memory_space<hbm>>) target_semaphore(%run_scoped3A : memref<!tpu.dma_semaphore, #tpu.memory_space<semaphore_mem>>)
      %dma_wait3A = arith.constant 0 : i32
      %dma_wait3A_39 = tpu.memref_slice %arg5[%add3A_34, %dma_wait3A] : memref<20480x128xf32, #tpu.memory_space<hbm>> -> memref<640x128xf32, #tpu.memory_space<hbm>>
      %dma_wait3A_40 = arith.constant 0 : i32
      %dma_wait3A_41 = tpu.memref_slice %arg8[%mul3A_29, %dma_wait3A_40] : memref<10240x128xf32, #tpu.memory_space<vmem_shared>> -> memref<640x128xf32, #tpu.memory_space<vmem_shared>>
      tpu.wait_dma2 semaphore(%run_scoped3A : memref<!tpu.dma_semaphore, #tpu.memory_space<semaphore_mem>>) src(%dma_wait3A_41 : memref<640x128xf32, #tpu.memory_space<vmem_shared>>) dst(%dma_wait3A_39 : memref<640x128xf32, #tpu.memory_space<hbm>>)
      tpu.yield
    }) : () -> ()
    return
  }
}

#map = affine_map<(d0, d1) -> (0, 0)>
#map1 = affine_map<(d0, d1) -> (0, 0, 0)>
module attributes {stable_mosaic.version = 14 : i64} {
  func.func @scat(%arg0: i32, %arg1: i32, %arg2: memref<320000x128xf32, #tpu.memory_space<hbm>>, %arg3: memref<32x125x80xi32, #tpu.memory_space<hbm>>, %arg4: memref<10240x128xf32, #tpu.memory_space<hbm>>, %arg5: memref<20480x128xf32, #tpu.memory_space<hbm>>, %arg6: memref<125x80xi32, #tpu.memory_space<vmem>>, %arg7: memref<2x80x128xf32, #tpu.memory_space<vmem>>, %arg8: memref<10240x128xf32, #tpu.memory_space<vmem_shared>>, %arg9: memref<2x!tpu.dma_semaphore, #tpu.memory_space<semaphore_mem>>) attributes {dimension_semantics = [#tpu.dimension_semantics<core_parallel>, #tpu.dimension_semantics<subcore_parallel>], iteration_bounds = array<i64: 2, 16>, scalar_prefetch = 0 : i64, scratch_operands = 4 : i64, tpu.core_type = #tpu.core_type<sc_vector_subcore>, window_params = [{transform_indices = #map}, {transform_indices = #map1}, {transform_indices = #map}, {transform_indices = #map}]} {
    %mul3A = arith.constant 2 : i32
    %mul3A_0 = arith.muli %arg1, %mul3A : i32
    %add3A = arith.addi %mul3A_0, %arg0 : i32
    %mul3A_1 = arith.constant 640 : i32
    %mul3A_2 = arith.muli %arg1, %mul3A_1 : i32
    %mul3A_3 = arith.constant 640 : i32
    %mul3A_4 = arith.muli %arg1, %mul3A_3 : i32
    "tpu.region"() ({
      %run_scoped3A = tpu.sem_alloc : memref<!tpu.dma_semaphore, #tpu.memory_space<semaphore_mem>>
      %dma_start3A_35 = arith.constant 0 : i32
      %dma_start3A_36 = tpu.memref_slice %arg8[%mul3A_4, %dma_start3A_35] : memref<10240x128xf32, #tpu.memory_space<vmem_shared>> -> memref<640x128xf32, #tpu.memory_space<vmem_shared>>
      %dma_start3A_37 = arith.constant 0 : i32
      %dma_start3A_38 = tpu.memref_slice %arg4[%mul3A_2, %dma_start3A_37] : memref<10240x128xf32, #tpu.memory_space<hbm>> -> memref<640x128xf32, #tpu.memory_space<hbm>>
      tpu.enqueue_dma source(%dma_start3A_38 : memref<640x128xf32, #tpu.memory_space<hbm>>) target(%dma_start3A_36 : memref<640x128xf32, #tpu.memory_space<vmem_shared>>) target_semaphore(%run_scoped3A : memref<!tpu.dma_semaphore, #tpu.memory_space<semaphore_mem>>)
      %dma_wait3A = arith.constant 0 : i32
      %dma_wait3A_39 = tpu.memref_slice %arg8[%mul3A_4, %dma_wait3A] : memref<10240x128xf32, #tpu.memory_space<vmem_shared>> -> memref<640x128xf32, #tpu.memory_space<vmem_shared>>
      %dma_wait3A_40 = arith.constant 0 : i32
      %dma_wait3A_41 = tpu.memref_slice %arg4[%mul3A_2, %dma_wait3A_40] : memref<10240x128xf32, #tpu.memory_space<hbm>> -> memref<640x128xf32, #tpu.memory_space<hbm>>
      tpu.wait_dma2 semaphore(%run_scoped3A : memref<!tpu.dma_semaphore, #tpu.memory_space<semaphore_mem>>) src(%dma_wait3A_41 : memref<640x128xf32, #tpu.memory_space<hbm>>) dst(%dma_wait3A_39 : memref<640x128xf32, #tpu.memory_space<vmem_shared>>)
      tpu.yield
    }) : () -> ()
    %barrier3A = arith.constant 0 : index
    tpu.barrier barrier_id(%barrier3A)
    %mul3A_5 = arith.constant 10000 : i32
    %mul3A_6 = arith.muli %add3A, %mul3A_5 : i32
    "tpu.region"() ({
      %run_scoped3A = tpu.sem_alloc : memref<!tpu.dma_semaphore, #tpu.memory_space<semaphore_mem>>
      %dma_start3A_35 = arith.constant 0 : i32
      %dma_start3A_36 = arith.constant 0 : i32
      %dma_start3A_37 = tpu.memref_slice %arg3[%add3A, %dma_start3A_35, %dma_start3A_36] : memref<32x125x80xi32, #tpu.memory_space<hbm>> -> memref<1x125x80xi32, #tpu.memory_space<hbm>>
      %dma_start3A_38 = tpu.memref_squeeze %dma_start3A_37 : memref<1x125x80xi32, #tpu.memory_space<hbm>> -> memref<125x80xi32, #tpu.memory_space<hbm>>
      %dma_start3A_39 = arith.constant 0 : i32
      %dma_start3A_40 = arith.constant 0 : i32
      %dma_start3A_41 = tpu.memref_slice %arg3[%add3A, %dma_start3A_39, %dma_start3A_40] : memref<32x125x80xi32, #tpu.memory_space<hbm>> -> memref<1x125x80xi32, #tpu.memory_space<hbm>>
      %dma_start3A_42 = tpu.memref_squeeze %dma_start3A_41 : memref<1x125x80xi32, #tpu.memory_space<hbm>> -> memref<125x80xi32, #tpu.memory_space<hbm>>
      tpu.enqueue_dma source(%dma_start3A_42 : memref<125x80xi32, #tpu.memory_space<hbm>>) target(%arg6 : memref<125x80xi32, #tpu.memory_space<vmem>>) target_semaphore(%run_scoped3A : memref<!tpu.dma_semaphore, #tpu.memory_space<semaphore_mem>>)
      %dma_wait3A = arith.constant 0 : i32
      %dma_wait3A_43 = arith.constant 0 : i32
      %dma_wait3A_44 = tpu.memref_slice %arg3[%add3A, %dma_wait3A, %dma_wait3A_43] : memref<32x125x80xi32, #tpu.memory_space<hbm>> -> memref<1x125x80xi32, #tpu.memory_space<hbm>>
      %dma_wait3A_45 = tpu.memref_squeeze %dma_wait3A_44 : memref<1x125x80xi32, #tpu.memory_space<hbm>> -> memref<125x80xi32, #tpu.memory_space<hbm>>
      %dma_wait3A_46 = arith.constant 0 : i32
      %dma_wait3A_47 = arith.constant 0 : i32
      %dma_wait3A_48 = tpu.memref_slice %arg3[%add3A, %dma_wait3A_46, %dma_wait3A_47] : memref<32x125x80xi32, #tpu.memory_space<hbm>> -> memref<1x125x80xi32, #tpu.memory_space<hbm>>
      %dma_wait3A_49 = tpu.memref_squeeze %dma_wait3A_48 : memref<1x125x80xi32, #tpu.memory_space<hbm>> -> memref<125x80xi32, #tpu.memory_space<hbm>>
      tpu.wait_dma2 semaphore(%run_scoped3A : memref<!tpu.dma_semaphore, #tpu.memory_space<semaphore_mem>>) src(%dma_wait3A_49 : memref<125x80xi32, #tpu.memory_space<hbm>>) dst(%arg6 : memref<125x80xi32, #tpu.memory_space<vmem>>)
      tpu.yield
    }) : () -> ()
    %dma_start3A = arith.constant 0 : i32
    %dma_start3A_7 = arith.constant 0 : i32
    %dma_start3A_8 = arith.constant 0 : i32
    %dma_start3A_9 = arith.constant 0 : i32
    %dma_start3A_10 = tpu.memref_slice %arg7[%dma_start3A, %dma_start3A_8, %dma_start3A_9] : memref<2x80x128xf32, #tpu.memory_space<vmem>> -> memref<1x80x128xf32, #tpu.memory_space<vmem>>
    %dma_start3A_11 = tpu.memref_squeeze %dma_start3A_10 : memref<1x80x128xf32, #tpu.memory_space<vmem>> -> memref<80x128xf32, #tpu.memory_space<vmem>>
    %dma_start3A_12 = arith.constant 0 : i32
    %dma_start3A_13 = tpu.memref_slice %arg2[%mul3A_6, %dma_start3A_12] : memref<320000x128xf32, #tpu.memory_space<hbm>> -> memref<80x128xf32, #tpu.memory_space<hbm>>
    %dma_start3A_14 = tpu.memref_slice %arg9[%dma_start3A_7] : memref<2x!tpu.dma_semaphore, #tpu.memory_space<semaphore_mem>> -> memref<1x!tpu.dma_semaphore, #tpu.memory_space<semaphore_mem>>
    %dma_start3A_15 = tpu.memref_squeeze %dma_start3A_14 : memref<1x!tpu.dma_semaphore, #tpu.memory_space<semaphore_mem>> -> memref<!tpu.dma_semaphore, #tpu.memory_space<semaphore_mem>>
    %dma_start3A_16 = arith.constant 0 : i32
    %dma_start3A_17 = arith.constant 0 : i32
    %dma_start3A_18 = tpu.memref_slice %arg7[%dma_start3A, %dma_start3A_16, %dma_start3A_17] : memref<2x80x128xf32, #tpu.memory_space<vmem>> -> memref<1x80x128xf32, #tpu.memory_space<vmem>>
    %dma_start3A_19 = tpu.memref_squeeze %dma_start3A_18 : memref<1x80x128xf32, #tpu.memory_space<vmem>> -> memref<80x128xf32, #tpu.memory_space<vmem>>
    %dma_start3A_20 = arith.constant 0 : i32
    %dma_start3A_21 = tpu.memref_slice %arg2[%mul3A_6, %dma_start3A_20] : memref<320000x128xf32, #tpu.memory_space<hbm>> -> memref<80x128xf32, #tpu.memory_space<hbm>>
    tpu.enqueue_dma source(%dma_start3A_21 : memref<80x128xf32, #tpu.memory_space<hbm>>) target(%dma_start3A_19 : memref<80x128xf32, #tpu.memory_space<vmem>>) target_semaphore(%dma_start3A_15 : memref<!tpu.dma_semaphore, #tpu.memory_space<semaphore_mem>>)
    %scan3A = arith.constant 0 : i32
    %scan3A_22 = arith.constant 0 : i32
    %scan3A_23 = arith.constant 125 : i32
    %scan3A_24 = arith.addi %scan3A_22, %scan3A_23 : i32
    %scan3A_25 = arith.constant 1 : i32
    scf.for %scan3A_35 = %scan3A_22 to %scan3A_24 step %scan3A_25  : i32 {
      %rem3A = arith.constant 2 : i32
      %rem3A_36 = arith.remsi %scan3A_35, %rem3A : i32
      %add3A_37 = arith.constant 1 : i32
      %add3A_38 = arith.addi %scan3A_35, %add3A_37 : i32
      %rem3A_39 = arith.constant 2 : i32
      %rem3A_40 = arith.remsi %add3A_38, %rem3A_39 : i32
      %add3A_41 = arith.constant 1 : i32
      %add3A_42 = arith.addi %scan3A_35, %add3A_41 : i32
      %lt3A = arith.constant 125 : i32
      %lt3A_43 = arith.cmpi slt, %add3A_42, %lt3A : i32
      %convert_element_type3A = arith.extui %lt3A_43 : i1 to i32
      %cond3A = arith.constant 0 : i32
      %cond3A_44 = arith.cmpi ne, %convert_element_type3A, %cond3A : i32
      scf.if %cond3A_44 {
        %add3A_61 = arith.constant 1 : i32
        %add3A_62 = arith.addi %scan3A_35, %add3A_61 : i32
        %mul3A_63 = arith.constant 80 : i32
        %mul3A_64 = arith.muli %add3A_62, %mul3A_63 : i32
        %add3A_65 = arith.addi %mul3A_6, %mul3A_64 : i32
        %dma_start3A_66 = arith.constant 0 : i32
        %dma_start3A_67 = arith.constant 0 : i32
        %dma_start3A_68 = tpu.memref_slice %arg7[%rem3A_40, %dma_start3A_66, %dma_start3A_67] : memref<2x80x128xf32, #tpu.memory_space<vmem>> -> memref<1x80x128xf32, #tpu.memory_space<vmem>>
        %dma_start3A_69 = tpu.memref_squeeze %dma_start3A_68 : memref<1x80x128xf32, #tpu.memory_space<vmem>> -> memref<80x128xf32, #tpu.memory_space<vmem>>
        %dma_start3A_70 = arith.constant 0 : i32
        %dma_start3A_71 = tpu.memref_slice %arg2[%add3A_65, %dma_start3A_70] : memref<320000x128xf32, #tpu.memory_space<hbm>> -> memref<80x128xf32, #tpu.memory_space<hbm>>
        %dma_start3A_72 = tpu.memref_slice %arg9[%rem3A_40] : memref<2x!tpu.dma_semaphore, #tpu.memory_space<semaphore_mem>> -> memref<1x!tpu.dma_semaphore, #tpu.memory_space<semaphore_mem>>
        %dma_start3A_73 = tpu.memref_squeeze %dma_start3A_72 : memref<1x!tpu.dma_semaphore, #tpu.memory_space<semaphore_mem>> -> memref<!tpu.dma_semaphore, #tpu.memory_space<semaphore_mem>>
        %dma_start3A_74 = arith.constant 0 : i32
        %dma_start3A_75 = arith.constant 0 : i32
        %dma_start3A_76 = tpu.memref_slice %arg7[%rem3A_40, %dma_start3A_74, %dma_start3A_75] : memref<2x80x128xf32, #tpu.memory_space<vmem>> -> memref<1x80x128xf32, #tpu.memory_space<vmem>>
        %dma_start3A_77 = tpu.memref_squeeze %dma_start3A_76 : memref<1x80x128xf32, #tpu.memory_space<vmem>> -> memref<80x128xf32, #tpu.memory_space<vmem>>
        %dma_start3A_78 = arith.constant 0 : i32
        %dma_start3A_79 = tpu.memref_slice %arg2[%add3A_65, %dma_start3A_78] : memref<320000x128xf32, #tpu.memory_space<hbm>> -> memref<80x128xf32, #tpu.memory_space<hbm>>
        tpu.enqueue_dma source(%dma_start3A_79 : memref<80x128xf32, #tpu.memory_space<hbm>>) target(%dma_start3A_77 : memref<80x128xf32, #tpu.memory_space<vmem>>) target_semaphore(%dma_start3A_73 : memref<!tpu.dma_semaphore, #tpu.memory_space<semaphore_mem>>)
      } else {
      }
      %mul3A_45 = arith.constant 80 : i32
      %mul3A_46 = arith.muli %scan3A_35, %mul3A_45 : i32
      %add3A_47 = arith.addi %mul3A_6, %mul3A_46 : i32
      %dma_wait3A = arith.constant 0 : i32
      %dma_wait3A_48 = arith.constant 0 : i32
      %dma_wait3A_49 = tpu.memref_slice %arg7[%rem3A_36, %dma_wait3A, %dma_wait3A_48] : memref<2x80x128xf32, #tpu.memory_space<vmem>> -> memref<1x80x128xf32, #tpu.memory_space<vmem>>
      %dma_wait3A_50 = tpu.memref_squeeze %dma_wait3A_49 : memref<1x80x128xf32, #tpu.memory_space<vmem>> -> memref<80x128xf32, #tpu.memory_space<vmem>>
      %dma_wait3A_51 = arith.constant 0 : i32
      %dma_wait3A_52 = tpu.memref_slice %arg2[%add3A_47, %dma_wait3A_51] : memref<320000x128xf32, #tpu.memory_space<hbm>> -> memref<80x128xf32, #tpu.memory_space<hbm>>
      %dma_wait3A_53 = tpu.memref_slice %arg9[%rem3A_36] : memref<2x!tpu.dma_semaphore, #tpu.memory_space<semaphore_mem>> -> memref<1x!tpu.dma_semaphore, #tpu.memory_space<semaphore_mem>>
      %dma_wait3A_54 = tpu.memref_squeeze %dma_wait3A_53 : memref<1x!tpu.dma_semaphore, #tpu.memory_space<semaphore_mem>> -> memref<!tpu.dma_semaphore, #tpu.memory_space<semaphore_mem>>
      %dma_wait3A_55 = arith.constant 0 : i32
      %dma_wait3A_56 = arith.constant 0 : i32
      %dma_wait3A_57 = tpu.memref_slice %arg7[%rem3A_36, %dma_wait3A_55, %dma_wait3A_56] : memref<2x80x128xf32, #tpu.memory_space<vmem>> -> memref<1x80x128xf32, #tpu.memory_space<vmem>>
      %dma_wait3A_58 = tpu.memref_squeeze %dma_wait3A_57 : memref<1x80x128xf32, #tpu.memory_space<vmem>> -> memref<80x128xf32, #tpu.memory_space<vmem>>
      %dma_wait3A_59 = arith.constant 0 : i32
      %dma_wait3A_60 = tpu.memref_slice %arg2[%add3A_47, %dma_wait3A_59] : memref<320000x128xf32, #tpu.memory_space<hbm>> -> memref<80x128xf32, #tpu.memory_space<hbm>>
      tpu.wait_dma2 semaphore(%dma_wait3A_54 : memref<!tpu.dma_semaphore, #tpu.memory_space<semaphore_mem>>) src(%dma_wait3A_60 : memref<80x128xf32, #tpu.memory_space<hbm>>) dst(%dma_wait3A_58 : memref<80x128xf32, #tpu.memory_space<vmem>>)
      "tpu.region"() ({
        %run_scoped3A = tpu.sem_alloc : memref<!tpu.dma_semaphore, #tpu.memory_space<semaphore_mem>>
        %dma_start3A_61 = arith.constant 0 : i32
        %dma_start3A_62 = arith.constant 0 : i32
        %dma_start3A_63 = tpu.memref_slice %arg7[%rem3A_36, %dma_start3A_61, %dma_start3A_62] : memref<2x80x128xf32, #tpu.memory_space<vmem>> -> memref<1x80x128xf32, #tpu.memory_space<vmem>>
        %dma_start3A_64 = tpu.memref_squeeze %dma_start3A_63 : memref<1x80x128xf32, #tpu.memory_space<vmem>> -> memref<80x128xf32, #tpu.memory_space<vmem>>
        %dma_start3A_65 = arith.constant 0 : i32
        %dma_start3A_66 = tpu.memref_slice %arg6[%scan3A_35, %dma_start3A_65] : memref<125x80xi32, #tpu.memory_space<vmem>> -> memref<1x80xi32, #tpu.memory_space<vmem>>
        %dma_start3A_67 = tpu.memref_squeeze %dma_start3A_66 : memref<1x80xi32, #tpu.memory_space<vmem>> -> memref<80xi32, #tpu.memory_space<vmem>>
        %dma_start3A_68 = arith.constant 0 : i32
        %dma_start3A_69 = arith.constant 0 : i32
        %dma_start3A_70 = tpu.memref_slice %arg8[%dma_start3A_68, %dma_start3A_69] : memref<10240x128xf32, #tpu.memory_space<vmem_shared>> -> memref<10240x128xf32, #tpu.memory_space<vmem_shared>>
        tpu.enqueue_indirect_dma source(%dma_start3A_64 : memref<80x128xf32, #tpu.memory_space<vmem>>) target(%dma_start3A_70 : memref<10240x128xf32, #tpu.memory_space<vmem_shared>>) offsets(%dma_start3A_67 : memref<80xi32, #tpu.memory_space<vmem>>) semaphore(%run_scoped3A : memref<!tpu.dma_semaphore, #tpu.memory_space<semaphore_mem>>) {add = true}
        %dma_wait3A_71 = arith.constant 0 : i32
        %dma_wait3A_72 = arith.constant 0 : i32
        %dma_wait3A_73 = tpu.memref_slice %arg7[%rem3A_36, %dma_wait3A_71, %dma_wait3A_72] : memref<2x80x128xf32, #tpu.memory_space<vmem>> -> memref<1x80x128xf32, #tpu.memory_space<vmem>>
        %dma_wait3A_74 = tpu.memref_squeeze %dma_wait3A_73 : memref<1x80x128xf32, #tpu.memory_space<vmem>> -> memref<80x128xf32, #tpu.memory_space<vmem>>
        %dma_wait3A_75 = arith.constant 0 : i32
        %dma_wait3A_76 = tpu.memref_slice %arg6[%scan3A_35, %dma_wait3A_75] : memref<125x80xi32, #tpu.memory_space<vmem>> -> memref<1x80xi32, #tpu.memory_space<vmem>>
        %dma_wait3A_77 = tpu.memref_squeeze %dma_wait3A_76 : memref<1x80xi32, #tpu.memory_space<vmem>> -> memref<80xi32, #tpu.memory_space<vmem>>
        %dma_wait3A_78 = arith.constant 0 : i32
        %dma_wait3A_79 = arith.constant 0 : i32
        %dma_wait3A_80 = tpu.memref_slice %arg8[%dma_wait3A_78, %dma_wait3A_79] : memref<10240x128xf32, #tpu.memory_space<vmem_shared>> -> memref<10240x128xf32, #tpu.memory_space<vmem_shared>>
        tpu.wait_indirect_dma semaphore(%run_scoped3A : memref<!tpu.dma_semaphore, #tpu.memory_space<semaphore_mem>>) src(%dma_wait3A_74 : memref<80x128xf32, #tpu.memory_space<vmem>>) dst(%dma_wait3A_80 : memref<10240x128xf32, #tpu.memory_space<vmem_shared>>)
        tpu.yield
      }) : () -> ()
    }
    %scan3A_26 = arith.constant 125 : i32
    %barrier3A_27 = arith.constant 0 : index
    tpu.barrier barrier_id(%barrier3A_27)
    %mul3A_28 = arith.constant 640 : i32
    %mul3A_29 = arith.muli %arg1, %mul3A_28 : i32
    %mul3A_30 = arith.constant 10240 : i32
    %mul3A_31 = arith.muli %arg0, %mul3A_30 : i32
    %mul3A_32 = arith.constant 640 : i32
    %mul3A_33 = arith.muli %arg1, %mul3A_32 : i32
    %add3A_34 = arith.addi %mul3A_31, %mul3A_33 : i32
    "tpu.region"() ({
      %run_scoped3A = tpu.sem_alloc : memref<!tpu.dma_semaphore, #tpu.memory_space<semaphore_mem>>
      %dma_start3A_35 = arith.constant 0 : i32
      %dma_start3A_36 = tpu.memref_slice %arg5[%add3A_34, %dma_start3A_35] : memref<20480x128xf32, #tpu.memory_space<hbm>> -> memref<640x128xf32, #tpu.memory_space<hbm>>
      %dma_start3A_37 = arith.constant 0 : i32
      %dma_start3A_38 = tpu.memref_slice %arg8[%mul3A_29, %dma_start3A_37] : memref<10240x128xf32, #tpu.memory_space<vmem_shared>> -> memref<640x128xf32, #tpu.memory_space<vmem_shared>>
      tpu.enqueue_dma source(%dma_start3A_38 : memref<640x128xf32, #tpu.memory_space<vmem_shared>>) target(%dma_start3A_36 : memref<640x128xf32, #tpu.memory_space<hbm>>) target_semaphore(%run_scoped3A : memref<!tpu.dma_semaphore, #tpu.memory_space<semaphore_mem>>)
      %dma_wait3A = arith.constant 0 : i32
      %dma_wait3A_39 = tpu.memref_slice %arg5[%add3A_34, %dma_wait3A] : memref<20480x128xf32, #tpu.memory_space<hbm>> -> memref<640x128xf32, #tpu.memory_space<hbm>>
      %dma_wait3A_40 = arith.constant 0 : i32
      %dma_wait3A_41 = tpu.memref_slice %arg8[%mul3A_29, %dma_wait3A_40] : memref<10240x128xf32, #tpu.memory_space<vmem_shared>> -> memref<640x128xf32, #tpu.memory_space<vmem_shared>>
      tpu.wait_dma2 semaphore(%run_scoped3A : memref<!tpu.dma_semaphore, #tpu.memory_space<semaphore_mem>>) src(%dma_wait3A_41 : memref<640x128xf32, #tpu.memory_space<vmem_shared>>) dst(%dma_wait3A_39 : memref<640x128xf32, #tpu.memory_space<hbm>>)
      tpu.yield
    }) : () -> ()
    return
  }
}

#map = affine_map<(d0, d1) -> (0, 0)>
#map1 = affine_map<(d0, d1) -> (0, 0, 0)>
module attributes {stable_mosaic.version = 14 : i64} {
  func.func @_sc_gather(%arg0: i32, %arg1: i32, %arg2: memref<10000x128xf32, #tpu.memory_space<hbm>>, %arg3: memref<32x250x80xi32, #tpu.memory_space<hbm>>, %arg4: memref<640000x128xf32, #tpu.memory_space<hbm>>, %arg5: memref<250x80xi32, #tpu.memory_space<vmem>>, %arg6: memref<2x80x128xf32, #tpu.memory_space<vmem>>, %arg7: memref<2x!tpu.dma_semaphore, #tpu.memory_space<semaphore_mem>>) attributes {dimension_semantics = [#tpu.dimension_semantics<core_parallel>, #tpu.dimension_semantics<subcore_parallel>], iteration_bounds = array<i64: 2, 16>, scalar_prefetch = 0 : i64, scratch_operands = 3 : i64, tpu.core_type = #tpu.core_type<sc_vector_subcore>, window_params = [{transform_indices = #map}, {transform_indices = #map1}, {transform_indices = #map}]} {
    %mul3A = arith.constant 2 : i32
    %mul3A_0 = arith.muli %arg1, %mul3A : i32
    %add3A = arith.addi %mul3A_0, %arg0 : i32
    %mul3A_1 = arith.constant 20000 : i32
    %mul3A_2 = arith.muli %add3A, %mul3A_1 : i32
    "tpu.region"() ({
      %run_scoped3A = tpu.sem_alloc : memref<!tpu.dma_semaphore, #tpu.memory_space<semaphore_mem>>
      %dma_start3A_22 = arith.constant 0 : i32
      %dma_start3A_23 = arith.constant 0 : i32
      %dma_start3A_24 = tpu.memref_slice %arg3[%add3A, %dma_start3A_22, %dma_start3A_23] : memref<32x250x80xi32, #tpu.memory_space<hbm>> -> memref<1x250x80xi32, #tpu.memory_space<hbm>>
      %dma_start3A_25 = tpu.memref_squeeze %dma_start3A_24 : memref<1x250x80xi32, #tpu.memory_space<hbm>> -> memref<250x80xi32, #tpu.memory_space<hbm>>
      %dma_start3A_26 = arith.constant 0 : i32
      %dma_start3A_27 = arith.constant 0 : i32
      %dma_start3A_28 = tpu.memref_slice %arg3[%add3A, %dma_start3A_26, %dma_start3A_27] : memref<32x250x80xi32, #tpu.memory_space<hbm>> -> memref<1x250x80xi32, #tpu.memory_space<hbm>>
      %dma_start3A_29 = tpu.memref_squeeze %dma_start3A_28 : memref<1x250x80xi32, #tpu.memory_space<hbm>> -> memref<250x80xi32, #tpu.memory_space<hbm>>
      tpu.enqueue_dma source(%dma_start3A_29 : memref<250x80xi32, #tpu.memory_space<hbm>>) target(%arg5 : memref<250x80xi32, #tpu.memory_space<vmem>>) target_semaphore(%run_scoped3A : memref<!tpu.dma_semaphore, #tpu.memory_space<semaphore_mem>>)
      %dma_wait3A = arith.constant 0 : i32
      %dma_wait3A_30 = arith.constant 0 : i32
      %dma_wait3A_31 = tpu.memref_slice %arg3[%add3A, %dma_wait3A, %dma_wait3A_30] : memref<32x250x80xi32, #tpu.memory_space<hbm>> -> memref<1x250x80xi32, #tpu.memory_space<hbm>>
      %dma_wait3A_32 = tpu.memref_squeeze %dma_wait3A_31 : memref<1x250x80xi32, #tpu.memory_space<hbm>> -> memref<250x80xi32, #tpu.memory_space<hbm>>
      %dma_wait3A_33 = arith.constant 0 : i32
      %dma_wait3A_34 = arith.constant 0 : i32
      %dma_wait3A_35 = tpu.memref_slice %arg3[%add3A, %dma_wait3A_33, %dma_wait3A_34] : memref<32x250x80xi32, #tpu.memory_space<hbm>> -> memref<1x250x80xi32, #tpu.memory_space<hbm>>
      %dma_wait3A_36 = tpu.memref_squeeze %dma_wait3A_35 : memref<1x250x80xi32, #tpu.memory_space<hbm>> -> memref<250x80xi32, #tpu.memory_space<hbm>>
      tpu.wait_dma2 semaphore(%run_scoped3A : memref<!tpu.dma_semaphore, #tpu.memory_space<semaphore_mem>>) src(%dma_wait3A_36 : memref<250x80xi32, #tpu.memory_space<hbm>>) dst(%arg5 : memref<250x80xi32, #tpu.memory_space<vmem>>)
      tpu.yield
    }) : () -> ()
    %dma_start3A = arith.constant 0 : i32
    %dma_start3A_3 = arith.constant 0 : i32
    %dma_start3A_4 = arith.constant 0 : i32
    %dma_start3A_5 = arith.constant 0 : i32
    %dma_start3A_6 = arith.constant 0 : i32
    %dma_start3A_7 = tpu.memref_slice %arg6[%dma_start3A_3, %dma_start3A_5, %dma_start3A_6] : memref<2x80x128xf32, #tpu.memory_space<vmem>> -> memref<1x80x128xf32, #tpu.memory_space<vmem>>
    %dma_start3A_8 = tpu.memref_squeeze %dma_start3A_7 : memref<1x80x128xf32, #tpu.memory_space<vmem>> -> memref<80x128xf32, #tpu.memory_space<vmem>>
    %dma_start3A_9 = arith.constant 0 : i32
    %dma_start3A_10 = tpu.memref_slice %arg5[%dma_start3A, %dma_start3A_9] : memref<250x80xi32, #tpu.memory_space<vmem>> -> memref<1x80xi32, #tpu.memory_space<vmem>>
    %dma_start3A_11 = tpu.memref_squeeze %dma_start3A_10 : memref<1x80xi32, #tpu.memory_space<vmem>> -> memref<80xi32, #tpu.memory_space<vmem>>
    %dma_start3A_12 = arith.constant 0 : i32
    %dma_start3A_13 = arith.constant 0 : i32
    %dma_start3A_14 = tpu.memref_slice %arg2[%dma_start3A_12, %dma_start3A_13] : memref<10000x128xf32, #tpu.memory_space<hbm>> -> memref<10000x128xf32, #tpu.memory_space<hbm>>
    %dma_start3A_15 = tpu.memref_slice %arg7[%dma_start3A_4] : memref<2x!tpu.dma_semaphore, #tpu.memory_space<semaphore_mem>> -> memref<1x!tpu.dma_semaphore, #tpu.memory_space<semaphore_mem>>
    %dma_start3A_16 = tpu.memref_squeeze %dma_start3A_15 : memref<1x!tpu.dma_semaphore, #tpu.memory_space<semaphore_mem>> -> memref<!tpu.dma_semaphore, #tpu.memory_space<semaphore_mem>>
    tpu.enqueue_indirect_dma source(%dma_start3A_14 : memref<10000x128xf32, #tpu.memory_space<hbm>>) target(%dma_start3A_8 : memref<80x128xf32, #tpu.memory_space<vmem>>) offsets(%dma_start3A_11 : memref<80xi32, #tpu.memory_space<vmem>>) semaphore(%dma_start3A_16 : memref<!tpu.dma_semaphore, #tpu.memory_space<semaphore_mem>>)
    %scan3A = arith.constant 0 : i32
    %scan3A_17 = arith.constant 0 : i32
    %scan3A_18 = arith.constant 250 : i32
    %scan3A_19 = arith.addi %scan3A_17, %scan3A_18 : i32
    %scan3A_20 = arith.constant 1 : i32
    scf.for %scan3A_22 = %scan3A_17 to %scan3A_19 step %scan3A_20  : i32 {
      %rem3A = arith.constant 2 : i32
      %rem3A_23 = arith.remsi %scan3A_22, %rem3A : i32
      %add3A_24 = arith.constant 1 : i32
      %add3A_25 = arith.addi %scan3A_22, %add3A_24 : i32
      %rem3A_26 = arith.constant 2 : i32
      %rem3A_27 = arith.remsi %add3A_25, %rem3A_26 : i32
      %add3A_28 = arith.constant 1 : i32
      %add3A_29 = arith.addi %scan3A_22, %add3A_28 : i32
      %lt3A = arith.constant 250 : i32
      %lt3A_30 = arith.cmpi slt, %add3A_29, %lt3A : i32
      %convert_element_type3A = arith.extui %lt3A_30 : i1 to i32
      %cond3A = arith.constant 0 : i32
      %cond3A_31 = arith.cmpi ne, %convert_element_type3A, %cond3A : i32
      scf.if %cond3A_31 {
        %add3A_46 = arith.constant 1 : i32
        %add3A_47 = arith.addi %scan3A_22, %add3A_46 : i32
        %dma_start3A_48 = arith.constant 0 : i32
        %dma_start3A_49 = arith.constant 0 : i32
        %dma_start3A_50 = tpu.memref_slice %arg6[%rem3A_27, %dma_start3A_48, %dma_start3A_49] : memref<2x80x128xf32, #tpu.memory_space<vmem>> -> memref<1x80x128xf32, #tpu.memory_space<vmem>>
        %dma_start3A_51 = tpu.memref_squeeze %dma_start3A_50 : memref<1x80x128xf32, #tpu.memory_space<vmem>> -> memref<80x128xf32, #tpu.memory_space<vmem>>
        %dma_start3A_52 = arith.constant 0 : i32
        %dma_start3A_53 = tpu.memref_slice %arg5[%add3A_47, %dma_start3A_52] : memref<250x80xi32, #tpu.memory_space<vmem>> -> memref<1x80xi32, #tpu.memory_space<vmem>>
        %dma_start3A_54 = tpu.memref_squeeze %dma_start3A_53 : memref<1x80xi32, #tpu.memory_space<vmem>> -> memref<80xi32, #tpu.memory_space<vmem>>
        %dma_start3A_55 = arith.constant 0 : i32
        %dma_start3A_56 = arith.constant 0 : i32
        %dma_start3A_57 = tpu.memref_slice %arg2[%dma_start3A_55, %dma_start3A_56] : memref<10000x128xf32, #tpu.memory_space<hbm>> -> memref<10000x128xf32, #tpu.memory_space<hbm>>
        %dma_start3A_58 = tpu.memref_slice %arg7[%rem3A_27] : memref<2x!tpu.dma_semaphore, #tpu.memory_space<semaphore_mem>> -> memref<1x!tpu.dma_semaphore, #tpu.memory_space<semaphore_mem>>
        %dma_start3A_59 = tpu.memref_squeeze %dma_start3A_58 : memref<1x!tpu.dma_semaphore, #tpu.memory_space<semaphore_mem>> -> memref<!tpu.dma_semaphore, #tpu.memory_space<semaphore_mem>>
        tpu.enqueue_indirect_dma source(%dma_start3A_57 : memref<10000x128xf32, #tpu.memory_space<hbm>>) target(%dma_start3A_51 : memref<80x128xf32, #tpu.memory_space<vmem>>) offsets(%dma_start3A_54 : memref<80xi32, #tpu.memory_space<vmem>>) semaphore(%dma_start3A_59 : memref<!tpu.dma_semaphore, #tpu.memory_space<semaphore_mem>>)
      } else {
      }
      %dma_wait3A = arith.constant 0 : i32
      %dma_wait3A_32 = arith.constant 0 : i32
      %dma_wait3A_33 = tpu.memref_slice %arg6[%rem3A_23, %dma_wait3A, %dma_wait3A_32] : memref<2x80x128xf32, #tpu.memory_space<vmem>> -> memref<1x80x128xf32, #tpu.memory_space<vmem>>
      %dma_wait3A_34 = tpu.memref_squeeze %dma_wait3A_33 : memref<1x80x128xf32, #tpu.memory_space<vmem>> -> memref<80x128xf32, #tpu.memory_space<vmem>>
      %dma_wait3A_35 = arith.constant 0 : i32
      %dma_wait3A_36 = tpu.memref_slice %arg5[%scan3A_22, %dma_wait3A_35] : memref<250x80xi32, #tpu.memory_space<vmem>> -> memref<1x80xi32, #tpu.memory_space<vmem>>
      %dma_wait3A_37 = tpu.memref_squeeze %dma_wait3A_36 : memref<1x80xi32, #tpu.memory_space<vmem>> -> memref<80xi32, #tpu.memory_space<vmem>>
      %dma_wait3A_38 = arith.constant 0 : i32
      %dma_wait3A_39 = arith.constant 0 : i32
      %dma_wait3A_40 = tpu.memref_slice %arg2[%dma_wait3A_38, %dma_wait3A_39] : memref<10000x128xf32, #tpu.memory_space<hbm>> -> memref<10000x128xf32, #tpu.memory_space<hbm>>
      %dma_wait3A_41 = tpu.memref_slice %arg7[%rem3A_23] : memref<2x!tpu.dma_semaphore, #tpu.memory_space<semaphore_mem>> -> memref<1x!tpu.dma_semaphore, #tpu.memory_space<semaphore_mem>>
      %dma_wait3A_42 = tpu.memref_squeeze %dma_wait3A_41 : memref<1x!tpu.dma_semaphore, #tpu.memory_space<semaphore_mem>> -> memref<!tpu.dma_semaphore, #tpu.memory_space<semaphore_mem>>
      tpu.wait_indirect_dma semaphore(%dma_wait3A_42 : memref<!tpu.dma_semaphore, #tpu.memory_space<semaphore_mem>>) src(%dma_wait3A_40 : memref<10000x128xf32, #tpu.memory_space<hbm>>) dst(%dma_wait3A_34 : memref<80x128xf32, #tpu.memory_space<vmem>>)
      %mul3A_43 = arith.constant 80 : i32
      %mul3A_44 = arith.muli %scan3A_22, %mul3A_43 : i32
      %add3A_45 = arith.addi %mul3A_2, %mul3A_44 : i32
      "tpu.region"() ({
        %run_scoped3A = tpu.sem_alloc : memref<!tpu.dma_semaphore, #tpu.memory_space<semaphore_mem>>
        %dma_start3A_46 = arith.constant 0 : i32
        %dma_start3A_47 = arith.constant 0 : i32
        %dma_start3A_48 = tpu.memref_slice %arg6[%rem3A_23, %dma_start3A_46, %dma_start3A_47] : memref<2x80x128xf32, #tpu.memory_space<vmem>> -> memref<1x80x128xf32, #tpu.memory_space<vmem>>
        %dma_start3A_49 = tpu.memref_squeeze %dma_start3A_48 : memref<1x80x128xf32, #tpu.memory_space<vmem>> -> memref<80x128xf32, #tpu.memory_space<vmem>>
        %dma_start3A_50 = arith.constant 0 : i32
        %dma_start3A_51 = tpu.memref_slice %arg4[%add3A_45, %dma_start3A_50] : memref<640000x128xf32, #tpu.memory_space<hbm>> -> memref<80x128xf32, #tpu.memory_space<hbm>>
        %dma_start3A_52 = arith.constant 0 : i32
        %dma_start3A_53 = tpu.memref_slice %arg4[%add3A_45, %dma_start3A_52] : memref<640000x128xf32, #tpu.memory_space<hbm>> -> memref<80x128xf32, #tpu.memory_space<hbm>>
        %dma_start3A_54 = arith.constant 0 : i32
        %dma_start3A_55 = arith.constant 0 : i32
        %dma_start3A_56 = tpu.memref_slice %arg6[%rem3A_23, %dma_start3A_54, %dma_start3A_55] : memref<2x80x128xf32, #tpu.memory_space<vmem>> -> memref<1x80x128xf32, #tpu.memory_space<vmem>>
        %dma_start3A_57 = tpu.memref_squeeze %dma_start3A_56 : memref<1x80x128xf32, #tpu.memory_space<vmem>> -> memref<80x128xf32, #tpu.memory_space<vmem>>
        tpu.enqueue_dma source(%dma_start3A_57 : memref<80x128xf32, #tpu.memory_space<vmem>>) target(%dma_start3A_53 : memref<80x128xf32, #tpu.memory_space<hbm>>) target_semaphore(%run_scoped3A : memref<!tpu.dma_semaphore, #tpu.memory_space<semaphore_mem>>)
        %dma_wait3A_58 = arith.constant 0 : i32
        %dma_wait3A_59 = arith.constant 0 : i32
        %dma_wait3A_60 = tpu.memref_slice %arg6[%rem3A_23, %dma_wait3A_58, %dma_wait3A_59] : memref<2x80x128xf32, #tpu.memory_space<vmem>> -> memref<1x80x128xf32, #tpu.memory_space<vmem>>
        %dma_wait3A_61 = tpu.memref_squeeze %dma_wait3A_60 : memref<1x80x128xf32, #tpu.memory_space<vmem>> -> memref<80x128xf32, #tpu.memory_space<vmem>>
        %dma_wait3A_62 = arith.constant 0 : i32
        %dma_wait3A_63 = tpu.memref_slice %arg4[%add3A_45, %dma_wait3A_62] : memref<640000x128xf32, #tpu.memory_space<hbm>> -> memref<80x128xf32, #tpu.memory_space<hbm>>
        %dma_wait3A_64 = arith.constant 0 : i32
        %dma_wait3A_65 = tpu.memref_slice %arg4[%add3A_45, %dma_wait3A_64] : memref<640000x128xf32, #tpu.memory_space<hbm>> -> memref<80x128xf32, #tpu.memory_space<hbm>>
        %dma_wait3A_66 = arith.constant 0 : i32
        %dma_wait3A_67 = arith.constant 0 : i32
        %dma_wait3A_68 = tpu.memref_slice %arg6[%rem3A_23, %dma_wait3A_66, %dma_wait3A_67] : memref<2x80x128xf32, #tpu.memory_space<vmem>> -> memref<1x80x128xf32, #tpu.memory_space<vmem>>
        %dma_wait3A_69 = tpu.memref_squeeze %dma_wait3A_68 : memref<1x80x128xf32, #tpu.memory_space<vmem>> -> memref<80x128xf32, #tpu.memory_space<vmem>>
        tpu.wait_dma2 semaphore(%run_scoped3A : memref<!tpu.dma_semaphore, #tpu.memory_space<semaphore_mem>>) src(%dma_wait3A_69 : memref<80x128xf32, #tpu.memory_space<vmem>>) dst(%dma_wait3A_65 : memref<80x128xf32, #tpu.memory_space<hbm>>)
        tpu.yield
      }) : () -> ()
    }
    %scan3A_21 = arith.constant 250 : i32
    return
  }
}

#map = affine_map<(d0, d1) -> (0, 0)>
#map1 = affine_map<(d0, d1) -> (0, 0, 0)>
module attributes {stable_mosaic.version = 14 : i64} {
  func.func @scat(%arg0: i32, %arg1: i32, %arg2: memref<320000x128xf32, #tpu.memory_space<hbm>>, %arg3: memref<32x125x80xi32, #tpu.memory_space<hbm>>, %arg4: memref<10240x128xf32, #tpu.memory_space<hbm>>, %arg5: memref<20480x128xf32, #tpu.memory_space<hbm>>, %arg6: memref<125x80xi32, #tpu.memory_space<vmem>>, %arg7: memref<2x80x128xf32, #tpu.memory_space<vmem>>, %arg8: memref<10240x128xf32, #tpu.memory_space<vmem_shared>>, %arg9: memref<2x!tpu.dma_semaphore, #tpu.memory_space<semaphore_mem>>) attributes {dimension_semantics = [#tpu.dimension_semantics<core_parallel>, #tpu.dimension_semantics<subcore_parallel>], iteration_bounds = array<i64: 2, 16>, scalar_prefetch = 0 : i64, scratch_operands = 4 : i64, tpu.core_type = #tpu.core_type<sc_vector_subcore>, window_params = [{transform_indices = #map}, {transform_indices = #map1}, {transform_indices = #map}, {transform_indices = #map}]} {
    %mul3A = arith.constant 2 : i32
    %mul3A_0 = arith.muli %arg1, %mul3A : i32
    %add3A = arith.addi %mul3A_0, %arg0 : i32
    %mul3A_1 = arith.constant 640 : i32
    %mul3A_2 = arith.muli %arg1, %mul3A_1 : i32
    %mul3A_3 = arith.constant 640 : i32
    %mul3A_4 = arith.muli %arg1, %mul3A_3 : i32
    "tpu.region"() ({
      %run_scoped3A = tpu.sem_alloc : memref<!tpu.dma_semaphore, #tpu.memory_space<semaphore_mem>>
      %dma_start3A_35 = arith.constant 0 : i32
      %dma_start3A_36 = tpu.memref_slice %arg8[%mul3A_4, %dma_start3A_35] : memref<10240x128xf32, #tpu.memory_space<vmem_shared>> -> memref<640x128xf32, #tpu.memory_space<vmem_shared>>
      %dma_start3A_37 = arith.constant 0 : i32
      %dma_start3A_38 = tpu.memref_slice %arg4[%mul3A_2, %dma_start3A_37] : memref<10240x128xf32, #tpu.memory_space<hbm>> -> memref<640x128xf32, #tpu.memory_space<hbm>>
      tpu.enqueue_dma source(%dma_start3A_38 : memref<640x128xf32, #tpu.memory_space<hbm>>) target(%dma_start3A_36 : memref<640x128xf32, #tpu.memory_space<vmem_shared>>) target_semaphore(%run_scoped3A : memref<!tpu.dma_semaphore, #tpu.memory_space<semaphore_mem>>)
      %dma_wait3A = arith.constant 0 : i32
      %dma_wait3A_39 = tpu.memref_slice %arg8[%mul3A_4, %dma_wait3A] : memref<10240x128xf32, #tpu.memory_space<vmem_shared>> -> memref<640x128xf32, #tpu.memory_space<vmem_shared>>
      %dma_wait3A_40 = arith.constant 0 : i32
      %dma_wait3A_41 = tpu.memref_slice %arg4[%mul3A_2, %dma_wait3A_40] : memref<10240x128xf32, #tpu.memory_space<hbm>> -> memref<640x128xf32, #tpu.memory_space<hbm>>
      tpu.wait_dma2 semaphore(%run_scoped3A : memref<!tpu.dma_semaphore, #tpu.memory_space<semaphore_mem>>) src(%dma_wait3A_41 : memref<640x128xf32, #tpu.memory_space<hbm>>) dst(%dma_wait3A_39 : memref<640x128xf32, #tpu.memory_space<vmem_shared>>)
      tpu.yield
    }) : () -> ()
    %barrier3A = arith.constant 0 : index
    tpu.barrier barrier_id(%barrier3A)
    %mul3A_5 = arith.constant 10000 : i32
    %mul3A_6 = arith.muli %add3A, %mul3A_5 : i32
    "tpu.region"() ({
      %run_scoped3A = tpu.sem_alloc : memref<!tpu.dma_semaphore, #tpu.memory_space<semaphore_mem>>
      %dma_start3A_35 = arith.constant 0 : i32
      %dma_start3A_36 = arith.constant 0 : i32
      %dma_start3A_37 = tpu.memref_slice %arg3[%add3A, %dma_start3A_35, %dma_start3A_36] : memref<32x125x80xi32, #tpu.memory_space<hbm>> -> memref<1x125x80xi32, #tpu.memory_space<hbm>>
      %dma_start3A_38 = tpu.memref_squeeze %dma_start3A_37 : memref<1x125x80xi32, #tpu.memory_space<hbm>> -> memref<125x80xi32, #tpu.memory_space<hbm>>
      %dma_start3A_39 = arith.constant 0 : i32
      %dma_start3A_40 = arith.constant 0 : i32
      %dma_start3A_41 = tpu.memref_slice %arg3[%add3A, %dma_start3A_39, %dma_start3A_40] : memref<32x125x80xi32, #tpu.memory_space<hbm>> -> memref<1x125x80xi32, #tpu.memory_space<hbm>>
      %dma_start3A_42 = tpu.memref_squeeze %dma_start3A_41 : memref<1x125x80xi32, #tpu.memory_space<hbm>> -> memref<125x80xi32, #tpu.memory_space<hbm>>
      tpu.enqueue_dma source(%dma_start3A_42 : memref<125x80xi32, #tpu.memory_space<hbm>>) target(%arg6 : memref<125x80xi32, #tpu.memory_space<vmem>>) target_semaphore(%run_scoped3A : memref<!tpu.dma_semaphore, #tpu.memory_space<semaphore_mem>>)
      %dma_wait3A = arith.constant 0 : i32
      %dma_wait3A_43 = arith.constant 0 : i32
      %dma_wait3A_44 = tpu.memref_slice %arg3[%add3A, %dma_wait3A, %dma_wait3A_43] : memref<32x125x80xi32, #tpu.memory_space<hbm>> -> memref<1x125x80xi32, #tpu.memory_space<hbm>>
      %dma_wait3A_45 = tpu.memref_squeeze %dma_wait3A_44 : memref<1x125x80xi32, #tpu.memory_space<hbm>> -> memref<125x80xi32, #tpu.memory_space<hbm>>
      %dma_wait3A_46 = arith.constant 0 : i32
      %dma_wait3A_47 = arith.constant 0 : i32
      %dma_wait3A_48 = tpu.memref_slice %arg3[%add3A, %dma_wait3A_46, %dma_wait3A_47] : memref<32x125x80xi32, #tpu.memory_space<hbm>> -> memref<1x125x80xi32, #tpu.memory_space<hbm>>
      %dma_wait3A_49 = tpu.memref_squeeze %dma_wait3A_48 : memref<1x125x80xi32, #tpu.memory_space<hbm>> -> memref<125x80xi32, #tpu.memory_space<hbm>>
      tpu.wait_dma2 semaphore(%run_scoped3A : memref<!tpu.dma_semaphore, #tpu.memory_space<semaphore_mem>>) src(%dma_wait3A_49 : memref<125x80xi32, #tpu.memory_space<hbm>>) dst(%arg6 : memref<125x80xi32, #tpu.memory_space<vmem>>)
      tpu.yield
    }) : () -> ()
    %dma_start3A = arith.constant 0 : i32
    %dma_start3A_7 = arith.constant 0 : i32
    %dma_start3A_8 = arith.constant 0 : i32
    %dma_start3A_9 = arith.constant 0 : i32
    %dma_start3A_10 = tpu.memref_slice %arg7[%dma_start3A, %dma_start3A_8, %dma_start3A_9] : memref<2x80x128xf32, #tpu.memory_space<vmem>> -> memref<1x80x128xf32, #tpu.memory_space<vmem>>
    %dma_start3A_11 = tpu.memref_squeeze %dma_start3A_10 : memref<1x80x128xf32, #tpu.memory_space<vmem>> -> memref<80x128xf32, #tpu.memory_space<vmem>>
    %dma_start3A_12 = arith.constant 0 : i32
    %dma_start3A_13 = tpu.memref_slice %arg2[%mul3A_6, %dma_start3A_12] : memref<320000x128xf32, #tpu.memory_space<hbm>> -> memref<80x128xf32, #tpu.memory_space<hbm>>
    %dma_start3A_14 = tpu.memref_slice %arg9[%dma_start3A_7] : memref<2x!tpu.dma_semaphore, #tpu.memory_space<semaphore_mem>> -> memref<1x!tpu.dma_semaphore, #tpu.memory_space<semaphore_mem>>
    %dma_start3A_15 = tpu.memref_squeeze %dma_start3A_14 : memref<1x!tpu.dma_semaphore, #tpu.memory_space<semaphore_mem>> -> memref<!tpu.dma_semaphore, #tpu.memory_space<semaphore_mem>>
    %dma_start3A_16 = arith.constant 0 : i32
    %dma_start3A_17 = arith.constant 0 : i32
    %dma_start3A_18 = tpu.memref_slice %arg7[%dma_start3A, %dma_start3A_16, %dma_start3A_17] : memref<2x80x128xf32, #tpu.memory_space<vmem>> -> memref<1x80x128xf32, #tpu.memory_space<vmem>>
    %dma_start3A_19 = tpu.memref_squeeze %dma_start3A_18 : memref<1x80x128xf32, #tpu.memory_space<vmem>> -> memref<80x128xf32, #tpu.memory_space<vmem>>
    %dma_start3A_20 = arith.constant 0 : i32
    %dma_start3A_21 = tpu.memref_slice %arg2[%mul3A_6, %dma_start3A_20] : memref<320000x128xf32, #tpu.memory_space<hbm>> -> memref<80x128xf32, #tpu.memory_space<hbm>>
    tpu.enqueue_dma source(%dma_start3A_21 : memref<80x128xf32, #tpu.memory_space<hbm>>) target(%dma_start3A_19 : memref<80x128xf32, #tpu.memory_space<vmem>>) target_semaphore(%dma_start3A_15 : memref<!tpu.dma_semaphore, #tpu.memory_space<semaphore_mem>>)
    %scan3A = arith.constant 0 : i32
    %scan3A_22 = arith.constant 0 : i32
    %scan3A_23 = arith.constant 125 : i32
    %scan3A_24 = arith.addi %scan3A_22, %scan3A_23 : i32
    %scan3A_25 = arith.constant 1 : i32
    scf.for %scan3A_35 = %scan3A_22 to %scan3A_24 step %scan3A_25  : i32 {
      %rem3A = arith.constant 2 : i32
      %rem3A_36 = arith.remsi %scan3A_35, %rem3A : i32
      %add3A_37 = arith.constant 1 : i32
      %add3A_38 = arith.addi %scan3A_35, %add3A_37 : i32
      %rem3A_39 = arith.constant 2 : i32
      %rem3A_40 = arith.remsi %add3A_38, %rem3A_39 : i32
      %add3A_41 = arith.constant 1 : i32
      %add3A_42 = arith.addi %scan3A_35, %add3A_41 : i32
      %lt3A = arith.constant 125 : i32
      %lt3A_43 = arith.cmpi slt, %add3A_42, %lt3A : i32
      %convert_element_type3A = arith.extui %lt3A_43 : i1 to i32
      %cond3A = arith.constant 0 : i32
      %cond3A_44 = arith.cmpi ne, %convert_element_type3A, %cond3A : i32
      scf.if %cond3A_44 {
        %add3A_61 = arith.constant 1 : i32
        %add3A_62 = arith.addi %scan3A_35, %add3A_61 : i32
        %mul3A_63 = arith.constant 80 : i32
        %mul3A_64 = arith.muli %add3A_62, %mul3A_63 : i32
        %add3A_65 = arith.addi %mul3A_6, %mul3A_64 : i32
        %dma_start3A_66 = arith.constant 0 : i32
        %dma_start3A_67 = arith.constant 0 : i32
        %dma_start3A_68 = tpu.memref_slice %arg7[%rem3A_40, %dma_start3A_66, %dma_start3A_67] : memref<2x80x128xf32, #tpu.memory_space<vmem>> -> memref<1x80x128xf32, #tpu.memory_space<vmem>>
        %dma_start3A_69 = tpu.memref_squeeze %dma_start3A_68 : memref<1x80x128xf32, #tpu.memory_space<vmem>> -> memref<80x128xf32, #tpu.memory_space<vmem>>
        %dma_start3A_70 = arith.constant 0 : i32
        %dma_start3A_71 = tpu.memref_slice %arg2[%add3A_65, %dma_start3A_70] : memref<320000x128xf32, #tpu.memory_space<hbm>> -> memref<80x128xf32, #tpu.memory_space<hbm>>
        %dma_start3A_72 = tpu.memref_slice %arg9[%rem3A_40] : memref<2x!tpu.dma_semaphore, #tpu.memory_space<semaphore_mem>> -> memref<1x!tpu.dma_semaphore, #tpu.memory_space<semaphore_mem>>
        %dma_start3A_73 = tpu.memref_squeeze %dma_start3A_72 : memref<1x!tpu.dma_semaphore, #tpu.memory_space<semaphore_mem>> -> memref<!tpu.dma_semaphore, #tpu.memory_space<semaphore_mem>>
        %dma_start3A_74 = arith.constant 0 : i32
        %dma_start3A_75 = arith.constant 0 : i32
        %dma_start3A_76 = tpu.memref_slice %arg7[%rem3A_40, %dma_start3A_74, %dma_start3A_75] : memref<2x80x128xf32, #tpu.memory_space<vmem>> -> memref<1x80x128xf32, #tpu.memory_space<vmem>>
        %dma_start3A_77 = tpu.memref_squeeze %dma_start3A_76 : memref<1x80x128xf32, #tpu.memory_space<vmem>> -> memref<80x128xf32, #tpu.memory_space<vmem>>
        %dma_start3A_78 = arith.constant 0 : i32
        %dma_start3A_79 = tpu.memref_slice %arg2[%add3A_65, %dma_start3A_78] : memref<320000x128xf32, #tpu.memory_space<hbm>> -> memref<80x128xf32, #tpu.memory_space<hbm>>
        tpu.enqueue_dma source(%dma_start3A_79 : memref<80x128xf32, #tpu.memory_space<hbm>>) target(%dma_start3A_77 : memref<80x128xf32, #tpu.memory_space<vmem>>) target_semaphore(%dma_start3A_73 : memref<!tpu.dma_semaphore, #tpu.memory_space<semaphore_mem>>)
      } else {
      }
      %mul3A_45 = arith.constant 80 : i32
      %mul3A_46 = arith.muli %scan3A_35, %mul3A_45 : i32
      %add3A_47 = arith.addi %mul3A_6, %mul3A_46 : i32
      %dma_wait3A = arith.constant 0 : i32
      %dma_wait3A_48 = arith.constant 0 : i32
      %dma_wait3A_49 = tpu.memref_slice %arg7[%rem3A_36, %dma_wait3A, %dma_wait3A_48] : memref<2x80x128xf32, #tpu.memory_space<vmem>> -> memref<1x80x128xf32, #tpu.memory_space<vmem>>
      %dma_wait3A_50 = tpu.memref_squeeze %dma_wait3A_49 : memref<1x80x128xf32, #tpu.memory_space<vmem>> -> memref<80x128xf32, #tpu.memory_space<vmem>>
      %dma_wait3A_51 = arith.constant 0 : i32
      %dma_wait3A_52 = tpu.memref_slice %arg2[%add3A_47, %dma_wait3A_51] : memref<320000x128xf32, #tpu.memory_space<hbm>> -> memref<80x128xf32, #tpu.memory_space<hbm>>
      %dma_wait3A_53 = tpu.memref_slice %arg9[%rem3A_36] : memref<2x!tpu.dma_semaphore, #tpu.memory_space<semaphore_mem>> -> memref<1x!tpu.dma_semaphore, #tpu.memory_space<semaphore_mem>>
      %dma_wait3A_54 = tpu.memref_squeeze %dma_wait3A_53 : memref<1x!tpu.dma_semaphore, #tpu.memory_space<semaphore_mem>> -> memref<!tpu.dma_semaphore, #tpu.memory_space<semaphore_mem>>
      %dma_wait3A_55 = arith.constant 0 : i32
      %dma_wait3A_56 = arith.constant 0 : i32
      %dma_wait3A_57 = tpu.memref_slice %arg7[%rem3A_36, %dma_wait3A_55, %dma_wait3A_56] : memref<2x80x128xf32, #tpu.memory_space<vmem>> -> memref<1x80x128xf32, #tpu.memory_space<vmem>>
      %dma_wait3A_58 = tpu.memref_squeeze %dma_wait3A_57 : memref<1x80x128xf32, #tpu.memory_space<vmem>> -> memref<80x128xf32, #tpu.memory_space<vmem>>
      %dma_wait3A_59 = arith.constant 0 : i32
      %dma_wait3A_60 = tpu.memref_slice %arg2[%add3A_47, %dma_wait3A_59] : memref<320000x128xf32, #tpu.memory_space<hbm>> -> memref<80x128xf32, #tpu.memory_space<hbm>>
      tpu.wait_dma2 semaphore(%dma_wait3A_54 : memref<!tpu.dma_semaphore, #tpu.memory_space<semaphore_mem>>) src(%dma_wait3A_60 : memref<80x128xf32, #tpu.memory_space<hbm>>) dst(%dma_wait3A_58 : memref<80x128xf32, #tpu.memory_space<vmem>>)
      "tpu.region"() ({
        %run_scoped3A = tpu.sem_alloc : memref<!tpu.dma_semaphore, #tpu.memory_space<semaphore_mem>>
        %dma_start3A_61 = arith.constant 0 : i32
        %dma_start3A_62 = arith.constant 0 : i32
        %dma_start3A_63 = tpu.memref_slice %arg7[%rem3A_36, %dma_start3A_61, %dma_start3A_62] : memref<2x80x128xf32, #tpu.memory_space<vmem>> -> memref<1x80x128xf32, #tpu.memory_space<vmem>>
        %dma_start3A_64 = tpu.memref_squeeze %dma_start3A_63 : memref<1x80x128xf32, #tpu.memory_space<vmem>> -> memref<80x128xf32, #tpu.memory_space<vmem>>
        %dma_start3A_65 = arith.constant 0 : i32
        %dma_start3A_66 = tpu.memref_slice %arg6[%scan3A_35, %dma_start3A_65] : memref<125x80xi32, #tpu.memory_space<vmem>> -> memref<1x80xi32, #tpu.memory_space<vmem>>
        %dma_start3A_67 = tpu.memref_squeeze %dma_start3A_66 : memref<1x80xi32, #tpu.memory_space<vmem>> -> memref<80xi32, #tpu.memory_space<vmem>>
        %dma_start3A_68 = arith.constant 0 : i32
        %dma_start3A_69 = arith.constant 0 : i32
        %dma_start3A_70 = tpu.memref_slice %arg8[%dma_start3A_68, %dma_start3A_69] : memref<10240x128xf32, #tpu.memory_space<vmem_shared>> -> memref<10240x128xf32, #tpu.memory_space<vmem_shared>>
        tpu.enqueue_indirect_dma source(%dma_start3A_64 : memref<80x128xf32, #tpu.memory_space<vmem>>) target(%dma_start3A_70 : memref<10240x128xf32, #tpu.memory_space<vmem_shared>>) offsets(%dma_start3A_67 : memref<80xi32, #tpu.memory_space<vmem>>) semaphore(%run_scoped3A : memref<!tpu.dma_semaphore, #tpu.memory_space<semaphore_mem>>) {add = true}
        %dma_wait3A_71 = arith.constant 0 : i32
        %dma_wait3A_72 = arith.constant 0 : i32
        %dma_wait3A_73 = tpu.memref_slice %arg7[%rem3A_36, %dma_wait3A_71, %dma_wait3A_72] : memref<2x80x128xf32, #tpu.memory_space<vmem>> -> memref<1x80x128xf32, #tpu.memory_space<vmem>>
        %dma_wait3A_74 = tpu.memref_squeeze %dma_wait3A_73 : memref<1x80x128xf32, #tpu.memory_space<vmem>> -> memref<80x128xf32, #tpu.memory_space<vmem>>
        %dma_wait3A_75 = arith.constant 0 : i32
        %dma_wait3A_76 = tpu.memref_slice %arg6[%scan3A_35, %dma_wait3A_75] : memref<125x80xi32, #tpu.memory_space<vmem>> -> memref<1x80xi32, #tpu.memory_space<vmem>>
        %dma_wait3A_77 = tpu.memref_squeeze %dma_wait3A_76 : memref<1x80xi32, #tpu.memory_space<vmem>> -> memref<80xi32, #tpu.memory_space<vmem>>
        %dma_wait3A_78 = arith.constant 0 : i32
        %dma_wait3A_79 = arith.constant 0 : i32
        %dma_wait3A_80 = tpu.memref_slice %arg8[%dma_wait3A_78, %dma_wait3A_79] : memref<10240x128xf32, #tpu.memory_space<vmem_shared>> -> memref<10240x128xf32, #tpu.memory_space<vmem_shared>>
        tpu.wait_indirect_dma semaphore(%run_scoped3A : memref<!tpu.dma_semaphore, #tpu.memory_space<semaphore_mem>>) src(%dma_wait3A_74 : memref<80x128xf32, #tpu.memory_space<vmem>>) dst(%dma_wait3A_80 : memref<10240x128xf32, #tpu.memory_space<vmem_shared>>)
        tpu.yield
      }) : () -> ()
    }
    %scan3A_26 = arith.constant 125 : i32
    %barrier3A_27 = arith.constant 0 : index
    tpu.barrier barrier_id(%barrier3A_27)
    %mul3A_28 = arith.constant 640 : i32
    %mul3A_29 = arith.muli %arg1, %mul3A_28 : i32
    %mul3A_30 = arith.constant 10240 : i32
    %mul3A_31 = arith.muli %arg0, %mul3A_30 : i32
    %mul3A_32 = arith.constant 640 : i32
    %mul3A_33 = arith.muli %arg1, %mul3A_32 : i32
    %add3A_34 = arith.addi %mul3A_31, %mul3A_33 : i32
    "tpu.region"() ({
      %run_scoped3A = tpu.sem_alloc : memref<!tpu.dma_semaphore, #tpu.memory_space<semaphore_mem>>
      %dma_start3A_35 = arith.constant 0 : i32
      %dma_start3A_36 = tpu.memref_slice %arg5[%add3A_34, %dma_start3A_35] : memref<20480x128xf32, #tpu.memory_space<hbm>> -> memref<640x128xf32, #tpu.memory_space<hbm>>
      %dma_start3A_37 = arith.constant 0 : i32
      %dma_start3A_38 = tpu.memref_slice %arg8[%mul3A_29, %dma_start3A_37] : memref<10240x128xf32, #tpu.memory_space<vmem_shared>> -> memref<640x128xf32, #tpu.memory_space<vmem_shared>>
      tpu.enqueue_dma source(%dma_start3A_38 : memref<640x128xf32, #tpu.memory_space<vmem_shared>>) target(%dma_start3A_36 : memref<640x128xf32, #tpu.memory_space<hbm>>) target_semaphore(%run_scoped3A : memref<!tpu.dma_semaphore, #tpu.memory_space<semaphore_mem>>)
      %dma_wait3A = arith.constant 0 : i32
      %dma_wait3A_39 = tpu.memref_slice %arg5[%add3A_34, %dma_wait3A] : memref<20480x128xf32, #tpu.memory_space<hbm>> -> memref<640x128xf32, #tpu.memory_space<hbm>>
      %dma_wait3A_40 = arith.constant 0 : i32
      %dma_wait3A_41 = tpu.memref_slice %arg8[%mul3A_29, %dma_wait3A_40] : memref<10240x128xf32, #tpu.memory_space<vmem_shared>> -> memref<640x128xf32, #tpu.memory_space<vmem_shared>>
      tpu.wait_dma2 semaphore(%run_scoped3A : memref<!tpu.dma_semaphore, #tpu.memory_space<semaphore_mem>>) src(%dma_wait3A_41 : memref<640x128xf32, #tpu.memory_space<vmem_shared>>) dst(%dma_wait3A_39 : memref<640x128xf32, #tpu.memory_space<hbm>>)
      tpu.yield
    }) : () -> ()
    return
  }
}

#map = affine_map<(d0, d1) -> (0, 0)>
#map1 = affine_map<(d0, d1) -> (0, 0, 0)>
module attributes {stable_mosaic.version = 14 : i64} {
  func.func @scat(%arg0: i32, %arg1: i32, %arg2: memref<320000x128xf32, #tpu.memory_space<hbm>>, %arg3: memref<32x125x80xi32, #tpu.memory_space<hbm>>, %arg4: memref<10240x128xf32, #tpu.memory_space<hbm>>, %arg5: memref<20480x128xf32, #tpu.memory_space<hbm>>, %arg6: memref<125x80xi32, #tpu.memory_space<vmem>>, %arg7: memref<2x80x128xf32, #tpu.memory_space<vmem>>, %arg8: memref<10240x128xf32, #tpu.memory_space<vmem_shared>>, %arg9: memref<2x!tpu.dma_semaphore, #tpu.memory_space<semaphore_mem>>) attributes {dimension_semantics = [#tpu.dimension_semantics<core_parallel>, #tpu.dimension_semantics<subcore_parallel>], iteration_bounds = array<i64: 2, 16>, scalar_prefetch = 0 : i64, scratch_operands = 4 : i64, tpu.core_type = #tpu.core_type<sc_vector_subcore>, window_params = [{transform_indices = #map}, {transform_indices = #map1}, {transform_indices = #map}, {transform_indices = #map}]} {
    %mul3A = arith.constant 2 : i32
    %mul3A_0 = arith.muli %arg1, %mul3A : i32
    %add3A = arith.addi %mul3A_0, %arg0 : i32
    %mul3A_1 = arith.constant 640 : i32
    %mul3A_2 = arith.muli %arg1, %mul3A_1 : i32
    %mul3A_3 = arith.constant 640 : i32
    %mul3A_4 = arith.muli %arg1, %mul3A_3 : i32
    "tpu.region"() ({
      %run_scoped3A = tpu.sem_alloc : memref<!tpu.dma_semaphore, #tpu.memory_space<semaphore_mem>>
      %dma_start3A_35 = arith.constant 0 : i32
      %dma_start3A_36 = tpu.memref_slice %arg8[%mul3A_4, %dma_start3A_35] : memref<10240x128xf32, #tpu.memory_space<vmem_shared>> -> memref<640x128xf32, #tpu.memory_space<vmem_shared>>
      %dma_start3A_37 = arith.constant 0 : i32
      %dma_start3A_38 = tpu.memref_slice %arg4[%mul3A_2, %dma_start3A_37] : memref<10240x128xf32, #tpu.memory_space<hbm>> -> memref<640x128xf32, #tpu.memory_space<hbm>>
      tpu.enqueue_dma source(%dma_start3A_38 : memref<640x128xf32, #tpu.memory_space<hbm>>) target(%dma_start3A_36 : memref<640x128xf32, #tpu.memory_space<vmem_shared>>) target_semaphore(%run_scoped3A : memref<!tpu.dma_semaphore, #tpu.memory_space<semaphore_mem>>)
      %dma_wait3A = arith.constant 0 : i32
      %dma_wait3A_39 = tpu.memref_slice %arg8[%mul3A_4, %dma_wait3A] : memref<10240x128xf32, #tpu.memory_space<vmem_shared>> -> memref<640x128xf32, #tpu.memory_space<vmem_shared>>
      %dma_wait3A_40 = arith.constant 0 : i32
      %dma_wait3A_41 = tpu.memref_slice %arg4[%mul3A_2, %dma_wait3A_40] : memref<10240x128xf32, #tpu.memory_space<hbm>> -> memref<640x128xf32, #tpu.memory_space<hbm>>
      tpu.wait_dma2 semaphore(%run_scoped3A : memref<!tpu.dma_semaphore, #tpu.memory_space<semaphore_mem>>) src(%dma_wait3A_41 : memref<640x128xf32, #tpu.memory_space<hbm>>) dst(%dma_wait3A_39 : memref<640x128xf32, #tpu.memory_space<vmem_shared>>)
      tpu.yield
    }) : () -> ()
    %barrier3A = arith.constant 0 : index
    tpu.barrier barrier_id(%barrier3A)
    %mul3A_5 = arith.constant 10000 : i32
    %mul3A_6 = arith.muli %add3A, %mul3A_5 : i32
    "tpu.region"() ({
      %run_scoped3A = tpu.sem_alloc : memref<!tpu.dma_semaphore, #tpu.memory_space<semaphore_mem>>
      %dma_start3A_35 = arith.constant 0 : i32
      %dma_start3A_36 = arith.constant 0 : i32
      %dma_start3A_37 = tpu.memref_slice %arg3[%add3A, %dma_start3A_35, %dma_start3A_36] : memref<32x125x80xi32, #tpu.memory_space<hbm>> -> memref<1x125x80xi32, #tpu.memory_space<hbm>>
      %dma_start3A_38 = tpu.memref_squeeze %dma_start3A_37 : memref<1x125x80xi32, #tpu.memory_space<hbm>> -> memref<125x80xi32, #tpu.memory_space<hbm>>
      %dma_start3A_39 = arith.constant 0 : i32
      %dma_start3A_40 = arith.constant 0 : i32
      %dma_start3A_41 = tpu.memref_slice %arg3[%add3A, %dma_start3A_39, %dma_start3A_40] : memref<32x125x80xi32, #tpu.memory_space<hbm>> -> memref<1x125x80xi32, #tpu.memory_space<hbm>>
      %dma_start3A_42 = tpu.memref_squeeze %dma_start3A_41 : memref<1x125x80xi32, #tpu.memory_space<hbm>> -> memref<125x80xi32, #tpu.memory_space<hbm>>
      tpu.enqueue_dma source(%dma_start3A_42 : memref<125x80xi32, #tpu.memory_space<hbm>>) target(%arg6 : memref<125x80xi32, #tpu.memory_space<vmem>>) target_semaphore(%run_scoped3A : memref<!tpu.dma_semaphore, #tpu.memory_space<semaphore_mem>>)
      %dma_wait3A = arith.constant 0 : i32
      %dma_wait3A_43 = arith.constant 0 : i32
      %dma_wait3A_44 = tpu.memref_slice %arg3[%add3A, %dma_wait3A, %dma_wait3A_43] : memref<32x125x80xi32, #tpu.memory_space<hbm>> -> memref<1x125x80xi32, #tpu.memory_space<hbm>>
      %dma_wait3A_45 = tpu.memref_squeeze %dma_wait3A_44 : memref<1x125x80xi32, #tpu.memory_space<hbm>> -> memref<125x80xi32, #tpu.memory_space<hbm>>
      %dma_wait3A_46 = arith.constant 0 : i32
      %dma_wait3A_47 = arith.constant 0 : i32
      %dma_wait3A_48 = tpu.memref_slice %arg3[%add3A, %dma_wait3A_46, %dma_wait3A_47] : memref<32x125x80xi32, #tpu.memory_space<hbm>> -> memref<1x125x80xi32, #tpu.memory_space<hbm>>
      %dma_wait3A_49 = tpu.memref_squeeze %dma_wait3A_48 : memref<1x125x80xi32, #tpu.memory_space<hbm>> -> memref<125x80xi32, #tpu.memory_space<hbm>>
      tpu.wait_dma2 semaphore(%run_scoped3A : memref<!tpu.dma_semaphore, #tpu.memory_space<semaphore_mem>>) src(%dma_wait3A_49 : memref<125x80xi32, #tpu.memory_space<hbm>>) dst(%arg6 : memref<125x80xi32, #tpu.memory_space<vmem>>)
      tpu.yield
    }) : () -> ()
    %dma_start3A = arith.constant 0 : i32
    %dma_start3A_7 = arith.constant 0 : i32
    %dma_start3A_8 = arith.constant 0 : i32
    %dma_start3A_9 = arith.constant 0 : i32
    %dma_start3A_10 = tpu.memref_slice %arg7[%dma_start3A, %dma_start3A_8, %dma_start3A_9] : memref<2x80x128xf32, #tpu.memory_space<vmem>> -> memref<1x80x128xf32, #tpu.memory_space<vmem>>
    %dma_start3A_11 = tpu.memref_squeeze %dma_start3A_10 : memref<1x80x128xf32, #tpu.memory_space<vmem>> -> memref<80x128xf32, #tpu.memory_space<vmem>>
    %dma_start3A_12 = arith.constant 0 : i32
    %dma_start3A_13 = tpu.memref_slice %arg2[%mul3A_6, %dma_start3A_12] : memref<320000x128xf32, #tpu.memory_space<hbm>> -> memref<80x128xf32, #tpu.memory_space<hbm>>
    %dma_start3A_14 = tpu.memref_slice %arg9[%dma_start3A_7] : memref<2x!tpu.dma_semaphore, #tpu.memory_space<semaphore_mem>> -> memref<1x!tpu.dma_semaphore, #tpu.memory_space<semaphore_mem>>
    %dma_start3A_15 = tpu.memref_squeeze %dma_start3A_14 : memref<1x!tpu.dma_semaphore, #tpu.memory_space<semaphore_mem>> -> memref<!tpu.dma_semaphore, #tpu.memory_space<semaphore_mem>>
    %dma_start3A_16 = arith.constant 0 : i32
    %dma_start3A_17 = arith.constant 0 : i32
    %dma_start3A_18 = tpu.memref_slice %arg7[%dma_start3A, %dma_start3A_16, %dma_start3A_17] : memref<2x80x128xf32, #tpu.memory_space<vmem>> -> memref<1x80x128xf32, #tpu.memory_space<vmem>>
    %dma_start3A_19 = tpu.memref_squeeze %dma_start3A_18 : memref<1x80x128xf32, #tpu.memory_space<vmem>> -> memref<80x128xf32, #tpu.memory_space<vmem>>
    %dma_start3A_20 = arith.constant 0 : i32
    %dma_start3A_21 = tpu.memref_slice %arg2[%mul3A_6, %dma_start3A_20] : memref<320000x128xf32, #tpu.memory_space<hbm>> -> memref<80x128xf32, #tpu.memory_space<hbm>>
    tpu.enqueue_dma source(%dma_start3A_21 : memref<80x128xf32, #tpu.memory_space<hbm>>) target(%dma_start3A_19 : memref<80x128xf32, #tpu.memory_space<vmem>>) target_semaphore(%dma_start3A_15 : memref<!tpu.dma_semaphore, #tpu.memory_space<semaphore_mem>>)
    %scan3A = arith.constant 0 : i32
    %scan3A_22 = arith.constant 0 : i32
    %scan3A_23 = arith.constant 125 : i32
    %scan3A_24 = arith.addi %scan3A_22, %scan3A_23 : i32
    %scan3A_25 = arith.constant 1 : i32
    scf.for %scan3A_35 = %scan3A_22 to %scan3A_24 step %scan3A_25  : i32 {
      %rem3A = arith.constant 2 : i32
      %rem3A_36 = arith.remsi %scan3A_35, %rem3A : i32
      %add3A_37 = arith.constant 1 : i32
      %add3A_38 = arith.addi %scan3A_35, %add3A_37 : i32
      %rem3A_39 = arith.constant 2 : i32
      %rem3A_40 = arith.remsi %add3A_38, %rem3A_39 : i32
      %add3A_41 = arith.constant 1 : i32
      %add3A_42 = arith.addi %scan3A_35, %add3A_41 : i32
      %lt3A = arith.constant 125 : i32
      %lt3A_43 = arith.cmpi slt, %add3A_42, %lt3A : i32
      %convert_element_type3A = arith.extui %lt3A_43 : i1 to i32
      %cond3A = arith.constant 0 : i32
      %cond3A_44 = arith.cmpi ne, %convert_element_type3A, %cond3A : i32
      scf.if %cond3A_44 {
        %add3A_61 = arith.constant 1 : i32
        %add3A_62 = arith.addi %scan3A_35, %add3A_61 : i32
        %mul3A_63 = arith.constant 80 : i32
        %mul3A_64 = arith.muli %add3A_62, %mul3A_63 : i32
        %add3A_65 = arith.addi %mul3A_6, %mul3A_64 : i32
        %dma_start3A_66 = arith.constant 0 : i32
        %dma_start3A_67 = arith.constant 0 : i32
        %dma_start3A_68 = tpu.memref_slice %arg7[%rem3A_40, %dma_start3A_66, %dma_start3A_67] : memref<2x80x128xf32, #tpu.memory_space<vmem>> -> memref<1x80x128xf32, #tpu.memory_space<vmem>>
        %dma_start3A_69 = tpu.memref_squeeze %dma_start3A_68 : memref<1x80x128xf32, #tpu.memory_space<vmem>> -> memref<80x128xf32, #tpu.memory_space<vmem>>
        %dma_start3A_70 = arith.constant 0 : i32
        %dma_start3A_71 = tpu.memref_slice %arg2[%add3A_65, %dma_start3A_70] : memref<320000x128xf32, #tpu.memory_space<hbm>> -> memref<80x128xf32, #tpu.memory_space<hbm>>
        %dma_start3A_72 = tpu.memref_slice %arg9[%rem3A_40] : memref<2x!tpu.dma_semaphore, #tpu.memory_space<semaphore_mem>> -> memref<1x!tpu.dma_semaphore, #tpu.memory_space<semaphore_mem>>
        %dma_start3A_73 = tpu.memref_squeeze %dma_start3A_72 : memref<1x!tpu.dma_semaphore, #tpu.memory_space<semaphore_mem>> -> memref<!tpu.dma_semaphore, #tpu.memory_space<semaphore_mem>>
        %dma_start3A_74 = arith.constant 0 : i32
        %dma_start3A_75 = arith.constant 0 : i32
        %dma_start3A_76 = tpu.memref_slice %arg7[%rem3A_40, %dma_start3A_74, %dma_start3A_75] : memref<2x80x128xf32, #tpu.memory_space<vmem>> -> memref<1x80x128xf32, #tpu.memory_space<vmem>>
        %dma_start3A_77 = tpu.memref_squeeze %dma_start3A_76 : memref<1x80x128xf32, #tpu.memory_space<vmem>> -> memref<80x128xf32, #tpu.memory_space<vmem>>
        %dma_start3A_78 = arith.constant 0 : i32
        %dma_start3A_79 = tpu.memref_slice %arg2[%add3A_65, %dma_start3A_78] : memref<320000x128xf32, #tpu.memory_space<hbm>> -> memref<80x128xf32, #tpu.memory_space<hbm>>
        tpu.enqueue_dma source(%dma_start3A_79 : memref<80x128xf32, #tpu.memory_space<hbm>>) target(%dma_start3A_77 : memref<80x128xf32, #tpu.memory_space<vmem>>) target_semaphore(%dma_start3A_73 : memref<!tpu.dma_semaphore, #tpu.memory_space<semaphore_mem>>)
      } else {
      }
      %mul3A_45 = arith.constant 80 : i32
      %mul3A_46 = arith.muli %scan3A_35, %mul3A_45 : i32
      %add3A_47 = arith.addi %mul3A_6, %mul3A_46 : i32
      %dma_wait3A = arith.constant 0 : i32
      %dma_wait3A_48 = arith.constant 0 : i32
      %dma_wait3A_49 = tpu.memref_slice %arg7[%rem3A_36, %dma_wait3A, %dma_wait3A_48] : memref<2x80x128xf32, #tpu.memory_space<vmem>> -> memref<1x80x128xf32, #tpu.memory_space<vmem>>
      %dma_wait3A_50 = tpu.memref_squeeze %dma_wait3A_49 : memref<1x80x128xf32, #tpu.memory_space<vmem>> -> memref<80x128xf32, #tpu.memory_space<vmem>>
      %dma_wait3A_51 = arith.constant 0 : i32
      %dma_wait3A_52 = tpu.memref_slice %arg2[%add3A_47, %dma_wait3A_51] : memref<320000x128xf32, #tpu.memory_space<hbm>> -> memref<80x128xf32, #tpu.memory_space<hbm>>
      %dma_wait3A_53 = tpu.memref_slice %arg9[%rem3A_36] : memref<2x!tpu.dma_semaphore, #tpu.memory_space<semaphore_mem>> -> memref<1x!tpu.dma_semaphore, #tpu.memory_space<semaphore_mem>>
      %dma_wait3A_54 = tpu.memref_squeeze %dma_wait3A_53 : memref<1x!tpu.dma_semaphore, #tpu.memory_space<semaphore_mem>> -> memref<!tpu.dma_semaphore, #tpu.memory_space<semaphore_mem>>
      %dma_wait3A_55 = arith.constant 0 : i32
      %dma_wait3A_56 = arith.constant 0 : i32
      %dma_wait3A_57 = tpu.memref_slice %arg7[%rem3A_36, %dma_wait3A_55, %dma_wait3A_56] : memref<2x80x128xf32, #tpu.memory_space<vmem>> -> memref<1x80x128xf32, #tpu.memory_space<vmem>>
      %dma_wait3A_58 = tpu.memref_squeeze %dma_wait3A_57 : memref<1x80x128xf32, #tpu.memory_space<vmem>> -> memref<80x128xf32, #tpu.memory_space<vmem>>
      %dma_wait3A_59 = arith.constant 0 : i32
      %dma_wait3A_60 = tpu.memref_slice %arg2[%add3A_47, %dma_wait3A_59] : memref<320000x128xf32, #tpu.memory_space<hbm>> -> memref<80x128xf32, #tpu.memory_space<hbm>>
      tpu.wait_dma2 semaphore(%dma_wait3A_54 : memref<!tpu.dma_semaphore, #tpu.memory_space<semaphore_mem>>) src(%dma_wait3A_60 : memref<80x128xf32, #tpu.memory_space<hbm>>) dst(%dma_wait3A_58 : memref<80x128xf32, #tpu.memory_space<vmem>>)
      "tpu.region"() ({
        %run_scoped3A = tpu.sem_alloc : memref<!tpu.dma_semaphore, #tpu.memory_space<semaphore_mem>>
        %dma_start3A_61 = arith.constant 0 : i32
        %dma_start3A_62 = arith.constant 0 : i32
        %dma_start3A_63 = tpu.memref_slice %arg7[%rem3A_36, %dma_start3A_61, %dma_start3A_62] : memref<2x80x128xf32, #tpu.memory_space<vmem>> -> memref<1x80x128xf32, #tpu.memory_space<vmem>>
        %dma_start3A_64 = tpu.memref_squeeze %dma_start3A_63 : memref<1x80x128xf32, #tpu.memory_space<vmem>> -> memref<80x128xf32, #tpu.memory_space<vmem>>
        %dma_start3A_65 = arith.constant 0 : i32
        %dma_start3A_66 = tpu.memref_slice %arg6[%scan3A_35, %dma_start3A_65] : memref<125x80xi32, #tpu.memory_space<vmem>> -> memref<1x80xi32, #tpu.memory_space<vmem>>
        %dma_start3A_67 = tpu.memref_squeeze %dma_start3A_66 : memref<1x80xi32, #tpu.memory_space<vmem>> -> memref<80xi32, #tpu.memory_space<vmem>>
        %dma_start3A_68 = arith.constant 0 : i32
        %dma_start3A_69 = arith.constant 0 : i32
        %dma_start3A_70 = tpu.memref_slice %arg8[%dma_start3A_68, %dma_start3A_69] : memref<10240x128xf32, #tpu.memory_space<vmem_shared>> -> memref<10240x128xf32, #tpu.memory_space<vmem_shared>>
        tpu.enqueue_indirect_dma source(%dma_start3A_64 : memref<80x128xf32, #tpu.memory_space<vmem>>) target(%dma_start3A_70 : memref<10240x128xf32, #tpu.memory_space<vmem_shared>>) offsets(%dma_start3A_67 : memref<80xi32, #tpu.memory_space<vmem>>) semaphore(%run_scoped3A : memref<!tpu.dma_semaphore, #tpu.memory_space<semaphore_mem>>) {add = true}
        %dma_wait3A_71 = arith.constant 0 : i32
        %dma_wait3A_72 = arith.constant 0 : i32
        %dma_wait3A_73 = tpu.memref_slice %arg7[%rem3A_36, %dma_wait3A_71, %dma_wait3A_72] : memref<2x80x128xf32, #tpu.memory_space<vmem>> -> memref<1x80x128xf32, #tpu.memory_space<vmem>>
        %dma_wait3A_74 = tpu.memref_squeeze %dma_wait3A_73 : memref<1x80x128xf32, #tpu.memory_space<vmem>> -> memref<80x128xf32, #tpu.memory_space<vmem>>
        %dma_wait3A_75 = arith.constant 0 : i32
        %dma_wait3A_76 = tpu.memref_slice %arg6[%scan3A_35, %dma_wait3A_75] : memref<125x80xi32, #tpu.memory_space<vmem>> -> memref<1x80xi32, #tpu.memory_space<vmem>>
        %dma_wait3A_77 = tpu.memref_squeeze %dma_wait3A_76 : memref<1x80xi32, #tpu.memory_space<vmem>> -> memref<80xi32, #tpu.memory_space<vmem>>
        %dma_wait3A_78 = arith.constant 0 : i32
        %dma_wait3A_79 = arith.constant 0 : i32
        %dma_wait3A_80 = tpu.memref_slice %arg8[%dma_wait3A_78, %dma_wait3A_79] : memref<10240x128xf32, #tpu.memory_space<vmem_shared>> -> memref<10240x128xf32, #tpu.memory_space<vmem_shared>>
        tpu.wait_indirect_dma semaphore(%run_scoped3A : memref<!tpu.dma_semaphore, #tpu.memory_space<semaphore_mem>>) src(%dma_wait3A_74 : memref<80x128xf32, #tpu.memory_space<vmem>>) dst(%dma_wait3A_80 : memref<10240x128xf32, #tpu.memory_space<vmem_shared>>)
        tpu.yield
      }) : () -> ()
    }
    %scan3A_26 = arith.constant 125 : i32
    %barrier3A_27 = arith.constant 0 : index
    tpu.barrier barrier_id(%barrier3A_27)
    %mul3A_28 = arith.constant 640 : i32
    %mul3A_29 = arith.muli %arg1, %mul3A_28 : i32
    %mul3A_30 = arith.constant 10240 : i32
    %mul3A_31 = arith.muli %arg0, %mul3A_30 : i32
    %mul3A_32 = arith.constant 640 : i32
    %mul3A_33 = arith.muli %arg1, %mul3A_32 : i32
    %add3A_34 = arith.addi %mul3A_31, %mul3A_33 : i32
    "tpu.region"() ({
      %run_scoped3A = tpu.sem_alloc : memref<!tpu.dma_semaphore, #tpu.memory_space<semaphore_mem>>
      %dma_start3A_35 = arith.constant 0 : i32
      %dma_start3A_36 = tpu.memref_slice %arg5[%add3A_34, %dma_start3A_35] : memref<20480x128xf32, #tpu.memory_space<hbm>> -> memref<640x128xf32, #tpu.memory_space<hbm>>
      %dma_start3A_37 = arith.constant 0 : i32
      %dma_start3A_38 = tpu.memref_slice %arg8[%mul3A_29, %dma_start3A_37] : memref<10240x128xf32, #tpu.memory_space<vmem_shared>> -> memref<640x128xf32, #tpu.memory_space<vmem_shared>>
      tpu.enqueue_dma source(%dma_start3A_38 : memref<640x128xf32, #tpu.memory_space<vmem_shared>>) target(%dma_start3A_36 : memref<640x128xf32, #tpu.memory_space<hbm>>) target_semaphore(%run_scoped3A : memref<!tpu.dma_semaphore, #tpu.memory_space<semaphore_mem>>)
      %dma_wait3A = arith.constant 0 : i32
      %dma_wait3A_39 = tpu.memref_slice %arg5[%add3A_34, %dma_wait3A] : memref<20480x128xf32, #tpu.memory_space<hbm>> -> memref<640x128xf32, #tpu.memory_space<hbm>>
      %dma_wait3A_40 = arith.constant 0 : i32
      %dma_wait3A_41 = tpu.memref_slice %arg8[%mul3A_29, %dma_wait3A_40] : memref<10240x128xf32, #tpu.memory_space<vmem_shared>> -> memref<640x128xf32, #tpu.memory_space<vmem_shared>>
      tpu.wait_dma2 semaphore(%run_scoped3A : memref<!tpu.dma_semaphore, #tpu.memory_space<semaphore_mem>>) src(%dma_wait3A_41 : memref<640x128xf32, #tpu.memory_space<vmem_shared>>) dst(%dma_wait3A_39 : memref<640x128xf32, #tpu.memory_space<hbm>>)
      tpu.yield
    }) : () -> ()
    return
  }
}

#map = affine_map<(d0, d1) -> (0, 0)>
#map1 = affine_map<(d0, d1) -> (0, 0, 0)>
module attributes {stable_mosaic.version = 14 : i64} {
  func.func @_sc_gather(%arg0: i32, %arg1: i32, %arg2: memref<10000x128xf32, #tpu.memory_space<hbm>>, %arg3: memref<32x250x80xi32, #tpu.memory_space<hbm>>, %arg4: memref<640000x128xf32, #tpu.memory_space<hbm>>, %arg5: memref<250x80xi32, #tpu.memory_space<vmem>>, %arg6: memref<2x80x128xf32, #tpu.memory_space<vmem>>, %arg7: memref<2x!tpu.dma_semaphore, #tpu.memory_space<semaphore_mem>>) attributes {dimension_semantics = [#tpu.dimension_semantics<core_parallel>, #tpu.dimension_semantics<subcore_parallel>], iteration_bounds = array<i64: 2, 16>, scalar_prefetch = 0 : i64, scratch_operands = 3 : i64, tpu.core_type = #tpu.core_type<sc_vector_subcore>, window_params = [{transform_indices = #map}, {transform_indices = #map1}, {transform_indices = #map}]} {
    %mul3A = arith.constant 2 : i32
    %mul3A_0 = arith.muli %arg1, %mul3A : i32
    %add3A = arith.addi %mul3A_0, %arg0 : i32
    %mul3A_1 = arith.constant 20000 : i32
    %mul3A_2 = arith.muli %add3A, %mul3A_1 : i32
    "tpu.region"() ({
      %run_scoped3A = tpu.sem_alloc : memref<!tpu.dma_semaphore, #tpu.memory_space<semaphore_mem>>
      %dma_start3A_22 = arith.constant 0 : i32
      %dma_start3A_23 = arith.constant 0 : i32
      %dma_start3A_24 = tpu.memref_slice %arg3[%add3A, %dma_start3A_22, %dma_start3A_23] : memref<32x250x80xi32, #tpu.memory_space<hbm>> -> memref<1x250x80xi32, #tpu.memory_space<hbm>>
      %dma_start3A_25 = tpu.memref_squeeze %dma_start3A_24 : memref<1x250x80xi32, #tpu.memory_space<hbm>> -> memref<250x80xi32, #tpu.memory_space<hbm>>
      %dma_start3A_26 = arith.constant 0 : i32
      %dma_start3A_27 = arith.constant 0 : i32
      %dma_start3A_28 = tpu.memref_slice %arg3[%add3A, %dma_start3A_26, %dma_start3A_27] : memref<32x250x80xi32, #tpu.memory_space<hbm>> -> memref<1x250x80xi32, #tpu.memory_space<hbm>>
      %dma_start3A_29 = tpu.memref_squeeze %dma_start3A_28 : memref<1x250x80xi32, #tpu.memory_space<hbm>> -> memref<250x80xi32, #tpu.memory_space<hbm>>
      tpu.enqueue_dma source(%dma_start3A_29 : memref<250x80xi32, #tpu.memory_space<hbm>>) target(%arg5 : memref<250x80xi32, #tpu.memory_space<vmem>>) target_semaphore(%run_scoped3A : memref<!tpu.dma_semaphore, #tpu.memory_space<semaphore_mem>>)
      %dma_wait3A = arith.constant 0 : i32
      %dma_wait3A_30 = arith.constant 0 : i32
      %dma_wait3A_31 = tpu.memref_slice %arg3[%add3A, %dma_wait3A, %dma_wait3A_30] : memref<32x250x80xi32, #tpu.memory_space<hbm>> -> memref<1x250x80xi32, #tpu.memory_space<hbm>>
      %dma_wait3A_32 = tpu.memref_squeeze %dma_wait3A_31 : memref<1x250x80xi32, #tpu.memory_space<hbm>> -> memref<250x80xi32, #tpu.memory_space<hbm>>
      %dma_wait3A_33 = arith.constant 0 : i32
      %dma_wait3A_34 = arith.constant 0 : i32
      %dma_wait3A_35 = tpu.memref_slice %arg3[%add3A, %dma_wait3A_33, %dma_wait3A_34] : memref<32x250x80xi32, #tpu.memory_space<hbm>> -> memref<1x250x80xi32, #tpu.memory_space<hbm>>
      %dma_wait3A_36 = tpu.memref_squeeze %dma_wait3A_35 : memref<1x250x80xi32, #tpu.memory_space<hbm>> -> memref<250x80xi32, #tpu.memory_space<hbm>>
      tpu.wait_dma2 semaphore(%run_scoped3A : memref<!tpu.dma_semaphore, #tpu.memory_space<semaphore_mem>>) src(%dma_wait3A_36 : memref<250x80xi32, #tpu.memory_space<hbm>>) dst(%arg5 : memref<250x80xi32, #tpu.memory_space<vmem>>)
      tpu.yield
    }) : () -> ()
    %dma_start3A = arith.constant 0 : i32
    %dma_start3A_3 = arith.constant 0 : i32
    %dma_start3A_4 = arith.constant 0 : i32
    %dma_start3A_5 = arith.constant 0 : i32
    %dma_start3A_6 = arith.constant 0 : i32
    %dma_start3A_7 = tpu.memref_slice %arg6[%dma_start3A_3, %dma_start3A_5, %dma_start3A_6] : memref<2x80x128xf32, #tpu.memory_space<vmem>> -> memref<1x80x128xf32, #tpu.memory_space<vmem>>
    %dma_start3A_8 = tpu.memref_squeeze %dma_start3A_7 : memref<1x80x128xf32, #tpu.memory_space<vmem>> -> memref<80x128xf32, #tpu.memory_space<vmem>>
    %dma_start3A_9 = arith.constant 0 : i32
    %dma_start3A_10 = tpu.memref_slice %arg5[%dma_start3A, %dma_start3A_9] : memref<250x80xi32, #tpu.memory_space<vmem>> -> memref<1x80xi32, #tpu.memory_space<vmem>>
    %dma_start3A_11 = tpu.memref_squeeze %dma_start3A_10 : memref<1x80xi32, #tpu.memory_space<vmem>> -> memref<80xi32, #tpu.memory_space<vmem>>
    %dma_start3A_12 = arith.constant 0 : i32
    %dma_start3A_13 = arith.constant 0 : i32
    %dma_start3A_14 = tpu.memref_slice %arg2[%dma_start3A_12, %dma_start3A_13] : memref<10000x128xf32, #tpu.memory_space<hbm>> -> memref<10000x128xf32, #tpu.memory_space<hbm>>
    %dma_start3A_15 = tpu.memref_slice %arg7[%dma_start3A_4] : memref<2x!tpu.dma_semaphore, #tpu.memory_space<semaphore_mem>> -> memref<1x!tpu.dma_semaphore, #tpu.memory_space<semaphore_mem>>
    %dma_start3A_16 = tpu.memref_squeeze %dma_start3A_15 : memref<1x!tpu.dma_semaphore, #tpu.memory_space<semaphore_mem>> -> memref<!tpu.dma_semaphore, #tpu.memory_space<semaphore_mem>>
    tpu.enqueue_indirect_dma source(%dma_start3A_14 : memref<10000x128xf32, #tpu.memory_space<hbm>>) target(%dma_start3A_8 : memref<80x128xf32, #tpu.memory_space<vmem>>) offsets(%dma_start3A_11 : memref<80xi32, #tpu.memory_space<vmem>>) semaphore(%dma_start3A_16 : memref<!tpu.dma_semaphore, #tpu.memory_space<semaphore_mem>>)
    %scan3A = arith.constant 0 : i32
    %scan3A_17 = arith.constant 0 : i32
    %scan3A_18 = arith.constant 250 : i32
    %scan3A_19 = arith.addi %scan3A_17, %scan3A_18 : i32
    %scan3A_20 = arith.constant 1 : i32
    scf.for %scan3A_22 = %scan3A_17 to %scan3A_19 step %scan3A_20  : i32 {
      %rem3A = arith.constant 2 : i32
      %rem3A_23 = arith.remsi %scan3A_22, %rem3A : i32
      %add3A_24 = arith.constant 1 : i32
      %add3A_25 = arith.addi %scan3A_22, %add3A_24 : i32
      %rem3A_26 = arith.constant 2 : i32
      %rem3A_27 = arith.remsi %add3A_25, %rem3A_26 : i32
      %add3A_28 = arith.constant 1 : i32
      %add3A_29 = arith.addi %scan3A_22, %add3A_28 : i32
      %lt3A = arith.constant 250 : i32
      %lt3A_30 = arith.cmpi slt, %add3A_29, %lt3A : i32
      %convert_element_type3A = arith.extui %lt3A_30 : i1 to i32
      %cond3A = arith.constant 0 : i32
      %cond3A_31 = arith.cmpi ne, %convert_element_type3A, %cond3A : i32
      scf.if %cond3A_31 {
        %add3A_46 = arith.constant 1 : i32
        %add3A_47 = arith.addi %scan3A_22, %add3A_46 : i32
        %dma_start3A_48 = arith.constant 0 : i32
        %dma_start3A_49 = arith.constant 0 : i32
        %dma_start3A_50 = tpu.memref_slice %arg6[%rem3A_27, %dma_start3A_48, %dma_start3A_49] : memref<2x80x128xf32, #tpu.memory_space<vmem>> -> memref<1x80x128xf32, #tpu.memory_space<vmem>>
        %dma_start3A_51 = tpu.memref_squeeze %dma_start3A_50 : memref<1x80x128xf32, #tpu.memory_space<vmem>> -> memref<80x128xf32, #tpu.memory_space<vmem>>
        %dma_start3A_52 = arith.constant 0 : i32
        %dma_start3A_53 = tpu.memref_slice %arg5[%add3A_47, %dma_start3A_52] : memref<250x80xi32, #tpu.memory_space<vmem>> -> memref<1x80xi32, #tpu.memory_space<vmem>>
        %dma_start3A_54 = tpu.memref_squeeze %dma_start3A_53 : memref<1x80xi32, #tpu.memory_space<vmem>> -> memref<80xi32, #tpu.memory_space<vmem>>
        %dma_start3A_55 = arith.constant 0 : i32
        %dma_start3A_56 = arith.constant 0 : i32
        %dma_start3A_57 = tpu.memref_slice %arg2[%dma_start3A_55, %dma_start3A_56] : memref<10000x128xf32, #tpu.memory_space<hbm>> -> memref<10000x128xf32, #tpu.memory_space<hbm>>
        %dma_start3A_58 = tpu.memref_slice %arg7[%rem3A_27] : memref<2x!tpu.dma_semaphore, #tpu.memory_space<semaphore_mem>> -> memref<1x!tpu.dma_semaphore, #tpu.memory_space<semaphore_mem>>
        %dma_start3A_59 = tpu.memref_squeeze %dma_start3A_58 : memref<1x!tpu.dma_semaphore, #tpu.memory_space<semaphore_mem>> -> memref<!tpu.dma_semaphore, #tpu.memory_space<semaphore_mem>>
        tpu.enqueue_indirect_dma source(%dma_start3A_57 : memref<10000x128xf32, #tpu.memory_space<hbm>>) target(%dma_start3A_51 : memref<80x128xf32, #tpu.memory_space<vmem>>) offsets(%dma_start3A_54 : memref<80xi32, #tpu.memory_space<vmem>>) semaphore(%dma_start3A_59 : memref<!tpu.dma_semaphore, #tpu.memory_space<semaphore_mem>>)
      } else {
      }
      %dma_wait3A = arith.constant 0 : i32
      %dma_wait3A_32 = arith.constant 0 : i32
      %dma_wait3A_33 = tpu.memref_slice %arg6[%rem3A_23, %dma_wait3A, %dma_wait3A_32] : memref<2x80x128xf32, #tpu.memory_space<vmem>> -> memref<1x80x128xf32, #tpu.memory_space<vmem>>
      %dma_wait3A_34 = tpu.memref_squeeze %dma_wait3A_33 : memref<1x80x128xf32, #tpu.memory_space<vmem>> -> memref<80x128xf32, #tpu.memory_space<vmem>>
      %dma_wait3A_35 = arith.constant 0 : i32
      %dma_wait3A_36 = tpu.memref_slice %arg5[%scan3A_22, %dma_wait3A_35] : memref<250x80xi32, #tpu.memory_space<vmem>> -> memref<1x80xi32, #tpu.memory_space<vmem>>
      %dma_wait3A_37 = tpu.memref_squeeze %dma_wait3A_36 : memref<1x80xi32, #tpu.memory_space<vmem>> -> memref<80xi32, #tpu.memory_space<vmem>>
      %dma_wait3A_38 = arith.constant 0 : i32
      %dma_wait3A_39 = arith.constant 0 : i32
      %dma_wait3A_40 = tpu.memref_slice %arg2[%dma_wait3A_38, %dma_wait3A_39] : memref<10000x128xf32, #tpu.memory_space<hbm>> -> memref<10000x128xf32, #tpu.memory_space<hbm>>
      %dma_wait3A_41 = tpu.memref_slice %arg7[%rem3A_23] : memref<2x!tpu.dma_semaphore, #tpu.memory_space<semaphore_mem>> -> memref<1x!tpu.dma_semaphore, #tpu.memory_space<semaphore_mem>>
      %dma_wait3A_42 = tpu.memref_squeeze %dma_wait3A_41 : memref<1x!tpu.dma_semaphore, #tpu.memory_space<semaphore_mem>> -> memref<!tpu.dma_semaphore, #tpu.memory_space<semaphore_mem>>
      tpu.wait_indirect_dma semaphore(%dma_wait3A_42 : memref<!tpu.dma_semaphore, #tpu.memory_space<semaphore_mem>>) src(%dma_wait3A_40 : memref<10000x128xf32, #tpu.memory_space<hbm>>) dst(%dma_wait3A_34 : memref<80x128xf32, #tpu.memory_space<vmem>>)
      %mul3A_43 = arith.constant 80 : i32
      %mul3A_44 = arith.muli %scan3A_22, %mul3A_43 : i32
      %add3A_45 = arith.addi %mul3A_2, %mul3A_44 : i32
      "tpu.region"() ({
        %run_scoped3A = tpu.sem_alloc : memref<!tpu.dma_semaphore, #tpu.memory_space<semaphore_mem>>
        %dma_start3A_46 = arith.constant 0 : i32
        %dma_start3A_47 = arith.constant 0 : i32
        %dma_start3A_48 = tpu.memref_slice %arg6[%rem3A_23, %dma_start3A_46, %dma_start3A_47] : memref<2x80x128xf32, #tpu.memory_space<vmem>> -> memref<1x80x128xf32, #tpu.memory_space<vmem>>
        %dma_start3A_49 = tpu.memref_squeeze %dma_start3A_48 : memref<1x80x128xf32, #tpu.memory_space<vmem>> -> memref<80x128xf32, #tpu.memory_space<vmem>>
        %dma_start3A_50 = arith.constant 0 : i32
        %dma_start3A_51 = tpu.memref_slice %arg4[%add3A_45, %dma_start3A_50] : memref<640000x128xf32, #tpu.memory_space<hbm>> -> memref<80x128xf32, #tpu.memory_space<hbm>>
        %dma_start3A_52 = arith.constant 0 : i32
        %dma_start3A_53 = tpu.memref_slice %arg4[%add3A_45, %dma_start3A_52] : memref<640000x128xf32, #tpu.memory_space<hbm>> -> memref<80x128xf32, #tpu.memory_space<hbm>>
        %dma_start3A_54 = arith.constant 0 : i32
        %dma_start3A_55 = arith.constant 0 : i32
        %dma_start3A_56 = tpu.memref_slice %arg6[%rem3A_23, %dma_start3A_54, %dma_start3A_55] : memref<2x80x128xf32, #tpu.memory_space<vmem>> -> memref<1x80x128xf32, #tpu.memory_space<vmem>>
        %dma_start3A_57 = tpu.memref_squeeze %dma_start3A_56 : memref<1x80x128xf32, #tpu.memory_space<vmem>> -> memref<80x128xf32, #tpu.memory_space<vmem>>
        tpu.enqueue_dma source(%dma_start3A_57 : memref<80x128xf32, #tpu.memory_space<vmem>>) target(%dma_start3A_53 : memref<80x128xf32, #tpu.memory_space<hbm>>) target_semaphore(%run_scoped3A : memref<!tpu.dma_semaphore, #tpu.memory_space<semaphore_mem>>)
        %dma_wait3A_58 = arith.constant 0 : i32
        %dma_wait3A_59 = arith.constant 0 : i32
        %dma_wait3A_60 = tpu.memref_slice %arg6[%rem3A_23, %dma_wait3A_58, %dma_wait3A_59] : memref<2x80x128xf32, #tpu.memory_space<vmem>> -> memref<1x80x128xf32, #tpu.memory_space<vmem>>
        %dma_wait3A_61 = tpu.memref_squeeze %dma_wait3A_60 : memref<1x80x128xf32, #tpu.memory_space<vmem>> -> memref<80x128xf32, #tpu.memory_space<vmem>>
        %dma_wait3A_62 = arith.constant 0 : i32
        %dma_wait3A_63 = tpu.memref_slice %arg4[%add3A_45, %dma_wait3A_62] : memref<640000x128xf32, #tpu.memory_space<hbm>> -> memref<80x128xf32, #tpu.memory_space<hbm>>
        %dma_wait3A_64 = arith.constant 0 : i32
        %dma_wait3A_65 = tpu.memref_slice %arg4[%add3A_45, %dma_wait3A_64] : memref<640000x128xf32, #tpu.memory_space<hbm>> -> memref<80x128xf32, #tpu.memory_space<hbm>>
        %dma_wait3A_66 = arith.constant 0 : i32
        %dma_wait3A_67 = arith.constant 0 : i32
        %dma_wait3A_68 = tpu.memref_slice %arg6[%rem3A_23, %dma_wait3A_66, %dma_wait3A_67] : memref<2x80x128xf32, #tpu.memory_space<vmem>> -> memref<1x80x128xf32, #tpu.memory_space<vmem>>
        %dma_wait3A_69 = tpu.memref_squeeze %dma_wait3A_68 : memref<1x80x128xf32, #tpu.memory_space<vmem>> -> memref<80x128xf32, #tpu.memory_space<vmem>>
        tpu.wait_dma2 semaphore(%run_scoped3A : memref<!tpu.dma_semaphore, #tpu.memory_space<semaphore_mem>>) src(%dma_wait3A_69 : memref<80x128xf32, #tpu.memory_space<vmem>>) dst(%dma_wait3A_65 : memref<80x128xf32, #tpu.memory_space<hbm>>)
        tpu.yield
      }) : () -> ()
    }
    %scan3A_21 = arith.constant 250 : i32
    return
  }
}

#map = affine_map<(d0, d1) -> (0, 0)>
#map1 = affine_map<(d0, d1) -> (0, 0, 0)>
module attributes {stable_mosaic.version = 14 : i64} {
  func.func @scat(%arg0: i32, %arg1: i32, %arg2: memref<320000x128xf32, #tpu.memory_space<hbm>>, %arg3: memref<32x125x80xi32, #tpu.memory_space<hbm>>, %arg4: memref<10240x128xf32, #tpu.memory_space<hbm>>, %arg5: memref<20480x128xf32, #tpu.memory_space<hbm>>, %arg6: memref<125x80xi32, #tpu.memory_space<vmem>>, %arg7: memref<2x80x128xf32, #tpu.memory_space<vmem>>, %arg8: memref<10240x128xf32, #tpu.memory_space<vmem_shared>>, %arg9: memref<2x!tpu.dma_semaphore, #tpu.memory_space<semaphore_mem>>) attributes {dimension_semantics = [#tpu.dimension_semantics<core_parallel>, #tpu.dimension_semantics<subcore_parallel>], iteration_bounds = array<i64: 2, 16>, scalar_prefetch = 0 : i64, scratch_operands = 4 : i64, tpu.core_type = #tpu.core_type<sc_vector_subcore>, window_params = [{transform_indices = #map}, {transform_indices = #map1}, {transform_indices = #map}, {transform_indices = #map}]} {
    %mul3A = arith.constant 2 : i32
    %mul3A_0 = arith.muli %arg1, %mul3A : i32
    %add3A = arith.addi %mul3A_0, %arg0 : i32
    %mul3A_1 = arith.constant 640 : i32
    %mul3A_2 = arith.muli %arg1, %mul3A_1 : i32
    %mul3A_3 = arith.constant 640 : i32
    %mul3A_4 = arith.muli %arg1, %mul3A_3 : i32
    "tpu.region"() ({
      %run_scoped3A = tpu.sem_alloc : memref<!tpu.dma_semaphore, #tpu.memory_space<semaphore_mem>>
      %dma_start3A_35 = arith.constant 0 : i32
      %dma_start3A_36 = tpu.memref_slice %arg8[%mul3A_4, %dma_start3A_35] : memref<10240x128xf32, #tpu.memory_space<vmem_shared>> -> memref<640x128xf32, #tpu.memory_space<vmem_shared>>
      %dma_start3A_37 = arith.constant 0 : i32
      %dma_start3A_38 = tpu.memref_slice %arg4[%mul3A_2, %dma_start3A_37] : memref<10240x128xf32, #tpu.memory_space<hbm>> -> memref<640x128xf32, #tpu.memory_space<hbm>>
      tpu.enqueue_dma source(%dma_start3A_38 : memref<640x128xf32, #tpu.memory_space<hbm>>) target(%dma_start3A_36 : memref<640x128xf32, #tpu.memory_space<vmem_shared>>) target_semaphore(%run_scoped3A : memref<!tpu.dma_semaphore, #tpu.memory_space<semaphore_mem>>)
      %dma_wait3A = arith.constant 0 : i32
      %dma_wait3A_39 = tpu.memref_slice %arg8[%mul3A_4, %dma_wait3A] : memref<10240x128xf32, #tpu.memory_space<vmem_shared>> -> memref<640x128xf32, #tpu.memory_space<vmem_shared>>
      %dma_wait3A_40 = arith.constant 0 : i32
      %dma_wait3A_41 = tpu.memref_slice %arg4[%mul3A_2, %dma_wait3A_40] : memref<10240x128xf32, #tpu.memory_space<hbm>> -> memref<640x128xf32, #tpu.memory_space<hbm>>
      tpu.wait_dma2 semaphore(%run_scoped3A : memref<!tpu.dma_semaphore, #tpu.memory_space<semaphore_mem>>) src(%dma_wait3A_41 : memref<640x128xf32, #tpu.memory_space<hbm>>) dst(%dma_wait3A_39 : memref<640x128xf32, #tpu.memory_space<vmem_shared>>)
      tpu.yield
    }) : () -> ()
    %barrier3A = arith.constant 0 : index
    tpu.barrier barrier_id(%barrier3A)
    %mul3A_5 = arith.constant 10000 : i32
    %mul3A_6 = arith.muli %add3A, %mul3A_5 : i32
    "tpu.region"() ({
      %run_scoped3A = tpu.sem_alloc : memref<!tpu.dma_semaphore, #tpu.memory_space<semaphore_mem>>
      %dma_start3A_35 = arith.constant 0 : i32
      %dma_start3A_36 = arith.constant 0 : i32
      %dma_start3A_37 = tpu.memref_slice %arg3[%add3A, %dma_start3A_35, %dma_start3A_36] : memref<32x125x80xi32, #tpu.memory_space<hbm>> -> memref<1x125x80xi32, #tpu.memory_space<hbm>>
      %dma_start3A_38 = tpu.memref_squeeze %dma_start3A_37 : memref<1x125x80xi32, #tpu.memory_space<hbm>> -> memref<125x80xi32, #tpu.memory_space<hbm>>
      %dma_start3A_39 = arith.constant 0 : i32
      %dma_start3A_40 = arith.constant 0 : i32
      %dma_start3A_41 = tpu.memref_slice %arg3[%add3A, %dma_start3A_39, %dma_start3A_40] : memref<32x125x80xi32, #tpu.memory_space<hbm>> -> memref<1x125x80xi32, #tpu.memory_space<hbm>>
      %dma_start3A_42 = tpu.memref_squeeze %dma_start3A_41 : memref<1x125x80xi32, #tpu.memory_space<hbm>> -> memref<125x80xi32, #tpu.memory_space<hbm>>
      tpu.enqueue_dma source(%dma_start3A_42 : memref<125x80xi32, #tpu.memory_space<hbm>>) target(%arg6 : memref<125x80xi32, #tpu.memory_space<vmem>>) target_semaphore(%run_scoped3A : memref<!tpu.dma_semaphore, #tpu.memory_space<semaphore_mem>>)
      %dma_wait3A = arith.constant 0 : i32
      %dma_wait3A_43 = arith.constant 0 : i32
      %dma_wait3A_44 = tpu.memref_slice %arg3[%add3A, %dma_wait3A, %dma_wait3A_43] : memref<32x125x80xi32, #tpu.memory_space<hbm>> -> memref<1x125x80xi32, #tpu.memory_space<hbm>>
      %dma_wait3A_45 = tpu.memref_squeeze %dma_wait3A_44 : memref<1x125x80xi32, #tpu.memory_space<hbm>> -> memref<125x80xi32, #tpu.memory_space<hbm>>
      %dma_wait3A_46 = arith.constant 0 : i32
      %dma_wait3A_47 = arith.constant 0 : i32
      %dma_wait3A_48 = tpu.memref_slice %arg3[%add3A, %dma_wait3A_46, %dma_wait3A_47] : memref<32x125x80xi32, #tpu.memory_space<hbm>> -> memref<1x125x80xi32, #tpu.memory_space<hbm>>
      %dma_wait3A_49 = tpu.memref_squeeze %dma_wait3A_48 : memref<1x125x80xi32, #tpu.memory_space<hbm>> -> memref<125x80xi32, #tpu.memory_space<hbm>>
      tpu.wait_dma2 semaphore(%run_scoped3A : memref<!tpu.dma_semaphore, #tpu.memory_space<semaphore_mem>>) src(%dma_wait3A_49 : memref<125x80xi32, #tpu.memory_space<hbm>>) dst(%arg6 : memref<125x80xi32, #tpu.memory_space<vmem>>)
      tpu.yield
    }) : () -> ()
    %dma_start3A = arith.constant 0 : i32
    %dma_start3A_7 = arith.constant 0 : i32
    %dma_start3A_8 = arith.constant 0 : i32
    %dma_start3A_9 = arith.constant 0 : i32
    %dma_start3A_10 = tpu.memref_slice %arg7[%dma_start3A, %dma_start3A_8, %dma_start3A_9] : memref<2x80x128xf32, #tpu.memory_space<vmem>> -> memref<1x80x128xf32, #tpu.memory_space<vmem>>
    %dma_start3A_11 = tpu.memref_squeeze %dma_start3A_10 : memref<1x80x128xf32, #tpu.memory_space<vmem>> -> memref<80x128xf32, #tpu.memory_space<vmem>>
    %dma_start3A_12 = arith.constant 0 : i32
    %dma_start3A_13 = tpu.memref_slice %arg2[%mul3A_6, %dma_start3A_12] : memref<320000x128xf32, #tpu.memory_space<hbm>> -> memref<80x128xf32, #tpu.memory_space<hbm>>
    %dma_start3A_14 = tpu.memref_slice %arg9[%dma_start3A_7] : memref<2x!tpu.dma_semaphore, #tpu.memory_space<semaphore_mem>> -> memref<1x!tpu.dma_semaphore, #tpu.memory_space<semaphore_mem>>
    %dma_start3A_15 = tpu.memref_squeeze %dma_start3A_14 : memref<1x!tpu.dma_semaphore, #tpu.memory_space<semaphore_mem>> -> memref<!tpu.dma_semaphore, #tpu.memory_space<semaphore_mem>>
    %dma_start3A_16 = arith.constant 0 : i32
    %dma_start3A_17 = arith.constant 0 : i32
    %dma_start3A_18 = tpu.memref_slice %arg7[%dma_start3A, %dma_start3A_16, %dma_start3A_17] : memref<2x80x128xf32, #tpu.memory_space<vmem>> -> memref<1x80x128xf32, #tpu.memory_space<vmem>>
    %dma_start3A_19 = tpu.memref_squeeze %dma_start3A_18 : memref<1x80x128xf32, #tpu.memory_space<vmem>> -> memref<80x128xf32, #tpu.memory_space<vmem>>
    %dma_start3A_20 = arith.constant 0 : i32
    %dma_start3A_21 = tpu.memref_slice %arg2[%mul3A_6, %dma_start3A_20] : memref<320000x128xf32, #tpu.memory_space<hbm>> -> memref<80x128xf32, #tpu.memory_space<hbm>>
    tpu.enqueue_dma source(%dma_start3A_21 : memref<80x128xf32, #tpu.memory_space<hbm>>) target(%dma_start3A_19 : memref<80x128xf32, #tpu.memory_space<vmem>>) target_semaphore(%dma_start3A_15 : memref<!tpu.dma_semaphore, #tpu.memory_space<semaphore_mem>>)
    %scan3A = arith.constant 0 : i32
    %scan3A_22 = arith.constant 0 : i32
    %scan3A_23 = arith.constant 125 : i32
    %scan3A_24 = arith.addi %scan3A_22, %scan3A_23 : i32
    %scan3A_25 = arith.constant 1 : i32
    scf.for %scan3A_35 = %scan3A_22 to %scan3A_24 step %scan3A_25  : i32 {
      %rem3A = arith.constant 2 : i32
      %rem3A_36 = arith.remsi %scan3A_35, %rem3A : i32
      %add3A_37 = arith.constant 1 : i32
      %add3A_38 = arith.addi %scan3A_35, %add3A_37 : i32
      %rem3A_39 = arith.constant 2 : i32
      %rem3A_40 = arith.remsi %add3A_38, %rem3A_39 : i32
      %add3A_41 = arith.constant 1 : i32
      %add3A_42 = arith.addi %scan3A_35, %add3A_41 : i32
      %lt3A = arith.constant 125 : i32
      %lt3A_43 = arith.cmpi slt, %add3A_42, %lt3A : i32
      %convert_element_type3A = arith.extui %lt3A_43 : i1 to i32
      %cond3A = arith.constant 0 : i32
      %cond3A_44 = arith.cmpi ne, %convert_element_type3A, %cond3A : i32
      scf.if %cond3A_44 {
        %add3A_61 = arith.constant 1 : i32
        %add3A_62 = arith.addi %scan3A_35, %add3A_61 : i32
        %mul3A_63 = arith.constant 80 : i32
        %mul3A_64 = arith.muli %add3A_62, %mul3A_63 : i32
        %add3A_65 = arith.addi %mul3A_6, %mul3A_64 : i32
        %dma_start3A_66 = arith.constant 0 : i32
        %dma_start3A_67 = arith.constant 0 : i32
        %dma_start3A_68 = tpu.memref_slice %arg7[%rem3A_40, %dma_start3A_66, %dma_start3A_67] : memref<2x80x128xf32, #tpu.memory_space<vmem>> -> memref<1x80x128xf32, #tpu.memory_space<vmem>>
        %dma_start3A_69 = tpu.memref_squeeze %dma_start3A_68 : memref<1x80x128xf32, #tpu.memory_space<vmem>> -> memref<80x128xf32, #tpu.memory_space<vmem>>
        %dma_start3A_70 = arith.constant 0 : i32
        %dma_start3A_71 = tpu.memref_slice %arg2[%add3A_65, %dma_start3A_70] : memref<320000x128xf32, #tpu.memory_space<hbm>> -> memref<80x128xf32, #tpu.memory_space<hbm>>
        %dma_start3A_72 = tpu.memref_slice %arg9[%rem3A_40] : memref<2x!tpu.dma_semaphore, #tpu.memory_space<semaphore_mem>> -> memref<1x!tpu.dma_semaphore, #tpu.memory_space<semaphore_mem>>
        %dma_start3A_73 = tpu.memref_squeeze %dma_start3A_72 : memref<1x!tpu.dma_semaphore, #tpu.memory_space<semaphore_mem>> -> memref<!tpu.dma_semaphore, #tpu.memory_space<semaphore_mem>>
        %dma_start3A_74 = arith.constant 0 : i32
        %dma_start3A_75 = arith.constant 0 : i32
        %dma_start3A_76 = tpu.memref_slice %arg7[%rem3A_40, %dma_start3A_74, %dma_start3A_75] : memref<2x80x128xf32, #tpu.memory_space<vmem>> -> memref<1x80x128xf32, #tpu.memory_space<vmem>>
        %dma_start3A_77 = tpu.memref_squeeze %dma_start3A_76 : memref<1x80x128xf32, #tpu.memory_space<vmem>> -> memref<80x128xf32, #tpu.memory_space<vmem>>
        %dma_start3A_78 = arith.constant 0 : i32
        %dma_start3A_79 = tpu.memref_slice %arg2[%add3A_65, %dma_start3A_78] : memref<320000x128xf32, #tpu.memory_space<hbm>> -> memref<80x128xf32, #tpu.memory_space<hbm>>
        tpu.enqueue_dma source(%dma_start3A_79 : memref<80x128xf32, #tpu.memory_space<hbm>>) target(%dma_start3A_77 : memref<80x128xf32, #tpu.memory_space<vmem>>) target_semaphore(%dma_start3A_73 : memref<!tpu.dma_semaphore, #tpu.memory_space<semaphore_mem>>)
      } else {
      }
      %mul3A_45 = arith.constant 80 : i32
      %mul3A_46 = arith.muli %scan3A_35, %mul3A_45 : i32
      %add3A_47 = arith.addi %mul3A_6, %mul3A_46 : i32
      %dma_wait3A = arith.constant 0 : i32
      %dma_wait3A_48 = arith.constant 0 : i32
      %dma_wait3A_49 = tpu.memref_slice %arg7[%rem3A_36, %dma_wait3A, %dma_wait3A_48] : memref<2x80x128xf32, #tpu.memory_space<vmem>> -> memref<1x80x128xf32, #tpu.memory_space<vmem>>
      %dma_wait3A_50 = tpu.memref_squeeze %dma_wait3A_49 : memref<1x80x128xf32, #tpu.memory_space<vmem>> -> memref<80x128xf32, #tpu.memory_space<vmem>>
      %dma_wait3A_51 = arith.constant 0 : i32
      %dma_wait3A_52 = tpu.memref_slice %arg2[%add3A_47, %dma_wait3A_51] : memref<320000x128xf32, #tpu.memory_space<hbm>> -> memref<80x128xf32, #tpu.memory_space<hbm>>
      %dma_wait3A_53 = tpu.memref_slice %arg9[%rem3A_36] : memref<2x!tpu.dma_semaphore, #tpu.memory_space<semaphore_mem>> -> memref<1x!tpu.dma_semaphore, #tpu.memory_space<semaphore_mem>>
      %dma_wait3A_54 = tpu.memref_squeeze %dma_wait3A_53 : memref<1x!tpu.dma_semaphore, #tpu.memory_space<semaphore_mem>> -> memref<!tpu.dma_semaphore, #tpu.memory_space<semaphore_mem>>
      %dma_wait3A_55 = arith.constant 0 : i32
      %dma_wait3A_56 = arith.constant 0 : i32
      %dma_wait3A_57 = tpu.memref_slice %arg7[%rem3A_36, %dma_wait3A_55, %dma_wait3A_56] : memref<2x80x128xf32, #tpu.memory_space<vmem>> -> memref<1x80x128xf32, #tpu.memory_space<vmem>>
      %dma_wait3A_58 = tpu.memref_squeeze %dma_wait3A_57 : memref<1x80x128xf32, #tpu.memory_space<vmem>> -> memref<80x128xf32, #tpu.memory_space<vmem>>
      %dma_wait3A_59 = arith.constant 0 : i32
      %dma_wait3A_60 = tpu.memref_slice %arg2[%add3A_47, %dma_wait3A_59] : memref<320000x128xf32, #tpu.memory_space<hbm>> -> memref<80x128xf32, #tpu.memory_space<hbm>>
      tpu.wait_dma2 semaphore(%dma_wait3A_54 : memref<!tpu.dma_semaphore, #tpu.memory_space<semaphore_mem>>) src(%dma_wait3A_60 : memref<80x128xf32, #tpu.memory_space<hbm>>) dst(%dma_wait3A_58 : memref<80x128xf32, #tpu.memory_space<vmem>>)
      "tpu.region"() ({
        %run_scoped3A = tpu.sem_alloc : memref<!tpu.dma_semaphore, #tpu.memory_space<semaphore_mem>>
        %dma_start3A_61 = arith.constant 0 : i32
        %dma_start3A_62 = arith.constant 0 : i32
        %dma_start3A_63 = tpu.memref_slice %arg7[%rem3A_36, %dma_start3A_61, %dma_start3A_62] : memref<2x80x128xf32, #tpu.memory_space<vmem>> -> memref<1x80x128xf32, #tpu.memory_space<vmem>>
        %dma_start3A_64 = tpu.memref_squeeze %dma_start3A_63 : memref<1x80x128xf32, #tpu.memory_space<vmem>> -> memref<80x128xf32, #tpu.memory_space<vmem>>
        %dma_start3A_65 = arith.constant 0 : i32
        %dma_start3A_66 = tpu.memref_slice %arg6[%scan3A_35, %dma_start3A_65] : memref<125x80xi32, #tpu.memory_space<vmem>> -> memref<1x80xi32, #tpu.memory_space<vmem>>
        %dma_start3A_67 = tpu.memref_squeeze %dma_start3A_66 : memref<1x80xi32, #tpu.memory_space<vmem>> -> memref<80xi32, #tpu.memory_space<vmem>>
        %dma_start3A_68 = arith.constant 0 : i32
        %dma_start3A_69 = arith.constant 0 : i32
        %dma_start3A_70 = tpu.memref_slice %arg8[%dma_start3A_68, %dma_start3A_69] : memref<10240x128xf32, #tpu.memory_space<vmem_shared>> -> memref<10240x128xf32, #tpu.memory_space<vmem_shared>>
        tpu.enqueue_indirect_dma source(%dma_start3A_64 : memref<80x128xf32, #tpu.memory_space<vmem>>) target(%dma_start3A_70 : memref<10240x128xf32, #tpu.memory_space<vmem_shared>>) offsets(%dma_start3A_67 : memref<80xi32, #tpu.memory_space<vmem>>) semaphore(%run_scoped3A : memref<!tpu.dma_semaphore, #tpu.memory_space<semaphore_mem>>) {add = true}
        %dma_wait3A_71 = arith.constant 0 : i32
        %dma_wait3A_72 = arith.constant 0 : i32
        %dma_wait3A_73 = tpu.memref_slice %arg7[%rem3A_36, %dma_wait3A_71, %dma_wait3A_72] : memref<2x80x128xf32, #tpu.memory_space<vmem>> -> memref<1x80x128xf32, #tpu.memory_space<vmem>>
        %dma_wait3A_74 = tpu.memref_squeeze %dma_wait3A_73 : memref<1x80x128xf32, #tpu.memory_space<vmem>> -> memref<80x128xf32, #tpu.memory_space<vmem>>
        %dma_wait3A_75 = arith.constant 0 : i32
        %dma_wait3A_76 = tpu.memref_slice %arg6[%scan3A_35, %dma_wait3A_75] : memref<125x80xi32, #tpu.memory_space<vmem>> -> memref<1x80xi32, #tpu.memory_space<vmem>>
        %dma_wait3A_77 = tpu.memref_squeeze %dma_wait3A_76 : memref<1x80xi32, #tpu.memory_space<vmem>> -> memref<80xi32, #tpu.memory_space<vmem>>
        %dma_wait3A_78 = arith.constant 0 : i32
        %dma_wait3A_79 = arith.constant 0 : i32
        %dma_wait3A_80 = tpu.memref_slice %arg8[%dma_wait3A_78, %dma_wait3A_79] : memref<10240x128xf32, #tpu.memory_space<vmem_shared>> -> memref<10240x128xf32, #tpu.memory_space<vmem_shared>>
        tpu.wait_indirect_dma semaphore(%run_scoped3A : memref<!tpu.dma_semaphore, #tpu.memory_space<semaphore_mem>>) src(%dma_wait3A_74 : memref<80x128xf32, #tpu.memory_space<vmem>>) dst(%dma_wait3A_80 : memref<10240x128xf32, #tpu.memory_space<vmem_shared>>)
        tpu.yield
      }) : () -> ()
    }
    %scan3A_26 = arith.constant 125 : i32
    %barrier3A_27 = arith.constant 0 : index
    tpu.barrier barrier_id(%barrier3A_27)
    %mul3A_28 = arith.constant 640 : i32
    %mul3A_29 = arith.muli %arg1, %mul3A_28 : i32
    %mul3A_30 = arith.constant 10240 : i32
    %mul3A_31 = arith.muli %arg0, %mul3A_30 : i32
    %mul3A_32 = arith.constant 640 : i32
    %mul3A_33 = arith.muli %arg1, %mul3A_32 : i32
    %add3A_34 = arith.addi %mul3A_31, %mul3A_33 : i32
    "tpu.region"() ({
      %run_scoped3A = tpu.sem_alloc : memref<!tpu.dma_semaphore, #tpu.memory_space<semaphore_mem>>
      %dma_start3A_35 = arith.constant 0 : i32
      %dma_start3A_36 = tpu.memref_slice %arg5[%add3A_34, %dma_start3A_35] : memref<20480x128xf32, #tpu.memory_space<hbm>> -> memref<640x128xf32, #tpu.memory_space<hbm>>
      %dma_start3A_37 = arith.constant 0 : i32
      %dma_start3A_38 = tpu.memref_slice %arg8[%mul3A_29, %dma_start3A_37] : memref<10240x128xf32, #tpu.memory_space<vmem_shared>> -> memref<640x128xf32, #tpu.memory_space<vmem_shared>>
      tpu.enqueue_dma source(%dma_start3A_38 : memref<640x128xf32, #tpu.memory_space<vmem_shared>>) target(%dma_start3A_36 : memref<640x128xf32, #tpu.memory_space<hbm>>) target_semaphore(%run_scoped3A : memref<!tpu.dma_semaphore, #tpu.memory_space<semaphore_mem>>)
      %dma_wait3A = arith.constant 0 : i32
      %dma_wait3A_39 = tpu.memref_slice %arg5[%add3A_34, %dma_wait3A] : memref<20480x128xf32, #tpu.memory_space<hbm>> -> memref<640x128xf32, #tpu.memory_space<hbm>>
      %dma_wait3A_40 = arith.constant 0 : i32
      %dma_wait3A_41 = tpu.memref_slice %arg8[%mul3A_29, %dma_wait3A_40] : memref<10240x128xf32, #tpu.memory_space<vmem_shared>> -> memref<640x128xf32, #tpu.memory_space<vmem_shared>>
      tpu.wait_dma2 semaphore(%run_scoped3A : memref<!tpu.dma_semaphore, #tpu.memory_space<semaphore_mem>>) src(%dma_wait3A_41 : memref<640x128xf32, #tpu.memory_space<vmem_shared>>) dst(%dma_wait3A_39 : memref<640x128xf32, #tpu.memory_space<hbm>>)
      tpu.yield
    }) : () -> ()
    return
  }
}

#map = affine_map<(d0, d1) -> (0, 0)>
#map1 = affine_map<(d0, d1) -> (0, 0, 0)>
module attributes {stable_mosaic.version = 14 : i64} {
  func.func @scat(%arg0: i32, %arg1: i32, %arg2: memref<320000x128xf32, #tpu.memory_space<hbm>>, %arg3: memref<32x125x80xi32, #tpu.memory_space<hbm>>, %arg4: memref<10240x128xf32, #tpu.memory_space<hbm>>, %arg5: memref<20480x128xf32, #tpu.memory_space<hbm>>, %arg6: memref<125x80xi32, #tpu.memory_space<vmem>>, %arg7: memref<2x80x128xf32, #tpu.memory_space<vmem>>, %arg8: memref<10240x128xf32, #tpu.memory_space<vmem_shared>>, %arg9: memref<2x!tpu.dma_semaphore, #tpu.memory_space<semaphore_mem>>) attributes {dimension_semantics = [#tpu.dimension_semantics<core_parallel>, #tpu.dimension_semantics<subcore_parallel>], iteration_bounds = array<i64: 2, 16>, scalar_prefetch = 0 : i64, scratch_operands = 4 : i64, tpu.core_type = #tpu.core_type<sc_vector_subcore>, window_params = [{transform_indices = #map}, {transform_indices = #map1}, {transform_indices = #map}, {transform_indices = #map}]} {
    %mul3A = arith.constant 2 : i32
    %mul3A_0 = arith.muli %arg1, %mul3A : i32
    %add3A = arith.addi %mul3A_0, %arg0 : i32
    %mul3A_1 = arith.constant 640 : i32
    %mul3A_2 = arith.muli %arg1, %mul3A_1 : i32
    %mul3A_3 = arith.constant 640 : i32
    %mul3A_4 = arith.muli %arg1, %mul3A_3 : i32
    "tpu.region"() ({
      %run_scoped3A = tpu.sem_alloc : memref<!tpu.dma_semaphore, #tpu.memory_space<semaphore_mem>>
      %dma_start3A_35 = arith.constant 0 : i32
      %dma_start3A_36 = tpu.memref_slice %arg8[%mul3A_4, %dma_start3A_35] : memref<10240x128xf32, #tpu.memory_space<vmem_shared>> -> memref<640x128xf32, #tpu.memory_space<vmem_shared>>
      %dma_start3A_37 = arith.constant 0 : i32
      %dma_start3A_38 = tpu.memref_slice %arg4[%mul3A_2, %dma_start3A_37] : memref<10240x128xf32, #tpu.memory_space<hbm>> -> memref<640x128xf32, #tpu.memory_space<hbm>>
      tpu.enqueue_dma source(%dma_start3A_38 : memref<640x128xf32, #tpu.memory_space<hbm>>) target(%dma_start3A_36 : memref<640x128xf32, #tpu.memory_space<vmem_shared>>) target_semaphore(%run_scoped3A : memref<!tpu.dma_semaphore, #tpu.memory_space<semaphore_mem>>)
      %dma_wait3A = arith.constant 0 : i32
      %dma_wait3A_39 = tpu.memref_slice %arg8[%mul3A_4, %dma_wait3A] : memref<10240x128xf32, #tpu.memory_space<vmem_shared>> -> memref<640x128xf32, #tpu.memory_space<vmem_shared>>
      %dma_wait3A_40 = arith.constant 0 : i32
      %dma_wait3A_41 = tpu.memref_slice %arg4[%mul3A_2, %dma_wait3A_40] : memref<10240x128xf32, #tpu.memory_space<hbm>> -> memref<640x128xf32, #tpu.memory_space<hbm>>
      tpu.wait_dma2 semaphore(%run_scoped3A : memref<!tpu.dma_semaphore, #tpu.memory_space<semaphore_mem>>) src(%dma_wait3A_41 : memref<640x128xf32, #tpu.memory_space<hbm>>) dst(%dma_wait3A_39 : memref<640x128xf32, #tpu.memory_space<vmem_shared>>)
      tpu.yield
    }) : () -> ()
    %barrier3A = arith.constant 0 : index
    tpu.barrier barrier_id(%barrier3A)
    %mul3A_5 = arith.constant 10000 : i32
    %mul3A_6 = arith.muli %add3A, %mul3A_5 : i32
    "tpu.region"() ({
      %run_scoped3A = tpu.sem_alloc : memref<!tpu.dma_semaphore, #tpu.memory_space<semaphore_mem>>
      %dma_start3A_35 = arith.constant 0 : i32
      %dma_start3A_36 = arith.constant 0 : i32
      %dma_start3A_37 = tpu.memref_slice %arg3[%add3A, %dma_start3A_35, %dma_start3A_36] : memref<32x125x80xi32, #tpu.memory_space<hbm>> -> memref<1x125x80xi32, #tpu.memory_space<hbm>>
      %dma_start3A_38 = tpu.memref_squeeze %dma_start3A_37 : memref<1x125x80xi32, #tpu.memory_space<hbm>> -> memref<125x80xi32, #tpu.memory_space<hbm>>
      %dma_start3A_39 = arith.constant 0 : i32
      %dma_start3A_40 = arith.constant 0 : i32
      %dma_start3A_41 = tpu.memref_slice %arg3[%add3A, %dma_start3A_39, %dma_start3A_40] : memref<32x125x80xi32, #tpu.memory_space<hbm>> -> memref<1x125x80xi32, #tpu.memory_space<hbm>>
      %dma_start3A_42 = tpu.memref_squeeze %dma_start3A_41 : memref<1x125x80xi32, #tpu.memory_space<hbm>> -> memref<125x80xi32, #tpu.memory_space<hbm>>
      tpu.enqueue_dma source(%dma_start3A_42 : memref<125x80xi32, #tpu.memory_space<hbm>>) target(%arg6 : memref<125x80xi32, #tpu.memory_space<vmem>>) target_semaphore(%run_scoped3A : memref<!tpu.dma_semaphore, #tpu.memory_space<semaphore_mem>>)
      %dma_wait3A = arith.constant 0 : i32
      %dma_wait3A_43 = arith.constant 0 : i32
      %dma_wait3A_44 = tpu.memref_slice %arg3[%add3A, %dma_wait3A, %dma_wait3A_43] : memref<32x125x80xi32, #tpu.memory_space<hbm>> -> memref<1x125x80xi32, #tpu.memory_space<hbm>>
      %dma_wait3A_45 = tpu.memref_squeeze %dma_wait3A_44 : memref<1x125x80xi32, #tpu.memory_space<hbm>> -> memref<125x80xi32, #tpu.memory_space<hbm>>
      %dma_wait3A_46 = arith.constant 0 : i32
      %dma_wait3A_47 = arith.constant 0 : i32
      %dma_wait3A_48 = tpu.memref_slice %arg3[%add3A, %dma_wait3A_46, %dma_wait3A_47] : memref<32x125x80xi32, #tpu.memory_space<hbm>> -> memref<1x125x80xi32, #tpu.memory_space<hbm>>
      %dma_wait3A_49 = tpu.memref_squeeze %dma_wait3A_48 : memref<1x125x80xi32, #tpu.memory_space<hbm>> -> memref<125x80xi32, #tpu.memory_space<hbm>>
      tpu.wait_dma2 semaphore(%run_scoped3A : memref<!tpu.dma_semaphore, #tpu.memory_space<semaphore_mem>>) src(%dma_wait3A_49 : memref<125x80xi32, #tpu.memory_space<hbm>>) dst(%arg6 : memref<125x80xi32, #tpu.memory_space<vmem>>)
      tpu.yield
    }) : () -> ()
    %dma_start3A = arith.constant 0 : i32
    %dma_start3A_7 = arith.constant 0 : i32
    %dma_start3A_8 = arith.constant 0 : i32
    %dma_start3A_9 = arith.constant 0 : i32
    %dma_start3A_10 = tpu.memref_slice %arg7[%dma_start3A, %dma_start3A_8, %dma_start3A_9] : memref<2x80x128xf32, #tpu.memory_space<vmem>> -> memref<1x80x128xf32, #tpu.memory_space<vmem>>
    %dma_start3A_11 = tpu.memref_squeeze %dma_start3A_10 : memref<1x80x128xf32, #tpu.memory_space<vmem>> -> memref<80x128xf32, #tpu.memory_space<vmem>>
    %dma_start3A_12 = arith.constant 0 : i32
    %dma_start3A_13 = tpu.memref_slice %arg2[%mul3A_6, %dma_start3A_12] : memref<320000x128xf32, #tpu.memory_space<hbm>> -> memref<80x128xf32, #tpu.memory_space<hbm>>
    %dma_start3A_14 = tpu.memref_slice %arg9[%dma_start3A_7] : memref<2x!tpu.dma_semaphore, #tpu.memory_space<semaphore_mem>> -> memref<1x!tpu.dma_semaphore, #tpu.memory_space<semaphore_mem>>
    %dma_start3A_15 = tpu.memref_squeeze %dma_start3A_14 : memref<1x!tpu.dma_semaphore, #tpu.memory_space<semaphore_mem>> -> memref<!tpu.dma_semaphore, #tpu.memory_space<semaphore_mem>>
    %dma_start3A_16 = arith.constant 0 : i32
    %dma_start3A_17 = arith.constant 0 : i32
    %dma_start3A_18 = tpu.memref_slice %arg7[%dma_start3A, %dma_start3A_16, %dma_start3A_17] : memref<2x80x128xf32, #tpu.memory_space<vmem>> -> memref<1x80x128xf32, #tpu.memory_space<vmem>>
    %dma_start3A_19 = tpu.memref_squeeze %dma_start3A_18 : memref<1x80x128xf32, #tpu.memory_space<vmem>> -> memref<80x128xf32, #tpu.memory_space<vmem>>
    %dma_start3A_20 = arith.constant 0 : i32
    %dma_start3A_21 = tpu.memref_slice %arg2[%mul3A_6, %dma_start3A_20] : memref<320000x128xf32, #tpu.memory_space<hbm>> -> memref<80x128xf32, #tpu.memory_space<hbm>>
    tpu.enqueue_dma source(%dma_start3A_21 : memref<80x128xf32, #tpu.memory_space<hbm>>) target(%dma_start3A_19 : memref<80x128xf32, #tpu.memory_space<vmem>>) target_semaphore(%dma_start3A_15 : memref<!tpu.dma_semaphore, #tpu.memory_space<semaphore_mem>>)
    %scan3A = arith.constant 0 : i32
    %scan3A_22 = arith.constant 0 : i32
    %scan3A_23 = arith.constant 125 : i32
    %scan3A_24 = arith.addi %scan3A_22, %scan3A_23 : i32
    %scan3A_25 = arith.constant 1 : i32
    scf.for %scan3A_35 = %scan3A_22 to %scan3A_24 step %scan3A_25  : i32 {
      %rem3A = arith.constant 2 : i32
      %rem3A_36 = arith.remsi %scan3A_35, %rem3A : i32
      %add3A_37 = arith.constant 1 : i32
      %add3A_38 = arith.addi %scan3A_35, %add3A_37 : i32
      %rem3A_39 = arith.constant 2 : i32
      %rem3A_40 = arith.remsi %add3A_38, %rem3A_39 : i32
      %add3A_41 = arith.constant 1 : i32
      %add3A_42 = arith.addi %scan3A_35, %add3A_41 : i32
      %lt3A = arith.constant 125 : i32
      %lt3A_43 = arith.cmpi slt, %add3A_42, %lt3A : i32
      %convert_element_type3A = arith.extui %lt3A_43 : i1 to i32
      %cond3A = arith.constant 0 : i32
      %cond3A_44 = arith.cmpi ne, %convert_element_type3A, %cond3A : i32
      scf.if %cond3A_44 {
        %add3A_61 = arith.constant 1 : i32
        %add3A_62 = arith.addi %scan3A_35, %add3A_61 : i32
        %mul3A_63 = arith.constant 80 : i32
        %mul3A_64 = arith.muli %add3A_62, %mul3A_63 : i32
        %add3A_65 = arith.addi %mul3A_6, %mul3A_64 : i32
        %dma_start3A_66 = arith.constant 0 : i32
        %dma_start3A_67 = arith.constant 0 : i32
        %dma_start3A_68 = tpu.memref_slice %arg7[%rem3A_40, %dma_start3A_66, %dma_start3A_67] : memref<2x80x128xf32, #tpu.memory_space<vmem>> -> memref<1x80x128xf32, #tpu.memory_space<vmem>>
        %dma_start3A_69 = tpu.memref_squeeze %dma_start3A_68 : memref<1x80x128xf32, #tpu.memory_space<vmem>> -> memref<80x128xf32, #tpu.memory_space<vmem>>
        %dma_start3A_70 = arith.constant 0 : i32
        %dma_start3A_71 = tpu.memref_slice %arg2[%add3A_65, %dma_start3A_70] : memref<320000x128xf32, #tpu.memory_space<hbm>> -> memref<80x128xf32, #tpu.memory_space<hbm>>
        %dma_start3A_72 = tpu.memref_slice %arg9[%rem3A_40] : memref<2x!tpu.dma_semaphore, #tpu.memory_space<semaphore_mem>> -> memref<1x!tpu.dma_semaphore, #tpu.memory_space<semaphore_mem>>
        %dma_start3A_73 = tpu.memref_squeeze %dma_start3A_72 : memref<1x!tpu.dma_semaphore, #tpu.memory_space<semaphore_mem>> -> memref<!tpu.dma_semaphore, #tpu.memory_space<semaphore_mem>>
        %dma_start3A_74 = arith.constant 0 : i32
        %dma_start3A_75 = arith.constant 0 : i32
        %dma_start3A_76 = tpu.memref_slice %arg7[%rem3A_40, %dma_start3A_74, %dma_start3A_75] : memref<2x80x128xf32, #tpu.memory_space<vmem>> -> memref<1x80x128xf32, #tpu.memory_space<vmem>>
        %dma_start3A_77 = tpu.memref_squeeze %dma_start3A_76 : memref<1x80x128xf32, #tpu.memory_space<vmem>> -> memref<80x128xf32, #tpu.memory_space<vmem>>
        %dma_start3A_78 = arith.constant 0 : i32
        %dma_start3A_79 = tpu.memref_slice %arg2[%add3A_65, %dma_start3A_78] : memref<320000x128xf32, #tpu.memory_space<hbm>> -> memref<80x128xf32, #tpu.memory_space<hbm>>
        tpu.enqueue_dma source(%dma_start3A_79 : memref<80x128xf32, #tpu.memory_space<hbm>>) target(%dma_start3A_77 : memref<80x128xf32, #tpu.memory_space<vmem>>) target_semaphore(%dma_start3A_73 : memref<!tpu.dma_semaphore, #tpu.memory_space<semaphore_mem>>)
      } else {
      }
      %mul3A_45 = arith.constant 80 : i32
      %mul3A_46 = arith.muli %scan3A_35, %mul3A_45 : i32
      %add3A_47 = arith.addi %mul3A_6, %mul3A_46 : i32
      %dma_wait3A = arith.constant 0 : i32
      %dma_wait3A_48 = arith.constant 0 : i32
      %dma_wait3A_49 = tpu.memref_slice %arg7[%rem3A_36, %dma_wait3A, %dma_wait3A_48] : memref<2x80x128xf32, #tpu.memory_space<vmem>> -> memref<1x80x128xf32, #tpu.memory_space<vmem>>
      %dma_wait3A_50 = tpu.memref_squeeze %dma_wait3A_49 : memref<1x80x128xf32, #tpu.memory_space<vmem>> -> memref<80x128xf32, #tpu.memory_space<vmem>>
      %dma_wait3A_51 = arith.constant 0 : i32
      %dma_wait3A_52 = tpu.memref_slice %arg2[%add3A_47, %dma_wait3A_51] : memref<320000x128xf32, #tpu.memory_space<hbm>> -> memref<80x128xf32, #tpu.memory_space<hbm>>
      %dma_wait3A_53 = tpu.memref_slice %arg9[%rem3A_36] : memref<2x!tpu.dma_semaphore, #tpu.memory_space<semaphore_mem>> -> memref<1x!tpu.dma_semaphore, #tpu.memory_space<semaphore_mem>>
      %dma_wait3A_54 = tpu.memref_squeeze %dma_wait3A_53 : memref<1x!tpu.dma_semaphore, #tpu.memory_space<semaphore_mem>> -> memref<!tpu.dma_semaphore, #tpu.memory_space<semaphore_mem>>
      %dma_wait3A_55 = arith.constant 0 : i32
      %dma_wait3A_56 = arith.constant 0 : i32
      %dma_wait3A_57 = tpu.memref_slice %arg7[%rem3A_36, %dma_wait3A_55, %dma_wait3A_56] : memref<2x80x128xf32, #tpu.memory_space<vmem>> -> memref<1x80x128xf32, #tpu.memory_space<vmem>>
      %dma_wait3A_58 = tpu.memref_squeeze %dma_wait3A_57 : memref<1x80x128xf32, #tpu.memory_space<vmem>> -> memref<80x128xf32, #tpu.memory_space<vmem>>
      %dma_wait3A_59 = arith.constant 0 : i32
      %dma_wait3A_60 = tpu.memref_slice %arg2[%add3A_47, %dma_wait3A_59] : memref<320000x128xf32, #tpu.memory_space<hbm>> -> memref<80x128xf32, #tpu.memory_space<hbm>>
      tpu.wait_dma2 semaphore(%dma_wait3A_54 : memref<!tpu.dma_semaphore, #tpu.memory_space<semaphore_mem>>) src(%dma_wait3A_60 : memref<80x128xf32, #tpu.memory_space<hbm>>) dst(%dma_wait3A_58 : memref<80x128xf32, #tpu.memory_space<vmem>>)
      "tpu.region"() ({
        %run_scoped3A = tpu.sem_alloc : memref<!tpu.dma_semaphore, #tpu.memory_space<semaphore_mem>>
        %dma_start3A_61 = arith.constant 0 : i32
        %dma_start3A_62 = arith.constant 0 : i32
        %dma_start3A_63 = tpu.memref_slice %arg7[%rem3A_36, %dma_start3A_61, %dma_start3A_62] : memref<2x80x128xf32, #tpu.memory_space<vmem>> -> memref<1x80x128xf32, #tpu.memory_space<vmem>>
        %dma_start3A_64 = tpu.memref_squeeze %dma_start3A_63 : memref<1x80x128xf32, #tpu.memory_space<vmem>> -> memref<80x128xf32, #tpu.memory_space<vmem>>
        %dma_start3A_65 = arith.constant 0 : i32
        %dma_start3A_66 = tpu.memref_slice %arg6[%scan3A_35, %dma_start3A_65] : memref<125x80xi32, #tpu.memory_space<vmem>> -> memref<1x80xi32, #tpu.memory_space<vmem>>
        %dma_start3A_67 = tpu.memref_squeeze %dma_start3A_66 : memref<1x80xi32, #tpu.memory_space<vmem>> -> memref<80xi32, #tpu.memory_space<vmem>>
        %dma_start3A_68 = arith.constant 0 : i32
        %dma_start3A_69 = arith.constant 0 : i32
        %dma_start3A_70 = tpu.memref_slice %arg8[%dma_start3A_68, %dma_start3A_69] : memref<10240x128xf32, #tpu.memory_space<vmem_shared>> -> memref<10240x128xf32, #tpu.memory_space<vmem_shared>>
        tpu.enqueue_indirect_dma source(%dma_start3A_64 : memref<80x128xf32, #tpu.memory_space<vmem>>) target(%dma_start3A_70 : memref<10240x128xf32, #tpu.memory_space<vmem_shared>>) offsets(%dma_start3A_67 : memref<80xi32, #tpu.memory_space<vmem>>) semaphore(%run_scoped3A : memref<!tpu.dma_semaphore, #tpu.memory_space<semaphore_mem>>) {add = true}
        %dma_wait3A_71 = arith.constant 0 : i32
        %dma_wait3A_72 = arith.constant 0 : i32
        %dma_wait3A_73 = tpu.memref_slice %arg7[%rem3A_36, %dma_wait3A_71, %dma_wait3A_72] : memref<2x80x128xf32, #tpu.memory_space<vmem>> -> memref<1x80x128xf32, #tpu.memory_space<vmem>>
        %dma_wait3A_74 = tpu.memref_squeeze %dma_wait3A_73 : memref<1x80x128xf32, #tpu.memory_space<vmem>> -> memref<80x128xf32, #tpu.memory_space<vmem>>
        %dma_wait3A_75 = arith.constant 0 : i32
        %dma_wait3A_76 = tpu.memref_slice %arg6[%scan3A_35, %dma_wait3A_75] : memref<125x80xi32, #tpu.memory_space<vmem>> -> memref<1x80xi32, #tpu.memory_space<vmem>>
        %dma_wait3A_77 = tpu.memref_squeeze %dma_wait3A_76 : memref<1x80xi32, #tpu.memory_space<vmem>> -> memref<80xi32, #tpu.memory_space<vmem>>
        %dma_wait3A_78 = arith.constant 0 : i32
        %dma_wait3A_79 = arith.constant 0 : i32
        %dma_wait3A_80 = tpu.memref_slice %arg8[%dma_wait3A_78, %dma_wait3A_79] : memref<10240x128xf32, #tpu.memory_space<vmem_shared>> -> memref<10240x128xf32, #tpu.memory_space<vmem_shared>>
        tpu.wait_indirect_dma semaphore(%run_scoped3A : memref<!tpu.dma_semaphore, #tpu.memory_space<semaphore_mem>>) src(%dma_wait3A_74 : memref<80x128xf32, #tpu.memory_space<vmem>>) dst(%dma_wait3A_80 : memref<10240x128xf32, #tpu.memory_space<vmem_shared>>)
        tpu.yield
      }) : () -> ()
    }
    %scan3A_26 = arith.constant 125 : i32
    %barrier3A_27 = arith.constant 0 : index
    tpu.barrier barrier_id(%barrier3A_27)
    %mul3A_28 = arith.constant 640 : i32
    %mul3A_29 = arith.muli %arg1, %mul3A_28 : i32
    %mul3A_30 = arith.constant 10240 : i32
    %mul3A_31 = arith.muli %arg0, %mul3A_30 : i32
    %mul3A_32 = arith.constant 640 : i32
    %mul3A_33 = arith.muli %arg1, %mul3A_32 : i32
    %add3A_34 = arith.addi %mul3A_31, %mul3A_33 : i32
    "tpu.region"() ({
      %run_scoped3A = tpu.sem_alloc : memref<!tpu.dma_semaphore, #tpu.memory_space<semaphore_mem>>
      %dma_start3A_35 = arith.constant 0 : i32
      %dma_start3A_36 = tpu.memref_slice %arg5[%add3A_34, %dma_start3A_35] : memref<20480x128xf32, #tpu.memory_space<hbm>> -> memref<640x128xf32, #tpu.memory_space<hbm>>
      %dma_start3A_37 = arith.constant 0 : i32
      %dma_start3A_38 = tpu.memref_slice %arg8[%mul3A_29, %dma_start3A_37] : memref<10240x128xf32, #tpu.memory_space<vmem_shared>> -> memref<640x128xf32, #tpu.memory_space<vmem_shared>>
      tpu.enqueue_dma source(%dma_start3A_38 : memref<640x128xf32, #tpu.memory_space<vmem_shared>>) target(%dma_start3A_36 : memref<640x128xf32, #tpu.memory_space<hbm>>) target_semaphore(%run_scoped3A : memref<!tpu.dma_semaphore, #tpu.memory_space<semaphore_mem>>)
      %dma_wait3A = arith.constant 0 : i32
      %dma_wait3A_39 = tpu.memref_slice %arg5[%add3A_34, %dma_wait3A] : memref<20480x128xf32, #tpu.memory_space<hbm>> -> memref<640x128xf32, #tpu.memory_space<hbm>>
      %dma_wait3A_40 = arith.constant 0 : i32
      %dma_wait3A_41 = tpu.memref_slice %arg8[%mul3A_29, %dma_wait3A_40] : memref<10240x128xf32, #tpu.memory_space<vmem_shared>> -> memref<640x128xf32, #tpu.memory_space<vmem_shared>>
      tpu.wait_dma2 semaphore(%run_scoped3A : memref<!tpu.dma_semaphore, #tpu.memory_space<semaphore_mem>>) src(%dma_wait3A_41 : memref<640x128xf32, #tpu.memory_space<vmem_shared>>) dst(%dma_wait3A_39 : memref<640x128xf32, #tpu.memory_space<hbm>>)
      tpu.yield
    }) : () -> ()
    return
  }
}

module attributes {stable_mosaic.version = 14 : i64} {
  func.func @_attn_body(%arg0: i32, %arg1: memref<1280x128xf32, #tpu.memory_space<vmem>>, %arg2: memref<1280x128xf32, #tpu.memory_space<vmem>>, %arg3: memref<1280x128xf32, #tpu.memory_space<vmem>>, %arg4: memref<8x128xf32, #tpu.memory_space<vmem>>, %arg5: memref<8x128xf32, #tpu.memory_space<vmem>>, %arg6: memref<1x128xf32, #tpu.memory_space<vmem>>, %arg7: memref<1x128xf32, #tpu.memory_space<vmem>>, %arg8: memref<1280x1xi32, #tpu.memory_space<vmem>>, %arg9: memref<1280x1xi32, #tpu.memory_space<vmem>>, %arg10: memref<16x128xf32, #tpu.memory_space<vmem>>, %arg11: memref<128x128xf32, #tpu.memory_space<vmem>>, %arg12: memref<128x128xf32, #tpu.memory_space<vmem>>, %arg13: memref<128x128xf32, #tpu.memory_space<vmem>>, %arg14: memref<1x128xf32, #tpu.memory_space<vmem>>, %arg15: memref<128x128xf32, #tpu.memory_space<vmem>>, %arg16: memref<1x128xf32, #tpu.memory_space<vmem>>, %arg17: memref<128x4xf32, #tpu.memory_space<vmem>>, %arg18: memref<1x4xf32, #tpu.memory_space<vmem>>, %arg19: memref<128x128xf32, #tpu.memory_space<vmem>>, %arg20: memref<128x128xf32, #tpu.memory_space<vmem>>, %arg21: memref<1x128xf32, #tpu.memory_space<vmem>>, %arg22: memref<128x128xf32, #tpu.memory_space<vmem>>, %arg23: memref<1x128xf32, #tpu.memory_space<vmem>>, %arg24: memref<128x128xf32, #tpu.memory_space<vmem>>, %arg25: memref<1x128xf32, #tpu.memory_space<vmem>>, %arg26: memref<1280x4xf32, #tpu.memory_space<vmem>>, %arg27: memref<1280x128xf32, #tpu.memory_space<vmem>>, %arg28: memref<8x128xf32, #tpu.memory_space<vmem>>) attributes {dimension_semantics = [#tpu.dimension_semantics<arbitrary>], iteration_bounds = array<i64: 250>, scalar_prefetch = 0 : i64, scratch_operands = 0 : i64, tpu.core_type = #tpu.core_type<tc>, window_params = [{transform_indices = @transform_0, window_bounds = array<i64: 1280, 128>}, {transform_indices = @transform_1, window_bounds = array<i64: 1280, 128>}, {transform_indices = @transform_2, window_bounds = array<i64: 1280, 128>}, {pipeline_mode = #tpu.pipeline_mode<synchronous>, transform_indices = @transform_3, window_bounds = array<i64: 8, 128>}, {pipeline_mode = #tpu.pipeline_mode<synchronous>, transform_indices = @transform_4, window_bounds = array<i64: 8, 128>}, {pipeline_mode = #tpu.pipeline_mode<synchronous>, transform_indices = @transform_5, window_bounds = array<i64: 1, 128>}, {pipeline_mode = #tpu.pipeline_mode<synchronous>, transform_indices = @transform_6, window_bounds = array<i64: 1, 128>}, {transform_indices = @transform_7, window_bounds = array<i64: 1280, 1>}, {transform_indices = @transform_8, window_bounds = array<i64: 1280, 1>}, {pipeline_mode = #tpu.pipeline_mode<synchronous>, transform_indices = @transform_9, window_bounds = array<i64: 16, 128>}, {pipeline_mode = #tpu.pipeline_mode<synchronous>, transform_indices = @transform_10, window_bounds = array<i64: 128, 128>}, {pipeline_mode = #tpu.pipeline_mode<synchronous>, transform_indices = @transform_11, window_bounds = array<i64: 128, 128>}, {pipeline_mode = #tpu.pipeline_mode<synchronous>, transform_indices = @transform_12, window_bounds = array<i64: 128, 128>}, {pipeline_mode = #tpu.pipeline_mode<synchronous>, transform_indices = @transform_13, window_bounds = array<i64: 1, 128>}, {pipeline_mode = #tpu.pipeline_mode<synchronous>, transform_indices = @transform_14, window_bounds = array<i64: 128, 128>}, {pipeline_mode = #tpu.pipeline_mode<synchronous>, transform_indices = @transform_15, window_bounds = array<i64: 1, 128>}, {pipeline_mode = #tpu.pipeline_mode<synchronous>, transform_indices = @transform_16, window_bounds = array<i64: 128, 4>}, {pipeline_mode = #tpu.pipeline_mode<synchronous>, transform_indices = @transform_17, window_bounds = array<i64: 1, 4>}, {pipeline_mode = #tpu.pipeline_mode<synchronous>, transform_indices = @transform_18, window_bounds = array<i64: 128, 128>}, {pipeline_mode = #tpu.pipeline_mode<synchronous>, transform_indices = @transform_19, window_bounds = array<i64: 128, 128>}, {pipeline_mode = #tpu.pipeline_mode<synchronous>, transform_indices = @transform_20, window_bounds = array<i64: 1, 128>}, {pipeline_mode = #tpu.pipeline_mode<synchronous>, transform_indices = @transform_21, window_bounds = array<i64: 128, 128>}, {pipeline_mode = #tpu.pipeline_mode<synchronous>, transform_indices = @transform_22, window_bounds = array<i64: 1, 128>}, {pipeline_mode = #tpu.pipeline_mode<synchronous>, transform_indices = @transform_23, window_bounds = array<i64: 128, 128>}, {pipeline_mode = #tpu.pipeline_mode<synchronous>, transform_indices = @transform_24, window_bounds = array<i64: 1, 128>}, {transform_indices = @transform_25, window_bounds = array<i64: 1280, 4>}, {transform_indices = @transform_26, window_bounds = array<i64: 1280, 128>}, {pipeline_mode = #tpu.pipeline_mode<synchronous>, transform_indices = @transform_27, window_bounds = array<i64: 8, 128>}]} {
    %get3A = arith.constant 0 : index
    %get3A_0 = arith.constant 0 : index
    %get3A_1 = vector.load %arg10[%get3A, %get3A_0] : memref<16x128xf32, #tpu.memory_space<vmem>>, vector<16x128xf32>
    %get3A_2 = arith.constant 0 : index
    %get3A_3 = arith.constant 0 : index
    %get3A_4 = vector.load %arg1[%get3A_2, %get3A_3] : memref<1280x128xf32, #tpu.memory_space<vmem>>, vector<1280x128xf32>
    %get3A_5 = arith.constant 0 : index
    %get3A_6 = arith.constant 0 : index
    %get3A_7 = vector.load %arg8[%get3A_5, %get3A_6] : memref<1280x1xi32, #tpu.memory_space<vmem>>, vector<1280x1xi32>
    %iota3A = tpu.iota {dimensions = array<i32: 1>} : vector<1280x16xi32>
    %eq3A = vector.broadcast %get3A_7 : vector<1280x1xi32> to vector<1280x16xi32>
    %eq3A_8 = arith.cmpi eq, %eq3A, %iota3A : vector<1280x16xi32>
    %convert_element_type3A = arith.extui %eq3A_8 : vector<1280x16xi1> to vector<1280x16xi32>
    %convert_element_type3A_9 = arith.sitofp %convert_element_type3A : vector<1280x16xi32> to vector<1280x16xf32>
    %dot_general3A = arith.constant dense<0.000000e+00> : vector<1280x128xf32>
    %dot_general3A_10 = tpu.matmul %convert_element_type3A_9, %get3A_1, %dot_general3A {dimension_numbers = #tpu.dot_dimension_numbers<[1], [0], [0], [1], [0, 0, 1, 1], [], []>, transpose_lhs_hint = false} : vector<1280x16xf32>, vector<16x128xf32>, vector<1280x128xf32> -> vector<1280x128xf32>
    %mul3A = arith.mulf %get3A_4, %dot_general3A_10 : vector<1280x128xf32>
    %get3A_11 = arith.constant 0 : index
    %get3A_12 = arith.constant 0 : index
    %get3A_13 = vector.load %arg3[%get3A_11, %get3A_12] : memref<1280x128xf32, #tpu.memory_space<vmem>>, vector<1280x128xf32>
    %get3A_14 = arith.constant 0 : index
    %get3A_15 = arith.constant 0 : index
    %get3A_16 = vector.load %arg9[%get3A_14, %get3A_15] : memref<1280x1xi32, #tpu.memory_space<vmem>>, vector<1280x1xi32>
    %iota3A_17 = tpu.iota {dimensions = array<i32: 1>} : vector<1280x16xi32>
    %eq3A_18 = vector.broadcast %get3A_16 : vector<1280x1xi32> to vector<1280x16xi32>
    %eq3A_19 = arith.cmpi eq, %eq3A_18, %iota3A_17 : vector<1280x16xi32>
    %convert_element_type3A_20 = arith.extui %eq3A_19 : vector<1280x16xi1> to vector<1280x16xi32>
    %convert_element_type3A_21 = arith.sitofp %convert_element_type3A_20 : vector<1280x16xi32> to vector<1280x16xf32>
    %dot_general3A_22 = arith.constant dense<0.000000e+00> : vector<1280x128xf32>
    %dot_general3A_23 = tpu.matmul %convert_element_type3A_21, %get3A_1, %dot_general3A_22 {dimension_numbers = #tpu.dot_dimension_numbers<[1], [0], [0], [1], [0, 0, 1, 1], [], []>, transpose_lhs_hint = false} : vector<1280x16xf32>, vector<16x128xf32>, vector<1280x128xf32> -> vector<1280x128xf32>
    %mul3A_24 = arith.mulf %get3A_13, %dot_general3A_23 : vector<1280x128xf32>
    %get3A_25 = arith.constant 0 : index
    %get3A_26 = arith.constant 0 : index
    %get3A_27 = vector.load %arg4[%get3A_25, %get3A_26] : memref<8x128xf32, #tpu.memory_space<vmem>>, vector<1x128xf32>
    %mul3A_28 = arith.constant 3.125000e-06 : f32
    %mul3A_29 = vector.broadcast %mul3A_28 : f32 to vector<1x128xf32>
    %mul3A_30 = arith.mulf %get3A_27, %mul3A_29 : vector<1x128xf32>
    %get3A_31 = arith.constant 0 : index
    %get3A_32 = arith.constant 0 : index
    %get3A_33 = vector.load %arg5[%get3A_31, %get3A_32] : memref<8x128xf32, #tpu.memory_space<vmem>>, vector<1x128xf32>
    %mul3A_34 = arith.constant 3.125000e-06 : f32
    %mul3A_35 = vector.broadcast %mul3A_34 : f32 to vector<1x128xf32>
    %mul3A_36 = arith.mulf %get3A_33, %mul3A_35 : vector<1x128xf32>
    %mul3A_37 = arith.mulf %mul3A_30, %mul3A_30 : vector<1x128xf32>
    %sub3A = arith.subf %mul3A_36, %mul3A_37 : vector<1x128xf32>
    %get3A_38 = arith.constant 0 : index
    %get3A_39 = arith.constant 0 : index
    %get3A_40 = vector.load %arg2[%get3A_38, %get3A_39] : memref<1280x128xf32, #tpu.memory_space<vmem>>, vector<1280x128xf32>
    %sub3A_41 = vector.broadcast %mul3A_30 : vector<1x128xf32> to vector<1280x128xf32>
    %sub3A_42 = arith.subf %get3A_40, %sub3A_41 : vector<1280x128xf32>
    %add3A = arith.constant 9.99999974E-6 : f32
    %add3A_43 = vector.broadcast %add3A : f32 to vector<1x128xf32>
    %add3A_44 = arith.addf %sub3A, %add3A_43 : vector<1x128xf32>
    %rsqrt3A = math.rsqrt %add3A_44 : vector<1x128xf32>
    %mul3A_45 = vector.broadcast %rsqrt3A : vector<1x128xf32> to vector<1280x128xf32>
    %mul3A_46 = arith.mulf %sub3A_42, %mul3A_45 : vector<1280x128xf32>
    %get3A_47 = arith.constant 0 : index
    %get3A_48 = arith.constant 0 : index
    %get3A_49 = vector.load %arg6[%get3A_47, %get3A_48] : memref<1x128xf32, #tpu.memory_space<vmem>>, vector<1x128xf32>
    %mul3A_50 = vector.broadcast %get3A_49 : vector<1x128xf32> to vector<1280x128xf32>
    %mul3A_51 = arith.mulf %mul3A_46, %mul3A_50 : vector<1280x128xf32>
    %get3A_52 = arith.constant 0 : index
    %get3A_53 = arith.constant 0 : index
    %get3A_54 = vector.load %arg7[%get3A_52, %get3A_53] : memref<1x128xf32, #tpu.memory_space<vmem>>, vector<1x128xf32>
    %add3A_55 = vector.broadcast %get3A_54 : vector<1x128xf32> to vector<1280x128xf32>
    %add3A_56 = arith.addf %mul3A_51, %add3A_55 : vector<1280x128xf32>
    %get3A_57 = arith.constant 0 : index
    %get3A_58 = arith.constant 0 : index
    %get3A_59 = vector.load %arg11[%get3A_57, %get3A_58] : memref<128x128xf32, #tpu.memory_space<vmem>>, vector<128x128xf32>
    %convert_element_type3A_60 = arith.truncf %mul3A : vector<1280x128xf32> to vector<1280x128xbf16>
    %convert_element_type3A_61 = arith.truncf %get3A_59 : vector<128x128xf32> to vector<128x128xbf16>
    %dot_general3A_62 = arith.constant dense<0.000000e+00> : vector<1280x128xf32>
    %dot_general3A_63 = tpu.matmul %convert_element_type3A_60, %convert_element_type3A_61, %dot_general3A_62 {dimension_numbers = #tpu.dot_dimension_numbers<[1], [0], [0], [1], [0, 0, 1, 1], [], []>, transpose_lhs_hint = false} : vector<1280x128xbf16>, vector<128x128xbf16>, vector<1280x128xf32> -> vector<1280x128xf32>
    %get3A_64 = arith.constant 0 : index
    %get3A_65 = arith.constant 0 : index
    %get3A_66 = vector.load %arg12[%get3A_64, %get3A_65] : memref<128x128xf32, #tpu.memory_space<vmem>>, vector<128x128xf32>
    %convert_element_type3A_67 = arith.truncf %add3A_56 : vector<1280x128xf32> to vector<1280x128xbf16>
    %convert_element_type3A_68 = arith.truncf %get3A_66 : vector<128x128xf32> to vector<128x128xbf16>
    %dot_general3A_69 = arith.constant dense<0.000000e+00> : vector<1280x128xf32>
    %dot_general3A_70 = tpu.matmul %convert_element_type3A_67, %convert_element_type3A_68, %dot_general3A_69 {dimension_numbers = #tpu.dot_dimension_numbers<[1], [0], [0], [1], [0, 0, 1, 1], [], []>, transpose_lhs_hint = false} : vector<1280x128xbf16>, vector<128x128xbf16>, vector<1280x128xf32> -> vector<1280x128xf32>
    %add3A_71 = arith.addf %dot_general3A_63, %dot_general3A_70 : vector<1280x128xf32>
    %get3A_72 = arith.constant 0 : index
    %get3A_73 = arith.constant 0 : index
    %get3A_74 = vector.load %arg13[%get3A_72, %get3A_73] : memref<128x128xf32, #tpu.memory_space<vmem>>, vector<128x128xf32>
    %convert_element_type3A_75 = arith.truncf %mul3A_24 : vector<1280x128xf32> to vector<1280x128xbf16>
    %convert_element_type3A_76 = arith.truncf %get3A_74 : vector<128x128xf32> to vector<128x128xbf16>
    %dot_general3A_77 = arith.constant dense<0.000000e+00> : vector<1280x128xf32>
    %dot_general3A_78 = tpu.matmul %convert_element_type3A_75, %convert_element_type3A_76, %dot_general3A_77 {dimension_numbers = #tpu.dot_dimension_numbers<[1], [0], [0], [1], [0, 0, 1, 1], [], []>, transpose_lhs_hint = false} : vector<1280x128xbf16>, vector<128x128xbf16>, vector<1280x128xf32> -> vector<1280x128xf32>
    %add3A_79 = arith.addf %add3A_71, %dot_general3A_78 : vector<1280x128xf32>
    %get3A_80 = arith.constant 0 : index
    %get3A_81 = arith.constant 0 : index
    %get3A_82 = vector.load %arg14[%get3A_80, %get3A_81] : memref<1x128xf32, #tpu.memory_space<vmem>>, vector<1x128xf32>
    %add3A_83 = vector.broadcast %get3A_82 : vector<1x128xf32> to vector<1280x128xf32>
    %add3A_84 = arith.addf %add3A_79, %add3A_83 : vector<1280x128xf32>
    %integer_pow3A = arith.mulf %add3A_84, %add3A_84 : vector<1280x128xf32>
    %integer_pow3A_85 = arith.mulf %add3A_84, %integer_pow3A : vector<1280x128xf32>
    %mul3A_86 = arith.constant 4.471500e-02 : f32
    %mul3A_87 = vector.broadcast %mul3A_86 : f32 to vector<1280x128xf32>
    %mul3A_88 = arith.mulf %mul3A_87, %integer_pow3A_85 : vector<1280x128xf32>
    %add3A_89 = arith.addf %add3A_84, %mul3A_88 : vector<1280x128xf32>
    %mul3A_90 = arith.constant 0.797884583 : f32
    %mul3A_91 = vector.broadcast %mul3A_90 : f32 to vector<1280x128xf32>
    %mul3A_92 = arith.mulf %mul3A_91, %add3A_89 : vector<1280x128xf32>
    %tanh3A = math.tanh %mul3A_92 : vector<1280x128xf32>
    %add3A_93 = arith.constant 1.000000e+00 : f32
    %add3A_94 = vector.broadcast %add3A_93 : f32 to vector<1280x128xf32>
    %add3A_95 = arith.addf %add3A_94, %tanh3A : vector<1280x128xf32>
    %mul3A_96 = arith.constant 5.000000e-01 : f32
    %mul3A_97 = vector.broadcast %mul3A_96 : f32 to vector<1280x128xf32>
    %mul3A_98 = arith.mulf %mul3A_97, %add3A_95 : vector<1280x128xf32>
    %mul3A_99 = arith.mulf %add3A_84, %mul3A_98 : vector<1280x128xf32>
    %get3A_100 = arith.constant 0 : index
    %get3A_101 = arith.constant 0 : index
    %get3A_102 = vector.load %arg15[%get3A_100, %get3A_101] : memref<128x128xf32, #tpu.memory_space<vmem>>, vector<128x128xf32>
    %convert_element_type3A_103 = arith.truncf %mul3A_99 : vector<1280x128xf32> to vector<1280x128xbf16>
    %convert_element_type3A_104 = arith.truncf %get3A_102 : vector<128x128xf32> to vector<128x128xbf16>
    %dot_general3A_105 = arith.constant dense<0.000000e+00> : vector<1280x128xf32>
    %dot_general3A_106 = tpu.matmul %convert_element_type3A_103, %convert_element_type3A_104, %dot_general3A_105 {dimension_numbers = #tpu.dot_dimension_numbers<[1], [0], [0], [1], [0, 0, 1, 1], [], []>, transpose_lhs_hint = false} : vector<1280x128xbf16>, vector<128x128xbf16>, vector<1280x128xf32> -> vector<1280x128xf32>
    %get3A_107 = arith.constant 0 : index
    %get3A_108 = arith.constant 0 : index
    %get3A_109 = vector.load %arg16[%get3A_107, %get3A_108] : memref<1x128xf32, #tpu.memory_space<vmem>>, vector<1x128xf32>
    %add3A_110 = vector.broadcast %get3A_109 : vector<1x128xf32> to vector<1280x128xf32>
    %add3A_111 = arith.addf %dot_general3A_106, %add3A_110 : vector<1280x128xf32>
    %integer_pow3A_112 = arith.mulf %add3A_111, %add3A_111 : vector<1280x128xf32>
    %integer_pow3A_113 = arith.mulf %add3A_111, %integer_pow3A_112 : vector<1280x128xf32>
    %mul3A_114 = arith.constant 4.471500e-02 : f32
    %mul3A_115 = vector.broadcast %mul3A_114 : f32 to vector<1280x128xf32>
    %mul3A_116 = arith.mulf %mul3A_115, %integer_pow3A_113 : vector<1280x128xf32>
    %add3A_117 = arith.addf %add3A_111, %mul3A_116 : vector<1280x128xf32>
    %mul3A_118 = arith.constant 0.797884583 : f32
    %mul3A_119 = vector.broadcast %mul3A_118 : f32 to vector<1280x128xf32>
    %mul3A_120 = arith.mulf %mul3A_119, %add3A_117 : vector<1280x128xf32>
    %tanh3A_121 = math.tanh %mul3A_120 : vector<1280x128xf32>
    %add3A_122 = arith.constant 1.000000e+00 : f32
    %add3A_123 = vector.broadcast %add3A_122 : f32 to vector<1280x128xf32>
    %add3A_124 = arith.addf %add3A_123, %tanh3A_121 : vector<1280x128xf32>
    %mul3A_125 = arith.constant 5.000000e-01 : f32
    %mul3A_126 = vector.broadcast %mul3A_125 : f32 to vector<1280x128xf32>
    %mul3A_127 = arith.mulf %mul3A_126, %add3A_124 : vector<1280x128xf32>
    %mul3A_128 = arith.mulf %add3A_111, %mul3A_127 : vector<1280x128xf32>
    %get3A_129 = arith.constant 0 : index
    %get3A_130 = arith.constant 0 : index
    %get3A_131 = vector.load %arg17[%get3A_129, %get3A_130] : memref<128x4xf32, #tpu.memory_space<vmem>>, vector<128x4xf32>
    %convert_element_type3A_132 = arith.truncf %mul3A_128 : vector<1280x128xf32> to vector<1280x128xbf16>
    %convert_element_type3A_133 = arith.truncf %get3A_131 : vector<128x4xf32> to vector<128x4xbf16>
    %dot_general3A_134 = arith.constant dense<0.000000e+00> : vector<1280x4xf32>
    %dot_general3A_135 = tpu.matmul %convert_element_type3A_132, %convert_element_type3A_133, %dot_general3A_134 {dimension_numbers = #tpu.dot_dimension_numbers<[1], [0], [0], [1], [0, 0, 1, 1], [], []>, transpose_lhs_hint = false} : vector<1280x128xbf16>, vector<128x4xbf16>, vector<1280x4xf32> -> vector<1280x4xf32>
    %get3A_136 = arith.constant 0 : index
    %get3A_137 = arith.constant 0 : index
    %get3A_138 = vector.load %arg18[%get3A_136, %get3A_137] : memref<1x4xf32, #tpu.memory_space<vmem>>, vector<1x4xf32>
    %add3A_139 = vector.broadcast %get3A_138 : vector<1x4xf32> to vector<1280x4xf32>
    %add3A_140 = arith.addf %dot_general3A_135, %add3A_139 : vector<1280x4xf32>
    %get3A_141 = arith.constant 0 : index
    %get3A_142 = arith.constant 0 : index
    %get3A_143 = vector.load %arg19[%get3A_141, %get3A_142] : memref<128x128xf32, #tpu.memory_space<vmem>>, vector<128x128xf32>
    %convert_element_type3A_144 = arith.truncf %add3A_56 : vector<1280x128xf32> to vector<1280x128xbf16>
    %convert_element_type3A_145 = arith.truncf %get3A_143 : vector<128x128xf32> to vector<128x128xbf16>
    %dot_general3A_146 = arith.constant dense<0.000000e+00> : vector<1280x128xf32>
    %dot_general3A_147 = tpu.matmul %convert_element_type3A_144, %convert_element_type3A_145, %dot_general3A_146 {dimension_numbers = #tpu.dot_dimension_numbers<[1], [0], [0], [1], [0, 0, 1, 1], [], []>, transpose_lhs_hint = false} : vector<1280x128xbf16>, vector<128x128xbf16>, vector<1280x128xf32> -> vector<1280x128xf32>
    %get3A_148 = arith.constant 0 : index
    %get3A_149 = arith.constant 0 : index
    %get3A_150 = vector.load %arg20[%get3A_148, %get3A_149] : memref<128x128xf32, #tpu.memory_space<vmem>>, vector<128x128xf32>
    %convert_element_type3A_151 = arith.truncf %mul3A_24 : vector<1280x128xf32> to vector<1280x128xbf16>
    %convert_element_type3A_152 = arith.truncf %get3A_150 : vector<128x128xf32> to vector<128x128xbf16>
    %dot_general3A_153 = arith.constant dense<0.000000e+00> : vector<1280x128xf32>
    %dot_general3A_154 = tpu.matmul %convert_element_type3A_151, %convert_element_type3A_152, %dot_general3A_153 {dimension_numbers = #tpu.dot_dimension_numbers<[1], [0], [0], [1], [0, 0, 1, 1], [], []>, transpose_lhs_hint = false} : vector<1280x128xbf16>, vector<128x128xbf16>, vector<1280x128xf32> -> vector<1280x128xf32>
    %add3A_155 = arith.addf %dot_general3A_147, %dot_general3A_154 : vector<1280x128xf32>
    %get3A_156 = arith.constant 0 : index
    %get3A_157 = arith.constant 0 : index
    %get3A_158 = vector.load %arg21[%get3A_156, %get3A_157] : memref<1x128xf32, #tpu.memory_space<vmem>>, vector<1x128xf32>
    %add3A_159 = vector.broadcast %get3A_158 : vector<1x128xf32> to vector<1280x128xf32>
    %add3A_160 = arith.addf %add3A_155, %add3A_159 : vector<1280x128xf32>
    %integer_pow3A_161 = arith.mulf %add3A_160, %add3A_160 : vector<1280x128xf32>
    %integer_pow3A_162 = arith.mulf %add3A_160, %integer_pow3A_161 : vector<1280x128xf32>
    %mul3A_163 = arith.constant 4.471500e-02 : f32
    %mul3A_164 = vector.broadcast %mul3A_163 : f32 to vector<1280x128xf32>
    %mul3A_165 = arith.mulf %mul3A_164, %integer_pow3A_162 : vector<1280x128xf32>
    %add3A_166 = arith.addf %add3A_160, %mul3A_165 : vector<1280x128xf32>
    %mul3A_167 = arith.constant 0.797884583 : f32
    %mul3A_168 = vector.broadcast %mul3A_167 : f32 to vector<1280x128xf32>
    %mul3A_169 = arith.mulf %mul3A_168, %add3A_166 : vector<1280x128xf32>
    %tanh3A_170 = math.tanh %mul3A_169 : vector<1280x128xf32>
    %add3A_171 = arith.constant 1.000000e+00 : f32
    %add3A_172 = vector.broadcast %add3A_171 : f32 to vector<1280x128xf32>
    %add3A_173 = arith.addf %add3A_172, %tanh3A_170 : vector<1280x128xf32>
    %mul3A_174 = arith.constant 5.000000e-01 : f32
    %mul3A_175 = vector.broadcast %mul3A_174 : f32 to vector<1280x128xf32>
    %mul3A_176 = arith.mulf %mul3A_175, %add3A_173 : vector<1280x128xf32>
    %mul3A_177 = arith.mulf %add3A_160, %mul3A_176 : vector<1280x128xf32>
    %get3A_178 = arith.constant 0 : index
    %get3A_179 = arith.constant 0 : index
    %get3A_180 = vector.load %arg22[%get3A_178, %get3A_179] : memref<128x128xf32, #tpu.memory_space<vmem>>, vector<128x128xf32>
    %convert_element_type3A_181 = arith.truncf %mul3A_177 : vector<1280x128xf32> to vector<1280x128xbf16>
    %convert_element_type3A_182 = arith.truncf %get3A_180 : vector<128x128xf32> to vector<128x128xbf16>
    %dot_general3A_183 = arith.constant dense<0.000000e+00> : vector<1280x128xf32>
    %dot_general3A_184 = tpu.matmul %convert_element_type3A_181, %convert_element_type3A_182, %dot_general3A_183 {dimension_numbers = #tpu.dot_dimension_numbers<[1], [0], [0], [1], [0, 0, 1, 1], [], []>, transpose_lhs_hint = false} : vector<1280x128xbf16>, vector<128x128xbf16>, vector<1280x128xf32> -> vector<1280x128xf32>
    %get3A_185 = arith.constant 0 : index
    %get3A_186 = arith.constant 0 : index
    %get3A_187 = vector.load %arg23[%get3A_185, %get3A_186] : memref<1x128xf32, #tpu.memory_space<vmem>>, vector<1x128xf32>
    %add3A_188 = vector.broadcast %get3A_187 : vector<1x128xf32> to vector<1280x128xf32>
    %add3A_189 = arith.addf %dot_general3A_184, %add3A_188 : vector<1280x128xf32>
    %integer_pow3A_190 = arith.mulf %add3A_189, %add3A_189 : vector<1280x128xf32>
    %integer_pow3A_191 = arith.mulf %add3A_189, %integer_pow3A_190 : vector<1280x128xf32>
    %mul3A_192 = arith.constant 4.471500e-02 : f32
    %mul3A_193 = vector.broadcast %mul3A_192 : f32 to vector<1280x128xf32>
    %mul3A_194 = arith.mulf %mul3A_193, %integer_pow3A_191 : vector<1280x128xf32>
    %add3A_195 = arith.addf %add3A_189, %mul3A_194 : vector<1280x128xf32>
    %mul3A_196 = arith.constant 0.797884583 : f32
    %mul3A_197 = vector.broadcast %mul3A_196 : f32 to vector<1280x128xf32>
    %mul3A_198 = arith.mulf %mul3A_197, %add3A_195 : vector<1280x128xf32>
    %tanh3A_199 = math.tanh %mul3A_198 : vector<1280x128xf32>
    %add3A_200 = arith.constant 1.000000e+00 : f32
    %add3A_201 = vector.broadcast %add3A_200 : f32 to vector<1280x128xf32>
    %add3A_202 = arith.addf %add3A_201, %tanh3A_199 : vector<1280x128xf32>
    %mul3A_203 = arith.constant 5.000000e-01 : f32
    %mul3A_204 = vector.broadcast %mul3A_203 : f32 to vector<1280x128xf32>
    %mul3A_205 = arith.mulf %mul3A_204, %add3A_202 : vector<1280x128xf32>
    %mul3A_206 = arith.mulf %add3A_189, %mul3A_205 : vector<1280x128xf32>
    %get3A_207 = arith.constant 0 : index
    %get3A_208 = arith.constant 0 : index
    %get3A_209 = vector.load %arg24[%get3A_207, %get3A_208] : memref<128x128xf32, #tpu.memory_space<vmem>>, vector<128x128xf32>
    %convert_element_type3A_210 = arith.truncf %mul3A_206 : vector<1280x128xf32> to vector<1280x128xbf16>
    %convert_element_type3A_211 = arith.truncf %get3A_209 : vector<128x128xf32> to vector<128x128xbf16>
    %dot_general3A_212 = arith.constant dense<0.000000e+00> : vector<1280x128xf32>
    %dot_general3A_213 = tpu.matmul %convert_element_type3A_210, %convert_element_type3A_211, %dot_general3A_212 {dimension_numbers = #tpu.dot_dimension_numbers<[1], [0], [0], [1], [0, 0, 1, 1], [], []>, transpose_lhs_hint = false} : vector<1280x128xbf16>, vector<128x128xbf16>, vector<1280x128xf32> -> vector<1280x128xf32>
    %get3A_214 = arith.constant 0 : index
    %get3A_215 = arith.constant 0 : index
    %get3A_216 = vector.load %arg25[%get3A_214, %get3A_215] : memref<1x128xf32, #tpu.memory_space<vmem>>, vector<1x128xf32>
    %add3A_217 = vector.broadcast %get3A_216 : vector<1x128xf32> to vector<1280x128xf32>
    %add3A_218 = arith.addf %dot_general3A_213, %add3A_217 : vector<1280x128xf32>
    %swap3A = arith.constant 0 : index
    %swap3A_219 = arith.constant 0 : index
    %swap3A_220 = vector.load %arg26[%swap3A, %swap3A_219] : memref<1280x4xf32, #tpu.memory_space<vmem>>, vector<1280x4xf32>
    tpu.vector_store %arg26[%swap3A, %swap3A_219], %add3A_140 {strides = array<i32>} : memref<1280x4xf32, #tpu.memory_space<vmem>>, vector<1280x4xf32>,
    %swap3A_221 = arith.constant 0 : index
    %swap3A_222 = arith.constant 0 : index
    %swap3A_223 = vector.load %arg27[%swap3A_221, %swap3A_222] : memref<1280x128xf32, #tpu.memory_space<vmem>>, vector<1280x128xf32>
    tpu.vector_store %arg27[%swap3A_221, %swap3A_222], %add3A_218 {strides = array<i32>} : memref<1280x128xf32, #tpu.memory_space<vmem>>, vector<1280x128xf32>,
    %reduce_max3A = vector.shape_cast %add3A_140 : vector<1280x4xf32> to vector<1x1280x4xf32>
    %reduce_max3A_224 = arith.constant dense<0xFF800000> : vector<1xf32>
    %reduce_max3A_225 = vector.multi_reduction <maximumf>, %reduce_max3A, %reduce_max3A_224 [1, 2] : vector<1x1280x4xf32> to vector<1xf32>
    %reduce_max3A_226 = vector.shape_cast %reduce_max3A_225 : vector<1xf32> to vector<1x1x1xf32>
    %reduce_max3A_227 = vector.extract %reduce_max3A_226[0, 0, 0] : f32 from vector<1x1x1xf32>
    %eq3A_228 = arith.constant 0 : i32
    %eq3A_229 = arith.cmpi eq, %arg0, %eq3A_228 : i32
    %convert_element_type3A_230 = arith.extui %eq3A_229 : i1 to i32
    %cond3A = arith.constant 0 : i32
    %cond3A_231 = arith.cmpi ne, %convert_element_type3A_230, %cond3A : i32
    scf.if %cond3A_231 {
      %broadcast_in_dim3A = arith.constant -3.000000e+38 : f32
      %broadcast_in_dim3A_239 = vector.broadcast %broadcast_in_dim3A : f32 to vector<8x128xf32>
      %swap3A_240 = arith.constant 0 : index
      %swap3A_241 = arith.constant 0 : index
      %swap3A_242 = vector.load %arg28[%swap3A_240, %swap3A_241] : memref<8x128xf32, #tpu.memory_space<vmem>>, vector<8x128xf32>
      tpu.vector_store %arg28[%swap3A_240, %swap3A_241], %broadcast_in_dim3A_239 {strides = array<i32>} : memref<8x128xf32, #tpu.memory_space<vmem>>, vector<8x128xf32>,
    } else {
    }
    %get3A_232 = arith.constant 0 : index
    %get3A_233 = arith.constant 0 : index
    %get3A_234 = vector.load %arg28[%get3A_232, %get3A_233] : memref<8x128xf32, #tpu.memory_space<vmem>>, vector<8x128xf32>
    %max3A = vector.broadcast %reduce_max3A_227 : f32 to vector<8x128xf32>
    %max3A_235 = arith.maximumf %get3A_234, %max3A : vector<8x128xf32>
    %swap3A_236 = arith.constant 0 : index
    %swap3A_237 = arith.constant 0 : index
    %swap3A_238 = vector.load %arg28[%swap3A_236, %swap3A_237] : memref<8x128xf32, #tpu.memory_space<vmem>>, vector<8x128xf32>
    tpu.vector_store %arg28[%swap3A_236, %swap3A_237], %max3A_235 {strides = array<i32>} : memref<8x128xf32, #tpu.memory_space<vmem>>, vector<8x128xf32>,
    return
  }
  func.func @transform_0(%arg0: i32) -> (i32, i32) {
    %c0_i32 = arith.constant 0 : i32
    %c0_i32_0 = arith.constant 0 : i32
    return %arg0, %c0_i32 : i32, i32
  }
  func.func @transform_1(%arg0: i32) -> (i32, i32) {
    %c0_i32 = arith.constant 0 : i32
    %c0_i32_0 = arith.constant 0 : i32
    return %arg0, %c0_i32 : i32, i32
  }
  func.func @transform_2(%arg0: i32) -> (i32, i32) {
    %c0_i32 = arith.constant 0 : i32
    %c0_i32_0 = arith.constant 0 : i32
    return %arg0, %c0_i32 : i32, i32
  }
  func.func @transform_3(%arg0: i32) -> (i32, i32) {
    %c0_i32 = arith.constant 0 : i32
    %c0_i32_0 = arith.constant 0 : i32
    %c0_i32_1 = arith.constant 0 : i32
    return %c0_i32, %c0_i32_0 : i32, i32
  }
  func.func @transform_4(%arg0: i32) -> (i32, i32) {
    %c0_i32 = arith.constant 0 : i32
    %c0_i32_0 = arith.constant 0 : i32
    %c0_i32_1 = arith.constant 0 : i32
    return %c0_i32, %c0_i32_0 : i32, i32
  }
  func.func @transform_5(%arg0: i32) -> (i32, i32) {
    %c0_i32 = arith.constant 0 : i32
    %c0_i32_0 = arith.constant 0 : i32
    %c0_i32_1 = arith.constant 0 : i32
    return %c0_i32, %c0_i32_0 : i32, i32
  }
  func.func @transform_6(%arg0: i32) -> (i32, i32) {
    %c0_i32 = arith.constant 0 : i32
    %c0_i32_0 = arith.constant 0 : i32
    %c0_i32_1 = arith.constant 0 : i32
    return %c0_i32, %c0_i32_0 : i32, i32
  }
  func.func @transform_7(%arg0: i32) -> (i32, i32) {
    %c0_i32 = arith.constant 0 : i32
    %c0_i32_0 = arith.constant 0 : i32
    return %arg0, %c0_i32 : i32, i32
  }
  func.func @transform_8(%arg0: i32) -> (i32, i32) {
    %c0_i32 = arith.constant 0 : i32
    %c0_i32_0 = arith.constant 0 : i32
    return %arg0, %c0_i32 : i32, i32
  }
  func.func @transform_9(%arg0: i32) -> (i32, i32) {
    %c0_i32 = arith.constant 0 : i32
    %c0_i32_0 = arith.constant 0 : i32
    %c0_i32_1 = arith.constant 0 : i32
    return %c0_i32, %c0_i32_0 : i32, i32
  }
  func.func @transform_10(%arg0: i32) -> (i32, i32) {
    %c0_i32 = arith.constant 0 : i32
    %c0_i32_0 = arith.constant 0 : i32
    %c0_i32_1 = arith.constant 0 : i32
    return %c0_i32, %c0_i32_0 : i32, i32
  }
  func.func @transform_11(%arg0: i32) -> (i32, i32) {
    %c0_i32 = arith.constant 0 : i32
    %c0_i32_0 = arith.constant 0 : i32
    %c0_i32_1 = arith.constant 0 : i32
    return %c0_i32, %c0_i32_0 : i32, i32
  }
  func.func @transform_12(%arg0: i32) -> (i32, i32) {
    %c0_i32 = arith.constant 0 : i32
    %c0_i32_0 = arith.constant 0 : i32
    %c0_i32_1 = arith.constant 0 : i32
    return %c0_i32, %c0_i32_0 : i32, i32
  }
  func.func @transform_13(%arg0: i32) -> (i32, i32) {
    %c0_i32 = arith.constant 0 : i32
    %c0_i32_0 = arith.constant 0 : i32
    %c0_i32_1 = arith.constant 0 : i32
    return %c0_i32, %c0_i32_0 : i32, i32
  }
  func.func @transform_14(%arg0: i32) -> (i32, i32) {
    %c0_i32 = arith.constant 0 : i32
    %c0_i32_0 = arith.constant 0 : i32
    %c0_i32_1 = arith.constant 0 : i32
    return %c0_i32, %c0_i32_0 : i32, i32
  }
  func.func @transform_15(%arg0: i32) -> (i32, i32) {
    %c0_i32 = arith.constant 0 : i32
    %c0_i32_0 = arith.constant 0 : i32
    %c0_i32_1 = arith.constant 0 : i32
    return %c0_i32, %c0_i32_0 : i32, i32
  }
  func.func @transform_16(%arg0: i32) -> (i32, i32) {
    %c0_i32 = arith.constant 0 : i32
    %c0_i32_0 = arith.constant 0 : i32
    %c0_i32_1 = arith.constant 0 : i32
    return %c0_i32, %c0_i32_0 : i32, i32
  }
  func.func @transform_17(%arg0: i32) -> (i32, i32) {
    %c0_i32 = arith.constant 0 : i32
    %c0_i32_0 = arith.constant 0 : i32
    %c0_i32_1 = arith.constant 0 : i32
    return %c0_i32, %c0_i32_0 : i32, i32
  }
  func.func @transform_18(%arg0: i32) -> (i32, i32) {
    %c0_i32 = arith.constant 0 : i32
    %c0_i32_0 = arith.constant 0 : i32
    %c0_i32_1 = arith.constant 0 : i32
    return %c0_i32, %c0_i32_0 : i32, i32
  }
  func.func @transform_19(%arg0: i32) -> (i32, i32) {
    %c0_i32 = arith.constant 0 : i32
    %c0_i32_0 = arith.constant 0 : i32
    %c0_i32_1 = arith.constant 0 : i32
    return %c0_i32, %c0_i32_0 : i32, i32
  }
  func.func @transform_20(%arg0: i32) -> (i32, i32) {
    %c0_i32 = arith.constant 0 : i32
    %c0_i32_0 = arith.constant 0 : i32
    %c0_i32_1 = arith.constant 0 : i32
    return %c0_i32, %c0_i32_0 : i32, i32
  }
  func.func @transform_21(%arg0: i32) -> (i32, i32) {
    %c0_i32 = arith.constant 0 : i32
    %c0_i32_0 = arith.constant 0 : i32
    %c0_i32_1 = arith.constant 0 : i32
    return %c0_i32, %c0_i32_0 : i32, i32
  }
  func.func @transform_22(%arg0: i32) -> (i32, i32) {
    %c0_i32 = arith.constant 0 : i32
    %c0_i32_0 = arith.constant 0 : i32
    %c0_i32_1 = arith.constant 0 : i32
    return %c0_i32, %c0_i32_0 : i32, i32
  }
  func.func @transform_23(%arg0: i32) -> (i32, i32) {
    %c0_i32 = arith.constant 0 : i32
    %c0_i32_0 = arith.constant 0 : i32
    %c0_i32_1 = arith.constant 0 : i32
    return %c0_i32, %c0_i32_0 : i32, i32
  }
  func.func @transform_24(%arg0: i32) -> (i32, i32) {
    %c0_i32 = arith.constant 0 : i32
    %c0_i32_0 = arith.constant 0 : i32
    %c0_i32_1 = arith.constant 0 : i32
    return %c0_i32, %c0_i32_0 : i32, i32
  }
  func.func @transform_25(%arg0: i32) -> (i32, i32) {
    %c0_i32 = arith.constant 0 : i32
    %c0_i32_0 = arith.constant 0 : i32
    return %arg0, %c0_i32 : i32, i32
  }
  func.func @transform_26(%arg0: i32) -> (i32, i32) {
    %c0_i32 = arith.constant 0 : i32
    %c0_i32_0 = arith.constant 0 : i32
    return %arg0, %c0_i32 : i32, i32
  }
  func.func @transform_27(%arg0: i32) -> (i32, i32) {
    %c0_i32 = arith.constant 0 : i32
    %c0_i32_0 = arith.constant 0 : i32
    %c0_i32_1 = arith.constant 0 : i32
    return %c0_i32, %c0_i32_0 : i32, i32
  }
}

module attributes {stable_mosaic.version = 14 : i64} {
  func.func @_weight_body(%arg0: i32, %arg1: memref<1280x4xf32, #tpu.memory_space<vmem>>, %arg2: memref<1280x128xf32, #tpu.memory_space<vmem>>, %arg3: memref<8x128xf32, #tpu.memory_space<vmem>>, %arg4: memref<1280x128xf32, #tpu.memory_space<vmem>>, %arg5: memref<1280x128xf32, #tpu.memory_space<vmem>>) attributes {dimension_semantics = [#tpu.dimension_semantics<arbitrary>], iteration_bounds = array<i64: 250>, scalar_prefetch = 0 : i64, scratch_operands = 0 : i64, tpu.core_type = #tpu.core_type<tc>, window_params = [{transform_indices = @transform_0, window_bounds = array<i64: 1280, 4>}, {transform_indices = @transform_1, window_bounds = array<i64: 1280, 128>}, {pipeline_mode = #tpu.pipeline_mode<synchronous>, transform_indices = @transform_2, window_bounds = array<i64: 8, 128>}, {transform_indices = @transform_3, window_bounds = array<i64: 1280, 128>}, {transform_indices = @transform_4, window_bounds = array<i64: 1280, 128>}]} {
    %iota3A = tpu.iota {dimensions = array<i32: 1>} : vector<4x128xi32>
    %jit3A = arith.constant 32 : i32
    %div3A = vector.broadcast %jit3A : i32 to vector<4x128xi32>
    %div3A_0 = arith.divsi %iota3A, %div3A : vector<4x128xi32>
    %sign3A = arith.constant 0 : i32
    %sign3A_1 = vector.broadcast %sign3A : i32 to vector<4x128xi32>
    %sign3A_2 = arith.cmpi sgt, %iota3A, %sign3A_1 : vector<4x128xi32>
    %sign3A_3 = arith.extui %sign3A_2 : vector<4x128xi1> to vector<4x128xi32>
    %sign3A_4 = arith.constant 0 : i32
    %sign3A_5 = vector.broadcast %sign3A_4 : i32 to vector<4x128xi32>
    %sign3A_6 = arith.cmpi slt, %iota3A, %sign3A_5 : vector<4x128xi32>
    %sign3A_7 = arith.extui %sign3A_6 : vector<4x128xi1> to vector<4x128xi32>
    %sign3A_8 = arith.subi %sign3A_3, %sign3A_7 : vector<4x128xi32>
    %sign3A_9 = arith.constant 0 : i32
    %sign3A_10 = arith.cmpi sgt, %jit3A, %sign3A_9 : i32
    %sign3A_11 = arith.extui %sign3A_10 : i1 to i32
    %sign3A_12 = arith.constant 0 : i32
    %sign3A_13 = arith.cmpi slt, %jit3A, %sign3A_12 : i32
    %sign3A_14 = arith.extui %sign3A_13 : i1 to i32
    %sign3A_15 = arith.subi %sign3A_11, %sign3A_14 : i32
    %ne3A = vector.broadcast %sign3A_15 : i32 to vector<4x128xi32>
    %ne3A_16 = arith.cmpi ne, %sign3A_8, %ne3A : vector<4x128xi32>
    %rem3A = vector.broadcast %jit3A : i32 to vector<4x128xi32>
    %rem3A_17 = arith.remsi %iota3A, %rem3A : vector<4x128xi32>
    %ne3A_18 = arith.constant 0 : i32
    %ne3A_19 = vector.broadcast %ne3A_18 : i32 to vector<4x128xi32>
    %ne3A_20 = arith.cmpi ne, %rem3A_17, %ne3A_19 : vector<4x128xi32>
    %and3A = arith.andi %ne3A_16, %ne3A_20 : vector<4x128xi1>
    %sub3A = arith.constant 1 : i32
    %sub3A_21 = vector.broadcast %sub3A : i32 to vector<4x128xi32>
    %sub3A_22 = arith.subi %div3A_0, %sub3A_21 : vector<4x128xi32>
    %select_n3A = arith.select %and3A, %sub3A_22, %div3A_0 : vector<4x128xi1>, vector<4x128xi32>
    %iota3A_23 = tpu.iota {dimensions = array<i32: 0>} : vector<4x128xi32>
    %eq3A = arith.cmpi eq, %select_n3A, %iota3A_23 : vector<4x128xi32>
    %convert_element_type3A = arith.extui %eq3A : vector<4x128xi1> to vector<4x128xi32>
    %convert_element_type3A_24 = arith.sitofp %convert_element_type3A : vector<4x128xi32> to vector<4x128xf32>
    %get3A = arith.constant 0 : index
    %get3A_25 = arith.constant 0 : index
    %get3A_26 = vector.load %arg1[%get3A, %get3A_25] : memref<1280x4xf32, #tpu.memory_space<vmem>>, vector<1280x4xf32>
    %get3A_27 = arith.constant 0 : index
    %get3A_28 = arith.constant 0 : index
    %get3A_29 = vector.load %arg3[%get3A_27, %get3A_28] : memref<8x128xf32, #tpu.memory_space<vmem>>, vector<1x1xf32>
    %sub3A_30 = vector.broadcast %get3A_29 : vector<1x1xf32> to vector<1280x4xf32>
    %sub3A_31 = arith.subf %get3A_26, %sub3A_30 : vector<1280x4xf32>
    %mul3A = arith.constant 0.176776692 : f32
    %mul3A_32 = vector.broadcast %mul3A : f32 to vector<1280x4xf32>
    %mul3A_33 = arith.mulf %sub3A_31, %mul3A_32 : vector<1280x4xf32>
    %exp3A = math.exp %mul3A_33 : vector<1280x4xf32>
    %dot_general3A = arith.constant dense<0.000000e+00> : vector<1280x128xf32>
    %dot_general3A_34 = tpu.matmul %exp3A, %convert_element_type3A_24, %dot_general3A {dimension_numbers = #tpu.dot_dimension_numbers<[1], [0], [0], [1], [0, 0, 1, 1], [], []>, transpose_lhs_hint = false} : vector<1280x4xf32>, vector<4x128xf32>, vector<1280x128xf32> -> vector<1280x128xf32>
    %swap3A = arith.constant 0 : index
    %swap3A_35 = arith.constant 0 : index
    %swap3A_36 = vector.load %arg5[%swap3A, %swap3A_35] : memref<1280x128xf32, #tpu.memory_space<vmem>>, vector<1280x128xf32>
    tpu.vector_store %arg5[%swap3A, %swap3A_35], %dot_general3A_34 {strides = array<i32>} : memref<1280x128xf32, #tpu.memory_space<vmem>>, vector<1280x128xf32>,
    %get3A_37 = arith.constant 0 : index
    %get3A_38 = arith.constant 0 : index
    %get3A_39 = vector.load %arg2[%get3A_37, %get3A_38] : memref<1280x128xf32, #tpu.memory_space<vmem>>, vector<1280x128xf32>
    %mul3A_40 = arith.mulf %dot_general3A_34, %get3A_39 : vector<1280x128xf32>
    %swap3A_41 = arith.constant 0 : index
    %swap3A_42 = arith.constant 0 : index
    %swap3A_43 = vector.load %arg4[%swap3A_41, %swap3A_42] : memref<1280x128xf32, #tpu.memory_space<vmem>>, vector<1280x128xf32>
    tpu.vector_store %arg4[%swap3A_41, %swap3A_42], %mul3A_40 {strides = array<i32>} : memref<1280x128xf32, #tpu.memory_space<vmem>>, vector<1280x128xf32>,
    return
  }
  func.func @transform_0(%arg0: i32) -> (i32, i32) {
    %c0_i32 = arith.constant 0 : i32
    %c0_i32_0 = arith.constant 0 : i32
    return %arg0, %c0_i32 : i32, i32
  }
  func.func @transform_1(%arg0: i32) -> (i32, i32) {
    %c0_i32 = arith.constant 0 : i32
    %c0_i32_0 = arith.constant 0 : i32
    return %arg0, %c0_i32 : i32, i32
  }
  func.func @transform_2(%arg0: i32) -> (i32, i32) {
    %c0_i32 = arith.constant 0 : i32
    %c0_i32_0 = arith.constant 0 : i32
    %c0_i32_1 = arith.constant 0 : i32
    return %c0_i32, %c0_i32_0 : i32, i32
  }
  func.func @transform_3(%arg0: i32) -> (i32, i32) {
    %c0_i32 = arith.constant 0 : i32
    %c0_i32_0 = arith.constant 0 : i32
    return %arg0, %c0_i32 : i32, i32
  }
  func.func @transform_4(%arg0: i32) -> (i32, i32) {
    %c0_i32 = arith.constant 0 : i32
    %c0_i32_0 = arith.constant 0 : i32
    return %arg0, %c0_i32 : i32, i32
  }
}

module attributes {stable_mosaic.version = 14 : i64} {
  func.func @_node_body_mid(%arg0: memref<10000x128xf32, #tpu.memory_space<vmem>>, %arg1: memref<16x128xf32, #tpu.memory_space<vmem>>, %arg2: memref<10000x128xf32, #tpu.memory_space<vmem>>, %arg3: memref<10000x128xf32, #tpu.memory_space<vmem>>, %arg4: memref<10000x128xf32, #tpu.memory_space<vmem>>, %arg5: memref<10000x128xf32, #tpu.memory_space<vmem>>, %arg6: memref<10000x1xi32, #tpu.memory_space<vmem>>, %arg7: memref<128x128xf32, #tpu.memory_space<vmem>>, %arg8: memref<1x128xf32, #tpu.memory_space<vmem>>, %arg9: memref<1x128xf32, #tpu.memory_space<vmem>>, %arg10: memref<128x512xf32, #tpu.memory_space<vmem>>, %arg11: memref<1x512xf32, #tpu.memory_space<vmem>>, %arg12: memref<512x128xf32, #tpu.memory_space<vmem>>, %arg13: memref<1x128xf32, #tpu.memory_space<vmem>>, %arg14: memref<1x128xf32, #tpu.memory_space<vmem>>, %arg15: memref<1x128xf32, #tpu.memory_space<vmem>>, %arg16: memref<128x128xf32, #tpu.memory_space<vmem>>, %arg17: memref<1x128xf32, #tpu.memory_space<vmem>>, %arg18: memref<128x128xf32, #tpu.memory_space<vmem>>, %arg19: memref<1x128xf32, #tpu.memory_space<vmem>>, %arg20: memref<128x128xf32, #tpu.memory_space<vmem>>, %arg21: memref<1x128xf32, #tpu.memory_space<vmem>>, %arg22: memref<10000x128xf32, #tpu.memory_space<vmem>>, %arg23: memref<16x128xf32, #tpu.memory_space<vmem>>) attributes {dimension_semantics = [], scalar_prefetch = 0 : i64, scratch_operands = 0 : i64, tpu.core_type = #tpu.core_type<tc>} {
    %get3A = arith.constant 0 : index
    %get3A_0 = arith.constant 0 : index
    %get3A_1 = vector.load %arg6[%get3A, %get3A_0] : memref<10000x1xi32, #tpu.memory_space<vmem>>, vector<10000x1xi32>
    %iota3A = tpu.iota {dimensions = array<i32: 1>} : vector<10000x16xi32>
    %eq3A = vector.broadcast %get3A_1 : vector<10000x1xi32> to vector<10000x16xi32>
    %eq3A_2 = arith.cmpi eq, %eq3A, %iota3A : vector<10000x16xi32>
    %convert_element_type3A = arith.extui %eq3A_2 : vector<10000x16xi1> to vector<10000x16xi32>
    %convert_element_type3A_3 = arith.sitofp %convert_element_type3A : vector<10000x16xi32> to vector<10000x16xf32>
    %get3A_4 = arith.constant 0 : index
    %get3A_5 = arith.constant 0 : index
    %get3A_6 = vector.load %arg0[%get3A_4, %get3A_5] : memref<10000x128xf32, #tpu.memory_space<vmem>>, vector<10000x128xf32>
    %get3A_7 = arith.constant 0 : index
    %get3A_8 = arith.constant 0 : index
    %get3A_9 = vector.load %arg1[%get3A_7, %get3A_8] : memref<16x128xf32, #tpu.memory_space<vmem>>, vector<16x128xf32>
    %dot_general3A = arith.constant dense<0.000000e+00> : vector<10000x128xf32>
    %dot_general3A_10 = tpu.matmul %convert_element_type3A_3, %get3A_9, %dot_general3A {dimension_numbers = #tpu.dot_dimension_numbers<[1], [0], [0], [1], [0, 0, 1, 1], [], []>, transpose_lhs_hint = false} : vector<10000x16xf32>, vector<16x128xf32>, vector<10000x128xf32> -> vector<10000x128xf32>
    %mul3A = arith.mulf %get3A_6, %dot_general3A_10 : vector<10000x128xf32>
    %get3A_11 = arith.constant 0 : index
    %get3A_12 = arith.constant 0 : index
    %get3A_13 = vector.load %arg4[%get3A_11, %get3A_12] : memref<10000x128xf32, #tpu.memory_space<vmem>>, vector<10000x128xf32>
    %get3A_14 = arith.constant 0 : index
    %get3A_15 = arith.constant 0 : index
    %get3A_16 = vector.load %arg5[%get3A_14, %get3A_15] : memref<10000x128xf32, #tpu.memory_space<vmem>>, vector<10000x128xf32>
    %add3A = arith.addf %get3A_13, %get3A_16 : vector<10000x128xf32>
    %get3A_17 = arith.constant 0 : index
    %get3A_18 = arith.constant 0 : index
    %get3A_19 = vector.load %arg2[%get3A_17, %get3A_18] : memref<10000x128xf32, #tpu.memory_space<vmem>>, vector<10000x128xf32>
    %get3A_20 = arith.constant 0 : index
    %get3A_21 = arith.constant 0 : index
    %get3A_22 = vector.load %arg3[%get3A_20, %get3A_21] : memref<10000x128xf32, #tpu.memory_space<vmem>>, vector<10000x128xf32>
    %add3A_23 = arith.addf %get3A_19, %get3A_22 : vector<10000x128xf32>
    %gt3A = arith.constant 0.000000e+00 : f32
    %gt3A_24 = vector.broadcast %gt3A : f32 to vector<10000x128xf32>
    %gt3A_25 = arith.cmpf ogt, %add3A, %gt3A_24 : vector<10000x128xf32>
    %div3A = arith.divf %add3A_23, %add3A : vector<10000x128xf32>
    %jit3A = arith.constant 0.000000e+00 : f32
    %broadcast_in_dim3A = vector.broadcast %jit3A : f32 to vector<10000x128xf32>
    %select_n3A = arith.select %gt3A_25, %div3A, %broadcast_in_dim3A : vector<10000x128xi1>, vector<10000x128xf32>
    %get3A_26 = arith.constant 0 : index
    %get3A_27 = arith.constant 0 : index
    %get3A_28 = vector.load %arg7[%get3A_26, %get3A_27] : memref<128x128xf32, #tpu.memory_space<vmem>>, vector<128x128xf32>
    %dot_general3A_29 = arith.constant dense<0.000000e+00> : vector<10000x128xf32>
    %dot_general3A_30 = tpu.matmul %select_n3A, %get3A_28, %dot_general3A_29 {dimension_numbers = #tpu.dot_dimension_numbers<[1], [0], [0], [1], [0, 0, 1, 1], [], []>, transpose_lhs_hint = false} : vector<10000x128xf32>, vector<128x128xf32>, vector<10000x128xf32> -> vector<10000x128xf32>
    %add3A_31 = arith.addf %mul3A, %dot_general3A_30 : vector<10000x128xf32>
    %reduce_sum3A = arith.constant dense<0.000000e+00> : vector<128xf32>
    %reduce_sum3A_32 = vector.multi_reduction <add>, %add3A_31, %reduce_sum3A [0] : vector<10000x128xf32> to vector<128xf32>
    %broadcast_in_dim3A_33 = vector.shape_cast %reduce_sum3A_32 : vector<128xf32> to vector<1x128xf32>
    %div3A_34 = arith.constant 1.000000e+04 : f32
    %div3A_35 = vector.broadcast %div3A_34 : f32 to vector<1x128xf32>
    %div3A_36 = arith.divf %broadcast_in_dim3A_33, %div3A_35 : vector<1x128xf32>
    %sub3A = vector.broadcast %div3A_36 : vector<1x128xf32> to vector<10000x128xf32>
    %sub3A_37 = arith.subf %add3A_31, %sub3A : vector<10000x128xf32>
    %mul3A_38 = arith.mulf %sub3A_37, %sub3A_37 : vector<10000x128xf32>
    %reduce_sum3A_39 = arith.constant dense<0.000000e+00> : vector<128xf32>
    %reduce_sum3A_40 = vector.multi_reduction <add>, %mul3A_38, %reduce_sum3A_39 [0] : vector<10000x128xf32> to vector<128xf32>
    %broadcast_in_dim3A_41 = vector.shape_cast %reduce_sum3A_40 : vector<128xf32> to vector<1x128xf32>
    %div3A_42 = arith.constant 1.000000e+04 : f32
    %div3A_43 = vector.broadcast %div3A_42 : f32 to vector<1x128xf32>
    %div3A_44 = arith.divf %broadcast_in_dim3A_41, %div3A_43 : vector<1x128xf32>
    %add3A_45 = arith.constant 9.99999974E-6 : f32
    %add3A_46 = vector.broadcast %add3A_45 : f32 to vector<1x128xf32>
    %add3A_47 = arith.addf %div3A_44, %add3A_46 : vector<1x128xf32>
    %rsqrt3A = math.rsqrt %add3A_47 : vector<1x128xf32>
    %mul3A_48 = vector.broadcast %rsqrt3A : vector<1x128xf32> to vector<10000x128xf32>
    %mul3A_49 = arith.mulf %sub3A_37, %mul3A_48 : vector<10000x128xf32>
    %get3A_50 = arith.constant 0 : index
    %get3A_51 = arith.constant 0 : index
    %get3A_52 = vector.load %arg8[%get3A_50, %get3A_51] : memref<1x128xf32, #tpu.memory_space<vmem>>, vector<1x128xf32>
    %mul3A_53 = vector.broadcast %get3A_52 : vector<1x128xf32> to vector<10000x128xf32>
    %mul3A_54 = arith.mulf %mul3A_49, %mul3A_53 : vector<10000x128xf32>
    %get3A_55 = arith.constant 0 : index
    %get3A_56 = arith.constant 0 : index
    %get3A_57 = vector.load %arg9[%get3A_55, %get3A_56] : memref<1x128xf32, #tpu.memory_space<vmem>>, vector<1x128xf32>
    %add3A_58 = vector.broadcast %get3A_57 : vector<1x128xf32> to vector<10000x128xf32>
    %add3A_59 = arith.addf %mul3A_54, %add3A_58 : vector<10000x128xf32>
    %get3A_60 = arith.constant 0 : index
    %get3A_61 = arith.constant 0 : index
    %get3A_62 = vector.load %arg13[%get3A_60, %get3A_61] : memref<1x128xf32, #tpu.memory_space<vmem>>, vector<1x128xf32>
    %get3A_63 = arith.constant 0 : index
    %get3A_64 = arith.constant 0 : index
    %get3A_65 = vector.load %arg10[%get3A_63, %get3A_64] : memref<128x512xf32, #tpu.memory_space<vmem>>, vector<128x128xf32>
    %dot_general3A_66 = arith.constant dense<0.000000e+00> : vector<10000x128xf32>
    %dot_general3A_67 = tpu.matmul %add3A_59, %get3A_65, %dot_general3A_66 {dimension_numbers = #tpu.dot_dimension_numbers<[1], [0], [0], [1], [0, 0, 1, 1], [], []>, transpose_lhs_hint = false} : vector<10000x128xf32>, vector<128x128xf32>, vector<10000x128xf32> -> vector<10000x128xf32>
    %get3A_68 = arith.constant 0 : index
    %get3A_69 = arith.constant 0 : index
    %get3A_70 = vector.load %arg11[%get3A_68, %get3A_69] : memref<1x512xf32, #tpu.memory_space<vmem>>, vector<1x128xf32>
    %add3A_71 = vector.broadcast %get3A_70 : vector<1x128xf32> to vector<10000x128xf32>
    %add3A_72 = arith.addf %dot_general3A_67, %add3A_71 : vector<10000x128xf32>
    %max3A = arith.constant 0.000000e+00 : f32
    %max3A_73 = vector.broadcast %max3A : f32 to vector<10000x128xf32>
    %max3A_74 = arith.maximumf %add3A_72, %max3A_73 : vector<10000x128xf32>
    %get3A_75 = arith.constant 0 : index
    %get3A_76 = arith.constant 0 : index
    %get3A_77 = vector.load %arg12[%get3A_75, %get3A_76] : memref<512x128xf32, #tpu.memory_space<vmem>>, vector<128x128xf32>
    %dot_general3A_78 = arith.constant dense<0.000000e+00> : vector<10000x128xf32>
    %dot_general3A_79 = tpu.matmul %max3A_74, %get3A_77, %dot_general3A_78 {dimension_numbers = #tpu.dot_dimension_numbers<[1], [0], [0], [1], [0, 0, 1, 1], [], []>, transpose_lhs_hint = false} : vector<10000x128xf32>, vector<128x128xf32>, vector<10000x128xf32> -> vector<10000x128xf32>
    %add3A_80 = vector.broadcast %get3A_62 : vector<1x128xf32> to vector<10000x128xf32>
    %add3A_81 = arith.addf %add3A_80, %dot_general3A_79 : vector<10000x128xf32>
    %get3A_82 = arith.constant 0 : index
    %get3A_83 = arith.constant 128 : index
    %get3A_84 = vector.load %arg10[%get3A_82, %get3A_83] : memref<128x512xf32, #tpu.memory_space<vmem>>, vector<128x128xf32>
    %dot_general3A_85 = arith.constant dense<0.000000e+00> : vector<10000x128xf32>
    %dot_general3A_86 = tpu.matmul %add3A_59, %get3A_84, %dot_general3A_85 {dimension_numbers = #tpu.dot_dimension_numbers<[1], [0], [0], [1], [0, 0, 1, 1], [], []>, transpose_lhs_hint = false} : vector<10000x128xf32>, vector<128x128xf32>, vector<10000x128xf32> -> vector<10000x128xf32>
    %get3A_87 = arith.constant 0 : index
    %get3A_88 = arith.constant 128 : index
    %get3A_89 = vector.load %arg11[%get3A_87, %get3A_88] : memref<1x512xf32, #tpu.memory_space<vmem>>, vector<1x128xf32>
    %add3A_90 = vector.broadcast %get3A_89 : vector<1x128xf32> to vector<10000x128xf32>
    %add3A_91 = arith.addf %dot_general3A_86, %add3A_90 : vector<10000x128xf32>
    %max3A_92 = arith.constant 0.000000e+00 : f32
    %max3A_93 = vector.broadcast %max3A_92 : f32 to vector<10000x128xf32>
    %max3A_94 = arith.maximumf %add3A_91, %max3A_93 : vector<10000x128xf32>
    %get3A_95 = arith.constant 128 : index
    %get3A_96 = arith.constant 0 : index
    %get3A_97 = vector.load %arg12[%get3A_95, %get3A_96] : memref<512x128xf32, #tpu.memory_space<vmem>>, vector<128x128xf32>
    %dot_general3A_98 = arith.constant dense<0.000000e+00> : vector<10000x128xf32>
    %dot_general3A_99 = tpu.matmul %max3A_94, %get3A_97, %dot_general3A_98 {dimension_numbers = #tpu.dot_dimension_numbers<[1], [0], [0], [1], [0, 0, 1, 1], [], []>, transpose_lhs_hint = false} : vector<10000x128xf32>, vector<128x128xf32>, vector<10000x128xf32> -> vector<10000x128xf32>
    %add3A_100 = arith.addf %add3A_81, %dot_general3A_99 : vector<10000x128xf32>
    %get3A_101 = arith.constant 0 : index
    %get3A_102 = arith.constant 256 : index
    %get3A_103 = vector.load %arg10[%get3A_101, %get3A_102] : memref<128x512xf32, #tpu.memory_space<vmem>>, vector<128x128xf32>
    %dot_general3A_104 = arith.constant dense<0.000000e+00> : vector<10000x128xf32>
    %dot_general3A_105 = tpu.matmul %add3A_59, %get3A_103, %dot_general3A_104 {dimension_numbers = #tpu.dot_dimension_numbers<[1], [0], [0], [1], [0, 0, 1, 1], [], []>, transpose_lhs_hint = false} : vector<10000x128xf32>, vector<128x128xf32>, vector<10000x128xf32> -> vector<10000x128xf32>
    %get3A_106 = arith.constant 0 : index
    %get3A_107 = arith.constant 256 : index
    %get3A_108 = vector.load %arg11[%get3A_106, %get3A_107] : memref<1x512xf32, #tpu.memory_space<vmem>>, vector<1x128xf32>
    %add3A_109 = vector.broadcast %get3A_108 : vector<1x128xf32> to vector<10000x128xf32>
    %add3A_110 = arith.addf %dot_general3A_105, %add3A_109 : vector<10000x128xf32>
    %max3A_111 = arith.constant 0.000000e+00 : f32
    %max3A_112 = vector.broadcast %max3A_111 : f32 to vector<10000x128xf32>
    %max3A_113 = arith.maximumf %add3A_110, %max3A_112 : vector<10000x128xf32>
    %get3A_114 = arith.constant 256 : index
    %get3A_115 = arith.constant 0 : index
    %get3A_116 = vector.load %arg12[%get3A_114, %get3A_115] : memref<512x128xf32, #tpu.memory_space<vmem>>, vector<128x128xf32>
    %dot_general3A_117 = arith.constant dense<0.000000e+00> : vector<10000x128xf32>
    %dot_general3A_118 = tpu.matmul %max3A_113, %get3A_116, %dot_general3A_117 {dimension_numbers = #tpu.dot_dimension_numbers<[1], [0], [0], [1], [0, 0, 1, 1], [], []>, transpose_lhs_hint = false} : vector<10000x128xf32>, vector<128x128xf32>, vector<10000x128xf32> -> vector<10000x128xf32>
    %add3A_119 = arith.addf %add3A_100, %dot_general3A_118 : vector<10000x128xf32>
    %get3A_120 = arith.constant 0 : index
    %get3A_121 = arith.constant 384 : index
    %get3A_122 = vector.load %arg10[%get3A_120, %get3A_121] : memref<128x512xf32, #tpu.memory_space<vmem>>, vector<128x128xf32>
    %dot_general3A_123 = arith.constant dense<0.000000e+00> : vector<10000x128xf32>
    %dot_general3A_124 = tpu.matmul %add3A_59, %get3A_122, %dot_general3A_123 {dimension_numbers = #tpu.dot_dimension_numbers<[1], [0], [0], [1], [0, 0, 1, 1], [], []>, transpose_lhs_hint = false} : vector<10000x128xf32>, vector<128x128xf32>, vector<10000x128xf32> -> vector<10000x128xf32>
    %get3A_125 = arith.constant 0 : index
    %get3A_126 = arith.constant 384 : index
    %get3A_127 = vector.load %arg11[%get3A_125, %get3A_126] : memref<1x512xf32, #tpu.memory_space<vmem>>, vector<1x128xf32>
    %add3A_128 = vector.broadcast %get3A_127 : vector<1x128xf32> to vector<10000x128xf32>
    %add3A_129 = arith.addf %dot_general3A_124, %add3A_128 : vector<10000x128xf32>
    %max3A_130 = arith.constant 0.000000e+00 : f32
    %max3A_131 = vector.broadcast %max3A_130 : f32 to vector<10000x128xf32>
    %max3A_132 = arith.maximumf %add3A_129, %max3A_131 : vector<10000x128xf32>
    %get3A_133 = arith.constant 384 : index
    %get3A_134 = arith.constant 0 : index
    %get3A_135 = vector.load %arg12[%get3A_133, %get3A_134] : memref<512x128xf32, #tpu.memory_space<vmem>>, vector<128x128xf32>
    %dot_general3A_136 = arith.constant dense<0.000000e+00> : vector<10000x128xf32>
    %dot_general3A_137 = tpu.matmul %max3A_132, %get3A_135, %dot_general3A_136 {dimension_numbers = #tpu.dot_dimension_numbers<[1], [0], [0], [1], [0, 0, 1, 1], [], []>, transpose_lhs_hint = false} : vector<10000x128xf32>, vector<128x128xf32>, vector<10000x128xf32> -> vector<10000x128xf32>
    %add3A_138 = arith.addf %add3A_119, %dot_general3A_137 : vector<10000x128xf32>
    %add3A_139 = arith.addf %add3A_59, %add3A_138 : vector<10000x128xf32>
    %reduce_sum3A_140 = arith.constant dense<0.000000e+00> : vector<128xf32>
    %reduce_sum3A_141 = vector.multi_reduction <add>, %add3A_139, %reduce_sum3A_140 [0] : vector<10000x128xf32> to vector<128xf32>
    %broadcast_in_dim3A_142 = vector.shape_cast %reduce_sum3A_141 : vector<128xf32> to vector<1x128xf32>
    %div3A_143 = arith.constant 1.000000e+04 : f32
    %div3A_144 = vector.broadcast %div3A_143 : f32 to vector<1x128xf32>
    %div3A_145 = arith.divf %broadcast_in_dim3A_142, %div3A_144 : vector<1x128xf32>
    %sub3A_146 = vector.broadcast %div3A_145 : vector<1x128xf32> to vector<10000x128xf32>
    %sub3A_147 = arith.subf %add3A_139, %sub3A_146 : vector<10000x128xf32>
    %mul3A_148 = arith.mulf %sub3A_147, %sub3A_147 : vector<10000x128xf32>
    %reduce_sum3A_149 = arith.constant dense<0.000000e+00> : vector<128xf32>
    %reduce_sum3A_150 = vector.multi_reduction <add>, %mul3A_148, %reduce_sum3A_149 [0] : vector<10000x128xf32> to vector<128xf32>
    %broadcast_in_dim3A_151 = vector.shape_cast %reduce_sum3A_150 : vector<128xf32> to vector<1x128xf32>
    %div3A_152 = arith.constant 1.000000e+04 : f32
    %div3A_153 = vector.broadcast %div3A_152 : f32 to vector<1x128xf32>
    %div3A_154 = arith.divf %broadcast_in_dim3A_151, %div3A_153 : vector<1x128xf32>
    %add3A_155 = arith.constant 9.99999974E-6 : f32
    %add3A_156 = vector.broadcast %add3A_155 : f32 to vector<1x128xf32>
    %add3A_157 = arith.addf %div3A_154, %add3A_156 : vector<1x128xf32>
    %rsqrt3A_158 = math.rsqrt %add3A_157 : vector<1x128xf32>
    %mul3A_159 = vector.broadcast %rsqrt3A_158 : vector<1x128xf32> to vector<10000x128xf32>
    %mul3A_160 = arith.mulf %sub3A_147, %mul3A_159 : vector<10000x128xf32>
    %get3A_161 = arith.constant 0 : index
    %get3A_162 = arith.constant 0 : index
    %get3A_163 = vector.load %arg14[%get3A_161, %get3A_162] : memref<1x128xf32, #tpu.memory_space<vmem>>, vector<1x128xf32>
    %mul3A_164 = vector.broadcast %get3A_163 : vector<1x128xf32> to vector<10000x128xf32>
    %mul3A_165 = arith.mulf %mul3A_160, %mul3A_164 : vector<10000x128xf32>
    %get3A_166 = arith.constant 0 : index
    %get3A_167 = arith.constant 0 : index
    %get3A_168 = vector.load %arg15[%get3A_166, %get3A_167] : memref<1x128xf32, #tpu.memory_space<vmem>>, vector<1x128xf32>
    %add3A_169 = vector.broadcast %get3A_168 : vector<1x128xf32> to vector<10000x128xf32>
    %add3A_170 = arith.addf %mul3A_165, %add3A_169 : vector<10000x128xf32>
    %dot_general3A_171 = arith.constant dense<0.000000e+00> : vector<16x128xf32>
    %dot_general3A_172 = tpu.matmul %convert_element_type3A_3, %add3A_170, %dot_general3A_171 {dimension_numbers = #tpu.dot_dimension_numbers<[0], [0], [1], [1], [0, 1, 1, 1], [], []>, transpose_lhs_hint = false} : vector<10000x16xf32>, vector<10000x128xf32>, vector<16x128xf32> -> vector<16x128xf32>
    %broadcast_in_dim3A_173 = arith.constant 1.000000e+00 : f32
    %broadcast_in_dim3A_174 = vector.broadcast %broadcast_in_dim3A_173 : f32 to vector<10000x1xf32>
    %dot_general3A_175 = arith.constant dense<0.000000e+00> : vector<16x1xf32>
    %dot_general3A_176 = tpu.matmul %convert_element_type3A_3, %broadcast_in_dim3A_174, %dot_general3A_175 {dimension_numbers = #tpu.dot_dimension_numbers<[0], [0], [1], [1], [0, 1, 1, 1], [], []>, transpose_lhs_hint = false} : vector<10000x16xf32>, vector<10000x1xf32>, vector<16x1xf32> -> vector<16x1xf32>
    %max3A_177 = arith.constant 1.000000e+00 : f32
    %max3A_178 = vector.broadcast %max3A_177 : f32 to vector<16x1xf32>
    %max3A_179 = arith.maximumf %dot_general3A_176, %max3A_178 : vector<16x1xf32>
    %div3A_180 = vector.broadcast %max3A_179 : vector<16x1xf32> to vector<16x128xf32>
    %div3A_181 = arith.divf %dot_general3A_172, %div3A_180 : vector<16x128xf32>
    %get3A_182 = arith.constant 0 : index
    %get3A_183 = arith.constant 0 : index
    %get3A_184 = vector.load %arg16[%get3A_182, %get3A_183] : memref<128x128xf32, #tpu.memory_space<vmem>>, vector<128x128xf32>
    %dot_general3A_185 = arith.constant dense<0.000000e+00> : vector<16x128xf32>
    %dot_general3A_186 = tpu.matmul %div3A_181, %get3A_184, %dot_general3A_185 {dimension_numbers = #tpu.dot_dimension_numbers<[1], [0], [0], [1], [0, 0, 1, 1], [], []>, transpose_lhs_hint = false} : vector<16x128xf32>, vector<128x128xf32>, vector<16x128xf32> -> vector<16x128xf32>
    %get3A_187 = arith.constant 0 : index
    %get3A_188 = arith.constant 0 : index
    %get3A_189 = vector.load %arg17[%get3A_187, %get3A_188] : memref<1x128xf32, #tpu.memory_space<vmem>>, vector<1x128xf32>
    %add3A_190 = vector.broadcast %get3A_189 : vector<1x128xf32> to vector<16x128xf32>
    %add3A_191 = arith.addf %dot_general3A_186, %add3A_190 : vector<16x128xf32>
    %max3A_192 = arith.constant 0.000000e+00 : f32
    %max3A_193 = vector.broadcast %max3A_192 : f32 to vector<16x128xf32>
    %max3A_194 = arith.maximumf %add3A_191, %max3A_193 : vector<16x128xf32>
    %get3A_195 = arith.constant 0 : index
    %get3A_196 = arith.constant 0 : index
    %get3A_197 = vector.load %arg18[%get3A_195, %get3A_196] : memref<128x128xf32, #tpu.memory_space<vmem>>, vector<128x128xf32>
    %dot_general3A_198 = arith.constant dense<0.000000e+00> : vector<16x128xf32>
    %dot_general3A_199 = tpu.matmul %max3A_194, %get3A_197, %dot_general3A_198 {dimension_numbers = #tpu.dot_dimension_numbers<[1], [0], [0], [1], [0, 0, 1, 1], [], []>, transpose_lhs_hint = false} : vector<16x128xf32>, vector<128x128xf32>, vector<16x128xf32> -> vector<16x128xf32>
    %get3A_200 = arith.constant 0 : index
    %get3A_201 = arith.constant 0 : index
    %get3A_202 = vector.load %arg19[%get3A_200, %get3A_201] : memref<1x128xf32, #tpu.memory_space<vmem>>, vector<1x128xf32>
    %add3A_203 = vector.broadcast %get3A_202 : vector<1x128xf32> to vector<16x128xf32>
    %add3A_204 = arith.addf %dot_general3A_199, %add3A_203 : vector<16x128xf32>
    %max3A_205 = arith.constant 0.000000e+00 : f32
    %max3A_206 = vector.broadcast %max3A_205 : f32 to vector<16x128xf32>
    %max3A_207 = arith.maximumf %add3A_204, %max3A_206 : vector<16x128xf32>
    %get3A_208 = arith.constant 0 : index
    %get3A_209 = arith.constant 0 : index
    %get3A_210 = vector.load %arg20[%get3A_208, %get3A_209] : memref<128x128xf32, #tpu.memory_space<vmem>>, vector<128x128xf32>
    %dot_general3A_211 = arith.constant dense<0.000000e+00> : vector<16x128xf32>
    %dot_general3A_212 = tpu.matmul %max3A_207, %get3A_210, %dot_general3A_211 {dimension_numbers = #tpu.dot_dimension_numbers<[1], [0], [0], [1], [0, 0, 1, 1], [], []>, transpose_lhs_hint = false} : vector<16x128xf32>, vector<128x128xf32>, vector<16x128xf32> -> vector<16x128xf32>
    %get3A_213 = arith.constant 0 : index
    %get3A_214 = arith.constant 0 : index
    %get3A_215 = vector.load %arg21[%get3A_213, %get3A_214] : memref<1x128xf32, #tpu.memory_space<vmem>>, vector<1x128xf32>
    %add3A_216 = vector.broadcast %get3A_215 : vector<1x128xf32> to vector<16x128xf32>
    %add3A_217 = arith.addf %dot_general3A_212, %add3A_216 : vector<16x128xf32>
    %logistic3A = arith.negf %add3A_217 : vector<16x128xf32>
    %logistic3A_218 = math.exp %logistic3A : vector<16x128xf32>
    %logistic3A_219 = arith.constant 1.000000e+00 : f32
    %logistic3A_220 = vector.broadcast %logistic3A_219 : f32 to vector<16x128xf32>
    %logistic3A_221 = arith.addf %logistic3A_220, %logistic3A_218 : vector<16x128xf32>
    %logistic3A_222 = arith.divf %logistic3A_220, %logistic3A_221 : vector<16x128xf32>
    %swap3A = arith.constant 0 : index
    %swap3A_223 = arith.constant 0 : index
    %swap3A_224 = vector.load %arg22[%swap3A, %swap3A_223] : memref<10000x128xf32, #tpu.memory_space<vmem>>, vector<10000x128xf32>
    tpu.vector_store %arg22[%swap3A, %swap3A_223], %add3A_170 {strides = array<i32>} : memref<10000x128xf32, #tpu.memory_space<vmem>>, vector<10000x128xf32>,
    %swap3A_225 = arith.constant 0 : index
    %swap3A_226 = arith.constant 0 : index
    %swap3A_227 = vector.load %arg23[%swap3A_225, %swap3A_226] : memref<16x128xf32, #tpu.memory_space<vmem>>, vector<16x128xf32>
    tpu.vector_store %arg23[%swap3A_225, %swap3A_226], %logistic3A_222 {strides = array<i32>} : memref<16x128xf32, #tpu.memory_space<vmem>>, vector<16x128xf32>,
    return
  }
}

module attributes {stable_mosaic.version = 14 : i64} {
  func.func @_eupd_body(%arg0: i32, %arg1: memref<1280x128xf32, #tpu.memory_space<vmem>>, %arg2: memref<1280x128xf32, #tpu.memory_space<vmem>>, %arg3: memref<1280x128xf32, #tpu.memory_space<vmem>>, %arg4: memref<8x128xf32, #tpu.memory_space<vmem>>, %arg5: memref<8x128xf32, #tpu.memory_space<vmem>>, %arg6: memref<1x128xf32, #tpu.memory_space<vmem>>, %arg7: memref<1x128xf32, #tpu.memory_space<vmem>>, %arg8: memref<128x128xf32, #tpu.memory_space<vmem>>, %arg9: memref<128x128xf32, #tpu.memory_space<vmem>>, %arg10: memref<128x128xf32, #tpu.memory_space<vmem>>, %arg11: memref<1x128xf32, #tpu.memory_space<vmem>>, %arg12: memref<128x128xf32, #tpu.memory_space<vmem>>, %arg13: memref<1x128xf32, #tpu.memory_space<vmem>>, %arg14: memref<128x128xf32, #tpu.memory_space<vmem>>, %arg15: memref<1x128xf32, #tpu.memory_space<vmem>>, %arg16: memref<1280x128xf32, #tpu.memory_space<vmem>>, %arg17: memref<8x128xf32, #tpu.memory_space<vmem>>, %arg18: memref<8x128xf32, #tpu.memory_space<vmem>>) attributes {dimension_semantics = [#tpu.dimension_semantics<arbitrary>], iteration_bounds = array<i64: 250>, scalar_prefetch = 0 : i64, scratch_operands = 0 : i64, tpu.core_type = #tpu.core_type<tc>, window_params = [{transform_indices = @transform_0, window_bounds = array<i64: 1280, 128>}, {transform_indices = @transform_1, window_bounds = array<i64: 1280, 128>}, {transform_indices = @transform_2, window_bounds = array<i64: 1280, 128>}, {pipeline_mode = #tpu.pipeline_mode<synchronous>, transform_indices = @transform_3, window_bounds = array<i64: 8, 128>}, {pipeline_mode = #tpu.pipeline_mode<synchronous>, transform_indices = @transform_4, window_bounds = array<i64: 8, 128>}, {pipeline_mode = #tpu.pipeline_mode<synchronous>, transform_indices = @transform_5, window_bounds = array<i64: 1, 128>}, {pipeline_mode = #tpu.pipeline_mode<synchronous>, transform_indices = @transform_6, window_bounds = array<i64: 1, 128>}, {pipeline_mode = #tpu.pipeline_mode<synchronous>, transform_indices = @transform_7, window_bounds = array<i64: 128, 128>}, {pipeline_mode = #tpu.pipeline_mode<synchronous>, transform_indices = @transform_8, window_bounds = array<i64: 128, 128>}, {pipeline_mode = #tpu.pipeline_mode<synchronous>, transform_indices = @transform_9, window_bounds = array<i64: 128, 128>}, {pipeline_mode = #tpu.pipeline_mode<synchronous>, transform_indices = @transform_10, window_bounds = array<i64: 1, 128>}, {pipeline_mode = #tpu.pipeline_mode<synchronous>, transform_indices = @transform_11, window_bounds = array<i64: 128, 128>}, {pipeline_mode = #tpu.pipeline_mode<synchronous>, transform_indices = @transform_12, window_bounds = array<i64: 1, 128>}, {pipeline_mode = #tpu.pipeline_mode<synchronous>, transform_indices = @transform_13, window_bounds = array<i64: 128, 128>}, {pipeline_mode = #tpu.pipeline_mode<synchronous>, transform_indices = @transform_14, window_bounds = array<i64: 1, 128>}, {transform_indices = @transform_15, window_bounds = array<i64: 1280, 128>}, {pipeline_mode = #tpu.pipeline_mode<synchronous>, transform_indices = @transform_16, window_bounds = array<i64: 8, 128>}, {pipeline_mode = #tpu.pipeline_mode<synchronous>, transform_indices = @transform_17, window_bounds = array<i64: 8, 128>}]} {
    %get3A = arith.constant 0 : index
    %get3A_0 = arith.constant 0 : index
    %get3A_1 = vector.load %arg4[%get3A, %get3A_0] : memref<8x128xf32, #tpu.memory_space<vmem>>, vector<1x128xf32>
    %mul3A = arith.constant 3.125000e-06 : f32
    %mul3A_2 = vector.broadcast %mul3A : f32 to vector<1x128xf32>
    %mul3A_3 = arith.mulf %get3A_1, %mul3A_2 : vector<1x128xf32>
    %get3A_4 = arith.constant 0 : index
    %get3A_5 = arith.constant 0 : index
    %get3A_6 = vector.load %arg5[%get3A_4, %get3A_5] : memref<8x128xf32, #tpu.memory_space<vmem>>, vector<1x128xf32>
    %mul3A_7 = arith.constant 3.125000e-06 : f32
    %mul3A_8 = vector.broadcast %mul3A_7 : f32 to vector<1x128xf32>
    %mul3A_9 = arith.mulf %get3A_6, %mul3A_8 : vector<1x128xf32>
    %mul3A_10 = arith.mulf %mul3A_3, %mul3A_3 : vector<1x128xf32>
    %sub3A = arith.subf %mul3A_9, %mul3A_10 : vector<1x128xf32>
    %get3A_11 = arith.constant 0 : index
    %get3A_12 = arith.constant 0 : index
    %get3A_13 = vector.load %arg2[%get3A_11, %get3A_12] : memref<1280x128xf32, #tpu.memory_space<vmem>>, vector<1280x128xf32>
    %sub3A_14 = vector.broadcast %mul3A_3 : vector<1x128xf32> to vector<1280x128xf32>
    %sub3A_15 = arith.subf %get3A_13, %sub3A_14 : vector<1280x128xf32>
    %add3A = arith.constant 9.99999974E-6 : f32
    %add3A_16 = vector.broadcast %add3A : f32 to vector<1x128xf32>
    %add3A_17 = arith.addf %sub3A, %add3A_16 : vector<1x128xf32>
    %rsqrt3A = math.rsqrt %add3A_17 : vector<1x128xf32>
    %mul3A_18 = vector.broadcast %rsqrt3A : vector<1x128xf32> to vector<1280x128xf32>
    %mul3A_19 = arith.mulf %sub3A_15, %mul3A_18 : vector<1280x128xf32>
    %get3A_20 = arith.constant 0 : index
    %get3A_21 = arith.constant 0 : index
    %get3A_22 = vector.load %arg6[%get3A_20, %get3A_21] : memref<1x128xf32, #tpu.memory_space<vmem>>, vector<1x128xf32>
    %mul3A_23 = vector.broadcast %get3A_22 : vector<1x128xf32> to vector<1280x128xf32>
    %mul3A_24 = arith.mulf %mul3A_19, %mul3A_23 : vector<1280x128xf32>
    %get3A_25 = arith.constant 0 : index
    %get3A_26 = arith.constant 0 : index
    %get3A_27 = vector.load %arg7[%get3A_25, %get3A_26] : memref<1x128xf32, #tpu.memory_space<vmem>>, vector<1x128xf32>
    %add3A_28 = vector.broadcast %get3A_27 : vector<1x128xf32> to vector<1280x128xf32>
    %add3A_29 = arith.addf %mul3A_24, %add3A_28 : vector<1280x128xf32>
    %get3A_30 = arith.constant 0 : index
    %get3A_31 = arith.constant 0 : index
    %get3A_32 = vector.load %arg9[%get3A_30, %get3A_31] : memref<128x128xf32, #tpu.memory_space<vmem>>, vector<128x128xf32>
    %convert_element_type3A = arith.truncf %add3A_29 : vector<1280x128xf32> to vector<1280x128xbf16>
    %convert_element_type3A_33 = arith.truncf %get3A_32 : vector<128x128xf32> to vector<128x128xbf16>
    %dot_general3A = arith.constant dense<0.000000e+00> : vector<1280x128xf32>
    %dot_general3A_34 = tpu.matmul %convert_element_type3A, %convert_element_type3A_33, %dot_general3A {dimension_numbers = #tpu.dot_dimension_numbers<[1], [0], [0], [1], [0, 0, 1, 1], [], []>, transpose_lhs_hint = false} : vector<1280x128xbf16>, vector<128x128xbf16>, vector<1280x128xf32> -> vector<1280x128xf32>
    %get3A_35 = arith.constant 0 : index
    %get3A_36 = arith.constant 0 : index
    %get3A_37 = vector.load %arg1[%get3A_35, %get3A_36] : memref<1280x128xf32, #tpu.memory_space<vmem>>, vector<1280x128xf32>
    %get3A_38 = arith.constant 0 : index
    %get3A_39 = arith.constant 0 : index
    %get3A_40 = vector.load %arg8[%get3A_38, %get3A_39] : memref<128x128xf32, #tpu.memory_space<vmem>>, vector<128x128xf32>
    %convert_element_type3A_41 = arith.truncf %get3A_37 : vector<1280x128xf32> to vector<1280x128xbf16>
    %convert_element_type3A_42 = arith.truncf %get3A_40 : vector<128x128xf32> to vector<128x128xbf16>
    %dot_general3A_43 = arith.constant dense<0.000000e+00> : vector<1280x128xf32>
    %dot_general3A_44 = tpu.matmul %convert_element_type3A_41, %convert_element_type3A_42, %dot_general3A_43 {dimension_numbers = #tpu.dot_dimension_numbers<[1], [0], [0], [1], [0, 0, 1, 1], [], []>, transpose_lhs_hint = false} : vector<1280x128xbf16>, vector<128x128xbf16>, vector<1280x128xf32> -> vector<1280x128xf32>
    %add3A_45 = arith.addf %dot_general3A_34, %dot_general3A_44 : vector<1280x128xf32>
    %get3A_46 = arith.constant 0 : index
    %get3A_47 = arith.constant 0 : index
    %get3A_48 = vector.load %arg3[%get3A_46, %get3A_47] : memref<1280x128xf32, #tpu.memory_space<vmem>>, vector<1280x128xf32>
    %get3A_49 = arith.constant 0 : index
    %get3A_50 = arith.constant 0 : index
    %get3A_51 = vector.load %arg10[%get3A_49, %get3A_50] : memref<128x128xf32, #tpu.memory_space<vmem>>, vector<128x128xf32>
    %convert_element_type3A_52 = arith.truncf %get3A_48 : vector<1280x128xf32> to vector<1280x128xbf16>
    %convert_element_type3A_53 = arith.truncf %get3A_51 : vector<128x128xf32> to vector<128x128xbf16>
    %dot_general3A_54 = arith.constant dense<0.000000e+00> : vector<1280x128xf32>
    %dot_general3A_55 = tpu.matmul %convert_element_type3A_52, %convert_element_type3A_53, %dot_general3A_54 {dimension_numbers = #tpu.dot_dimension_numbers<[1], [0], [0], [1], [0, 0, 1, 1], [], []>, transpose_lhs_hint = false} : vector<1280x128xbf16>, vector<128x128xbf16>, vector<1280x128xf32> -> vector<1280x128xf32>
    %add3A_56 = arith.addf %add3A_45, %dot_general3A_55 : vector<1280x128xf32>
    %get3A_57 = arith.constant 0 : index
    %get3A_58 = arith.constant 0 : index
    %get3A_59 = vector.load %arg11[%get3A_57, %get3A_58] : memref<1x128xf32, #tpu.memory_space<vmem>>, vector<1x128xf32>
    %add3A_60 = vector.broadcast %get3A_59 : vector<1x128xf32> to vector<1280x128xf32>
    %add3A_61 = arith.addf %add3A_56, %add3A_60 : vector<1280x128xf32>
    %integer_pow3A = arith.mulf %add3A_61, %add3A_61 : vector<1280x128xf32>
    %integer_pow3A_62 = arith.mulf %add3A_61, %integer_pow3A : vector<1280x128xf32>
    %mul3A_63 = arith.constant 4.471500e-02 : f32
    %mul3A_64 = vector.broadcast %mul3A_63 : f32 to vector<1280x128xf32>
    %mul3A_65 = arith.mulf %mul3A_64, %integer_pow3A_62 : vector<1280x128xf32>
    %add3A_66 = arith.addf %add3A_61, %mul3A_65 : vector<1280x128xf32>
    %mul3A_67 = arith.constant 0.797884583 : f32
    %mul3A_68 = vector.broadcast %mul3A_67 : f32 to vector<1280x128xf32>
    %mul3A_69 = arith.mulf %mul3A_68, %add3A_66 : vector<1280x128xf32>
    %tanh3A = math.tanh %mul3A_69 : vector<1280x128xf32>
    %add3A_70 = arith.constant 1.000000e+00 : f32
    %add3A_71 = vector.broadcast %add3A_70 : f32 to vector<1280x128xf32>
    %add3A_72 = arith.addf %add3A_71, %tanh3A : vector<1280x128xf32>
    %mul3A_73 = arith.constant 5.000000e-01 : f32
    %mul3A_74 = vector.broadcast %mul3A_73 : f32 to vector<1280x128xf32>
    %mul3A_75 = arith.mulf %mul3A_74, %add3A_72 : vector<1280x128xf32>
    %mul3A_76 = arith.mulf %add3A_61, %mul3A_75 : vector<1280x128xf32>
    %get3A_77 = arith.constant 0 : index
    %get3A_78 = arith.constant 0 : index
    %get3A_79 = vector.load %arg12[%get3A_77, %get3A_78] : memref<128x128xf32, #tpu.memory_space<vmem>>, vector<128x128xf32>
    %convert_element_type3A_80 = arith.truncf %mul3A_76 : vector<1280x128xf32> to vector<1280x128xbf16>
    %convert_element_type3A_81 = arith.truncf %get3A_79 : vector<128x128xf32> to vector<128x128xbf16>
    %dot_general3A_82 = arith.constant dense<0.000000e+00> : vector<1280x128xf32>
    %dot_general3A_83 = tpu.matmul %convert_element_type3A_80, %convert_element_type3A_81, %dot_general3A_82 {dimension_numbers = #tpu.dot_dimension_numbers<[1], [0], [0], [1], [0, 0, 1, 1], [], []>, transpose_lhs_hint = false} : vector<1280x128xbf16>, vector<128x128xbf16>, vector<1280x128xf32> -> vector<1280x128xf32>
    %get3A_84 = arith.constant 0 : index
    %get3A_85 = arith.constant 0 : index
    %get3A_86 = vector.load %arg13[%get3A_84, %get3A_85] : memref<1x128xf32, #tpu.memory_space<vmem>>, vector<1x128xf32>
    %add3A_87 = vector.broadcast %get3A_86 : vector<1x128xf32> to vector<1280x128xf32>
    %add3A_88 = arith.addf %dot_general3A_83, %add3A_87 : vector<1280x128xf32>
    %integer_pow3A_89 = arith.mulf %add3A_88, %add3A_88 : vector<1280x128xf32>
    %integer_pow3A_90 = arith.mulf %add3A_88, %integer_pow3A_89 : vector<1280x128xf32>
    %mul3A_91 = arith.constant 4.471500e-02 : f32
    %mul3A_92 = vector.broadcast %mul3A_91 : f32 to vector<1280x128xf32>
    %mul3A_93 = arith.mulf %mul3A_92, %integer_pow3A_90 : vector<1280x128xf32>
    %add3A_94 = arith.addf %add3A_88, %mul3A_93 : vector<1280x128xf32>
    %mul3A_95 = arith.constant 0.797884583 : f32
    %mul3A_96 = vector.broadcast %mul3A_95 : f32 to vector<1280x128xf32>
    %mul3A_97 = arith.mulf %mul3A_96, %add3A_94 : vector<1280x128xf32>
    %tanh3A_98 = math.tanh %mul3A_97 : vector<1280x128xf32>
    %add3A_99 = arith.constant 1.000000e+00 : f32
    %add3A_100 = vector.broadcast %add3A_99 : f32 to vector<1280x128xf32>
    %add3A_101 = arith.addf %add3A_100, %tanh3A_98 : vector<1280x128xf32>
    %mul3A_102 = arith.constant 5.000000e-01 : f32
    %mul3A_103 = vector.broadcast %mul3A_102 : f32 to vector<1280x128xf32>
    %mul3A_104 = arith.mulf %mul3A_103, %add3A_101 : vector<1280x128xf32>
    %mul3A_105 = arith.mulf %add3A_88, %mul3A_104 : vector<1280x128xf32>
    %get3A_106 = arith.constant 0 : index
    %get3A_107 = arith.constant 0 : index
    %get3A_108 = vector.load %arg14[%get3A_106, %get3A_107] : memref<128x128xf32, #tpu.memory_space<vmem>>, vector<128x128xf32>
    %convert_element_type3A_109 = arith.truncf %mul3A_105 : vector<1280x128xf32> to vector<1280x128xbf16>
    %convert_element_type3A_110 = arith.truncf %get3A_108 : vector<128x128xf32> to vector<128x128xbf16>
    %dot_general3A_111 = arith.constant dense<0.000000e+00> : vector<1280x128xf32>
    %dot_general3A_112 = tpu.matmul %convert_element_type3A_109, %convert_element_type3A_110, %dot_general3A_111 {dimension_numbers = #tpu.dot_dimension_numbers<[1], [0], [0], [1], [0, 0, 1, 1], [], []>, transpose_lhs_hint = false} : vector<1280x128xbf16>, vector<128x128xbf16>, vector<1280x128xf32> -> vector<1280x128xf32>
    %get3A_113 = arith.constant 0 : index
    %get3A_114 = arith.constant 0 : index
    %get3A_115 = vector.load %arg15[%get3A_113, %get3A_114] : memref<1x128xf32, #tpu.memory_space<vmem>>, vector<1x128xf32>
    %add3A_116 = vector.broadcast %get3A_115 : vector<1x128xf32> to vector<1280x128xf32>
    %add3A_117 = arith.addf %dot_general3A_112, %add3A_116 : vector<1280x128xf32>
    %add3A_118 = arith.addf %add3A_29, %add3A_117 : vector<1280x128xf32>
    %swap3A = arith.constant 0 : index
    %swap3A_119 = arith.constant 0 : index
    %swap3A_120 = vector.load %arg16[%swap3A, %swap3A_119] : memref<1280x128xf32, #tpu.memory_space<vmem>>, vector<1280x128xf32>
    tpu.vector_store %arg16[%swap3A, %swap3A_119], %add3A_118 {strides = array<i32>} : memref<1280x128xf32, #tpu.memory_space<vmem>>, vector<1280x128xf32>,
    %eq3A = arith.constant 0 : i32
    %eq3A_121 = arith.cmpi eq, %arg0, %eq3A : i32
    %convert_element_type3A_122 = arith.extui %eq3A_121 : i1 to i32
    %cond3A = arith.constant 0 : i32
    %cond3A_123 = arith.cmpi ne, %convert_element_type3A_122, %cond3A : i32
    scf.if %cond3A_123 {
      %broadcast_in_dim3A_145 = arith.constant 0.000000e+00 : f32
      %broadcast_in_dim3A_146 = vector.broadcast %broadcast_in_dim3A_145 : f32 to vector<8x128xf32>
      %swap3A_147 = arith.constant 0 : index
      %swap3A_148 = arith.constant 0 : index
      %swap3A_149 = vector.load %arg17[%swap3A_147, %swap3A_148] : memref<8x128xf32, #tpu.memory_space<vmem>>, vector<8x128xf32>
      tpu.vector_store %arg17[%swap3A_147, %swap3A_148], %broadcast_in_dim3A_146 {strides = array<i32>} : memref<8x128xf32, #tpu.memory_space<vmem>>, vector<8x128xf32>,
      %broadcast_in_dim3A_150 = arith.constant 0.000000e+00 : f32
      %broadcast_in_dim3A_151 = vector.broadcast %broadcast_in_dim3A_150 : f32 to vector<8x128xf32>
      %swap3A_152 = arith.constant 0 : index
      %swap3A_153 = arith.constant 0 : index
      %swap3A_154 = vector.load %arg18[%swap3A_152, %swap3A_153] : memref<8x128xf32, #tpu.memory_space<vmem>>, vector<8x128xf32>
      tpu.vector_store %arg18[%swap3A_152, %swap3A_153], %broadcast_in_dim3A_151 {strides = array<i32>} : memref<8x128xf32, #tpu.memory_space<vmem>>, vector<8x128xf32>,
    } else {
    }
    %get3A_124 = arith.constant 0 : index
    %get3A_125 = arith.constant 0 : index
    %get3A_126 = vector.load %arg17[%get3A_124, %get3A_125] : memref<8x128xf32, #tpu.memory_space<vmem>>, vector<8x128xf32>
    %reduce_sum3A = arith.constant dense<0.000000e+00> : vector<128xf32>
    %reduce_sum3A_127 = vector.multi_reduction <add>, %add3A_118, %reduce_sum3A [0] : vector<1280x128xf32> to vector<128xf32>
    %broadcast_in_dim3A = vector.shape_cast %reduce_sum3A_127 : vector<128xf32> to vector<1x128xf32>
    %add3A_128 = vector.broadcast %broadcast_in_dim3A : vector<1x128xf32> to vector<8x128xf32>
    %add3A_129 = arith.addf %get3A_126, %add3A_128 : vector<8x128xf32>
    %swap3A_130 = arith.constant 0 : index
    %swap3A_131 = arith.constant 0 : index
    %swap3A_132 = vector.load %arg17[%swap3A_130, %swap3A_131] : memref<8x128xf32, #tpu.memory_space<vmem>>, vector<8x128xf32>
    tpu.vector_store %arg17[%swap3A_130, %swap3A_131], %add3A_129 {strides = array<i32>} : memref<8x128xf32, #tpu.memory_space<vmem>>, vector<8x128xf32>,
    %get3A_133 = arith.constant 0 : index
    %get3A_134 = arith.constant 0 : index
    %get3A_135 = vector.load %arg18[%get3A_133, %get3A_134] : memref<8x128xf32, #tpu.memory_space<vmem>>, vector<8x128xf32>
    %mul3A_136 = arith.mulf %add3A_118, %add3A_118 : vector<1280x128xf32>
    %reduce_sum3A_137 = arith.constant dense<0.000000e+00> : vector<128xf32>
    %reduce_sum3A_138 = vector.multi_reduction <add>, %mul3A_136, %reduce_sum3A_137 [0] : vector<1280x128xf32> to vector<128xf32>
    %broadcast_in_dim3A_139 = vector.shape_cast %reduce_sum3A_138 : vector<128xf32> to vector<1x128xf32>
    %add3A_140 = vector.broadcast %broadcast_in_dim3A_139 : vector<1x128xf32> to vector<8x128xf32>
    %add3A_141 = arith.addf %get3A_135, %add3A_140 : vector<8x128xf32>
    %swap3A_142 = arith.constant 0 : index
    %swap3A_143 = arith.constant 0 : index
    %swap3A_144 = vector.load %arg18[%swap3A_142, %swap3A_143] : memref<8x128xf32, #tpu.memory_space<vmem>>, vector<8x128xf32>
    tpu.vector_store %arg18[%swap3A_142, %swap3A_143], %add3A_141 {strides = array<i32>} : memref<8x128xf32, #tpu.memory_space<vmem>>, vector<8x128xf32>,
    return
  }
  func.func @transform_0(%arg0: i32) -> (i32, i32) {
    %c0_i32 = arith.constant 0 : i32
    %c0_i32_0 = arith.constant 0 : i32
    return %arg0, %c0_i32 : i32, i32
  }
  func.func @transform_1(%arg0: i32) -> (i32, i32) {
    %c0_i32 = arith.constant 0 : i32
    %c0_i32_0 = arith.constant 0 : i32
    return %arg0, %c0_i32 : i32, i32
  }
  func.func @transform_2(%arg0: i32) -> (i32, i32) {
    %c0_i32 = arith.constant 0 : i32
    %c0_i32_0 = arith.constant 0 : i32
    return %arg0, %c0_i32 : i32, i32
  }
  func.func @transform_3(%arg0: i32) -> (i32, i32) {
    %c0_i32 = arith.constant 0 : i32
    %c0_i32_0 = arith.constant 0 : i32
    %c0_i32_1 = arith.constant 0 : i32
    return %c0_i32, %c0_i32_0 : i32, i32
  }
  func.func @transform_4(%arg0: i32) -> (i32, i32) {
    %c0_i32 = arith.constant 0 : i32
    %c0_i32_0 = arith.constant 0 : i32
    %c0_i32_1 = arith.constant 0 : i32
    return %c0_i32, %c0_i32_0 : i32, i32
  }
  func.func @transform_5(%arg0: i32) -> (i32, i32) {
    %c0_i32 = arith.constant 0 : i32
    %c0_i32_0 = arith.constant 0 : i32
    %c0_i32_1 = arith.constant 0 : i32
    return %c0_i32, %c0_i32_0 : i32, i32
  }
  func.func @transform_6(%arg0: i32) -> (i32, i32) {
    %c0_i32 = arith.constant 0 : i32
    %c0_i32_0 = arith.constant 0 : i32
    %c0_i32_1 = arith.constant 0 : i32
    return %c0_i32, %c0_i32_0 : i32, i32
  }
  func.func @transform_7(%arg0: i32) -> (i32, i32) {
    %c0_i32 = arith.constant 0 : i32
    %c0_i32_0 = arith.constant 0 : i32
    %c0_i32_1 = arith.constant 0 : i32
    return %c0_i32, %c0_i32_0 : i32, i32
  }
  func.func @transform_8(%arg0: i32) -> (i32, i32) {
    %c0_i32 = arith.constant 0 : i32
    %c0_i32_0 = arith.constant 0 : i32
    %c0_i32_1 = arith.constant 0 : i32
    return %c0_i32, %c0_i32_0 : i32, i32
  }
  func.func @transform_9(%arg0: i32) -> (i32, i32) {
    %c0_i32 = arith.constant 0 : i32
    %c0_i32_0 = arith.constant 0 : i32
    %c0_i32_1 = arith.constant 0 : i32
    return %c0_i32, %c0_i32_0 : i32, i32
  }
  func.func @transform_10(%arg0: i32) -> (i32, i32) {
    %c0_i32 = arith.constant 0 : i32
    %c0_i32_0 = arith.constant 0 : i32
    %c0_i32_1 = arith.constant 0 : i32
    return %c0_i32, %c0_i32_0 : i32, i32
  }
  func.func @transform_11(%arg0: i32) -> (i32, i32) {
    %c0_i32 = arith.constant 0 : i32
    %c0_i32_0 = arith.constant 0 : i32
    %c0_i32_1 = arith.constant 0 : i32
    return %c0_i32, %c0_i32_0 : i32, i32
  }
  func.func @transform_12(%arg0: i32) -> (i32, i32) {
    %c0_i32 = arith.constant 0 : i32
    %c0_i32_0 = arith.constant 0 : i32
    %c0_i32_1 = arith.constant 0 : i32
    return %c0_i32, %c0_i32_0 : i32, i32
  }
  func.func @transform_13(%arg0: i32) -> (i32, i32) {
    %c0_i32 = arith.constant 0 : i32
    %c0_i32_0 = arith.constant 0 : i32
    %c0_i32_1 = arith.constant 0 : i32
    return %c0_i32, %c0_i32_0 : i32, i32
  }
  func.func @transform_14(%arg0: i32) -> (i32, i32) {
    %c0_i32 = arith.constant 0 : i32
    %c0_i32_0 = arith.constant 0 : i32
    %c0_i32_1 = arith.constant 0 : i32
    return %c0_i32, %c0_i32_0 : i32, i32
  }
  func.func @transform_15(%arg0: i32) -> (i32, i32) {
    %c0_i32 = arith.constant 0 : i32
    %c0_i32_0 = arith.constant 0 : i32
    return %arg0, %c0_i32 : i32, i32
  }
  func.func @transform_16(%arg0: i32) -> (i32, i32) {
    %c0_i32 = arith.constant 0 : i32
    %c0_i32_0 = arith.constant 0 : i32
    %c0_i32_1 = arith.constant 0 : i32
    return %c0_i32, %c0_i32_0 : i32, i32
  }
  func.func @transform_17(%arg0: i32) -> (i32, i32) {
    %c0_i32 = arith.constant 0 : i32
    %c0_i32_0 = arith.constant 0 : i32
    %c0_i32_1 = arith.constant 0 : i32
    return %c0_i32, %c0_i32_0 : i32, i32
  }
}

module attributes {stable_mosaic.version = 14 : i64} {
  func.func @_node_body_last(%arg0: memref<10000x128xf32, #tpu.memory_space<vmem>>, %arg1: memref<16x128xf32, #tpu.memory_space<vmem>>, %arg2: memref<10000x128xf32, #tpu.memory_space<vmem>>, %arg3: memref<10000x128xf32, #tpu.memory_space<vmem>>, %arg4: memref<10000x128xf32, #tpu.memory_space<vmem>>, %arg5: memref<10000x128xf32, #tpu.memory_space<vmem>>, %arg6: memref<10000x1xi32, #tpu.memory_space<vmem>>, %arg7: memref<128x128xf32, #tpu.memory_space<vmem>>, %arg8: memref<1x128xf32, #tpu.memory_space<vmem>>, %arg9: memref<1x128xf32, #tpu.memory_space<vmem>>, %arg10: memref<128x512xf32, #tpu.memory_space<vmem>>, %arg11: memref<1x512xf32, #tpu.memory_space<vmem>>, %arg12: memref<512x128xf32, #tpu.memory_space<vmem>>, %arg13: memref<1x128xf32, #tpu.memory_space<vmem>>, %arg14: memref<1x128xf32, #tpu.memory_space<vmem>>, %arg15: memref<1x128xf32, #tpu.memory_space<vmem>>, %arg16: memref<128x128xf32, #tpu.memory_space<vmem>>, %arg17: memref<1x128xf32, #tpu.memory_space<vmem>>, %arg18: memref<128x128xf32, #tpu.memory_space<vmem>>, %arg19: memref<1x128xf32, #tpu.memory_space<vmem>>, %arg20: memref<128x128xf32, #tpu.memory_space<vmem>>, %arg21: memref<1x128xf32, #tpu.memory_space<vmem>>, %arg22: memref<128x20xf32, #tpu.memory_space<vmem>>, %arg23: memref<1x20xf32, #tpu.memory_space<vmem>>, %arg24: memref<10000x20xf32, #tpu.memory_space<vmem>>) attributes {dimension_semantics = [], scalar_prefetch = 0 : i64, scratch_operands = 0 : i64, tpu.core_type = #tpu.core_type<tc>} {
    %get3A = arith.constant 0 : index
    %get3A_0 = arith.constant 0 : index
    %get3A_1 = vector.load %arg6[%get3A, %get3A_0] : memref<10000x1xi32, #tpu.memory_space<vmem>>, vector<10000x1xi32>
    %iota3A = tpu.iota {dimensions = array<i32: 1>} : vector<10000x16xi32>
    %eq3A = vector.broadcast %get3A_1 : vector<10000x1xi32> to vector<10000x16xi32>
    %eq3A_2 = arith.cmpi eq, %eq3A, %iota3A : vector<10000x16xi32>
    %convert_element_type3A = arith.extui %eq3A_2 : vector<10000x16xi1> to vector<10000x16xi32>
    %convert_element_type3A_3 = arith.sitofp %convert_element_type3A : vector<10000x16xi32> to vector<10000x16xf32>
    %get3A_4 = arith.constant 0 : index
    %get3A_5 = arith.constant 0 : index
    %get3A_6 = vector.load %arg0[%get3A_4, %get3A_5] : memref<10000x128xf32, #tpu.memory_space<vmem>>, vector<10000x128xf32>
    %get3A_7 = arith.constant 0 : index
    %get3A_8 = arith.constant 0 : index
    %get3A_9 = vector.load %arg1[%get3A_7, %get3A_8] : memref<16x128xf32, #tpu.memory_space<vmem>>, vector<16x128xf32>
    %dot_general3A = arith.constant dense<0.000000e+00> : vector<10000x128xf32>
    %dot_general3A_10 = tpu.matmul %convert_element_type3A_3, %get3A_9, %dot_general3A {dimension_numbers = #tpu.dot_dimension_numbers<[1], [0], [0], [1], [0, 0, 1, 1], [], []>, transpose_lhs_hint = false} : vector<10000x16xf32>, vector<16x128xf32>, vector<10000x128xf32> -> vector<10000x128xf32>
    %mul3A = arith.mulf %get3A_6, %dot_general3A_10 : vector<10000x128xf32>
    %get3A_11 = arith.constant 0 : index
    %get3A_12 = arith.constant 0 : index
    %get3A_13 = vector.load %arg4[%get3A_11, %get3A_12] : memref<10000x128xf32, #tpu.memory_space<vmem>>, vector<10000x128xf32>
    %get3A_14 = arith.constant 0 : index
    %get3A_15 = arith.constant 0 : index
    %get3A_16 = vector.load %arg5[%get3A_14, %get3A_15] : memref<10000x128xf32, #tpu.memory_space<vmem>>, vector<10000x128xf32>
    %add3A = arith.addf %get3A_13, %get3A_16 : vector<10000x128xf32>
    %get3A_17 = arith.constant 0 : index
    %get3A_18 = arith.constant 0 : index
    %get3A_19 = vector.load %arg2[%get3A_17, %get3A_18] : memref<10000x128xf32, #tpu.memory_space<vmem>>, vector<10000x128xf32>
    %get3A_20 = arith.constant 0 : index
    %get3A_21 = arith.constant 0 : index
    %get3A_22 = vector.load %arg3[%get3A_20, %get3A_21] : memref<10000x128xf32, #tpu.memory_space<vmem>>, vector<10000x128xf32>
    %add3A_23 = arith.addf %get3A_19, %get3A_22 : vector<10000x128xf32>
    %gt3A = arith.constant 0.000000e+00 : f32
    %gt3A_24 = vector.broadcast %gt3A : f32 to vector<10000x128xf32>
    %gt3A_25 = arith.cmpf ogt, %add3A, %gt3A_24 : vector<10000x128xf32>
    %div3A = arith.divf %add3A_23, %add3A : vector<10000x128xf32>
    %jit3A = arith.constant 0.000000e+00 : f32
    %broadcast_in_dim3A = vector.broadcast %jit3A : f32 to vector<10000x128xf32>
    %select_n3A = arith.select %gt3A_25, %div3A, %broadcast_in_dim3A : vector<10000x128xi1>, vector<10000x128xf32>
    %get3A_26 = arith.constant 0 : index
    %get3A_27 = arith.constant 0 : index
    %get3A_28 = vector.load %arg7[%get3A_26, %get3A_27] : memref<128x128xf32, #tpu.memory_space<vmem>>, vector<128x128xf32>
    %dot_general3A_29 = arith.constant dense<0.000000e+00> : vector<10000x128xf32>
    %dot_general3A_30 = tpu.matmul %select_n3A, %get3A_28, %dot_general3A_29 {dimension_numbers = #tpu.dot_dimension_numbers<[1], [0], [0], [1], [0, 0, 1, 1], [], []>, transpose_lhs_hint = false} : vector<10000x128xf32>, vector<128x128xf32>, vector<10000x128xf32> -> vector<10000x128xf32>
    %add3A_31 = arith.addf %mul3A, %dot_general3A_30 : vector<10000x128xf32>
    %reduce_sum3A = arith.constant dense<0.000000e+00> : vector<128xf32>
    %reduce_sum3A_32 = vector.multi_reduction <add>, %add3A_31, %reduce_sum3A [0] : vector<10000x128xf32> to vector<128xf32>
    %broadcast_in_dim3A_33 = vector.shape_cast %reduce_sum3A_32 : vector<128xf32> to vector<1x128xf32>
    %div3A_34 = arith.constant 1.000000e+04 : f32
    %div3A_35 = vector.broadcast %div3A_34 : f32 to vector<1x128xf32>
    %div3A_36 = arith.divf %broadcast_in_dim3A_33, %div3A_35 : vector<1x128xf32>
    %sub3A = vector.broadcast %div3A_36 : vector<1x128xf32> to vector<10000x128xf32>
    %sub3A_37 = arith.subf %add3A_31, %sub3A : vector<10000x128xf32>
    %mul3A_38 = arith.mulf %sub3A_37, %sub3A_37 : vector<10000x128xf32>
    %reduce_sum3A_39 = arith.constant dense<0.000000e+00> : vector<128xf32>
    %reduce_sum3A_40 = vector.multi_reduction <add>, %mul3A_38, %reduce_sum3A_39 [0] : vector<10000x128xf32> to vector<128xf32>
    %broadcast_in_dim3A_41 = vector.shape_cast %reduce_sum3A_40 : vector<128xf32> to vector<1x128xf32>
    %div3A_42 = arith.constant 1.000000e+04 : f32
    %div3A_43 = vector.broadcast %div3A_42 : f32 to vector<1x128xf32>
    %div3A_44 = arith.divf %broadcast_in_dim3A_41, %div3A_43 : vector<1x128xf32>
    %add3A_45 = arith.constant 9.99999974E-6 : f32
    %add3A_46 = vector.broadcast %add3A_45 : f32 to vector<1x128xf32>
    %add3A_47 = arith.addf %div3A_44, %add3A_46 : vector<1x128xf32>
    %rsqrt3A = math.rsqrt %add3A_47 : vector<1x128xf32>
    %mul3A_48 = vector.broadcast %rsqrt3A : vector<1x128xf32> to vector<10000x128xf32>
    %mul3A_49 = arith.mulf %sub3A_37, %mul3A_48 : vector<10000x128xf32>
    %get3A_50 = arith.constant 0 : index
    %get3A_51 = arith.constant 0 : index
    %get3A_52 = vector.load %arg8[%get3A_50, %get3A_51] : memref<1x128xf32, #tpu.memory_space<vmem>>, vector<1x128xf32>
    %mul3A_53 = vector.broadcast %get3A_52 : vector<1x128xf32> to vector<10000x128xf32>
    %mul3A_54 = arith.mulf %mul3A_49, %mul3A_53 : vector<10000x128xf32>
    %get3A_55 = arith.constant 0 : index
    %get3A_56 = arith.constant 0 : index
    %get3A_57 = vector.load %arg9[%get3A_55, %get3A_56] : memref<1x128xf32, #tpu.memory_space<vmem>>, vector<1x128xf32>
    %add3A_58 = vector.broadcast %get3A_57 : vector<1x128xf32> to vector<10000x128xf32>
    %add3A_59 = arith.addf %mul3A_54, %add3A_58 : vector<10000x128xf32>
    %get3A_60 = arith.constant 0 : index
    %get3A_61 = arith.constant 0 : index
    %get3A_62 = vector.load %arg13[%get3A_60, %get3A_61] : memref<1x128xf32, #tpu.memory_space<vmem>>, vector<1x128xf32>
    %get3A_63 = arith.constant 0 : index
    %get3A_64 = arith.constant 0 : index
    %get3A_65 = vector.load %arg10[%get3A_63, %get3A_64] : memref<128x512xf32, #tpu.memory_space<vmem>>, vector<128x128xf32>
    %dot_general3A_66 = arith.constant dense<0.000000e+00> : vector<10000x128xf32>
    %dot_general3A_67 = tpu.matmul %add3A_59, %get3A_65, %dot_general3A_66 {dimension_numbers = #tpu.dot_dimension_numbers<[1], [0], [0], [1], [0, 0, 1, 1], [], []>, transpose_lhs_hint = false} : vector<10000x128xf32>, vector<128x128xf32>, vector<10000x128xf32> -> vector<10000x128xf32>
    %get3A_68 = arith.constant 0 : index
    %get3A_69 = arith.constant 0 : index
    %get3A_70 = vector.load %arg11[%get3A_68, %get3A_69] : memref<1x512xf32, #tpu.memory_space<vmem>>, vector<1x128xf32>
    %add3A_71 = vector.broadcast %get3A_70 : vector<1x128xf32> to vector<10000x128xf32>
    %add3A_72 = arith.addf %dot_general3A_67, %add3A_71 : vector<10000x128xf32>
    %max3A = arith.constant 0.000000e+00 : f32
    %max3A_73 = vector.broadcast %max3A : f32 to vector<10000x128xf32>
    %max3A_74 = arith.maximumf %add3A_72, %max3A_73 : vector<10000x128xf32>
    %get3A_75 = arith.constant 0 : index
    %get3A_76 = arith.constant 0 : index
    %get3A_77 = vector.load %arg12[%get3A_75, %get3A_76] : memref<512x128xf32, #tpu.memory_space<vmem>>, vector<128x128xf32>
    %dot_general3A_78 = arith.constant dense<0.000000e+00> : vector<10000x128xf32>
    %dot_general3A_79 = tpu.matmul %max3A_74, %get3A_77, %dot_general3A_78 {dimension_numbers = #tpu.dot_dimension_numbers<[1], [0], [0], [1], [0, 0, 1, 1], [], []>, transpose_lhs_hint = false} : vector<10000x128xf32>, vector<128x128xf32>, vector<10000x128xf32> -> vector<10000x128xf32>
    %add3A_80 = vector.broadcast %get3A_62 : vector<1x128xf32> to vector<10000x128xf32>
    %add3A_81 = arith.addf %add3A_80, %dot_general3A_79 : vector<10000x128xf32>
    %get3A_82 = arith.constant 0 : index
    %get3A_83 = arith.constant 128 : index
    %get3A_84 = vector.load %arg10[%get3A_82, %get3A_83] : memref<128x512xf32, #tpu.memory_space<vmem>>, vector<128x128xf32>
    %dot_general3A_85 = arith.constant dense<0.000000e+00> : vector<10000x128xf32>
    %dot_general3A_86 = tpu.matmul %add3A_59, %get3A_84, %dot_general3A_85 {dimension_numbers = #tpu.dot_dimension_numbers<[1], [0], [0], [1], [0, 0, 1, 1], [], []>, transpose_lhs_hint = false} : vector<10000x128xf32>, vector<128x128xf32>, vector<10000x128xf32> -> vector<10000x128xf32>
    %get3A_87 = arith.constant 0 : index
    %get3A_88 = arith.constant 128 : index
    %get3A_89 = vector.load %arg11[%get3A_87, %get3A_88] : memref<1x512xf32, #tpu.memory_space<vmem>>, vector<1x128xf32>
    %add3A_90 = vector.broadcast %get3A_89 : vector<1x128xf32> to vector<10000x128xf32>
    %add3A_91 = arith.addf %dot_general3A_86, %add3A_90 : vector<10000x128xf32>
    %max3A_92 = arith.constant 0.000000e+00 : f32
    %max3A_93 = vector.broadcast %max3A_92 : f32 to vector<10000x128xf32>
    %max3A_94 = arith.maximumf %add3A_91, %max3A_93 : vector<10000x128xf32>
    %get3A_95 = arith.constant 128 : index
    %get3A_96 = arith.constant 0 : index
    %get3A_97 = vector.load %arg12[%get3A_95, %get3A_96] : memref<512x128xf32, #tpu.memory_space<vmem>>, vector<128x128xf32>
    %dot_general3A_98 = arith.constant dense<0.000000e+00> : vector<10000x128xf32>
    %dot_general3A_99 = tpu.matmul %max3A_94, %get3A_97, %dot_general3A_98 {dimension_numbers = #tpu.dot_dimension_numbers<[1], [0], [0], [1], [0, 0, 1, 1], [], []>, transpose_lhs_hint = false} : vector<10000x128xf32>, vector<128x128xf32>, vector<10000x128xf32> -> vector<10000x128xf32>
    %add3A_100 = arith.addf %add3A_81, %dot_general3A_99 : vector<10000x128xf32>
    %get3A_101 = arith.constant 0 : index
    %get3A_102 = arith.constant 256 : index
    %get3A_103 = vector.load %arg10[%get3A_101, %get3A_102] : memref<128x512xf32, #tpu.memory_space<vmem>>, vector<128x128xf32>
    %dot_general3A_104 = arith.constant dense<0.000000e+00> : vector<10000x128xf32>
    %dot_general3A_105 = tpu.matmul %add3A_59, %get3A_103, %dot_general3A_104 {dimension_numbers = #tpu.dot_dimension_numbers<[1], [0], [0], [1], [0, 0, 1, 1], [], []>, transpose_lhs_hint = false} : vector<10000x128xf32>, vector<128x128xf32>, vector<10000x128xf32> -> vector<10000x128xf32>
    %get3A_106 = arith.constant 0 : index
    %get3A_107 = arith.constant 256 : index
    %get3A_108 = vector.load %arg11[%get3A_106, %get3A_107] : memref<1x512xf32, #tpu.memory_space<vmem>>, vector<1x128xf32>
    %add3A_109 = vector.broadcast %get3A_108 : vector<1x128xf32> to vector<10000x128xf32>
    %add3A_110 = arith.addf %dot_general3A_105, %add3A_109 : vector<10000x128xf32>
    %max3A_111 = arith.constant 0.000000e+00 : f32
    %max3A_112 = vector.broadcast %max3A_111 : f32 to vector<10000x128xf32>
    %max3A_113 = arith.maximumf %add3A_110, %max3A_112 : vector<10000x128xf32>
    %get3A_114 = arith.constant 256 : index
    %get3A_115 = arith.constant 0 : index
    %get3A_116 = vector.load %arg12[%get3A_114, %get3A_115] : memref<512x128xf32, #tpu.memory_space<vmem>>, vector<128x128xf32>
    %dot_general3A_117 = arith.constant dense<0.000000e+00> : vector<10000x128xf32>
    %dot_general3A_118 = tpu.matmul %max3A_113, %get3A_116, %dot_general3A_117 {dimension_numbers = #tpu.dot_dimension_numbers<[1], [0], [0], [1], [0, 0, 1, 1], [], []>, transpose_lhs_hint = false} : vector<10000x128xf32>, vector<128x128xf32>, vector<10000x128xf32> -> vector<10000x128xf32>
    %add3A_119 = arith.addf %add3A_100, %dot_general3A_118 : vector<10000x128xf32>
    %get3A_120 = arith.constant 0 : index
    %get3A_121 = arith.constant 384 : index
    %get3A_122 = vector.load %arg10[%get3A_120, %get3A_121] : memref<128x512xf32, #tpu.memory_space<vmem>>, vector<128x128xf32>
    %dot_general3A_123 = arith.constant dense<0.000000e+00> : vector<10000x128xf32>
    %dot_general3A_124 = tpu.matmul %add3A_59, %get3A_122, %dot_general3A_123 {dimension_numbers = #tpu.dot_dimension_numbers<[1], [0], [0], [1], [0, 0, 1, 1], [], []>, transpose_lhs_hint = false} : vector<10000x128xf32>, vector<128x128xf32>, vector<10000x128xf32> -> vector<10000x128xf32>
    %get3A_125 = arith.constant 0 : index
    %get3A_126 = arith.constant 384 : index
    %get3A_127 = vector.load %arg11[%get3A_125, %get3A_126] : memref<1x512xf32, #tpu.memory_space<vmem>>, vector<1x128xf32>
    %add3A_128 = vector.broadcast %get3A_127 : vector<1x128xf32> to vector<10000x128xf32>
    %add3A_129 = arith.addf %dot_general3A_124, %add3A_128 : vector<10000x128xf32>
    %max3A_130 = arith.constant 0.000000e+00 : f32
    %max3A_131 = vector.broadcast %max3A_130 : f32 to vector<10000x128xf32>
    %max3A_132 = arith.maximumf %add3A_129, %max3A_131 : vector<10000x128xf32>
    %get3A_133 = arith.constant 384 : index
    %get3A_134 = arith.constant 0 : index
    %get3A_135 = vector.load %arg12[%get3A_133, %get3A_134] : memref<512x128xf32, #tpu.memory_space<vmem>>, vector<128x128xf32>
    %dot_general3A_136 = arith.constant dense<0.000000e+00> : vector<10000x128xf32>
    %dot_general3A_137 = tpu.matmul %max3A_132, %get3A_135, %dot_general3A_136 {dimension_numbers = #tpu.dot_dimension_numbers<[1], [0], [0], [1], [0, 0, 1, 1], [], []>, transpose_lhs_hint = false} : vector<10000x128xf32>, vector<128x128xf32>, vector<10000x128xf32> -> vector<10000x128xf32>
    %add3A_138 = arith.addf %add3A_119, %dot_general3A_137 : vector<10000x128xf32>
    %add3A_139 = arith.addf %add3A_59, %add3A_138 : vector<10000x128xf32>
    %reduce_sum3A_140 = arith.constant dense<0.000000e+00> : vector<128xf32>
    %reduce_sum3A_141 = vector.multi_reduction <add>, %add3A_139, %reduce_sum3A_140 [0] : vector<10000x128xf32> to vector<128xf32>
    %broadcast_in_dim3A_142 = vector.shape_cast %reduce_sum3A_141 : vector<128xf32> to vector<1x128xf32>
    %div3A_143 = arith.constant 1.000000e+04 : f32
    %div3A_144 = vector.broadcast %div3A_143 : f32 to vector<1x128xf32>
    %div3A_145 = arith.divf %broadcast_in_dim3A_142, %div3A_144 : vector<1x128xf32>
    %sub3A_146 = vector.broadcast %div3A_145 : vector<1x128xf32> to vector<10000x128xf32>
    %sub3A_147 = arith.subf %add3A_139, %sub3A_146 : vector<10000x128xf32>
    %mul3A_148 = arith.mulf %sub3A_147, %sub3A_147 : vector<10000x128xf32>
    %reduce_sum3A_149 = arith.constant dense<0.000000e+00> : vector<128xf32>
    %reduce_sum3A_150 = vector.multi_reduction <add>, %mul3A_148, %reduce_sum3A_149 [0] : vector<10000x128xf32> to vector<128xf32>
    %broadcast_in_dim3A_151 = vector.shape_cast %reduce_sum3A_150 : vector<128xf32> to vector<1x128xf32>
    %div3A_152 = arith.constant 1.000000e+04 : f32
    %div3A_153 = vector.broadcast %div3A_152 : f32 to vector<1x128xf32>
    %div3A_154 = arith.divf %broadcast_in_dim3A_151, %div3A_153 : vector<1x128xf32>
    %add3A_155 = arith.constant 9.99999974E-6 : f32
    %add3A_156 = vector.broadcast %add3A_155 : f32 to vector<1x128xf32>
    %add3A_157 = arith.addf %div3A_154, %add3A_156 : vector<1x128xf32>
    %rsqrt3A_158 = math.rsqrt %add3A_157 : vector<1x128xf32>
    %mul3A_159 = vector.broadcast %rsqrt3A_158 : vector<1x128xf32> to vector<10000x128xf32>
    %mul3A_160 = arith.mulf %sub3A_147, %mul3A_159 : vector<10000x128xf32>
    %get3A_161 = arith.constant 0 : index
    %get3A_162 = arith.constant 0 : index
    %get3A_163 = vector.load %arg14[%get3A_161, %get3A_162] : memref<1x128xf32, #tpu.memory_space<vmem>>, vector<1x128xf32>
    %mul3A_164 = vector.broadcast %get3A_163 : vector<1x128xf32> to vector<10000x128xf32>
    %mul3A_165 = arith.mulf %mul3A_160, %mul3A_164 : vector<10000x128xf32>
    %get3A_166 = arith.constant 0 : index
    %get3A_167 = arith.constant 0 : index
    %get3A_168 = vector.load %arg15[%get3A_166, %get3A_167] : memref<1x128xf32, #tpu.memory_space<vmem>>, vector<1x128xf32>
    %add3A_169 = vector.broadcast %get3A_168 : vector<1x128xf32> to vector<10000x128xf32>
    %add3A_170 = arith.addf %mul3A_165, %add3A_169 : vector<10000x128xf32>
    %dot_general3A_171 = arith.constant dense<0.000000e+00> : vector<16x128xf32>
    %dot_general3A_172 = tpu.matmul %convert_element_type3A_3, %add3A_170, %dot_general3A_171 {dimension_numbers = #tpu.dot_dimension_numbers<[0], [0], [1], [1], [0, 1, 1, 1], [], []>, transpose_lhs_hint = false} : vector<10000x16xf32>, vector<10000x128xf32>, vector<16x128xf32> -> vector<16x128xf32>
    %broadcast_in_dim3A_173 = arith.constant 1.000000e+00 : f32
    %broadcast_in_dim3A_174 = vector.broadcast %broadcast_in_dim3A_173 : f32 to vector<10000x1xf32>
    %dot_general3A_175 = arith.constant dense<0.000000e+00> : vector<16x1xf32>
    %dot_general3A_176 = tpu.matmul %convert_element_type3A_3, %broadcast_in_dim3A_174, %dot_general3A_175 {dimension_numbers = #tpu.dot_dimension_numbers<[0], [0], [1], [1], [0, 1, 1, 1], [], []>, transpose_lhs_hint = false} : vector<10000x16xf32>, vector<10000x1xf32>, vector<16x1xf32> -> vector<16x1xf32>
    %max3A_177 = arith.constant 1.000000e+00 : f32
    %max3A_178 = vector.broadcast %max3A_177 : f32 to vector<16x1xf32>
    %max3A_179 = arith.maximumf %dot_general3A_176, %max3A_178 : vector<16x1xf32>
    %div3A_180 = vector.broadcast %max3A_179 : vector<16x1xf32> to vector<16x128xf32>
    %div3A_181 = arith.divf %dot_general3A_172, %div3A_180 : vector<16x128xf32>
    %get3A_182 = arith.constant 0 : index
    %get3A_183 = arith.constant 0 : index
    %get3A_184 = vector.load %arg16[%get3A_182, %get3A_183] : memref<128x128xf32, #tpu.memory_space<vmem>>, vector<128x128xf32>
    %dot_general3A_185 = arith.constant dense<0.000000e+00> : vector<16x128xf32>
    %dot_general3A_186 = tpu.matmul %div3A_181, %get3A_184, %dot_general3A_185 {dimension_numbers = #tpu.dot_dimension_numbers<[1], [0], [0], [1], [0, 0, 1, 1], [], []>, transpose_lhs_hint = false} : vector<16x128xf32>, vector<128x128xf32>, vector<16x128xf32> -> vector<16x128xf32>
    %get3A_187 = arith.constant 0 : index
    %get3A_188 = arith.constant 0 : index
    %get3A_189 = vector.load %arg17[%get3A_187, %get3A_188] : memref<1x128xf32, #tpu.memory_space<vmem>>, vector<1x128xf32>
    %add3A_190 = vector.broadcast %get3A_189 : vector<1x128xf32> to vector<16x128xf32>
    %add3A_191 = arith.addf %dot_general3A_186, %add3A_190 : vector<16x128xf32>
    %max3A_192 = arith.constant 0.000000e+00 : f32
    %max3A_193 = vector.broadcast %max3A_192 : f32 to vector<16x128xf32>
    %max3A_194 = arith.maximumf %add3A_191, %max3A_193 : vector<16x128xf32>
    %get3A_195 = arith.constant 0 : index
    %get3A_196 = arith.constant 0 : index
    %get3A_197 = vector.load %arg18[%get3A_195, %get3A_196] : memref<128x128xf32, #tpu.memory_space<vmem>>, vector<128x128xf32>
    %dot_general3A_198 = arith.constant dense<0.000000e+00> : vector<16x128xf32>
    %dot_general3A_199 = tpu.matmul %max3A_194, %get3A_197, %dot_general3A_198 {dimension_numbers = #tpu.dot_dimension_numbers<[1], [0], [0], [1], [0, 0, 1, 1], [], []>, transpose_lhs_hint = false} : vector<16x128xf32>, vector<128x128xf32>, vector<16x128xf32> -> vector<16x128xf32>
    %get3A_200 = arith.constant 0 : index
    %get3A_201 = arith.constant 0 : index
    %get3A_202 = vector.load %arg19[%get3A_200, %get3A_201] : memref<1x128xf32, #tpu.memory_space<vmem>>, vector<1x128xf32>
    %add3A_203 = vector.broadcast %get3A_202 : vector<1x128xf32> to vector<16x128xf32>
    %add3A_204 = arith.addf %dot_general3A_199, %add3A_203 : vector<16x128xf32>
    %max3A_205 = arith.constant 0.000000e+00 : f32
    %max3A_206 = vector.broadcast %max3A_205 : f32 to vector<16x128xf32>
    %max3A_207 = arith.maximumf %add3A_204, %max3A_206 : vector<16x128xf32>
    %get3A_208 = arith.constant 0 : index
    %get3A_209 = arith.constant 0 : index
    %get3A_210 = vector.load %arg20[%get3A_208, %get3A_209] : memref<128x128xf32, #tpu.memory_space<vmem>>, vector<128x128xf32>
    %dot_general3A_211 = arith.constant dense<0.000000e+00> : vector<16x128xf32>
    %dot_general3A_212 = tpu.matmul %max3A_207, %get3A_210, %dot_general3A_211 {dimension_numbers = #tpu.dot_dimension_numbers<[1], [0], [0], [1], [0, 0, 1, 1], [], []>, transpose_lhs_hint = false} : vector<16x128xf32>, vector<128x128xf32>, vector<16x128xf32> -> vector<16x128xf32>
    %get3A_213 = arith.constant 0 : index
    %get3A_214 = arith.constant 0 : index
    %get3A_215 = vector.load %arg21[%get3A_213, %get3A_214] : memref<1x128xf32, #tpu.memory_space<vmem>>, vector<1x128xf32>
    %add3A_216 = vector.broadcast %get3A_215 : vector<1x128xf32> to vector<16x128xf32>
    %add3A_217 = arith.addf %dot_general3A_212, %add3A_216 : vector<16x128xf32>
    %logistic3A = arith.negf %add3A_217 : vector<16x128xf32>
    %logistic3A_218 = math.exp %logistic3A : vector<16x128xf32>
    %logistic3A_219 = arith.constant 1.000000e+00 : f32
    %logistic3A_220 = vector.broadcast %logistic3A_219 : f32 to vector<16x128xf32>
    %logistic3A_221 = arith.addf %logistic3A_220, %logistic3A_218 : vector<16x128xf32>
    %logistic3A_222 = arith.divf %logistic3A_220, %logistic3A_221 : vector<16x128xf32>
    %dot_general3A_223 = arith.constant dense<0.000000e+00> : vector<10000x128xf32>
    %dot_general3A_224 = tpu.matmul %convert_element_type3A_3, %logistic3A_222, %dot_general3A_223 {dimension_numbers = #tpu.dot_dimension_numbers<[1], [0], [0], [1], [0, 0, 1, 1], [], []>, transpose_lhs_hint = false} : vector<10000x16xf32>, vector<16x128xf32>, vector<10000x128xf32> -> vector<10000x128xf32>
    %mul3A_225 = arith.mulf %add3A_170, %dot_general3A_224 : vector<10000x128xf32>
    %get3A_226 = arith.constant 0 : index
    %get3A_227 = arith.constant 0 : index
    %get3A_228 = vector.load %arg22[%get3A_226, %get3A_227] : memref<128x20xf32, #tpu.memory_space<vmem>>, vector<128x20xf32>
    %dot_general3A_229 = arith.constant dense<0.000000e+00> : vector<10000x20xf32>
    %dot_general3A_230 = tpu.matmul %mul3A_225, %get3A_228, %dot_general3A_229 {dimension_numbers = #tpu.dot_dimension_numbers<[1], [0], [0], [1], [0, 0, 1, 1], [], []>, transpose_lhs_hint = false} : vector<10000x128xf32>, vector<128x20xf32>, vector<10000x20xf32> -> vector<10000x20xf32>
    %get3A_231 = arith.constant 0 : index
    %get3A_232 = arith.constant 0 : index
    %get3A_233 = vector.load %arg23[%get3A_231, %get3A_232] : memref<1x20xf32, #tpu.memory_space<vmem>>, vector<1x20xf32>
    %add3A_234 = vector.broadcast %get3A_233 : vector<1x20xf32> to vector<10000x20xf32>
    %add3A_235 = arith.addf %dot_general3A_230, %add3A_234 : vector<10000x20xf32>
    %reduce_max3A = arith.constant dense<0xFF800000> : vector<10000xf32>
    %reduce_max3A_236 = vector.multi_reduction <maximumf>, %add3A_235, %reduce_max3A [1] : vector<10000x20xf32> to vector<10000xf32>
    %broadcast_in_dim3A_237 = vector.shape_cast %reduce_max3A_236 : vector<10000xf32> to vector<10000x1xf32>
    %sub3A_238 = vector.broadcast %broadcast_in_dim3A_237 : vector<10000x1xf32> to vector<10000x20xf32>
    %sub3A_239 = arith.subf %add3A_235, %sub3A_238 : vector<10000x20xf32>
    %exp3A = math.exp %sub3A_239 : vector<10000x20xf32>
    %reduce_sum3A_240 = arith.constant dense<0.000000e+00> : vector<10000xf32>
    %reduce_sum3A_241 = vector.multi_reduction <add>, %exp3A, %reduce_sum3A_240 [1] : vector<10000x20xf32> to vector<10000xf32>
    %broadcast_in_dim3A_242 = vector.shape_cast %reduce_sum3A_241 : vector<10000xf32> to vector<10000x1xf32>
    %log3A = math.log %broadcast_in_dim3A_242 : vector<10000x1xf32>
    %sub3A_243 = vector.broadcast %log3A : vector<10000x1xf32> to vector<10000x20xf32>
    %sub3A_244 = arith.subf %sub3A_239, %sub3A_243 : vector<10000x20xf32>
    %swap3A = arith.constant 0 : index
    %swap3A_245 = arith.constant 0 : index
    %swap3A_246 = vector.load %arg24[%swap3A, %swap3A_245] : memref<10000x20xf32, #tpu.memory_space<vmem>>, vector<10000x20xf32>
    tpu.vector_store %arg24[%swap3A, %swap3A_245], %sub3A_244 {strides = array<i32>} : memref<10000x20xf32, #tpu.memory_space<vmem>>, vector<10000x20xf32>,
    return
  }
}

</mosaic_0001>

<sc_bundles>
// kernel: kernel.22.cloned.1.call-start
scs
__scs_entry_jumppad:
0x0: {  	(pc) =	sbr.rel $0x88, $3  }
0x1: {  	(tag) =	ssettag $0x0;
	lr =	simm.s32 $0x1  }
0x2: {  	[smem:$0x3F3A] =	sst lr;
	_ =	strace $0xD0000000  }
0x3: {  	_ = 	snop  }
0x4: {  	_ = 	snop  }
0x5: {  	_ = 	snop  }
0x6: {  	_ = 	snop  }
0x7: {  	_ = 	snop  }
__scs_overlays_trampoline_lowered:
0x8: {  	[smem:$0x3F49] =	sst s0  }
0x9: {  	[smem:$0x3F4A] =	sst s1  }
0xa: {  	[smem:$0x3F4B] =	sst s2  }
0xb: {  	[smem:$0x3F4C] =	sst s3  }
0xc: {  	[smem:$0x3F4D] =	sst s4  }
0xd: {  	[smem:$0x3F4E] =	sst s5  }
0xe: {  	[smem:$0x3F4F] =	sst s6  }
0xf: {  	[smem:$0x3F50] =	sst s7  }
0x10: {  	[smem:$0x3F51] =	sst s8  }
0x11: {  	[smem:$0x3F52] =	sst s9;
	s0 =	simm.s32 @!p0 $0x0  }
0x12: {  	s1 =	sld [smem:$0x3F38];
	s0 =	simm.s32 @p0 $0x1  }
0x13: {  	[smem:$0x3F53] =	sst s0;
	s0 =	simm.s32 @!p1 $0x0  }
0x14: {  	s2 =	sld [smem:$0x3F37];
	s0 =	simm.s32 @p1 $0x1  }
0x15: {  	[smem:$0x3F54] =	sst s0;
	s0 =	simm.s32 @!p2 $0x0  }
0x16: {  	s3 =	sld [smem:$0x3FDB];
	s0 =	simm.s32 @p2 $0x1  }
0x17: {  	s4 =	simm.s32 $0x1BF5;
	[smem:$0x3F56] =	sst s0  }
0x18: {  	s0 =	sld [smem:$0x3F39];
	_ =	swait.ge [sflag:s4], $0x0  }
0x19: {  	s7 =	sld [smem:$0x3F3A]  }
0x1a: {  	s8 =	sadd.s32 $0xFFFFE003, lr  }
0x1b: {  	s9 =	sadd.s32 $0xFFFFFEF7, lr;
	s5 =	simm.s32 $0xFFFFFFFF;
	p2 =	slt.u32 s8, $0xFFFFF086  }
0x1c: {  	p1 =	slt.u32 s9, $0xF7A;
	s5 =	simm.s32 @!p2 $0x0  }
0x1d: {  	s5 =	simm.s32 @p1 $0x1;
	p0 =	seq.s32 s7, s2  }
0x1e: {  	s7 =	smul.u32 @!p0 $0xF7A, s2;
	p2 =	seq.s32 @!p0 s5, $0x0  }
0x1f: {  	s9 =	smul.u32 $0xF7A, s1;
	s8 =	simm.s32 @!p0 $0x1BF5;
	p2 =	por !p2, p0  }
0x20: {  	[sflag:s8] =	ssyncset.s32 @!p0 $0xFFFFF086;
	s6 =	sadd.s32 @!p0 s3, s7;
	s7 =	simm.s32 @!p0 $0x108  }
0x21: {  	s3 =	sadd.s32 s3, s9;
	s6 =	sadd.s32 @!p0 $0x88, s6;
	s7 =	simm.s32 @p2 $0x1082  }
0x22: {  	[simem:s7], [sflag:s8] =	dma.local @!p0 [hbm:s6], $0xF7A  }
0x23: {  	s9 =	sor.u32 $0xD0000000, s2;
	s6 =	simm.s32 $0x108;
	_ =	swait.ge @!p0 [sflag:s8], $0x0  }
0x24: {  	s3 =	sadd.s32 $0x88, s3;
	s6 =	simm.s32 @!p1 $0x1082;
	[sflag:s4] =	ssyncset.s32 $0xFFFFF086  }
0x25: {  	[simem:s6], [sflag:s4] =	dma.local [hbm:s3], $0xF7A  }
0x26: {  	[smem:$0x3F3A] =	sst s1;
	(tag) =	ssettag s2;
	_ =	strace s9  }
0x27: {  	s1 =	sld [smem:$0x3F4A]  }
0x28: {  	s2 =	sld [smem:$0x3F4B]  }
0x29: {  	s4 =	sld [smem:$0x3F4D]  }
0x2a: {  	p0 =	seq.s32 s5, $0x0;
	s5 =	sld [smem:$0x3F4E]  }
0x2b: {  	s6 =	sld [smem:$0x3F4F]  }
0x2c: {  	s7 =	sld [smem:$0x3F50]  }
0x2d: {  	s3 =	simm.s32 $0x108;
	s8 =	sld [smem:$0x3F51]  }
0x2e: {  	s3 =	simm.s32 @!p0 $0x1082;
	s9 =	sld [smem:$0x3F52]  }
0x2f: {  	lr =	sadd.s32 s0, s3;
	s0 =	sld [smem:$0x3F49]  }
0x30: {  	s3 =	sld [smem:$0x3F4C]  }
0x31: {  	[smem:$0x3F55] =	sst s10  }
0x32: {  	s10 =	sld [smem:$0x3F53];
	_ =	sdelay $0x3  }
0x33: {  	p0 =	seq.s32 s10, $0x1;
	s10 =	sld [smem:$0x3F55];
	_ =	sdelay $0x3  }
0x34: {  	[smem:$0x3F55] =	sst s10  }
0x35: {  	s10 =	sld [smem:$0x3F54];
	_ =	sdelay $0x3  }
0x36: {  	p1 =	seq.s32 s10, $0x1;
	s10 =	sld [smem:$0x3F55];
	_ =	sdelay $0x3  }
0x37: {  	[smem:$0x3F55] =	sst s10  }
0x38: {  	s10 =	sld [smem:$0x3F56]  }
0x39: {  	_ = 	snop;
	(pc) =	sbr.ind lr, $3  }
0x3a: {  	_ = 	snop  }
0x3b: {  	_ = 	snop  }
0x3c: {  	p2 =	seq.s32 s10, $0x1;
	s10 =	sld [smem:$0x3F55]  }
0x3d: {  	_ =	shalt  }
0x3e: {  	_ =	shalt  }
0x3f: {  	_ =	shalt  }
0x40: {  	_ =	shalt  }
0x41: {  	_ =	shalt  }
0x42: {  	_ =	shalt  }
0x43: {  	_ =	shalt  }
0x44: {  	_ =	shalt  }
0x45: {  	_ =	shalt  }
0x46: {  	_ =	shalt  }
0x47: {  	_ =	shalt  }
0x48: {  	_ =	shalt  }
0x49: {  	_ =	shalt  }
0x4a: {  	_ =	shalt  }
0x4b: {  	_ =	shalt  }
0x4c: {  	_ =	shalt  }
0x4d: {  	_ =	shalt  }
0x4e: {  	_ =	shalt  }
0x4f: {  	_ =	shalt  }
0x50: {  	_ =	shalt  }
0x51: {  	_ =	shalt  }
0x52: {  	_ =	shalt  }
0x53: {  	_ =	shalt  }
0x54: {  	_ =	shalt  }
0x55: {  	_ =	shalt  }
0x56: {  	_ =	shalt  }
0x57: {  	_ =	shalt  }
0x58: {  	_ =	shalt  }
0x59: {  	_ =	shalt  }
0x5a: {  	_ =	shalt  }
0x5b: {  	_ =	shalt  }
0x5c: {  	_ =	shalt  }
0x5d: {  	_ =	shalt  }
0x5e: {  	_ =	shalt  }
0x5f: {  	_ =	shalt  }
0x60: {  	_ =	shalt  }
0x61: {  	_ =	shalt  }
0x62: {  	_ =	shalt  }
0x63: {  	_ =	shalt  }
0x64: {  	_ =	shalt  }
0x65: {  	_ =	shalt  }
0x66: {  	_ =	shalt  }
0x67: {  	_ =	shalt  }
0x68: {  	_ =	shalt  }
0x69: {  	_ =	shalt  }
0x6a: {  	_ =	shalt  }
0x6b: {  	_ =	shalt  }
0x6c: {  	_ =	shalt  }
0x6d: {  	_ =	shalt  }
0x6e: {  	_ =	shalt  }
0x6f: {  	_ =	shalt  }
0x70: {  	_ =	shalt  }
0x71: {  	_ =	shalt  }
0x72: {  	_ =	shalt  }
0x73: {  	_ =	shalt  }
0x74: {  	_ =	shalt  }
0x75: {  	_ =	shalt  }
0x76: {  	_ =	shalt  }
0x77: {  	_ =	shalt  }
0x78: {  	_ =	shalt  }
0x79: {  	_ =	shalt  }
0x7a: {  	_ =	shalt  }
0x7b: {  	_ =	shalt  }
0x7c: {  	_ =	shalt  }
0x7d: {  	_ =	shalt  }
0x7e: {  	_ =	shalt  }
0x7f: {  	_ =	shalt  }
0x80: {  	_ =	shalt  }
0x81: {  	_ =	shalt  }
0x82: {  	_ =	shalt  }
0x83: {  	_ =	shalt  }
0x84: {  	_ =	shalt  }
0x85: {  	_ =	shalt  }
0x86: {  	_ =	shalt  }
0x87: {  	_ =	shalt  }
.Lfunc_end0:
.L_simem_size_0:
called_computation_lowered:
.L_overlay_start_0:
0x88: {  	s2 =	sld [smem:$0x3FD9]  }
0x89: {  	s3 =	sld [smem:$0x3FFE];
	_ =	sdelay $0x1  }
0x8a: {  	s1 =	srdreg.scid  }
0x8b: {  	s0 =	sand.u32 $0x1, s1  }
0x8c: {  	s17 =	sshll.u32 s0, $0xA;
	s2 =	sadd.s32 s3, s2  }
0x8d: {  	s2 =	sadd.s32 s2, s17  }
0x8e: {  	[smem:$0x3F61] =	sst s2  }
0x8f: {  	_ = 	snop  }
0x90: {  	s2 =	sld [smem:$0x3FC9];
	(tm) =	ssettm $0x1  }
0x91: {  	s18 =	sld [smem:$0x3FFB];
	_ =	sdelay $0x3  }
0x92: {  	_ =	strace s18  }
0x93: {  	s3 =	sld [smem:$0x3FFC];
	_ =	sdelay $0x3  }
0x94: {  	_ =	strace s3  }
0x95: {  	s3 =	sld [smem:$0x3FFD];
	_ =	sdelay $0x3  }
0x96: {  	_ =	strace s3  }
0x97: {  	_ =	strace $0x8FFFFFFF  }
0x98: {  	s19 =	sld [smem:$0x3FDB];
	_ =	sdelay $0x1  }
0x99: {  	s4 =	simm.s32 $_scs_section_size  }
0x9a: {  	s5 =	simm.s32 $_size__tile_overlayer_lowered;
	s6 =	simm.s32 $_tile_overlayer_lowered  }
0x9b: {  	s22 =	simm.s32 $0x1BFF;
	s21 =	sshll.u32 s6, $0x1;
	s3 =	sadd.s32 s4, s19  }
0x9c: {  	s7 =	simm.s32 $0x0;
	s20 =	sshll.u32 s5, $0x1;
	s5 =	sadd.s32 s21, s3  }
0x9d: {  	[timem:s7], [sflag:s22] =	dma.local [hbm:s5], s20  }
0x9e: {  	_ =	swait.ge [sflag:s22], s20  }
0x9f: {  	s4 =	ssub.s32 $0x0, s20;
	[sflag:s22] =	ssyncset.done $0x0  }
0xa0: {  	[sflag:s22] =	ssyncadd.s32 s4;
	_ =	sdelay $0x1  }
0xa1: {  	s23 =	simm.s32 $0x1B8B  }
0xa2: {  	_ =	swait.ge [sflag:s23], $0x1  }
0xa3: {  	[sflag:s23] =	ssyncset.done $0x0  }
0xa4: {  	s25 =	simm.s32 $0x1B8E;
	s24 =	sld [smem:$0x3FFE];
	[sflag:s23] =	ssyncadd.s32 $0xFFFFFFFF  }
0xa5: {  	s26 =	simm.s32 $execute0_lowered;
	[smem:$0x3FD2] =	sst s25  }
0xa6: {  	s5 =	sshll.u32 s26, $0x1;
	_ =	strace $0x80000046;
	[dreg:$0x1] =	wrdreg $0xFFFFFFFF  }
0xa7: {  	s28 =	simm.s32 $_size_execute0_lowered;
	s3 =	sadd.s32 s3, s5;
	[dreg:$0x0] =	wrdreg $0x0  }
0xa8: {  	s5 =	sshll.u32 s28, $0x1;
	[dreg:$0x2] =	wrdreg s3  }
0xa9: {  	[dreg:$0x3] =	wrdreg s5  }
0xaa: {  	[dreg:$0x4] =	wrdreg $0xC0  }
0xab: {  	_ =	task [dreg:s7], $0x5FFFF  }
0xac: {  	[dreg:$0x1] =	wrdreg $0xFFFFFFFF  }
0xad: {  	[dreg:$0x0] =	wrdreg $0x60  }
0xae: {  	[dreg:$0x2] =	wrdreg s2  }
0xaf: {  	[dreg:$0x3] =	wrdreg s24  }
0xb0: {  	[dreg:$0x4] =	wrdreg $0x9  }
0xb1: {  	_ =	task.clear_ibuf [dreg:s7], $0x5FFFF;
	_ =	strace $0x90000046  }
0xb2: {  	s29 =	simm.s32 $0x9;
	_ =	strace $0x80000048  }
0xb3: {  	_ =	swait.ge [sflag:s29], $0x1  }
0xb4: {  	[sflag:s29] =	ssyncadd.s32 $0xFFFFFFFF  }
0xb5: {  	_ =	strace $0x90000048  }
0xb6: {  	_ =	sfence  }
0xb7: {  	s30 =	sld [smem:$0x0];
	_ =	sdelay $0x2  }
0xb8: {  	s31 =	sshll.u32 s1, $0xD;
	s1 =	sshrl.u32 s1, $0x2  }
0xb9: {  	s3 =	sand.u32 $0x4000, s31;
	s1 =	sadd.s32 s1, s30  }
0xba: {  	s0 =	sor.u32 s3, s0;
	s1 =	sshll.u32 s1, $0x11  }
0xbb: {  	s0 =	sor.u32 s1, s0  }
0xbc: {  	s0 =	sadd.s32 $0x8F2B, s0  }
0xbd: {  	[sflag:s0] =	ssyncadd.remote.s32 $0x1  }
0xbe: {  	_ =	sfence.sel $0xFFFF  }
0xbf: {  	[dreg:$0x0] =	wrdreg $0xFFFFFFFF;
	(pc) =	sbr.abs _section_cstart, $3  }
0xc0: {  	[dreg:$0x1] =	wrdreg $0xFFFFFFFF  }
0xc1: {  	_ =	task.clear_ibuf [dreg:s7], $0x2FFFF;
	_ =	strace $0x9FFFFFFF  }
0xc2: {  	(tm) =	ssettm $0x7FFFFFFF  }
0xc3: {  	_ =	shalt  }
tec
execute0_lowered:
.L_overlay_start_1:
0x0: {  	(tag) =	ssettag $0x1  }
0x1: {  	s1 =	rddreg [dreg:$0x0]  }
0x2: {  	s4 =	rddreg [dreg:$0x1]  }
0x3: {  	s0 =	rddreg [dreg:$0x2];
	s3 =	simm.s32 $0x0;
	s5 =	srdreg.scid  }
0x4: {  	s2 =	stileid.u32;
	s12 =	simm.s32 $0xA800;
	s13 =	simm.s32 $0x0  }
0x5: {  	[smem:$0x7FF] =	sst s3;
	s5 =	sand.u32 $0x1, s5;
	s6 =	sshll.u32 s2, $0x1  }
0x6: {  	s10 =	smul.u32 $0x9C400, s2;
	s11 =	sadd.s32 $0x39000, s4;
	_ =	strace $0x80000047  }
0x7: {  	s6 =	sor.u32 s5, s6;
	s8 =	ssub.s32 $0x2, s5;
	s30 =	smul.u32 $0x4E200, s5  }
0x8: {  	s7 =	sshll.u32 s6, $0xC;
	s6 =	smul.u32 $0x4E200, s6;
	s9 =	sshrl.u32 s8, $0x1  }
0x9: {  	s31 =	sadd.s32 s10, s11;
	s10 =	simm.s32 $0x8000;
	s7 =	sadd.s32 s7, s4  }
0xa: {  	s8 =	ssub.s32 s8, s9;
	s9 =	simm.s32 $0x50;
	s4 =	sadd.s32 $0x19000, s7  }
0xb: {  	s6 =	sadd.s32 s11, s6;
	s5 =	smax.u32 s8, $0x1;
	s7 =	sadd.s32 s30, s31  }
0xc: {  	s8 =	simm.s32 $0x3;
	s11 =	simm.s32 $0x2;
	s6 =	sadd.s32 $0x4DD00, s6  }
.LBB2_1:
0xd: {  	[tilespmem:s3], [sflag:$0x3] =	stream.linear.gather [hbm4b:s4+s3], $0x7D00, $0x38;
	[tilespmem:$0xD000] =	vst v63  }
0xe: {  	s14 =	simm.s32 $0x1;
	_ =	swait.ge [sflag:s8], $0x7D00  }
0xf: {  	s16 =	simm.s32 $0x0;
	s14 =	sand.u32 $0x1, s14;
	[sflag:s8] =	ssyncset.done $0x0  }
0x10: {  	s17 =	simm.s32 $0x80;
	s15 =	smul.u32 $0xA000, s14;
	[sflag:s8] =	ssyncadd.s32 $0xFFFF8300  }
0x11: {  	[tilespmem:s10], [sflag:$0x1] =	stream.indirect.gather [hbm4b:s1+s9], $0x80, s3, s9, $0xb8;
	[tilespmem:$0xD000] =	vst v63  }
0x12: {  	s16 =	sand.u32 $0x1, s16;
	s14 =	sadd.s32 $0x1, s14;
	s15 =	sshrl.u32 s15, $0x2  }
0x13: {  	s18 =	sadd.s32 $0x1, s16;
	s16 =	smul.u32 $0xA000, s16;
	s15 =	sor.u32 $0x8000, s15  }
0x14: {  	[tilespmem:s15], [sflag:s14] =	stream.indirect.gather [hbm4b:s1+s9], $0x80, s17, s9, $0xb8;
	[tilespmem:$0xD000] =	vst v63  }
0x15: {  	s31 =	sshrl.u32 s16, $0x2;
	s17 =	simm.s32 $0x2;
	_ =	swait.ge [sflag:s18], $0x2800  }
0x16: {  	s14 =	sor.u32 $0x8000, s31;
	s16 =	sand.u32 $0x1, s17;
	[sflag:s18] =	ssyncset.done $0x0  }
0x17: {  	s15 =	simm.s32 $0x100;
	s19 =	smul.u32 $0xA000, s16;
	[sflag:s18] =	ssyncadd.s32 $0xFFFFD800  }
0x18: {  	[hbm4b:s7+s3] =	stream.linear.scatter [tilespmem:s14], [sflag:$0x3], $0x2800, $0x38;
	[tilespmem:$0xD000] =	vst v63  }
0x19: {  	s18 =	simm.s32 $0x3;
	s14 =	smov.u32 s7;
	_ =	swait.ge [sflag:s8], $0x2800  }
.LBB2_2:
0x1a: {  	[sflag:s8] =	ssyncset.done $0x0  }
0x1b: {  	s14 =	sadd.s32 $0x500, s14;
	s20 =	smov.u32 s18;
	s21 =	sadd.s32 $0x1, s18  }
0x1c: {  	s17 =	sadd.s32 $0xFFFFFFFF, s17;
	s19 =	sshrl.u32 s19, $0x2;
	[sflag:s8] =	ssyncadd.s32 $0xFFFFD800  }
0x1d: {  	s16 =	sadd.s32 $0x1, s16;
	s17 =	sand.u32 $0x1, s17;
	s19 =	sor.u32 $0x8000, s19  }
0x1e: {  	p0 =	sne.s32 s18, $0xF9;
	s18 =	sadd.s32 $0x1, s17;
	s17 =	smul.u32 $0xA000, s17  }
0x1f: {  	[tilespmem:s19], [sflag:s16] =	stream.indirect.gather [hbm4b:s1+s9], $0x80, s15, s9, $0xb8;
	[tilespmem:$0xD000] =	vst v63  }
.Ltmp0:
0x20: {  	s16 =	sshrl.u32 s17, $0x2;
	_ =	swait.ge [sflag:s18], $0x2800;
	(pc) =	sbr.rel @p0 .LBB2_2-.Ltmp0, $4  }
0x21: {  	s17 =	smov.u32 s20;
	s19 =	sor.u32 $0x8000, s16;
	[sflag:s18] =	ssyncset.done $0x0  }
0x22: {  	s15 =	sadd.s32 $0x80, s15;
	s16 =	sand.u32 $0x1, s17;
	[sflag:s18] =	ssyncadd.s32 $0xFFFFD800  }
0x23: {  	[hbm4b:s14+s3] =	stream.linear.scatter [tilespmem:s19], [sflag:$0x3], $0x2800, $0x38;
	[tilespmem:$0xD000] =	vst v63  }
0x24: {  	s18 =	smov.u32 s21;
	s19 =	smul.u32 $0xA000, s16;
	_ =	swait.ge [sflag:s8], $0x2800  }
0x25: {  	[sflag:s8] =	ssyncset.done $0x0;
	s17 =	sadd.s32 $0xFFFFFFFF, s17;
	s16 =	sadd.s32 $0x1, s16  }
0x26: {  	s18 =	sshrl.u32 s19, $0x2;
	[sflag:s8] =	ssyncadd.s32 $0xFFFFD800;
	s17 =	sand.u32 $0x1, s17  }
0x27: {  	s18 =	sor.u32 $0x8000, s18;
	s30 =	sadd.s32 $0x1, s17;
	s17 =	smul.u32 $0xA000, s17  }
0x28: {  	[tilespmem:s18], [sflag:s16] =	stream.indirect.gather [hbm4b:s1+s9], $0x80, s15, s9, $0xb8;
	[tilespmem:$0xD000] =	vst v63  }
0x29: {  	_ =	swait.ge [sflag:s30], $0x2800  }
0x2a: {  	s31 =	sshrl.u32 s17, $0x2;
	[sflag:s30] =	ssyncset.done $0x0  }
0x2b: {  	s14 =	sadd.s32 $0x500, s14;
	s15 =	sor.u32 $0x8000, s31;
	[sflag:s30] =	ssyncadd.s32 $0xFFFFD800  }
0x2c: {  	[hbm4b:s14+s3] =	stream.linear.scatter [tilespmem:s15], [sflag:$0x3], $0x2800, $0x38;
	[tilespmem:$0xD000] =	vst v63  }
0x2d: {  	_ =	swait.ge [sflag:s8], $0x2800  }
0x2e: {  	[sflag:s8] =	ssyncset.done $0x0  }
0x2f: {  	[sflag:s8] =	ssyncadd.s32 $0xFFFFD800  }
0x30: {  	s13 =	sadd.s32 $0x1, s13;
	_ =	swait.ge [sflag:s11], $0x2800  }
0x31: {  	p0 =	sne.s32 s13, s5;
	[sflag:s11] =	ssyncset.done $0x0  }
.Ltmp1:
0x32: {  	[sflag:s11] =	ssyncadd.s32 $0xFFFFD800;
	(pc) =	sbr.rel @p0 .LBB2_1-.Ltmp1, $4  }
0x33: {  	[hbm4b:s6+s3] =	stream.linear.scatter [tilespmem:s12], [sflag:$0x3], $0x2800, $0x38;
	[tilespmem:$0xD000] =	vst v63  }
0x34: {  	_ =	swait.ge [sflag:s8], $0x2800  }
0x35: {  	[sflag:s8] =	ssyncset.done $0x0  }
0x36: {  	[sflag:s8] =	ssyncadd.s32 $0xFFFFD800  }
0x37: {  	_ =	sfence.sel $0x180000  }
0x38: {  	[bflag:$0x0] =	sbarrier.arrive $0xFFFF  }
0x39: {  	p0 =	sne.s32 s2, $0x0;
	_ =	strace $0x90000047  }
0x3a: {  	s0 =	sadd.s32 @!p0 $0x100000, s0;
	[bflag:$0x2] =	sbarrier.arrive $0xFFFF  }
0x3b: {  	[sflag:s0] =	ssyncadd.tile.s32 @!p0 $0x1;
	_ =	shalt  }
.Lfunc_end2:
_tile_overlayer_lowered:
.L_overlay_start_2:
0x3c: {  	(tag) =	ssettag $0x2  }
0x3d: {  	s0 =	rddreg [dreg:$0x0];
	s2 =	stileid.u32  }
0x3e: {  	s1 =	rddreg [dreg:$0x1];
	p0 =	sne.s32 s2, $0x0  }
0x3f: {  	s3 =	rddreg [dreg:$0x2];
	[bflag:$0x3] =	sbarrier.arrive $0xFFFF;
	s2 =	simm.s32 @!p0 $0x1C03  }
0x40: {  	[timem:s3], [sflag:s2] =	dma.local @!p0 [hbm:s0], s1  }
0x41: {  	s0 =	simm.s32 @!p0 $0x3  }
0x42: {  	_ =	swait.ge @!p0 [sflag:s0], s1  }
0x43: {  	s1 =	ssub.s32 @!p0 $0x0, s1;
	[sflag:s0] =	ssyncset.done @!p0 $0x0  }
0x44: {  	[sflag:s0] =	ssyncadd.s32 @!p0 s1  }
0x45: {  	[bflag:$0x3] =	sbarrier.arrive $0xFFFF  }
0x46: {  	_ =	shalt  }

// kernel: kernel.25.cloned.1.call-start
scs
__scs_entry_jumppad:
0x0: {  	(pc) =	sbr.rel $0x88, $3  }
0x1: {  	(tag) =	ssettag $0x0;
	lr =	simm.s32 $0x1  }
0x2: {  	[smem:$0x3F3A] =	sst lr;
	_ =	strace $0xD0000000  }
0x3: {  	_ = 	snop  }
0x4: {  	_ = 	snop  }
0x5: {  	_ = 	snop  }
0x6: {  	_ = 	snop  }
0x7: {  	_ = 	snop  }
__scs_overlays_trampoline_lowered:
0x8: {  	[smem:$0x3F49] =	sst s0  }
0x9: {  	[smem:$0x3F4A] =	sst s1  }
0xa: {  	[smem:$0x3F4B] =	sst s2  }
0xb: {  	[smem:$0x3F4C] =	sst s3  }
0xc: {  	[smem:$0x3F4D] =	sst s4  }
0xd: {  	[smem:$0x3F4E] =	sst s5  }
0xe: {  	[smem:$0x3F4F] =	sst s6  }
0xf: {  	[smem:$0x3F50] =	sst s7  }
0x10: {  	[smem:$0x3F51] =	sst s8  }
0x11: {  	[smem:$0x3F52] =	sst s9;
	s0 =	simm.s32 @!p0 $0x0  }
0x12: {  	s1 =	sld [smem:$0x3F38];
	s0 =	simm.s32 @p0 $0x1  }
0x13: {  	[smem:$0x3F53] =	sst s0;
	s0 =	simm.s32 @!p1 $0x0  }
0x14: {  	s2 =	sld [smem:$0x3F37];
	s0 =	simm.s32 @p1 $0x1  }
0x15: {  	[smem:$0x3F54] =	sst s0;
	s0 =	simm.s32 @!p2 $0x0  }
0x16: {  	s3 =	sld [smem:$0x3FDB];
	s0 =	simm.s32 @p2 $0x1  }
0x17: {  	s4 =	simm.s32 $0x1BF5;
	[smem:$0x3F56] =	sst s0  }
0x18: {  	s0 =	sld [smem:$0x3F39];
	_ =	swait.ge [sflag:s4], $0x0  }
0x19: {  	s7 =	sld [smem:$0x3F3A]  }
0x1a: {  	s8 =	sadd.s32 $0xFFFFE003, lr  }
0x1b: {  	s9 =	sadd.s32 $0xFFFFFEF7, lr;
	s5 =	simm.s32 $0xFFFFFFFF;
	p2 =	slt.u32 s8, $0xFFFFF086  }
0x1c: {  	p1 =	slt.u32 s9, $0xF7A;
	s5 =	simm.s32 @!p2 $0x0  }
0x1d: {  	s5 =	simm.s32 @p1 $0x1;
	p0 =	seq.s32 s7, s2  }
0x1e: {  	s7 =	smul.u32 @!p0 $0xF7A, s2;
	p2 =	seq.s32 @!p0 s5, $0x0  }
0x1f: {  	s9 =	smul.u32 $0xF7A, s1;
	s8 =	simm.s32 @!p0 $0x1BF5;
	p2 =	por !p2, p0  }
0x20: {  	[sflag:s8] =	ssyncset.s32 @!p0 $0xFFFFF086;
	s6 =	sadd.s32 @!p0 s3, s7;
	s7 =	simm.s32 @!p0 $0x108  }
0x21: {  	s3 =	sadd.s32 s3, s9;
	s6 =	sadd.s32 @!p0 $0x88, s6;
	s7 =	simm.s32 @p2 $0x1082  }
0x22: {  	[simem:s7], [sflag:s8] =	dma.local @!p0 [hbm:s6], $0xF7A  }
0x23: {  	s9 =	sor.u32 $0xD0000000, s2;
	s6 =	simm.s32 $0x108;
	_ =	swait.ge @!p0 [sflag:s8], $0x0  }
0x24: {  	s3 =	sadd.s32 $0x88, s3;
	s6 =	simm.s32 @!p1 $0x1082;
	[sflag:s4] =	ssyncset.s32 $0xFFFFF086  }
0x25: {  	[simem:s6], [sflag:s4] =	dma.local [hbm:s3], $0xF7A  }
0x26: {  	[smem:$0x3F3A] =	sst s1;
	(tag) =	ssettag s2;
	_ =	strace s9  }
0x27: {  	s1 =	sld [smem:$0x3F4A]  }
0x28: {  	s2 =	sld [smem:$0x3F4B]  }
0x29: {  	s4 =	sld [smem:$0x3F4D]  }
0x2a: {  	p0 =	seq.s32 s5, $0x0;
	s5 =	sld [smem:$0x3F4E]  }
0x2b: {  	s6 =	sld [smem:$0x3F4F]  }
0x2c: {  	s7 =	sld [smem:$0x3F50]  }
0x2d: {  	s3 =	simm.s32 $0x108;
	s8 =	sld [smem:$0x3F51]  }
0x2e: {  	s3 =	simm.s32 @!p0 $0x1082;
	s9 =	sld [smem:$0x3F52]  }
0x2f: {  	lr =	sadd.s32 s0, s3;
	s0 =	sld [smem:$0x3F49]  }
0x30: {  	s3 =	sld [smem:$0x3F4C]  }
0x31: {  	[smem:$0x3F55] =	sst s10  }
0x32: {  	s10 =	sld [smem:$0x3F53];
	_ =	sdelay $0x3  }
0x33: {  	p0 =	seq.s32 s10, $0x1;
	s10 =	sld [smem:$0x3F55];
	_ =	sdelay $0x3  }
0x34: {  	[smem:$0x3F55] =	sst s10  }
0x35: {  	s10 =	sld [smem:$0x3F54];
	_ =	sdelay $0x3  }
0x36: {  	p1 =	seq.s32 s10, $0x1;
	s10 =	sld [smem:$0x3F55];
	_ =	sdelay $0x3  }
0x37: {  	[smem:$0x3F55] =	sst s10  }
0x38: {  	s10 =	sld [smem:$0x3F56]  }
0x39: {  	_ = 	snop;
	(pc) =	sbr.ind lr, $3  }
0x3a: {  	_ = 	snop  }
0x3b: {  	_ = 	snop  }
0x3c: {  	p2 =	seq.s32 s10, $0x1;
	s10 =	sld [smem:$0x3F55]  }
0x3d: {  	_ =	shalt  }
0x3e: {  	_ =	shalt  }
0x3f: {  	_ =	shalt  }
0x40: {  	_ =	shalt  }
0x41: {  	_ =	shalt  }
0x42: {  	_ =	shalt  }
0x43: {  	_ =	shalt  }
0x44: {  	_ =	shalt  }
0x45: {  	_ =	shalt  }
0x46: {  	_ =	shalt  }
0x47: {  	_ =	shalt  }
0x48: {  	_ =	shalt  }
0x49: {  	_ =	shalt  }
0x4a: {  	_ =	shalt  }
0x4b: {  	_ =	shalt  }
0x4c: {  	_ =	shalt  }
0x4d: {  	_ =	shalt  }
0x4e: {  	_ =	shalt  }
0x4f: {  	_ =	shalt  }
0x50: {  	_ =	shalt  }
0x51: {  	_ =	shalt  }
0x52: {  	_ =	shalt  }
0x53: {  	_ =	shalt  }
0x54: {  	_ =	shalt  }
0x55: {  	_ =	shalt  }
0x56: {  	_ =	shalt  }
0x57: {  	_ =	shalt  }
0x58: {  	_ =	shalt  }
0x59: {  	_ =	shalt  }
0x5a: {  	_ =	shalt  }
0x5b: {  	_ =	shalt  }
0x5c: {  	_ =	shalt  }
0x5d: {  	_ =	shalt  }
0x5e: {  	_ =	shalt  }
0x5f: {  	_ =	shalt  }
0x60: {  	_ =	shalt  }
0x61: {  	_ =	shalt  }
0x62: {  	_ =	shalt  }
0x63: {  	_ =	shalt  }
0x64: {  	_ =	shalt  }
0x65: {  	_ =	shalt  }
0x66: {  	_ =	shalt  }
0x67: {  	_ =	shalt  }
0x68: {  	_ =	shalt  }
0x69: {  	_ =	shalt  }
0x6a: {  	_ =	shalt  }
0x6b: {  	_ =	shalt  }
0x6c: {  	_ =	shalt  }
0x6d: {  	_ =	shalt  }
0x6e: {  	_ =	shalt  }
0x6f: {  	_ =	shalt  }
0x70: {  	_ =	shalt  }
0x71: {  	_ =	shalt  }
0x72: {  	_ =	shalt  }
0x73: {  	_ =	shalt  }
0x74: {  	_ =	shalt  }
0x75: {  	_ =	shalt  }
0x76: {  	_ =	shalt  }
0x77: {  	_ =	shalt  }
0x78: {  	_ =	shalt  }
0x79: {  	_ =	shalt  }
0x7a: {  	_ =	shalt  }
0x7b: {  	_ =	shalt  }
0x7c: {  	_ =	shalt  }
0x7d: {  	_ =	shalt  }
0x7e: {  	_ =	shalt  }
0x7f: {  	_ =	shalt  }
0x80: {  	_ =	shalt  }
0x81: {  	_ =	shalt  }
0x82: {  	_ =	shalt  }
0x83: {  	_ =	shalt  }
0x84: {  	_ =	shalt  }
0x85: {  	_ =	shalt  }
0x86: {  	_ =	shalt  }
0x87: {  	_ =	shalt  }
.Lfunc_end0:
.L_simem_size_0:
called_computation.1_lowered:
.L_overlay_start_0:
0x88: {  	s2 =	sld [smem:$0x3FD9]  }
0x89: {  	s3 =	sld [smem:$0x3FFE];
	_ =	sdelay $0x1  }
0x8a: {  	s1 =	srdreg.scid  }
0x8b: {  	s0 =	sand.u32 $0x1, s1  }
0x8c: {  	s17 =	sshll.u32 s0, $0xA;
	s2 =	sadd.s32 s3, s2  }
0x8d: {  	s2 =	sadd.s32 s2, s17  }
0x8e: {  	[smem:$0x3F61] =	sst s2  }
0x8f: {  	_ = 	snop  }
0x90: {  	(tm) =	ssettm $0x1  }
0x91: {  	s18 =	sld [smem:$0x3FFB];
	_ =	sdelay $0x3  }
0x92: {  	_ =	strace s18  }
0x93: {  	s2 =	sld [smem:$0x3FFC];
	_ =	sdelay $0x3  }
0x94: {  	_ =	strace s2  }
0x95: {  	s2 =	sld [smem:$0x3FFD];
	_ =	sdelay $0x3  }
0x96: {  	_ =	strace s2  }
0x97: {  	_ =	strace $0x8FFFFFFF  }
0x98: {  	s19 =	sld [smem:$0x3FDB];
	_ =	sdelay $0x1  }
0x99: {  	s20 =	simm.s32 $_scs_section_size  }
0x9a: {  	s4 =	simm.s32 $_size__tile_overlayer_lowered;
	s5 =	simm.s32 $_tile_overlayer_lowered  }
0x9b: {  	s6 =	simm.s32 $0x1BFF;
	s21 =	sshll.u32 s5, $0x1;
	s3 =	sadd.s32 s20, s19  }
0x9c: {  	s22 =	simm.s32 $0x0;
	s4 =	sshll.u32 s4, $0x1;
	s5 =	sadd.s32 s21, s3  }
0x9d: {  	[timem:s22], [sflag:s6] =	dma.local [hbm:s5], s4  }
0x9e: {  	_ =	swait.ge [sflag:s6], s4  }
0x9f: {  	s4 =	ssub.s32 $0x0, s4;
	[sflag:s6] =	ssyncset.done $0x0  }
0xa0: {  	[sflag:s6] =	ssyncadd.s32 s4;
	_ =	sdelay $0x1  }
0xa1: {  	s23 =	simm.s32 $0x1B8B  }
0xa2: {  	_ =	swait.ge [sflag:s23], $0x1  }
0xa3: {  	[sflag:s23] =	ssyncset.done $0x0  }
0xa4: {  	[sflag:s23] =	ssyncadd.s32 $0xFFFFFFFF  }
0xa5: {  	s4 =	sld [smem:$0x0]  }
0xa6: {  	s5 =	sand.u32 $0xFFFFFFFE, s1  }
0xa7: {  	p0 =	sne.s32 s1, s5  }
0xa8: {  	s5 =	sshll.u32 @p0 s5, $0xE  }
0xa9: {  	s5 =	sadd.s32 @p0 $0x11B8D, s5;
	s6 =	sshll.u32 @p0 s4, $0x11  }
0xaa: {  	s5 =	sor.u32 @p0 s6, s5  }
0xab: {  	[sflag:s5] =	ssyncadd.remote.s32 @p0 $0x1;
	_ =	sdelay $0x1  }
0xac: {  	s5 =	simm.s32 @p0 $0x1B8D  }
0xad: {  	_ =	swait.eq @p0 [sflag:s5], $0x1  }
0xae: {  	[sflag:s5] =	ssyncadd.s32 @p0 $0xFFFFFFFF  }
0xaf: {  	s6 =	sshll.u32 @!p0 s1, $0xE  }
0xb0: {  	s6 =	sor.u32 @!p0 $0x4000, s6;
	s5 =	simm.s32 @!p0 $0x1B8D  }
0xb1: {  	s4 =	sshll.u32 @!p0 s4, $0x11;
	s6 =	sadd.s32 @!p0 $0x11B8D, s6;
	_ =	swait.eq @!p0 [sflag:s5], $0x1  }
0xb2: {  	s4 =	sor.u32 @!p0 s4, s6;
	[sflag:s5] =	ssyncadd.s32 @!p0 $0xFFFFFFFF  }
0xb3: {  	s25 =	simm.s32 $0x1B8E;
	s24 =	sld [smem:$0x3FFE];
	[sflag:s4] =	ssyncadd.remote.s32 @!p0 $0x1  }
0xb4: {  	s26 =	simm.s32 $execute0_lowered;
	[smem:$0x3FD2] =	sst s25  }
0xb5: {  	s5 =	sshll.u32 s26, $0x1;
	_ =	strace $0x8000004C;
	[dreg:$0x1] =	wrdreg $0xFFFFFFFF  }
0xb6: {  	s28 =	simm.s32 $_size_execute0_lowered;
	s3 =	sadd.s32 s3, s5;
	[dreg:$0x0] =	wrdreg $0x0  }
0xb7: {  	s5 =	sshll.u32 s28, $0x1;
	[dreg:$0x2] =	wrdreg s3  }
0xb8: {  	[dreg:$0x3] =	wrdreg s5  }
0xb9: {  	[dreg:$0x4] =	wrdreg $0xC0  }
0xba: {  	_ =	task [dreg:s22], $0x5FFFF  }
0xbb: {  	[dreg:$0x1] =	wrdreg $0xFFFFFFFF  }
0xbc: {  	[dreg:$0x0] =	wrdreg $0x60  }
0xbd: {  	[dreg:$0x2] =	wrdreg s24  }
0xbe: {  	[dreg:$0x3] =	wrdreg $0x90000  }
0xbf: {  	[dreg:$0x4] =	wrdreg $0x9  }
0xc0: {  	_ =	task.clear_ibuf [dreg:s22], $0x5FFFF;
	_ =	strace $0x9000004C  }
0xc1: {  	s29 =	simm.s32 $0x9;
	_ =	strace $0x8000004E  }
0xc2: {  	_ =	swait.ge [sflag:s29], $0x1  }
0xc3: {  	[sflag:s29] =	ssyncadd.s32 $0xFFFFFFFF  }
0xc4: {  	_ =	strace $0x9000004E  }
0xc5: {  	_ =	sfence  }
0xc6: {  	s30 =	sld [smem:$0x0];
	_ =	sdelay $0x2  }
0xc7: {  	s31 =	sshll.u32 s1, $0xD;
	s1 =	sshrl.u32 s1, $0x2  }
0xc8: {  	s4 =	sand.u32 $0x4000, s31;
	s1 =	sadd.s32 s1, s30  }
0xc9: {  	s0 =	sor.u32 s4, s0;
	s1 =	sshll.u32 s1, $0x11  }
0xca: {  	s0 =	sor.u32 s1, s0  }
0xcb: {  	s0 =	sadd.s32 $0x8F2B, s0  }
0xcc: {  	[sflag:s0] =	ssyncadd.remote.s32 $0x1  }
0xcd: {  	_ =	sfence.sel $0xFFFF  }
0xce: {  	[dreg:$0x0] =	wrdreg $0xFFFFFFFF;
	(pc) =	sbr.abs _section_cstart, $3  }
0xcf: {  	[dreg:$0x1] =	wrdreg $0xFFFFFFFF  }
0xd0: {  	_ =	task.clear_ibuf [dreg:s22], $0x2FFFF;
	_ =	strace $0x9FFFFFFF  }
0xd1: {  	(tm) =	ssettm $0x7FFFFFFF  }
tec
execute0_lowered:
.L_overlay_start_1:
0x0: {  	(tag) =	ssettag $0x1  }
0x1: {  	s4 =	rddreg [dreg:$0x0]  }
0x2: {  	s1 =	rddreg [dreg:$0x1]  }
0x3: {  	s0 =	rddreg [dreg:$0x2]  }
0x4: {  	s3 =	simm.s32 $0x0;
	s5 =	srdreg.scid;
	s2 =	stileid.u32  }
0x5: {  	s16 =	simm.s32 $0x3E00;
	s17 =	simm.s32 $0x0;
	s7 =	smul.u32 $0x2800, s2  }
0x6: {  	[smem:$0x7FF] =	sst s3;
	s5 =	sand.u32 $0x1, s5;
	s11 =	smul.u32 $0x50000, s2  }
0x7: {  	s6 =	sshll.u32 s2, $0x1;
	s9 =	sadd.s32 $0x18BCE00, s4;
	s14 =	smul.u32 $0x4E200, s2  }
0x8: {  	s30 =	sshll.u32 s2, $0x6;
	_ =	strace $0x8000004D;
	s8 =	smul.u32 $0x28000, s5  }
0x9: {  	s6 =	sor.u32 s5, s6;
	s29 =	ssub.s32 $0x2, s5;
	s15 =	smul.u32 $0x27100, s5  }
0xa: {  	s5 =	sor.u32 $0x1C03, s30;
	s10 =	sshll.u32 s6, $0xB;
	s12 =	sshrl.u32 s29, $0x1  }
0xb: {  	s11 =	sshrl.u32 s11, $0x2;
	s13 =	smul.u32 $0x27100, s6;
	s31 =	sadd.s32 s14, s9  }
0xc: {  	s14 =	simm.s32 $0x50;
	s10 =	sadd.s32 s10, s4;
	s8 =	sadd.s32 s7, s8  }
0xd: {  	s7 =	sadd.s32 s7, s4;
	s12 =	ssub.s32 s29, s12;
	s11 =	sadd.s32 s11, s1  }
0xe: {  	s8 =	sadd.s32 s8, s4;
	s4 =	sadd.s32 $0x39000, s7;
	s6 =	sadd.s32 $0x13CAE00, s10  }
0xf: {  	s7 =	sadd.s32 s9, s13;
	s10 =	sadd.s32 s15, s31;
	s9 =	smax.u32 s12, $0x1  }
0x10: {  	s11 =	sshrl.u32 s11, $0x3;
	s12 =	simm.s32 $0x3;
	s13 =	simm.s32 $0x4000  }
0x11: {  	s15 =	simm.s32 $0x1;
	s8 =	sadd.s32 $0xB1000, s8;
	s10 =	sadd.s32 $0x500, s10  }
.LBB2_1:
0x12: {  	[spmem:s11], [sflag:s5] =	dma.local [hbm:s4], $0x2800  }
0x13: {  	_ =	swait.ge [sflag:s12], $0x2800  }
0x14: {  	[sflag:s12] =	ssyncset.done $0x0  }
0x15: {  	[sflag:s12] =	ssyncadd.s32 $0xFFFFD800  }
0x16: {  	s18 =	sand.u32 $0x1, s15;
	[bflag:$0x0] =	sbarrier.arrive $0xFFFF  }
0x17: {  	[tilespmem:s3], [sflag:$0x3] =	stream.linear.gather [hbm4b:s6+s3], $0x3E80, $0x38;
	[tilespmem:$0x1D000] =	vst v63  }
0x18: {  	s20 =	simm.s32 $0x0;
	s19 =	smul.u32 $0xA000, s18;
	_ =	swait.ge [sflag:s12], $0x3E80  }
0x19: {  	s21 =	simm.s32 $0x2;
	s20 =	sand.u32 $0x1, s20;
	[sflag:s12] =	ssyncset.done $0x0  }
0x1a: {  	s18 =	sadd.s32 $0x1, s18;
	s19 =	sshrl.u32 s19, $0x2;
	[sflag:s12] =	ssyncadd.s32 $0xFFFFC180  }
0x1b: {  	[tilespmem:s13], [sflag:$0x1] =	stream.linear.gather [hbm4b:s7+s3], $0x2800, $0x38;
	[tilespmem:$0x1D000] =	vst v63  }
0x1c: {  	s22 =	sadd.s32 $0x1, s20;
	s20 =	smul.u32 $0xA000, s20;
	s19 =	sor.u32 $0x4000, s19  }
0x1d: {  	[tilespmem:s19], [sflag:s18] =	stream.linear.gather [hbm4b:s10+s3], $0x2800, $0x38;
	[tilespmem:$0x1D000] =	vst v63  }
0x1e: {  	s31 =	sshrl.u32 s20, $0x2;
	s20 =	sand.u32 $0x1, s21;
	_ =	swait.ge [sflag:s22], $0x2800  }
0x1f: {  	s23 =	smul.u32 $0xA000, s20;
	[sflag:s22] =	ssyncset.done $0x0  }
0x20: {  	s18 =	sor.u32 $0x4000, s31;
	s19 =	sadd.s32 $0x500, s10;
	[sflag:s22] =	ssyncadd.s32 $0xFFFFD800  }
0x21: {  	[spmem:s1] =	stream.indirect.scatter.add.f32 [tilespmem:s18], [sflag:$0x3], $0x80, s3, s14, $0xb8;
	[tilespmem:$0x1D000] =	vst v63  }
0x22: {  	s22 =	simm.s32 $0x3;
	s18 =	simm.s32 $0x0;
	_ =	swait.ge [sflag:s12], $0x2800  }
.LBB2_2:
0x23: {  	[sflag:s12] =	ssyncset.done $0x0  }
0x24: {  	s18 =	sadd.s32 $0x80, s18;
	s24 =	smov.u32 s22;
	s25 =	sadd.s32 $0x1, s22  }
0x25: {  	s21 =	sadd.s32 $0xFFFFFFFF, s21;
	s23 =	sshrl.u32 s23, $0x2;
	[sflag:s12] =	ssyncadd.s32 $0xFFFFD800  }
0x26: {  	s20 =	sadd.s32 $0x1, s20;
	s21 =	sand.u32 $0x1, s21;
	s23 =	sor.u32 $0x4000, s23  }
0x27: {  	p0 =	sne.s32 s22, $0x7C;
	s22 =	sadd.s32 $0x1, s21;
	s21 =	smul.u32 $0xA000, s21  }
0x28: {  	[tilespmem:s23], [sflag:s20] =	stream.linear.gather [hbm4b:s19+s3], $0x2800, $0x38;
	[tilespmem:$0x1D000] =	vst v63  }
.Ltmp0:
0x29: {  	s20 =	sshrl.u32 s21, $0x2;
	_ =	swait.ge [sflag:s22], $0x2800;
	(pc) =	sbr.rel @p0 .LBB2_2-.Ltmp0, $4  }
0x2a: {  	s21 =	smov.u32 s24;
	s23 =	sor.u32 $0x4000, s20;
	[sflag:s22] =	ssyncset.done $0x0  }
0x2b: {  	s19 =	sadd.s32 $0x500, s19;
	s20 =	sand.u32 $0x1, s21;
	[sflag:s22] =	ssyncadd.s32 $0xFFFFD800  }
0x2c: {  	[spmem:s1] =	stream.indirect.scatter.add.f32 [tilespmem:s23], [sflag:$0x3], $0x80, s18, s14, $0xb8;
	[tilespmem:$0x1D000] =	vst v63  }
0x2d: {  	s22 =	smov.u32 s25;
	s23 =	smul.u32 $0xA000, s20;
	_ =	swait.ge [sflag:s12], $0x2800  }
0x2e: {  	[sflag:s12] =	ssyncset.done $0x0;
	s21 =	sadd.s32 $0xFFFFFFFF, s21;
	s20 =	sadd.s32 $0x1, s20  }
0x2f: {  	s22 =	sshrl.u32 s23, $0x2;
	[sflag:s12] =	ssyncadd.s32 $0xFFFFD800;
	s21 =	sand.u32 $0x1, s21  }
0x30: {  	s22 =	sor.u32 $0x4000, s22;
	s30 =	sadd.s32 $0x1, s21;
	s21 =	smul.u32 $0xA000, s21  }
0x31: {  	[tilespmem:s22], [sflag:s20] =	stream.linear.gather [hbm4b:s19+s3], $0x2800, $0x38;
	[tilespmem:$0x1D000] =	vst v63  }
0x32: {  	_ =	swait.ge [sflag:s30], $0x2800  }
0x33: {  	s31 =	sshrl.u32 s21, $0x2;
	[sflag:s30] =	ssyncset.done $0x0  }
0x34: {  	s18 =	sadd.s32 $0x80, s18;
	s19 =	sor.u32 $0x4000, s31;
	[sflag:s30] =	ssyncadd.s32 $0xFFFFD800  }
0x35: {  	[spmem:s1] =	stream.indirect.scatter.add.f32 [tilespmem:s19], [sflag:$0x3], $0x80, s18, s14, $0xb8;
	[tilespmem:$0x1D000] =	vst v63  }
0x36: {  	_ =	swait.ge [sflag:s12], $0x2800  }
0x37: {  	[sflag:s12] =	ssyncset.done $0x0  }
0x38: {  	[sflag:s12] =	ssyncadd.s32 $0xFFFFD800  }
0x39: {  	_ =	swait.ge [sflag:s15], $0x2800  }
0x3a: {  	[sflag:s15] =	ssyncset.done $0x0  }
0x3b: {  	[sflag:s15] =	ssyncadd.s32 $0xFFFFD800  }
0x3c: {  	[spmem:s1] =	stream.indirect.scatter.add.f32 [tilespmem:s13], [sflag:$0x3], $0x80, s16, s14, $0xb8;
	[tilespmem:$0x1D000] =	vst v63  }
0x3d: {  	_ =	swait.ge [sflag:s12], $0x2800  }
0x3e: {  	s17 =	sadd.s32 $0x1, s17;
	[sflag:s12] =	ssyncset.done $0x0  }
0x3f: {  	p0 =	sne.s32 s17, s9;
	[sflag:s12] =	ssyncadd.s32 $0xFFFFD800  }
.Ltmp1:
0x40: {  	[bflag:$0x0] =	sbarrier.arrive $0xFFFF;
	(pc) =	sbr.rel @p0 .LBB2_1-.Ltmp1, $4  }
0x41: {  	[hbm:s8], [sflag:s5] =	dma.local [spmem:s11], $0x2800  }
0x42: {  	_ =	swait.ge [sflag:s12], $0x2800  }
0x43: {  	[sflag:s12] =	ssyncset.done $0x0  }
0x44: {  	[sflag:s12] =	ssyncadd.s32 $0xFFFFD800  }
0x45: {  	_ =	sfence.sel $0x180000  }
0x46: {  	[bflag:$0x0] =	sbarrier.arrive $0xFFFF  }
0x47: {  	p0 =	sne.s32 s2, $0x0;
	_ =	strace $0x9000004D  }
0x48: {  	s0 =	sadd.s32 @!p0 $0x100000, s0;
	[bflag:$0x2] =	sbarrier.arrive $0xFFFF  }
0x49: {  	[sflag:s0] =	ssyncadd.tile.s32 @!p0 $0x1;
	_ =	shalt  }
.Lfunc_end2:
_tile_overlayer_lowered:
.L_overlay_start_2:
0x4a: {  	(tag) =	ssettag $0x2  }
0x4b: {  	s0 =	rddreg [dreg:$0x0];
	s2 =	stileid.u32  }
0x4c: {  	s1 =	rddreg [dreg:$0x1];
	p0 =	sne.s32 s2, $0x0  }
0x4d: {  	s3 =	rddreg [dreg:$0x2];
	[bflag:$0x3] =	sbarrier.arrive $0xFFFF;
	s2 =	simm.s32 @!p0 $0x1C03  }
0x4e: {  	[timem:s3], [sflag:s2] =	dma.local @!p0 [hbm:s0], s1  }
0x4f: {  	s0 =	simm.s32 @!p0 $0x3  }
0x50: {  	_ =	swait.ge @!p0 [sflag:s0], s1  }
0x51: {  	s1 =	ssub.s32 @!p0 $0x0, s1;
	[sflag:s0] =	ssyncset.done @!p0 $0x0  }
0x52: {  	[sflag:s0] =	ssyncadd.s32 @!p0 s1  }
0x53: {  	[bflag:$0x3] =	sbarrier.arrive $0xFFFF  }
0x54: {  	_ =	shalt  }

// kernel: kernel.28.cloned.1.call-start
scs
__scs_entry_jumppad:
0x0: {  	(pc) =	sbr.rel $0x88, $3  }
0x1: {  	(tag) =	ssettag $0x0;
	lr =	simm.s32 $0x1  }
0x2: {  	[smem:$0x3F3A] =	sst lr;
	_ =	strace $0xD0000000  }
0x3: {  	_ = 	snop  }
0x4: {  	_ = 	snop  }
0x5: {  	_ = 	snop  }
0x6: {  	_ = 	snop  }
0x7: {  	_ = 	snop  }
__scs_overlays_trampoline_lowered:
0x8: {  	[smem:$0x3F49] =	sst s0  }
0x9: {  	[smem:$0x3F4A] =	sst s1  }
0xa: {  	[smem:$0x3F4B] =	sst s2  }
0xb: {  	[smem:$0x3F4C] =	sst s3  }
0xc: {  	[smem:$0x3F4D] =	sst s4  }
0xd: {  	[smem:$0x3F4E] =	sst s5  }
0xe: {  	[smem:$0x3F4F] =	sst s6  }
0xf: {  	[smem:$0x3F50] =	sst s7  }
0x10: {  	[smem:$0x3F51] =	sst s8  }
0x11: {  	[smem:$0x3F52] =	sst s9;
	s0 =	simm.s32 @!p0 $0x0  }
0x12: {  	s1 =	sld [smem:$0x3F38];
	s0 =	simm.s32 @p0 $0x1  }
0x13: {  	[smem:$0x3F53] =	sst s0;
	s0 =	simm.s32 @!p1 $0x0  }
0x14: {  	s2 =	sld [smem:$0x3F37];
	s0 =	simm.s32 @p1 $0x1  }
0x15: {  	[smem:$0x3F54] =	sst s0;
	s0 =	simm.s32 @!p2 $0x0  }
0x16: {  	s3 =	sld [smem:$0x3FDB];
	s0 =	simm.s32 @p2 $0x1  }
0x17: {  	s4 =	simm.s32 $0x1BF5;
	[smem:$0x3F56] =	sst s0  }
0x18: {  	s0 =	sld [smem:$0x3F39];
	_ =	swait.ge [sflag:s4], $0x0  }
0x19: {  	s7 =	sld [smem:$0x3F3A]  }
0x1a: {  	s8 =	sadd.s32 $0xFFFFE003, lr  }
0x1b: {  	s9 =	sadd.s32 $0xFFFFFEF7, lr;
	s5 =	simm.s32 $0xFFFFFFFF;
	p2 =	slt.u32 s8, $0xFFFFF086  }
0x1c: {  	p1 =	slt.u32 s9, $0xF7A;
	s5 =	simm.s32 @!p2 $0x0  }
0x1d: {  	s5 =	simm.s32 @p1 $0x1;
	p0 =	seq.s32 s7, s2  }
0x1e: {  	s7 =	smul.u32 @!p0 $0xF7A, s2;
	p2 =	seq.s32 @!p0 s5, $0x0  }
0x1f: {  	s9 =	smul.u32 $0xF7A, s1;
	s8 =	simm.s32 @!p0 $0x1BF5;
	p2 =	por !p2, p0  }
0x20: {  	[sflag:s8] =	ssyncset.s32 @!p0 $0xFFFFF086;
	s6 =	sadd.s32 @!p0 s3, s7;
	s7 =	simm.s32 @!p0 $0x108  }
0x21: {  	s3 =	sadd.s32 s3, s9;
	s6 =	sadd.s32 @!p0 $0x88, s6;
	s7 =	simm.s32 @p2 $0x1082  }
0x22: {  	[simem:s7], [sflag:s8] =	dma.local @!p0 [hbm:s6], $0xF7A  }
0x23: {  	s9 =	sor.u32 $0xD0000000, s2;
	s6 =	simm.s32 $0x108;
	_ =	swait.ge @!p0 [sflag:s8], $0x0  }
0x24: {  	s3 =	sadd.s32 $0x88, s3;
	s6 =	simm.s32 @!p1 $0x1082;
	[sflag:s4] =	ssyncset.s32 $0xFFFFF086  }
0x25: {  	[simem:s6], [sflag:s4] =	dma.local [hbm:s3], $0xF7A  }
0x26: {  	[smem:$0x3F3A] =	sst s1;
	(tag) =	ssettag s2;
	_ =	strace s9  }
0x27: {  	s1 =	sld [smem:$0x3F4A]  }
0x28: {  	s2 =	sld [smem:$0x3F4B]  }
0x29: {  	s4 =	sld [smem:$0x3F4D]  }
0x2a: {  	p0 =	seq.s32 s5, $0x0;
	s5 =	sld [smem:$0x3F4E]  }
0x2b: {  	s6 =	sld [smem:$0x3F4F]  }
0x2c: {  	s7 =	sld [smem:$0x3F50]  }
0x2d: {  	s3 =	simm.s32 $0x108;
	s8 =	sld [smem:$0x3F51]  }
0x2e: {  	s3 =	simm.s32 @!p0 $0x1082;
	s9 =	sld [smem:$0x3F52]  }
0x2f: {  	lr =	sadd.s32 s0, s3;
	s0 =	sld [smem:$0x3F49]  }
0x30: {  	s3 =	sld [smem:$0x3F4C]  }
0x31: {  	[smem:$0x3F55] =	sst s10  }
0x32: {  	s10 =	sld [smem:$0x3F53];
	_ =	sdelay $0x3  }
0x33: {  	p0 =	seq.s32 s10, $0x1;
	s10 =	sld [smem:$0x3F55];
	_ =	sdelay $0x3  }
0x34: {  	[smem:$0x3F55] =	sst s10  }
0x35: {  	s10 =	sld [smem:$0x3F54];
	_ =	sdelay $0x3  }
0x36: {  	p1 =	seq.s32 s10, $0x1;
	s10 =	sld [smem:$0x3F55];
	_ =	sdelay $0x3  }
0x37: {  	[smem:$0x3F55] =	sst s10  }
0x38: {  	s10 =	sld [smem:$0x3F56]  }
0x39: {  	_ = 	snop;
	(pc) =	sbr.ind lr, $3  }
0x3a: {  	_ = 	snop  }
0x3b: {  	_ = 	snop  }
0x3c: {  	p2 =	seq.s32 s10, $0x1;
	s10 =	sld [smem:$0x3F55]  }
0x3d: {  	_ =	shalt  }
0x3e: {  	_ =	shalt  }
0x3f: {  	_ =	shalt  }
0x40: {  	_ =	shalt  }
0x41: {  	_ =	shalt  }
0x42: {  	_ =	shalt  }
0x43: {  	_ =	shalt  }
0x44: {  	_ =	shalt  }
0x45: {  	_ =	shalt  }
0x46: {  	_ =	shalt  }
0x47: {  	_ =	shalt  }
0x48: {  	_ =	shalt  }
0x49: {  	_ =	shalt  }
0x4a: {  	_ =	shalt  }
0x4b: {  	_ =	shalt  }
0x4c: {  	_ =	shalt  }
0x4d: {  	_ =	shalt  }
0x4e: {  	_ =	shalt  }
0x4f: {  	_ =	shalt  }
0x50: {  	_ =	shalt  }
0x51: {  	_ =	shalt  }
0x52: {  	_ =	shalt  }
0x53: {  	_ =	shalt  }
0x54: {  	_ =	shalt  }
0x55: {  	_ =	shalt  }
0x56: {  	_ =	shalt  }
0x57: {  	_ =	shalt  }
0x58: {  	_ =	shalt  }
0x59: {  	_ =	shalt  }
0x5a: {  	_ =	shalt  }
0x5b: {  	_ =	shalt  }
0x5c: {  	_ =	shalt  }
0x5d: {  	_ =	shalt  }
0x5e: {  	_ =	shalt  }
0x5f: {  	_ =	shalt  }
0x60: {  	_ =	shalt  }
0x61: {  	_ =	shalt  }
0x62: {  	_ =	shalt  }
0x63: {  	_ =	shalt  }
0x64: {  	_ =	shalt  }
0x65: {  	_ =	shalt  }
0x66: {  	_ =	shalt  }
0x67: {  	_ =	shalt  }
0x68: {  	_ =	shalt  }
0x69: {  	_ =	shalt  }
0x6a: {  	_ =	shalt  }
0x6b: {  	_ =	shalt  }
0x6c: {  	_ =	shalt  }
0x6d: {  	_ =	shalt  }
0x6e: {  	_ =	shalt  }
0x6f: {  	_ =	shalt  }
0x70: {  	_ =	shalt  }
0x71: {  	_ =	shalt  }
0x72: {  	_ =	shalt  }
0x73: {  	_ =	shalt  }
0x74: {  	_ =	shalt  }
0x75: {  	_ =	shalt  }
0x76: {  	_ =	shalt  }
0x77: {  	_ =	shalt  }
0x78: {  	_ =	shalt  }
0x79: {  	_ =	shalt  }
0x7a: {  	_ =	shalt  }
0x7b: {  	_ =	shalt  }
0x7c: {  	_ =	shalt  }
0x7d: {  	_ =	shalt  }
0x7e: {  	_ =	shalt  }
0x7f: {  	_ =	shalt  }
0x80: {  	_ =	shalt  }
0x81: {  	_ =	shalt  }
0x82: {  	_ =	shalt  }
0x83: {  	_ =	shalt  }
0x84: {  	_ =	shalt  }
0x85: {  	_ =	shalt  }
0x86: {  	_ =	shalt  }
0x87: {  	_ =	shalt  }
.Lfunc_end0:
.L_simem_size_0:
called_computation.2_lowered:
.L_overlay_start_0:
0x88: {  	s2 =	sld [smem:$0x3FD9]  }
0x89: {  	s3 =	sld [smem:$0x3FFE];
	_ =	sdelay $0x1  }
0x8a: {  	s1 =	srdreg.scid  }
0x8b: {  	s0 =	sand.u32 $0x1, s1  }
0x8c: {  	s16 =	sshll.u32 s0, $0xA;
	s2 =	sadd.s32 s3, s2  }
0x8d: {  	s2 =	sadd.s32 s2, s16  }
0x8e: {  	[smem:$0x3F61] =	sst s2  }
0x8f: {  	_ = 	snop  }
0x90: {  	(tm) =	ssettm $0x1  }
0x91: {  	s17 =	sld [smem:$0x3FFB];
	_ =	sdelay $0x3  }
0x92: {  	_ =	strace s17  }
0x93: {  	s2 =	sld [smem:$0x3FFC];
	_ =	sdelay $0x3  }
0x94: {  	_ =	strace s2  }
0x95: {  	s2 =	sld [smem:$0x3FFD];
	_ =	sdelay $0x3  }
0x96: {  	_ =	strace s2  }
0x97: {  	_ =	strace $0x8FFFFFFF  }
0x98: {  	s18 =	sld [smem:$0x3FDB];
	_ =	sdelay $0x1  }
0x99: {  	s19 =	simm.s32 $_scs_section_size  }
0x9a: {  	s4 =	simm.s32 $_size__tile_overlayer_lowered;
	s5 =	simm.s32 $_tile_overlayer_lowered  }
0x9b: {  	s22 =	simm.s32 $0x1BFF;
	s21 =	sshll.u32 s5, $0x1;
	s2 =	sadd.s32 s19, s18  }
0x9c: {  	s6 =	simm.s32 $0x0;
	s20 =	sshll.u32 s4, $0x1;
	s4 =	sadd.s32 s21, s2  }
0x9d: {  	[timem:s6], [sflag:s22] =	dma.local [hbm:s4], s20  }
0x9e: {  	_ =	swait.ge [sflag:s22], s20  }
0x9f: {  	s3 =	ssub.s32 $0x0, s20;
	[sflag:s22] =	ssyncset.done $0x0  }
0xa0: {  	[sflag:s22] =	ssyncadd.s32 s3;
	_ =	sdelay $0x1  }
0xa1: {  	s23 =	simm.s32 $0x1B8B  }
0xa2: {  	_ =	swait.ge [sflag:s23], $0x1  }
0xa3: {  	[sflag:s23] =	ssyncset.done $0x0  }
0xa4: {  	s25 =	simm.s32 $0x1B8E;
	s24 =	sld [smem:$0x3FFE];
	[sflag:s23] =	ssyncadd.s32 $0xFFFFFFFF  }
0xa5: {  	s26 =	simm.s32 $execute0_lowered;
	[smem:$0x3FD2] =	sst s25  }
0xa6: {  	s4 =	sshll.u32 s26, $0x1;
	_ =	strace $0x80000049;
	[dreg:$0x1] =	wrdreg $0xFFFFFFFF  }
0xa7: {  	s28 =	simm.s32 $_size_execute0_lowered;
	s2 =	sadd.s32 s2, s4;
	[dreg:$0x0] =	wrdreg $0x0  }
0xa8: {  	s4 =	sshll.u32 s28, $0x1;
	[dreg:$0x2] =	wrdreg s2  }
0xa9: {  	[dreg:$0x3] =	wrdreg s4  }
0xaa: {  	[dreg:$0x4] =	wrdreg $0xC0  }
0xab: {  	_ =	task [dreg:s6], $0x5FFFF  }
0xac: {  	[dreg:$0x1] =	wrdreg $0xFFFFFFFF  }
0xad: {  	[dreg:$0x0] =	wrdreg $0x60  }
0xae: {  	[dreg:$0x2] =	wrdreg s24  }
0xaf: {  	[dreg:$0x3] =	wrdreg $0x90000  }
0xb0: {  	[dreg:$0x4] =	wrdreg $0xA  }
0xb1: {  	_ =	task.clear_ibuf [dreg:s6], $0x5FFFF;
	_ =	strace $0x90000049  }
0xb2: {  	s29 =	simm.s32 $0xA;
	_ =	strace $0x8000004B  }
0xb3: {  	_ =	swait.ge [sflag:s29], $0x1  }
0xb4: {  	[sflag:s29] =	ssyncadd.s32 $0xFFFFFFFF  }
0xb5: {  	_ =	strace $0x9000004B  }
0xb6: {  	_ =	sfence  }
0xb7: {  	s30 =	sld [smem:$0x0];
	_ =	sdelay $0x2  }
0xb8: {  	s31 =	sshll.u32 s1, $0xD;
	s1 =	sshrl.u32 s1, $0x2  }
0xb9: {  	s3 =	sand.u32 $0x4000, s31;
	s1 =	sadd.s32 s1, s30  }
0xba: {  	s0 =	sor.u32 s3, s0;
	s1 =	sshll.u32 s1, $0x11  }
0xbb: {  	s0 =	sor.u32 s1, s0  }
0xbc: {  	s0 =	sadd.s32 $0x8F2B, s0  }
0xbd: {  	[sflag:s0] =	ssyncadd.remote.s32 $0x1  }
0xbe: {  	_ =	sfence.sel $0xFFFF  }
0xbf: {  	[dreg:$0x0] =	wrdreg $0xFFFFFFFF;
	(pc) =	sbr.abs _section_cstart, $3  }
0xc0: {  	[dreg:$0x1] =	wrdreg $0xFFFFFFFF  }
0xc1: {  	_ =	task.clear_ibuf [dreg:s6], $0x2FFFF;
	_ =	strace $0x9FFFFFFF  }
0xc2: {  	(tm) =	ssettm $0x7FFFFFFF  }
0xc3: {  	_ =	shalt  }
tec
execute0_lowered:
.L_overlay_start_1:
0x0: {  	(tag) =	ssettag $0x1  }
0x1: {  	s4 =	rddreg [dreg:$0x0]  }
0x2: {  	s1 =	rddreg [dreg:$0x1]  }
0x3: {  	s0 =	rddreg [dreg:$0x2]  }
0x4: {  	s3 =	simm.s32 $0x0;
	s5 =	srdreg.scid;
	s2 =	stileid.u32  }
0x5: {  	s16 =	simm.s32 $0x3E00;
	s17 =	simm.s32 $0x0;
	s7 =	smul.u32 $0x2800, s2  }
0x6: {  	[smem:$0x7FF] =	sst s3;
	s5 =	sand.u32 $0x1, s5;
	s11 =	smul.u32 $0x50000, s2  }
0x7: {  	s6 =	sshll.u32 s2, $0x1;
	s9 =	sadd.s32 $0x13DAE00, s4;
	s14 =	smul.u32 $0x4E200, s2  }
0x8: {  	s30 =	sshll.u32 s2, $0x6;
	_ =	strace $0x8000004A;
	s8 =	smul.u32 $0x28000, s5  }
0x9: {  	s6 =	sor.u32 s5, s6;
	s29 =	ssub.s32 $0x2, s5;
	s15 =	smul.u32 $0x27100, s5  }
0xa: {  	s5 =	sor.u32 $0x1C03, s30;
	s10 =	sshll.u32 s6, $0xB;
	s12 =	sshrl.u32 s29, $0x1  }
0xb: {  	s11 =	sshrl.u32 s11, $0x2;
	s13 =	smul.u32 $0x27100, s6;
	s31 =	sadd.s32 s14, s9  }
0xc: {  	s14 =	simm.s32 $0x50;
	s10 =	sadd.s32 s10, s4;
	s8 =	sadd.s32 s7, s8  }
0xd: {  	s7 =	sadd.s32 s7, s4;
	s12 =	ssub.s32 s29, s12;
	s11 =	sadd.s32 s11, s1  }
0xe: {  	s8 =	sadd.s32 s8, s4;
	s4 =	sadd.s32 $0x39000, s7;
	s6 =	sadd.s32 $0x13CAE00, s10  }
0xf: {  	s7 =	sadd.s32 s9, s13;
	s10 =	sadd.s32 s15, s31;
	s9 =	smax.u32 s12, $0x1  }
0x10: {  	s11 =	sshrl.u32 s11, $0x3;
	s12 =	simm.s32 $0x3;
	s13 =	simm.s32 $0x4000  }
0x11: {  	s15 =	simm.s32 $0x1;
	s8 =	sadd.s32 $0x61000, s8;
	s10 =	sadd.s32 $0x500, s10  }
.LBB2_1:
0x12: {  	[spmem:s11], [sflag:s5] =	dma.local [hbm:s4], $0x2800  }
0x13: {  	_ =	swait.ge [sflag:s12], $0x2800  }
0x14: {  	[sflag:s12] =	ssyncset.done $0x0  }
0x15: {  	[sflag:s12] =	ssyncadd.s32 $0xFFFFD800  }
0x16: {  	s18 =	sand.u32 $0x1, s15;
	[bflag:$0x0] =	sbarrier.arrive $0xFFFF  }
0x17: {  	[tilespmem:s3], [sflag:$0x3] =	stream.linear.gather [hbm4b:s6+s3], $0x3E80, $0x38;
	[tilespmem:$0x1D000] =	vst v63  }
0x18: {  	s20 =	simm.s32 $0x0;
	s19 =	smul.u32 $0xA000, s18;
	_ =	swait.ge [sflag:s12], $0x3E80  }
0x19: {  	s21 =	simm.s32 $0x2;
	s20 =	sand.u32 $0x1, s20;
	[sflag:s12] =	ssyncset.done $0x0  }
0x1a: {  	s18 =	sadd.s32 $0x1, s18;
	s19 =	sshrl.u32 s19, $0x2;
	[sflag:s12] =	ssyncadd.s32 $0xFFFFC180  }
0x1b: {  	[tilespmem:s13], [sflag:$0x1] =	stream.linear.gather [hbm4b:s7+s3], $0x2800, $0x38;
	[tilespmem:$0x1D000] =	vst v63  }
0x1c: {  	s22 =	sadd.s32 $0x1, s20;
	s20 =	smul.u32 $0xA000, s20;
	s19 =	sor.u32 $0x4000, s19  }
0x1d: {  	[tilespmem:s19], [sflag:s18] =	stream.linear.gather [hbm4b:s10+s3], $0x2800, $0x38;
	[tilespmem:$0x1D000] =	vst v63  }
0x1e: {  	s31 =	sshrl.u32 s20, $0x2;
	s20 =	sand.u32 $0x1, s21;
	_ =	swait.ge [sflag:s22], $0x2800  }
0x1f: {  	s23 =	smul.u32 $0xA000, s20;
	[sflag:s22] =	ssyncset.done $0x0  }
0x20: {  	s18 =	sor.u32 $0x4000, s31;
	s19 =	sadd.s32 $0x500, s10;
	[sflag:s22] =	ssyncadd.s32 $0xFFFFD800  }
0x21: {  	[spmem:s1] =	stream.indirect.scatter.add.f32 [tilespmem:s18], [sflag:$0x3], $0x80, s3, s14, $0xb8;
	[tilespmem:$0x1D000] =	vst v63  }
0x22: {  	s22 =	simm.s32 $0x3;
	s18 =	simm.s32 $0x0;
	_ =	swait.ge [sflag:s12], $0x2800  }
.LBB2_2:
0x23: {  	[sflag:s12] =	ssyncset.done $0x0  }
0x24: {  	s18 =	sadd.s32 $0x80, s18;
	s24 =	smov.u32 s22;
	s25 =	sadd.s32 $0x1, s22  }
0x25: {  	s21 =	sadd.s32 $0xFFFFFFFF, s21;
	s23 =	sshrl.u32 s23, $0x2;
	[sflag:s12] =	ssyncadd.s32 $0xFFFFD800  }
0x26: {  	s20 =	sadd.s32 $0x1, s20;
	s21 =	sand.u32 $0x1, s21;
	s23 =	sor.u32 $0x4000, s23  }
0x27: {  	p0 =	sne.s32 s22, $0x7C;
	s22 =	sadd.s32 $0x1, s21;
	s21 =	smul.u32 $0xA000, s21  }
0x28: {  	[tilespmem:s23], [sflag:s20] =	stream.linear.gather [hbm4b:s19+s3], $0x2800, $0x38;
	[tilespmem:$0x1D000] =	vst v63  }
.Ltmp0:
0x29: {  	s20 =	sshrl.u32 s21, $0x2;
	_ =	swait.ge [sflag:s22], $0x2800;
	(pc) =	sbr.rel @p0 .LBB2_2-.Ltmp0, $4  }
0x2a: {  	s21 =	smov.u32 s24;
	s23 =	sor.u32 $0x4000, s20;
	[sflag:s22] =	ssyncset.done $0x0  }
0x2b: {  	s19 =	sadd.s32 $0x500, s19;
	s20 =	sand.u32 $0x1, s21;
	[sflag:s22] =	ssyncadd.s32 $0xFFFFD800  }
0x2c: {  	[spmem:s1] =	stream.indirect.scatter.add.f32 [tilespmem:s23], [sflag:$0x3], $0x80, s18, s14, $0xb8;
	[tilespmem:$0x1D000] =	vst v63  }
0x2d: {  	s22 =	smov.u32 s25;
	s23 =	smul.u32 $0xA000, s20;
	_ =	swait.ge [sflag:s12], $0x2800  }
0x2e: {  	[sflag:s12] =	ssyncset.done $0x0;
	s21 =	sadd.s32 $0xFFFFFFFF, s21;
	s20 =	sadd.s32 $0x1, s20  }
0x2f: {  	s22 =	sshrl.u32 s23, $0x2;
	[sflag:s12] =	ssyncadd.s32 $0xFFFFD800;
	s21 =	sand.u32 $0x1, s21  }
0x30: {  	s22 =	sor.u32 $0x4000, s22;
	s30 =	sadd.s32 $0x1, s21;
	s21 =	smul.u32 $0xA000, s21  }
0x31: {  	[tilespmem:s22], [sflag:s20] =	stream.linear.gather [hbm4b:s19+s3], $0x2800, $0x38;
	[tilespmem:$0x1D000] =	vst v63  }
0x32: {  	_ =	swait.ge [sflag:s30], $0x2800  }
0x33: {  	s31 =	sshrl.u32 s21, $0x2;
	[sflag:s30] =	ssyncset.done $0x0  }
0x34: {  	s18 =	sadd.s32 $0x80, s18;
	s19 =	sor.u32 $0x4000, s31;
	[sflag:s30] =	ssyncadd.s32 $0xFFFFD800  }
0x35: {  	[spmem:s1] =	stream.indirect.scatter.add.f32 [tilespmem:s19], [sflag:$0x3], $0x80, s18, s14, $0xb8;
	[tilespmem:$0x1D000] =	vst v63  }
0x36: {  	_ =	swait.ge [sflag:s12], $0x2800  }
0x37: {  	[sflag:s12] =	ssyncset.done $0x0  }
0x38: {  	[sflag:s12] =	ssyncadd.s32 $0xFFFFD800  }
0x39: {  	_ =	swait.ge [sflag:s15], $0x2800  }
0x3a: {  	[sflag:s15] =	ssyncset.done $0x0  }
0x3b: {  	[sflag:s15] =	ssyncadd.s32 $0xFFFFD800  }
0x3c: {  	[spmem:s1] =	stream.indirect.scatter.add.f32 [tilespmem:s13], [sflag:$0x3], $0x80, s16, s14, $0xb8;
	[tilespmem:$0x1D000] =	vst v63  }
0x3d: {  	_ =	swait.ge [sflag:s12], $0x2800  }
0x3e: {  	s17 =	sadd.s32 $0x1, s17;
	[sflag:s12] =	ssyncset.done $0x0  }
0x3f: {  	p0 =	sne.s32 s17, s9;
	[sflag:s12] =	ssyncadd.s32 $0xFFFFD800  }
.Ltmp1:
0x40: {  	[bflag:$0x0] =	sbarrier.arrive $0xFFFF;
	(pc) =	sbr.rel @p0 .LBB2_1-.Ltmp1, $4  }
0x41: {  	[hbm:s8], [sflag:s5] =	dma.local [spmem:s11], $0x2800  }
0x42: {  	_ =	swait.ge [sflag:s12], $0x2800  }
0x43: {  	[sflag:s12] =	ssyncset.done $0x0  }
0x44: {  	[sflag:s12] =	ssyncadd.s32 $0xFFFFD800  }
0x45: {  	_ =	sfence.sel $0x180000  }
0x46: {  	[bflag:$0x0] =	sbarrier.arrive $0xFFFF  }
0x47: {  	p0 =	sne.s32 s2, $0x0;
	_ =	strace $0x9000004A  }
0x48: {  	s0 =	sadd.s32 @!p0 $0x100000, s0;
	[bflag:$0x2] =	sbarrier.arrive $0xFFFF  }
0x49: {  	[sflag:s0] =	ssyncadd.tile.s32 @!p0 $0x1;
	_ =	shalt  }
.Lfunc_end2:
_tile_overlayer_lowered:
.L_overlay_start_2:
0x4a: {  	(tag) =	ssettag $0x2  }
0x4b: {  	s0 =	rddreg [dreg:$0x0];
	s2 =	stileid.u32  }
0x4c: {  	s1 =	rddreg [dreg:$0x1];
	p0 =	sne.s32 s2, $0x0  }
0x4d: {  	s3 =	rddreg [dreg:$0x2];
	[bflag:$0x3] =	sbarrier.arrive $0xFFFF;
	s2 =	simm.s32 @!p0 $0x1C03  }
0x4e: {  	[timem:s3], [sflag:s2] =	dma.local @!p0 [hbm:s0], s1  }
0x4f: {  	s0 =	simm.s32 @!p0 $0x3  }
0x50: {  	_ =	swait.ge @!p0 [sflag:s0], s1  }
0x51: {  	s1 =	ssub.s32 @!p0 $0x0, s1;
	[sflag:s0] =	ssyncset.done @!p0 $0x0  }
0x52: {  	[sflag:s0] =	ssyncadd.s32 @!p0 s1  }
0x53: {  	[bflag:$0x3] =	sbarrier.arrive $0xFFFF  }
0x54: {  	_ =	shalt  }

// kernel: kernel.31.cloned.1.call-start
scs
__scs_entry_jumppad:
0x0: {  	(pc) =	sbr.rel $0x88, $3  }
0x1: {  	(tag) =	ssettag $0x0;
	lr =	simm.s32 $0x1  }
0x2: {  	[smem:$0x3F3A] =	sst lr;
	_ =	strace $0xD0000000  }
0x3: {  	_ = 	snop  }
0x4: {  	_ = 	snop  }
0x5: {  	_ = 	snop  }
0x6: {  	_ = 	snop  }
0x7: {  	_ = 	snop  }
__scs_overlays_trampoline_lowered:
0x8: {  	[smem:$0x3F49] =	sst s0  }
0x9: {  	[smem:$0x3F4A] =	sst s1  }
0xa: {  	[smem:$0x3F4B] =	sst s2  }
0xb: {  	[smem:$0x3F4C] =	sst s3  }
0xc: {  	[smem:$0x3F4D] =	sst s4  }
0xd: {  	[smem:$0x3F4E] =	sst s5  }
0xe: {  	[smem:$0x3F4F] =	sst s6  }
0xf: {  	[smem:$0x3F50] =	sst s7  }
0x10: {  	[smem:$0x3F51] =	sst s8  }
0x11: {  	[smem:$0x3F52] =	sst s9;
	s0 =	simm.s32 @!p0 $0x0  }
0x12: {  	s1 =	sld [smem:$0x3F38];
	s0 =	simm.s32 @p0 $0x1  }
0x13: {  	[smem:$0x3F53] =	sst s0;
	s0 =	simm.s32 @!p1 $0x0  }
0x14: {  	s2 =	sld [smem:$0x3F37];
	s0 =	simm.s32 @p1 $0x1  }
0x15: {  	[smem:$0x3F54] =	sst s0;
	s0 =	simm.s32 @!p2 $0x0  }
0x16: {  	s3 =	sld [smem:$0x3FDB];
	s0 =	simm.s32 @p2 $0x1  }
0x17: {  	s4 =	simm.s32 $0x1BF5;
	[smem:$0x3F56] =	sst s0  }
0x18: {  	s0 =	sld [smem:$0x3F39];
	_ =	swait.ge [sflag:s4], $0x0  }
0x19: {  	s7 =	sld [smem:$0x3F3A]  }
0x1a: {  	s8 =	sadd.s32 $0xFFFFE003, lr  }
0x1b: {  	s9 =	sadd.s32 $0xFFFFFEF7, lr;
	s5 =	simm.s32 $0xFFFFFFFF;
	p2 =	slt.u32 s8, $0xFFFFF086  }
0x1c: {  	p1 =	slt.u32 s9, $0xF7A;
	s5 =	simm.s32 @!p2 $0x0  }
0x1d: {  	s5 =	simm.s32 @p1 $0x1;
	p0 =	seq.s32 s7, s2  }
0x1e: {  	s7 =	smul.u32 @!p0 $0xF7A, s2;
	p2 =	seq.s32 @!p0 s5, $0x0  }
0x1f: {  	s9 =	smul.u32 $0xF7A, s1;
	s8 =	simm.s32 @!p0 $0x1BF5;
	p2 =	por !p2, p0  }
0x20: {  	[sflag:s8] =	ssyncset.s32 @!p0 $0xFFFFF086;
	s6 =	sadd.s32 @!p0 s3, s7;
	s7 =	simm.s32 @!p0 $0x108  }
0x21: {  	s3 =	sadd.s32 s3, s9;
	s6 =	sadd.s32 @!p0 $0x88, s6;
	s7 =	simm.s32 @p2 $0x1082  }
0x22: {  	[simem:s7], [sflag:s8] =	dma.local @!p0 [hbm:s6], $0xF7A  }
0x23: {  	s9 =	sor.u32 $0xD0000000, s2;
	s6 =	simm.s32 $0x108;
	_ =	swait.ge @!p0 [sflag:s8], $0x0  }
0x24: {  	s3 =	sadd.s32 $0x88, s3;
	s6 =	simm.s32 @!p1 $0x1082;
	[sflag:s4] =	ssyncset.s32 $0xFFFFF086  }
0x25: {  	[simem:s6], [sflag:s4] =	dma.local [hbm:s3], $0xF7A  }
0x26: {  	[smem:$0x3F3A] =	sst s1;
	(tag) =	ssettag s2;
	_ =	strace s9  }
0x27: {  	s1 =	sld [smem:$0x3F4A]  }
0x28: {  	s2 =	sld [smem:$0x3F4B]  }
0x29: {  	s4 =	sld [smem:$0x3F4D]  }
0x2a: {  	p0 =	seq.s32 s5, $0x0;
	s5 =	sld [smem:$0x3F4E]  }
0x2b: {  	s6 =	sld [smem:$0x3F4F]  }
0x2c: {  	s7 =	sld [smem:$0x3F50]  }
0x2d: {  	s3 =	simm.s32 $0x108;
	s8 =	sld [smem:$0x3F51]  }
0x2e: {  	s3 =	simm.s32 @!p0 $0x1082;
	s9 =	sld [smem:$0x3F52]  }
0x2f: {  	lr =	sadd.s32 s0, s3;
	s0 =	sld [smem:$0x3F49]  }
0x30: {  	s3 =	sld [smem:$0x3F4C]  }
0x31: {  	[smem:$0x3F55] =	sst s10  }
0x32: {  	s10 =	sld [smem:$0x3F53];
	_ =	sdelay $0x3  }
0x33: {  	p0 =	seq.s32 s10, $0x1;
	s10 =	sld [smem:$0x3F55];
	_ =	sdelay $0x3  }
0x34: {  	[smem:$0x3F55] =	sst s10  }
0x35: {  	s10 =	sld [smem:$0x3F54];
	_ =	sdelay $0x3  }
0x36: {  	p1 =	seq.s32 s10, $0x1;
	s10 =	sld [smem:$0x3F55];
	_ =	sdelay $0x3  }
0x37: {  	[smem:$0x3F55] =	sst s10  }
0x38: {  	s10 =	sld [smem:$0x3F56]  }
0x39: {  	_ = 	snop;
	(pc) =	sbr.ind lr, $3  }
0x3a: {  	_ = 	snop  }
0x3b: {  	_ = 	snop  }
0x3c: {  	p2 =	seq.s32 s10, $0x1;
	s10 =	sld [smem:$0x3F55]  }
0x3d: {  	_ =	shalt  }
0x3e: {  	_ =	shalt  }
0x3f: {  	_ =	shalt  }
0x40: {  	_ =	shalt  }
0x41: {  	_ =	shalt  }
0x42: {  	_ =	shalt  }
0x43: {  	_ =	shalt  }
0x44: {  	_ =	shalt  }
0x45: {  	_ =	shalt  }
0x46: {  	_ =	shalt  }
0x47: {  	_ =	shalt  }
0x48: {  	_ =	shalt  }
0x49: {  	_ =	shalt  }
0x4a: {  	_ =	shalt  }
0x4b: {  	_ =	shalt  }
0x4c: {  	_ =	shalt  }
0x4d: {  	_ =	shalt  }
0x4e: {  	_ =	shalt  }
0x4f: {  	_ =	shalt  }
0x50: {  	_ =	shalt  }
0x51: {  	_ =	shalt  }
0x52: {  	_ =	shalt  }
0x53: {  	_ =	shalt  }
0x54: {  	_ =	shalt  }
0x55: {  	_ =	shalt  }
0x56: {  	_ =	shalt  }
0x57: {  	_ =	shalt  }
0x58: {  	_ =	shalt  }
0x59: {  	_ =	shalt  }
0x5a: {  	_ =	shalt  }
0x5b: {  	_ =	shalt  }
0x5c: {  	_ =	shalt  }
0x5d: {  	_ =	shalt  }
0x5e: {  	_ =	shalt  }
0x5f: {  	_ =	shalt  }
0x60: {  	_ =	shalt  }
0x61: {  	_ =	shalt  }
0x62: {  	_ =	shalt  }
0x63: {  	_ =	shalt  }
0x64: {  	_ =	shalt  }
0x65: {  	_ =	shalt  }
0x66: {  	_ =	shalt  }
0x67: {  	_ =	shalt  }
0x68: {  	_ =	shalt  }
0x69: {  	_ =	shalt  }
0x6a: {  	_ =	shalt  }
0x6b: {  	_ =	shalt  }
0x6c: {  	_ =	shalt  }
0x6d: {  	_ =	shalt  }
0x6e: {  	_ =	shalt  }
0x6f: {  	_ =	shalt  }
0x70: {  	_ =	shalt  }
0x71: {  	_ =	shalt  }
0x72: {  	_ =	shalt  }
0x73: {  	_ =	shalt  }
0x74: {  	_ =	shalt  }
0x75: {  	_ =	shalt  }
0x76: {  	_ =	shalt  }
0x77: {  	_ =	shalt  }
0x78: {  	_ =	shalt  }
0x79: {  	_ =	shalt  }
0x7a: {  	_ =	shalt  }
0x7b: {  	_ =	shalt  }
0x7c: {  	_ =	shalt  }
0x7d: {  	_ =	shalt  }
0x7e: {  	_ =	shalt  }
0x7f: {  	_ =	shalt  }
0x80: {  	_ =	shalt  }
0x81: {  	_ =	shalt  }
0x82: {  	_ =	shalt  }
0x83: {  	_ =	shalt  }
0x84: {  	_ =	shalt  }
0x85: {  	_ =	shalt  }
0x86: {  	_ =	shalt  }
0x87: {  	_ =	shalt  }
.Lfunc_end0:
.L_simem_size_0:
called_computation.3_lowered:
.L_overlay_start_0:
0x88: {  	s2 =	sld [smem:$0x3FD9]  }
0x89: {  	s3 =	sld [smem:$0x3FFE];
	_ =	sdelay $0x1  }
0x8a: {  	s1 =	srdreg.scid  }
0x8b: {  	s0 =	sand.u32 $0x1, s1  }
0x8c: {  	s16 =	sshll.u32 s0, $0xA;
	s2 =	sadd.s32 s3, s2  }
0x8d: {  	s2 =	sadd.s32 s2, s16  }
0x8e: {  	[smem:$0x3F61] =	sst s2  }
0x8f: {  	_ = 	snop  }
0x90: {  	(tm) =	ssettm $0x1  }
0x91: {  	s17 =	sld [smem:$0x3FFB];
	_ =	sdelay $0x3  }
0x92: {  	_ =	strace s17  }
0x93: {  	s2 =	sld [smem:$0x3FFC];
	_ =	sdelay $0x3  }
0x94: {  	_ =	strace s2  }
0x95: {  	s2 =	sld [smem:$0x3FFD];
	_ =	sdelay $0x3  }
0x96: {  	_ =	strace s2  }
0x97: {  	_ =	strace $0x8FFFFFFF  }
0x98: {  	s18 =	sld [smem:$0x3FDB];
	_ =	sdelay $0x1  }
0x99: {  	s19 =	simm.s32 $_scs_section_size  }
0x9a: {  	s4 =	simm.s32 $_size__tile_overlayer_lowered;
	s5 =	simm.s32 $_tile_overlayer_lowered  }
0x9b: {  	s22 =	simm.s32 $0x1BFF;
	s21 =	sshll.u32 s5, $0x1;
	s2 =	sadd.s32 s19, s18  }
0x9c: {  	s6 =	simm.s32 $0x0;
	s20 =	sshll.u32 s4, $0x1;
	s4 =	sadd.s32 s21, s2  }
0x9d: {  	[timem:s6], [sflag:s22] =	dma.local [hbm:s4], s20  }
0x9e: {  	_ =	swait.ge [sflag:s22], s20  }
0x9f: {  	s3 =	ssub.s32 $0x0, s20;
	[sflag:s22] =	ssyncset.done $0x0  }
0xa0: {  	[sflag:s22] =	ssyncadd.s32 s3;
	_ =	sdelay $0x1  }
0xa1: {  	s23 =	simm.s32 $0x1B8B  }
0xa2: {  	_ =	swait.ge [sflag:s23], $0x1  }
0xa3: {  	[sflag:s23] =	ssyncset.done $0x0  }
0xa4: {  	s25 =	simm.s32 $0x1B8E;
	s24 =	sld [smem:$0x3FFE];
	[sflag:s23] =	ssyncadd.s32 $0xFFFFFFFF  }
0xa5: {  	s26 =	simm.s32 $execute0_lowered;
	[smem:$0x3FD2] =	sst s25  }
0xa6: {  	s4 =	sshll.u32 s26, $0x1;
	_ =	strace $0x8000004F;
	[dreg:$0x1] =	wrdreg $0xFFFFFFFF  }
0xa7: {  	s28 =	simm.s32 $_size_execute0_lowered;
	s2 =	sadd.s32 s2, s4;
	[dreg:$0x0] =	wrdreg $0x0  }
0xa8: {  	s4 =	sshll.u32 s28, $0x1;
	[dreg:$0x2] =	wrdreg s2  }
0xa9: {  	[dreg:$0x3] =	wrdreg s4  }
0xaa: {  	[dreg:$0x4] =	wrdreg $0xC0  }
0xab: {  	_ =	task [dreg:s6], $0x5FFFF  }
0xac: {  	[dreg:$0x1] =	wrdreg $0xFFFFFFFF  }
0xad: {  	[dreg:$0x0] =	wrdreg $0x60  }
0xae: {  	[dreg:$0x2] =	wrdreg s24  }
0xaf: {  	[dreg:$0x3] =	wrdreg $0x9  }
0xb0: {  	_ =	task.clear_ibuf [dreg:s6], $0x4FFFF;
	_ =	strace $0x9000004F  }
0xb1: {  	s29 =	simm.s32 $0x9;
	_ =	strace $0x80000051  }
0xb2: {  	_ =	swait.ge [sflag:s29], $0x1  }
0xb3: {  	[sflag:s29] =	ssyncadd.s32 $0xFFFFFFFF  }
0xb4: {  	_ =	strace $0x90000051  }
0xb5: {  	_ =	sfence  }
0xb6: {  	s30 =	sld [smem:$0x0];
	_ =	sdelay $0x2  }
0xb7: {  	s31 =	sshll.u32 s1, $0xD;
	s1 =	sshrl.u32 s1, $0x2  }
0xb8: {  	s3 =	sand.u32 $0x4000, s31;
	s1 =	sadd.s32 s1, s30  }
0xb9: {  	s0 =	sor.u32 s3, s0;
	s1 =	sshll.u32 s1, $0x11  }
0xba: {  	s0 =	sor.u32 s1, s0  }
0xbb: {  	s0 =	sadd.s32 $0x8F2B, s0  }
0xbc: {  	[sflag:s0] =	ssyncadd.remote.s32 $0x1  }
0xbd: {  	_ =	sfence.sel $0xFFFF  }
0xbe: {  	[dreg:$0x0] =	wrdreg $0xFFFFFFFF;
	(pc) =	sbr.abs _section_cstart, $3  }
0xbf: {  	[dreg:$0x1] =	wrdreg $0xFFFFFFFF  }
0xc0: {  	_ =	task.clear_ibuf [dreg:s6], $0x2FFFF;
	_ =	strace $0x9FFFFFFF  }
0xc1: {  	(tm) =	ssettm $0x7FFFFFFF  }
tec
execute0_lowered:
.L_overlay_start_1:
0x0: {  	(tag) =	ssettag $0x1  }
0x1: {  	s4 =	rddreg [dreg:$0x0]  }
0x2: {  	s0 =	rddreg [dreg:$0x1]  }
0x3: {  	s2 =	simm.s32 $0x0;
	s3 =	srdreg.scid;
	s1 =	stileid.u32  }
0x4: {  	s12 =	simm.s32 $0xA800;
	s13 =	simm.s32 $0x0;
	[smem:$0x7FF] =	sst s2  }
0x5: {  	s5 =	sand.u32 $0x1, s3;
	s3 =	sadd.s32 $0x61000, s4;
	s10 =	smul.u32 $0x9C400, s1  }
0x6: {  	s6 =	sshll.u32 s1, $0x1;
	s11 =	sadd.s32 $0x13DAE00, s4;
	_ =	strace $0x80000050  }
0x7: {  	s6 =	sor.u32 s5, s6;
	s8 =	ssub.s32 $0x2, s5;
	s30 =	smul.u32 $0x4E200, s5  }
0x8: {  	s7 =	sshll.u32 s6, $0xC;
	s6 =	smul.u32 $0x4E200, s6;
	s9 =	sshrl.u32 s8, $0x1  }
0x9: {  	s31 =	sadd.s32 s10, s11;
	s10 =	simm.s32 $0x8000;
	s7 =	sadd.s32 s7, s4  }
0xa: {  	s8 =	ssub.s32 s8, s9;
	s9 =	simm.s32 $0x50;
	s4 =	sadd.s32 $0x19000, s7  }
0xb: {  	s6 =	sadd.s32 s11, s6;
	s5 =	smax.u32 s8, $0x1;
	s7 =	sadd.s32 s30, s31  }
0xc: {  	s8 =	simm.s32 $0x3;
	s11 =	simm.s32 $0x2;
	s6 =	sadd.s32 $0x4DD00, s6  }
.LBB2_1:
0xd: {  	[tilespmem:s2], [sflag:$0x3] =	stream.linear.gather [hbm4b:s4+s2], $0x7D00, $0x38;
	[tilespmem:$0xD000] =	vst v63  }
0xe: {  	s14 =	simm.s32 $0x1;
	_ =	swait.ge [sflag:s8], $0x7D00  }
0xf: {  	s16 =	simm.s32 $0x0;
	s14 =	sand.u32 $0x1, s14;
	[sflag:s8] =	ssyncset.done $0x0  }
0x10: {  	s17 =	simm.s32 $0x80;
	s15 =	smul.u32 $0xA000, s14;
	[sflag:s8] =	ssyncadd.s32 $0xFFFF8300  }
0x11: {  	[tilespmem:s10], [sflag:$0x1] =	stream.indirect.gather [hbm4b:s3+s9], $0x80, s2, s9, $0xb8;
	[tilespmem:$0xD000] =	vst v63  }
0x12: {  	s16 =	sand.u32 $0x1, s16;
	s14 =	sadd.s32 $0x1, s14;
	s15 =	sshrl.u32 s15, $0x2  }
0x13: {  	s18 =	sadd.s32 $0x1, s16;
	s16 =	smul.u32 $0xA000, s16;
	s15 =	sor.u32 $0x8000, s15  }
0x14: {  	[tilespmem:s15], [sflag:s14] =	stream.indirect.gather [hbm4b:s3+s9], $0x80, s17, s9, $0xb8;
	[tilespmem:$0xD000] =	vst v63  }
0x15: {  	s31 =	sshrl.u32 s16, $0x2;
	s17 =	simm.s32 $0x2;
	_ =	swait.ge [sflag:s18], $0x2800  }
0x16: {  	s14 =	sor.u32 $0x8000, s31;
	s16 =	sand.u32 $0x1, s17;
	[sflag:s18] =	ssyncset.done $0x0  }
0x17: {  	s15 =	simm.s32 $0x100;
	s19 =	smul.u32 $0xA000, s16;
	[sflag:s18] =	ssyncadd.s32 $0xFFFFD800  }
0x18: {  	[hbm4b:s7+s2] =	stream.linear.scatter [tilespmem:s14], [sflag:$0x3], $0x2800, $0x38;
	[tilespmem:$0xD000] =	vst v63  }
0x19: {  	s18 =	simm.s32 $0x3;
	s14 =	smov.u32 s7;
	_ =	swait.ge [sflag:s8], $0x2800  }
.LBB2_2:
0x1a: {  	[sflag:s8] =	ssyncset.done $0x0  }
0x1b: {  	s14 =	sadd.s32 $0x500, s14;
	s20 =	smov.u32 s18;
	s21 =	sadd.s32 $0x1, s18  }
0x1c: {  	s17 =	sadd.s32 $0xFFFFFFFF, s17;
	s19 =	sshrl.u32 s19, $0x2;
	[sflag:s8] =	ssyncadd.s32 $0xFFFFD800  }
0x1d: {  	s16 =	sadd.s32 $0x1, s16;
	s17 =	sand.u32 $0x1, s17;
	s19 =	sor.u32 $0x8000, s19  }
0x1e: {  	p0 =	sne.s32 s18, $0xF9;
	s18 =	sadd.s32 $0x1, s17;
	s17 =	smul.u32 $0xA000, s17  }
0x1f: {  	[tilespmem:s19], [sflag:s16] =	stream.indirect.gather [hbm4b:s3+s9], $0x80, s15, s9, $0xb8;
	[tilespmem:$0xD000] =	vst v63  }
.Ltmp0:
0x20: {  	s16 =	sshrl.u32 s17, $0x2;
	_ =	swait.ge [sflag:s18], $0x2800;
	(pc) =	sbr.rel @p0 .LBB2_2-.Ltmp0, $4  }
0x21: {  	s17 =	smov.u32 s20;
	s19 =	sor.u32 $0x8000, s16;
	[sflag:s18] =	ssyncset.done $0x0  }
0x22: {  	s15 =	sadd.s32 $0x80, s15;
	s16 =	sand.u32 $0x1, s17;
	[sflag:s18] =	ssyncadd.s32 $0xFFFFD800  }
0x23: {  	[hbm4b:s14+s2] =	stream.linear.scatter [tilespmem:s19], [sflag:$0x3], $0x2800, $0x38;
	[tilespmem:$0xD000] =	vst v63  }
0x24: {  	s18 =	smov.u32 s21;
	s19 =	smul.u32 $0xA000, s16;
	_ =	swait.ge [sflag:s8], $0x2800  }
0x25: {  	[sflag:s8] =	ssyncset.done $0x0;
	s17 =	sadd.s32 $0xFFFFFFFF, s17;
	s16 =	sadd.s32 $0x1, s16  }
0x26: {  	s18 =	sshrl.u32 s19, $0x2;
	[sflag:s8] =	ssyncadd.s32 $0xFFFFD800;
	s17 =	sand.u32 $0x1, s17  }
0x27: {  	s18 =	sor.u32 $0x8000, s18;
	s30 =	sadd.s32 $0x1, s17;
	s17 =	smul.u32 $0xA000, s17  }
0x28: {  	[tilespmem:s18], [sflag:s16] =	stream.indirect.gather [hbm4b:s3+s9], $0x80, s15, s9, $0xb8;
	[tilespmem:$0xD000] =	vst v63  }
0x29: {  	_ =	swait.ge [sflag:s30], $0x2800  }
0x2a: {  	s31 =	sshrl.u32 s17, $0x2;
	[sflag:s30] =	ssyncset.done $0x0  }
0x2b: {  	s14 =	sadd.s32 $0x500, s14;
	s15 =	sor.u32 $0x8000, s31;
	[sflag:s30] =	ssyncadd.s32 $0xFFFFD800  }
0x2c: {  	[hbm4b:s14+s2] =	stream.linear.scatter [tilespmem:s15], [sflag:$0x3], $0x2800, $0x38;
	[tilespmem:$0xD000] =	vst v63  }
0x2d: {  	_ =	swait.ge [sflag:s8], $0x2800  }
0x2e: {  	[sflag:s8] =	ssyncset.done $0x0  }
0x2f: {  	[sflag:s8] =	ssyncadd.s32 $0xFFFFD800  }
0x30: {  	s13 =	sadd.s32 $0x1, s13;
	_ =	swait.ge [sflag:s11], $0x2800  }
0x31: {  	p0 =	sne.s32 s13, s5;
	[sflag:s11] =	ssyncset.done $0x0  }
.Ltmp1:
0x32: {  	[sflag:s11] =	ssyncadd.s32 $0xFFFFD800;
	(pc) =	sbr.rel @p0 .LBB2_1-.Ltmp1, $4  }
0x33: {  	[hbm4b:s6+s2] =	stream.linear.scatter [tilespmem:s12], [sflag:$0x3], $0x2800, $0x38;
	[tilespmem:$0xD000] =	vst v63  }
0x34: {  	_ =	swait.ge [sflag:s8], $0x2800  }
0x35: {  	[sflag:s8] =	ssyncset.done $0x0  }
0x36: {  	[sflag:s8] =	ssyncadd.s32 $0xFFFFD800  }
0x37: {  	_ =	sfence.sel $0x180000  }
0x38: {  	[bflag:$0x0] =	sbarrier.arrive $0xFFFF  }
0x39: {  	p0 =	sne.s32 s1, $0x0;
	_ =	strace $0x90000050  }
0x3a: {  	s0 =	sadd.s32 @!p0 $0x100000, s0;
	[bflag:$0x2] =	sbarrier.arrive $0xFFFF  }
0x3b: {  	[sflag:s0] =	ssyncadd.tile.s32 @!p0 $0x1;
	_ =	shalt  }
.Lfunc_end2:
_tile_overlayer_lowered:
.L_overlay_start_2:
0x3c: {  	(tag) =	ssettag $0x2  }
0x3d: {  	s0 =	rddreg [dreg:$0x0];
	s2 =	stileid.u32  }
0x3e: {  	s1 =	rddreg [dreg:$0x1];
	p0 =	sne.s32 s2, $0x0  }
0x3f: {  	s3 =	rddreg [dreg:$0x2];
	[bflag:$0x3] =	sbarrier.arrive $0xFFFF;
	s2 =	simm.s32 @!p0 $0x1C03  }
0x40: {  	[timem:s3], [sflag:s2] =	dma.local @!p0 [hbm:s0], s1  }
0x41: {  	s0 =	simm.s32 @!p0 $0x3  }
0x42: {  	_ =	swait.ge @!p0 [sflag:s0], s1  }
0x43: {  	s1 =	ssub.s32 @!p0 $0x0, s1;
	[sflag:s0] =	ssyncset.done @!p0 $0x0  }
0x44: {  	[sflag:s0] =	ssyncadd.s32 @!p0 s1  }
0x45: {  	[bflag:$0x3] =	sbarrier.arrive $0xFFFF  }
0x46: {  	_ =	shalt  }

// kernel: kernel.34.cloned.1.call-start
scs
__scs_entry_jumppad:
0x0: {  	(pc) =	sbr.rel $0x88, $3  }
0x1: {  	(tag) =	ssettag $0x0;
	lr =	simm.s32 $0x1  }
0x2: {  	[smem:$0x3F3A] =	sst lr;
	_ =	strace $0xD0000000  }
0x3: {  	_ = 	snop  }
0x4: {  	_ = 	snop  }
0x5: {  	_ = 	snop  }
0x6: {  	_ = 	snop  }
0x7: {  	_ = 	snop  }
__scs_overlays_trampoline_lowered:
0x8: {  	[smem:$0x3F49] =	sst s0  }
0x9: {  	[smem:$0x3F4A] =	sst s1  }
0xa: {  	[smem:$0x3F4B] =	sst s2  }
0xb: {  	[smem:$0x3F4C] =	sst s3  }
0xc: {  	[smem:$0x3F4D] =	sst s4  }
0xd: {  	[smem:$0x3F4E] =	sst s5  }
0xe: {  	[smem:$0x3F4F] =	sst s6  }
0xf: {  	[smem:$0x3F50] =	sst s7  }
0x10: {  	[smem:$0x3F51] =	sst s8  }
0x11: {  	[smem:$0x3F52] =	sst s9;
	s0 =	simm.s32 @!p0 $0x0  }
0x12: {  	s1 =	sld [smem:$0x3F38];
	s0 =	simm.s32 @p0 $0x1  }
0x13: {  	[smem:$0x3F53] =	sst s0;
	s0 =	simm.s32 @!p1 $0x0  }
0x14: {  	s2 =	sld [smem:$0x3F37];
	s0 =	simm.s32 @p1 $0x1  }
0x15: {  	[smem:$0x3F54] =	sst s0;
	s0 =	simm.s32 @!p2 $0x0  }
0x16: {  	s3 =	sld [smem:$0x3FDB];
	s0 =	simm.s32 @p2 $0x1  }
0x17: {  	s4 =	simm.s32 $0x1BF5;
	[smem:$0x3F56] =	sst s0  }
0x18: {  	s0 =	sld [smem:$0x3F39];
	_ =	swait.ge [sflag:s4], $0x0  }
0x19: {  	s7 =	sld [smem:$0x3F3A]  }
0x1a: {  	s8 =	sadd.s32 $0xFFFFE003, lr  }
0x1b: {  	s9 =	sadd.s32 $0xFFFFFEF7, lr;
	s5 =	simm.s32 $0xFFFFFFFF;
	p2 =	slt.u32 s8, $0xFFFFF086  }
0x1c: {  	p1 =	slt.u32 s9, $0xF7A;
	s5 =	simm.s32 @!p2 $0x0  }
0x1d: {  	s5 =	simm.s32 @p1 $0x1;
	p0 =	seq.s32 s7, s2  }
0x1e: {  	s7 =	smul.u32 @!p0 $0xF7A, s2;
	p2 =	seq.s32 @!p0 s5, $0x0  }
0x1f: {  	s9 =	smul.u32 $0xF7A, s1;
	s8 =	simm.s32 @!p0 $0x1BF5;
	p2 =	por !p2, p0  }
0x20: {  	[sflag:s8] =	ssyncset.s32 @!p0 $0xFFFFF086;
	s6 =	sadd.s32 @!p0 s3, s7;
	s7 =	simm.s32 @!p0 $0x108  }
0x21: {  	s3 =	sadd.s32 s3, s9;
	s6 =	sadd.s32 @!p0 $0x88, s6;
	s7 =	simm.s32 @p2 $0x1082  }
0x22: {  	[simem:s7], [sflag:s8] =	dma.local @!p0 [hbm:s6], $0xF7A  }
0x23: {  	s9 =	sor.u32 $0xD0000000, s2;
	s6 =	simm.s32 $0x108;
	_ =	swait.ge @!p0 [sflag:s8], $0x0  }
0x24: {  	s3 =	sadd.s32 $0x88, s3;
	s6 =	simm.s32 @!p1 $0x1082;
	[sflag:s4] =	ssyncset.s32 $0xFFFFF086  }
0x25: {  	[simem:s6], [sflag:s4] =	dma.local [hbm:s3], $0xF7A  }
0x26: {  	[smem:$0x3F3A] =	sst s1;
	(tag) =	ssettag s2;
	_ =	strace s9  }
0x27: {  	s1 =	sld [smem:$0x3F4A]  }
0x28: {  	s2 =	sld [smem:$0x3F4B]  }
0x29: {  	s4 =	sld [smem:$0x3F4D]  }
0x2a: {  	p0 =	seq.s32 s5, $0x0;
	s5 =	sld [smem:$0x3F4E]  }
0x2b: {  	s6 =	sld [smem:$0x3F4F]  }
0x2c: {  	s7 =	sld [smem:$0x3F50]  }
0x2d: {  	s3 =	simm.s32 $0x108;
	s8 =	sld [smem:$0x3F51]  }
0x2e: {  	s3 =	simm.s32 @!p0 $0x1082;
	s9 =	sld [smem:$0x3F52]  }
0x2f: {  	lr =	sadd.s32 s0, s3;
	s0 =	sld [smem:$0x3F49]  }
0x30: {  	s3 =	sld [smem:$0x3F4C]  }
0x31: {  	[smem:$0x3F55] =	sst s10  }
0x32: {  	s10 =	sld [smem:$0x3F53];
	_ =	sdelay $0x3  }
0x33: {  	p0 =	seq.s32 s10, $0x1;
	s10 =	sld [smem:$0x3F55];
	_ =	sdelay $0x3  }
0x34: {  	[smem:$0x3F55] =	sst s10  }
0x35: {  	s10 =	sld [smem:$0x3F54];
	_ =	sdelay $0x3  }
0x36: {  	p1 =	seq.s32 s10, $0x1;
	s10 =	sld [smem:$0x3F55];
	_ =	sdelay $0x3  }
0x37: {  	[smem:$0x3F55] =	sst s10  }
0x38: {  	s10 =	sld [smem:$0x3F56]  }
0x39: {  	_ = 	snop;
	(pc) =	sbr.ind lr, $3  }
0x3a: {  	_ = 	snop  }
0x3b: {  	_ = 	snop  }
0x3c: {  	p2 =	seq.s32 s10, $0x1;
	s10 =	sld [smem:$0x3F55]  }
0x3d: {  	_ =	shalt  }
0x3e: {  	_ =	shalt  }
0x3f: {  	_ =	shalt  }
0x40: {  	_ =	shalt  }
0x41: {  	_ =	shalt  }
0x42: {  	_ =	shalt  }
0x43: {  	_ =	shalt  }
0x44: {  	_ =	shalt  }
0x45: {  	_ =	shalt  }
0x46: {  	_ =	shalt  }
0x47: {  	_ =	shalt  }
0x48: {  	_ =	shalt  }
0x49: {  	_ =	shalt  }
0x4a: {  	_ =	shalt  }
0x4b: {  	_ =	shalt  }
0x4c: {  	_ =	shalt  }
0x4d: {  	_ =	shalt  }
0x4e: {  	_ =	shalt  }
0x4f: {  	_ =	shalt  }
0x50: {  	_ =	shalt  }
0x51: {  	_ =	shalt  }
0x52: {  	_ =	shalt  }
0x53: {  	_ =	shalt  }
0x54: {  	_ =	shalt  }
0x55: {  	_ =	shalt  }
0x56: {  	_ =	shalt  }
0x57: {  	_ =	shalt  }
0x58: {  	_ =	shalt  }
0x59: {  	_ =	shalt  }
0x5a: {  	_ =	shalt  }
0x5b: {  	_ =	shalt  }
0x5c: {  	_ =	shalt  }
0x5d: {  	_ =	shalt  }
0x5e: {  	_ =	shalt  }
0x5f: {  	_ =	shalt  }
0x60: {  	_ =	shalt  }
0x61: {  	_ =	shalt  }
0x62: {  	_ =	shalt  }
0x63: {  	_ =	shalt  }
0x64: {  	_ =	shalt  }
0x65: {  	_ =	shalt  }
0x66: {  	_ =	shalt  }
0x67: {  	_ =	shalt  }
0x68: {  	_ =	shalt  }
0x69: {  	_ =	shalt  }
0x6a: {  	_ =	shalt  }
0x6b: {  	_ =	shalt  }
0x6c: {  	_ =	shalt  }
0x6d: {  	_ =	shalt  }
0x6e: {  	_ =	shalt  }
0x6f: {  	_ =	shalt  }
0x70: {  	_ =	shalt  }
0x71: {  	_ =	shalt  }
0x72: {  	_ =	shalt  }
0x73: {  	_ =	shalt  }
0x74: {  	_ =	shalt  }
0x75: {  	_ =	shalt  }
0x76: {  	_ =	shalt  }
0x77: {  	_ =	shalt  }
0x78: {  	_ =	shalt  }
0x79: {  	_ =	shalt  }
0x7a: {  	_ =	shalt  }
0x7b: {  	_ =	shalt  }
0x7c: {  	_ =	shalt  }
0x7d: {  	_ =	shalt  }
0x7e: {  	_ =	shalt  }
0x7f: {  	_ =	shalt  }
0x80: {  	_ =	shalt  }
0x81: {  	_ =	shalt  }
0x82: {  	_ =	shalt  }
0x83: {  	_ =	shalt  }
0x84: {  	_ =	shalt  }
0x85: {  	_ =	shalt  }
0x86: {  	_ =	shalt  }
0x87: {  	_ =	shalt  }
.Lfunc_end0:
.L_simem_size_0:
called_computation.4_lowered:
.L_overlay_start_0:
0x88: {  	s2 =	sld [smem:$0x3FD9]  }
0x89: {  	s3 =	sld [smem:$0x3FFE];
	_ =	sdelay $0x1  }
0x8a: {  	s1 =	srdreg.scid  }
0x8b: {  	s0 =	sand.u32 $0x1, s1  }
0x8c: {  	s17 =	sshll.u32 s0, $0xA;
	s2 =	sadd.s32 s3, s2  }
0x8d: {  	s2 =	sadd.s32 s2, s17  }
0x8e: {  	[smem:$0x3F61] =	sst s2  }
0x8f: {  	_ = 	snop  }
0x90: {  	(tm) =	ssettm $0x1  }
0x91: {  	s18 =	sld [smem:$0x3FFB];
	_ =	sdelay $0x3  }
0x92: {  	_ =	strace s18  }
0x93: {  	s2 =	sld [smem:$0x3FFC];
	_ =	sdelay $0x3  }
0x94: {  	_ =	strace s2  }
0x95: {  	s2 =	sld [smem:$0x3FFD];
	_ =	sdelay $0x3  }
0x96: {  	_ =	strace s2  }
0x97: {  	_ =	strace $0x8FFFFFFF  }
0x98: {  	s19 =	sld [smem:$0x3FDB];
	_ =	sdelay $0x1  }
0x99: {  	s20 =	simm.s32 $_scs_section_size  }
0x9a: {  	s4 =	simm.s32 $_size__tile_overlayer_lowered;
	s5 =	simm.s32 $_tile_overlayer_lowered  }
0x9b: {  	s6 =	simm.s32 $0x1BFF;
	s21 =	sshll.u32 s5, $0x1;
	s3 =	sadd.s32 s20, s19  }
0x9c: {  	s22 =	simm.s32 $0x0;
	s4 =	sshll.u32 s4, $0x1;
	s5 =	sadd.s32 s21, s3  }
0x9d: {  	[timem:s22], [sflag:s6] =	dma.local [hbm:s5], s4  }
0x9e: {  	_ =	swait.ge [sflag:s6], s4  }
0x9f: {  	s4 =	ssub.s32 $0x0, s4;
	[sflag:s6] =	ssyncset.done $0x0  }
0xa0: {  	[sflag:s6] =	ssyncadd.s32 s4;
	_ =	sdelay $0x1  }
0xa1: {  	s23 =	simm.s32 $0x1B8B  }
0xa2: {  	_ =	swait.ge [sflag:s23], $0x1  }
0xa3: {  	[sflag:s23] =	ssyncset.done $0x0  }
0xa4: {  	[sflag:s23] =	ssyncadd.s32 $0xFFFFFFFF  }
0xa5: {  	s4 =	sld [smem:$0x0]  }
0xa6: {  	s5 =	sand.u32 $0xFFFFFFFE, s1  }
0xa7: {  	p0 =	sne.s32 s1, s5  }
0xa8: {  	s5 =	sshll.u32 @p0 s5, $0xE  }
0xa9: {  	s5 =	sadd.s32 @p0 $0x11B8D, s5;
	s6 =	sshll.u32 @p0 s4, $0x11  }
0xaa: {  	s5 =	sor.u32 @p0 s6, s5  }
0xab: {  	[sflag:s5] =	ssyncadd.remote.s32 @p0 $0x1;
	_ =	sdelay $0x1  }
0xac: {  	s5 =	simm.s32 @p0 $0x1B8D  }
0xad: {  	_ =	swait.eq @p0 [sflag:s5], $0x1  }
0xae: {  	[sflag:s5] =	ssyncadd.s32 @p0 $0xFFFFFFFF  }
0xaf: {  	s6 =	sshll.u32 @!p0 s1, $0xE  }
0xb0: {  	s6 =	sor.u32 @!p0 $0x4000, s6;
	s5 =	simm.s32 @!p0 $0x1B8D  }
0xb1: {  	s4 =	sshll.u32 @!p0 s4, $0x11;
	s6 =	sadd.s32 @!p0 $0x11B8D, s6;
	_ =	swait.eq @!p0 [sflag:s5], $0x1  }
0xb2: {  	s4 =	sor.u32 @!p0 s4, s6;
	[sflag:s5] =	ssyncadd.s32 @!p0 $0xFFFFFFFF  }
0xb3: {  	s25 =	simm.s32 $0x1B8E;
	s24 =	sld [smem:$0x3FFE];
	[sflag:s4] =	ssyncadd.remote.s32 @!p0 $0x1  }
0xb4: {  	s26 =	simm.s32 $execute0_lowered;
	[smem:$0x3FD2] =	sst s25  }
0xb5: {  	s5 =	sshll.u32 s26, $0x1;
	_ =	strace $0x80000055;
	[dreg:$0x1] =	wrdreg $0xFFFFFFFF  }
0xb6: {  	s28 =	simm.s32 $_size_execute0_lowered;
	s3 =	sadd.s32 s3, s5;
	[dreg:$0x0] =	wrdreg $0x0  }
0xb7: {  	s5 =	sshll.u32 s28, $0x1;
	[dreg:$0x2] =	wrdreg s3  }
0xb8: {  	[dreg:$0x3] =	wrdreg s5  }
0xb9: {  	[dreg:$0x4] =	wrdreg $0xC0  }
0xba: {  	_ =	task [dreg:s22], $0x5FFFF  }
0xbb: {  	[dreg:$0x1] =	wrdreg $0xFFFFFFFF  }
0xbc: {  	[dreg:$0x0] =	wrdreg $0x60  }
0xbd: {  	[dreg:$0x2] =	wrdreg s24  }
0xbe: {  	[dreg:$0x3] =	wrdreg $0x90000  }
0xbf: {  	[dreg:$0x4] =	wrdreg $0x9  }
0xc0: {  	_ =	task.clear_ibuf [dreg:s22], $0x5FFFF;
	_ =	strace $0x90000055  }
0xc1: {  	s29 =	simm.s32 $0x9;
	_ =	strace $0x80000057  }
0xc2: {  	_ =	swait.ge [sflag:s29], $0x1  }
0xc3: {  	[sflag:s29] =	ssyncadd.s32 $0xFFFFFFFF  }
0xc4: {  	_ =	strace $0x90000057  }
0xc5: {  	_ =	sfence  }
0xc6: {  	s30 =	sld [smem:$0x0];
	_ =	sdelay $0x2  }
0xc7: {  	s31 =	sshll.u32 s1, $0xD;
	s1 =	sshrl.u32 s1, $0x2  }
0xc8: {  	s4 =	sand.u32 $0x4000, s31;
	s1 =	sadd.s32 s1, s30  }
0xc9: {  	s0 =	sor.u32 s4, s0;
	s1 =	sshll.u32 s1, $0x11  }
0xca: {  	s0 =	sor.u32 s1, s0  }
0xcb: {  	s0 =	sadd.s32 $0x8F2B, s0  }
0xcc: {  	[sflag:s0] =	ssyncadd.remote.s32 $0x1  }
0xcd: {  	_ =	sfence.sel $0xFFFF  }
0xce: {  	[dreg:$0x0] =	wrdreg $0xFFFFFFFF;
	(pc) =	sbr.abs _section_cstart, $3  }
0xcf: {  	[dreg:$0x1] =	wrdreg $0xFFFFFFFF  }
0xd0: {  	_ =	task.clear_ibuf [dreg:s22], $0x2FFFF;
	_ =	strace $0x9FFFFFFF  }
0xd1: {  	(tm) =	ssettm $0x7FFFFFFF  }
tec
execute0_lowered:
.L_overlay_start_1:
0x0: {  	(tag) =	ssettag $0x1  }
0x1: {  	s4 =	rddreg [dreg:$0x0]  }
0x2: {  	s1 =	rddreg [dreg:$0x1]  }
0x3: {  	s0 =	rddreg [dreg:$0x2]  }
0x4: {  	s3 =	simm.s32 $0x0;
	s5 =	srdreg.scid;
	s2 =	stileid.u32  }
0x5: {  	s16 =	simm.s32 $0x3E00;
	s17 =	simm.s32 $0x0;
	s7 =	smul.u32 $0x2800, s2  }
0x6: {  	[smem:$0x7FF] =	sst s3;
	s5 =	sand.u32 $0x1, s5;
	s11 =	smul.u32 $0x50000, s2  }
0x7: {  	s6 =	sshll.u32 s2, $0x1;
	s9 =	sadd.s32 $0x128200, s4;
	s14 =	smul.u32 $0x4E200, s2  }
0x8: {  	s30 =	sshll.u32 s2, $0x6;
	_ =	strace $0x80000056;
	s8 =	smul.u32 $0x28000, s5  }
0x9: {  	s6 =	sor.u32 s5, s6;
	s29 =	ssub.s32 $0x2, s5;
	s15 =	smul.u32 $0x27100, s5  }
0xa: {  	s5 =	sor.u32 $0x1C03, s30;
	s10 =	sshll.u32 s6, $0xB;
	s12 =	sshrl.u32 s29, $0x1  }
0xb: {  	s11 =	sshrl.u32 s11, $0x2;
	s13 =	smul.u32 $0x27100, s6;
	s31 =	sadd.s32 s14, s9  }
0xc: {  	s14 =	simm.s32 $0x50;
	s10 =	sadd.s32 s10, s4;
	s8 =	sadd.s32 s7, s8  }
0xd: {  	s7 =	sadd.s32 s7, s4;
	s12 =	ssub.s32 s29, s12;
	s11 =	sadd.s32 s11, s1  }
0xe: {  	s8 =	sadd.s32 s8, s4;
	s4 =	sadd.s32 $0x39000, s7;
	s6 =	sadd.s32 $0x13CAE00, s10  }
0xf: {  	s7 =	sadd.s32 s9, s13;
	s10 =	sadd.s32 s15, s31;
	s9 =	smax.u32 s12, $0x1  }
0x10: {  	s11 =	sshrl.u32 s11, $0x3;
	s12 =	simm.s32 $0x3;
	s13 =	simm.s32 $0x4000  }
0x11: {  	s15 =	simm.s32 $0x1;
	s8 =	sadd.s32 $0x60A200, s8;
	s10 =	sadd.s32 $0x500, s10  }
.LBB2_1:
0x12: {  	[spmem:s11], [sflag:s5] =	dma.local [hbm:s4], $0x2800  }
0x13: {  	_ =	swait.ge [sflag:s12], $0x2800  }
0x14: {  	[sflag:s12] =	ssyncset.done $0x0  }
0x15: {  	[sflag:s12] =	ssyncadd.s32 $0xFFFFD800  }
0x16: {  	s18 =	sand.u32 $0x1, s15;
	[bflag:$0x0] =	sbarrier.arrive $0xFFFF  }
0x17: {  	[tilespmem:s3], [sflag:$0x3] =	stream.linear.gather [hbm4b:s6+s3], $0x3E80, $0x38;
	[tilespmem:$0x1D000] =	vst v63  }
0x18: {  	s20 =	simm.s32 $0x0;
	s19 =	smul.u32 $0xA000, s18;
	_ =	swait.ge [sflag:s12], $0x3E80  }
0x19: {  	s21 =	simm.s32 $0x2;
	s20 =	sand.u32 $0x1, s20;
	[sflag:s12] =	ssyncset.done $0x0  }
0x1a: {  	s18 =	sadd.s32 $0x1, s18;
	s19 =	sshrl.u32 s19, $0x2;
	[sflag:s12] =	ssyncadd.s32 $0xFFFFC180  }
0x1b: {  	[tilespmem:s13], [sflag:$0x1] =	stream.linear.gather [hbm4b:s7+s3], $0x2800, $0x38;
	[tilespmem:$0x1D000] =	vst v63  }
0x1c: {  	s22 =	sadd.s32 $0x1, s20;
	s20 =	smul.u32 $0xA000, s20;
	s19 =	sor.u32 $0x4000, s19  }
0x1d: {  	[tilespmem:s19], [sflag:s18] =	stream.linear.gather [hbm4b:s10+s3], $0x2800, $0x38;
	[tilespmem:$0x1D000] =	vst v63  }
0x1e: {  	s31 =	sshrl.u32 s20, $0x2;
	s20 =	sand.u32 $0x1, s21;
	_ =	swait.ge [sflag:s22], $0x2800  }
0x1f: {  	s23 =	smul.u32 $0xA000, s20;
	[sflag:s22] =	ssyncset.done $0x0  }
0x20: {  	s18 =	sor.u32 $0x4000, s31;
	s19 =	sadd.s32 $0x500, s10;
	[sflag:s22] =	ssyncadd.s32 $0xFFFFD800  }
0x21: {  	[spmem:s1] =	stream.indirect.scatter.add.f32 [tilespmem:s18], [sflag:$0x3], $0x80, s3, s14, $0xb8;
	[tilespmem:$0x1D000] =	vst v63  }
0x22: {  	s22 =	simm.s32 $0x3;
	s18 =	simm.s32 $0x0;
	_ =	swait.ge [sflag:s12], $0x2800  }
.LBB2_2:
0x23: {  	[sflag:s12] =	ssyncset.done $0x0  }
0x24: {  	s18 =	sadd.s32 $0x80, s18;
	s24 =	smov.u32 s22;
	s25 =	sadd.s32 $0x1, s22  }
0x25: {  	s21 =	sadd.s32 $0xFFFFFFFF, s21;
	s23 =	sshrl.u32 s23, $0x2;
	[sflag:s12] =	ssyncadd.s32 $0xFFFFD800  }
0x26: {  	s20 =	sadd.s32 $0x1, s20;
	s21 =	sand.u32 $0x1, s21;
	s23 =	sor.u32 $0x4000, s23  }
0x27: {  	p0 =	sne.s32 s22, $0x7C;
	s22 =	sadd.s32 $0x1, s21;
	s21 =	smul.u32 $0xA000, s21  }
0x28: {  	[tilespmem:s23], [sflag:s20] =	stream.linear.gather [hbm4b:s19+s3], $0x2800, $0x38;
	[tilespmem:$0x1D000] =	vst v63  }
.Ltmp0:
0x29: {  	s20 =	sshrl.u32 s21, $0x2;
	_ =	swait.ge [sflag:s22], $0x2800;
	(pc) =	sbr.rel @p0 .LBB2_2-.Ltmp0, $4  }
0x2a: {  	s21 =	smov.u32 s24;
	s23 =	sor.u32 $0x4000, s20;
	[sflag:s22] =	ssyncset.done $0x0  }
0x2b: {  	s19 =	sadd.s32 $0x500, s19;
	s20 =	sand.u32 $0x1, s21;
	[sflag:s22] =	ssyncadd.s32 $0xFFFFD800  }
0x2c: {  	[spmem:s1] =	stream.indirect.scatter.add.f32 [tilespmem:s23], [sflag:$0x3], $0x80, s18, s14, $0xb8;
	[tilespmem:$0x1D000] =	vst v63  }
0x2d: {  	s22 =	smov.u32 s25;
	s23 =	smul.u32 $0xA000, s20;
	_ =	swait.ge [sflag:s12], $0x2800  }
0x2e: {  	[sflag:s12] =	ssyncset.done $0x0;
	s21 =	sadd.s32 $0xFFFFFFFF, s21;
	s20 =	sadd.s32 $0x1, s20  }
0x2f: {  	s22 =	sshrl.u32 s23, $0x2;
	[sflag:s12] =	ssyncadd.s32 $0xFFFFD800;
	s21 =	sand.u32 $0x1, s21  }
0x30: {  	s22 =	sor.u32 $0x4000, s22;
	s30 =	sadd.s32 $0x1, s21;
	s21 =	smul.u32 $0xA000, s21  }
0x31: {  	[tilespmem:s22], [sflag:s20] =	stream.linear.gather [hbm4b:s19+s3], $0x2800, $0x38;
	[tilespmem:$0x1D000] =	vst v63  }
0x32: {  	_ =	swait.ge [sflag:s30], $0x2800  }
0x33: {  	s31 =	sshrl.u32 s21, $0x2;
	[sflag:s30] =	ssyncset.done $0x0  }
0x34: {  	s18 =	sadd.s32 $0x80, s18;
	s19 =	sor.u32 $0x4000, s31;
	[sflag:s30] =	ssyncadd.s32 $0xFFFFD800  }
0x35: {  	[spmem:s1] =	stream.indirect.scatter.add.f32 [tilespmem:s19], [sflag:$0x3], $0x80, s18, s14, $0xb8;
	[tilespmem:$0x1D000] =	vst v63  }
0x36: {  	_ =	swait.ge [sflag:s12], $0x2800  }
0x37: {  	[sflag:s12] =	ssyncset.done $0x0  }
0x38: {  	[sflag:s12] =	ssyncadd.s32 $0xFFFFD800  }
0x39: {  	_ =	swait.ge [sflag:s15], $0x2800  }
0x3a: {  	[sflag:s15] =	ssyncset.done $0x0  }
0x3b: {  	[sflag:s15] =	ssyncadd.s32 $0xFFFFD800  }
0x3c: {  	[spmem:s1] =	stream.indirect.scatter.add.f32 [tilespmem:s13], [sflag:$0x3], $0x80, s16, s14, $0xb8;
	[tilespmem:$0x1D000] =	vst v63  }
0x3d: {  	_ =	swait.ge [sflag:s12], $0x2800  }
0x3e: {  	s17 =	sadd.s32 $0x1, s17;
	[sflag:s12] =	ssyncset.done $0x0  }
0x3f: {  	p0 =	sne.s32 s17, s9;
	[sflag:s12] =	ssyncadd.s32 $0xFFFFD800  }
.Ltmp1:
0x40: {  	[bflag:$0x0] =	sbarrier.arrive $0xFFFF;
	(pc) =	sbr.rel @p0 .LBB2_1-.Ltmp1, $4  }
0x41: {  	[hbm:s8], [sflag:s5] =	dma.local [spmem:s11], $0x2800  }
0x42: {  	_ =	swait.ge [sflag:s12], $0x2800  }
0x43: {  	[sflag:s12] =	ssyncset.done $0x0  }
0x44: {  	[sflag:s12] =	ssyncadd.s32 $0xFFFFD800  }
0x45: {  	_ =	sfence.sel $0x180000  }
0x46: {  	[bflag:$0x0] =	sbarrier.arrive $0xFFFF  }
0x47: {  	p0 =	sne.s32 s2, $0x0;
	_ =	strace $0x90000056  }
0x48: {  	s0 =	sadd.s32 @!p0 $0x100000, s0;
	[bflag:$0x2] =	sbarrier.arrive $0xFFFF  }
0x49: {  	[sflag:s0] =	ssyncadd.tile.s32 @!p0 $0x1;
	_ =	shalt  }
.Lfunc_end2:
_tile_overlayer_lowered:
.L_overlay_start_2:
0x4a: {  	(tag) =	ssettag $0x2  }
0x4b: {  	s0 =	rddreg [dreg:$0x0];
	s2 =	stileid.u32  }
0x4c: {  	s1 =	rddreg [dreg:$0x1];
	p0 =	sne.s32 s2, $0x0  }
0x4d: {  	s3 =	rddreg [dreg:$0x2];
	[bflag:$0x3] =	sbarrier.arrive $0xFFFF;
	s2 =	simm.s32 @!p0 $0x1C03  }
0x4e: {  	[timem:s3], [sflag:s2] =	dma.local @!p0 [hbm:s0], s1  }
0x4f: {  	s0 =	simm.s32 @!p0 $0x3  }
0x50: {  	_ =	swait.ge @!p0 [sflag:s0], s1  }
0x51: {  	s1 =	ssub.s32 @!p0 $0x0, s1;
	[sflag:s0] =	ssyncset.done @!p0 $0x0  }
0x52: {  	[sflag:s0] =	ssyncadd.s32 @!p0 s1  }
0x53: {  	[bflag:$0x3] =	sbarrier.arrive $0xFFFF  }
0x54: {  	_ =	shalt  }

// kernel: kernel.37.cloned.1.call-start
scs
__scs_entry_jumppad:
0x0: {  	(pc) =	sbr.rel $0x88, $3  }
0x1: {  	(tag) =	ssettag $0x0;
	lr =	simm.s32 $0x1  }
0x2: {  	[smem:$0x3F3A] =	sst lr;
	_ =	strace $0xD0000000  }
0x3: {  	_ = 	snop  }
0x4: {  	_ = 	snop  }
0x5: {  	_ = 	snop  }
0x6: {  	_ = 	snop  }
0x7: {  	_ = 	snop  }
__scs_overlays_trampoline_lowered:
0x8: {  	[smem:$0x3F49] =	sst s0  }
0x9: {  	[smem:$0x3F4A] =	sst s1  }
0xa: {  	[smem:$0x3F4B] =	sst s2  }
0xb: {  	[smem:$0x3F4C] =	sst s3  }
0xc: {  	[smem:$0x3F4D] =	sst s4  }
0xd: {  	[smem:$0x3F4E] =	sst s5  }
0xe: {  	[smem:$0x3F4F] =	sst s6  }
0xf: {  	[smem:$0x3F50] =	sst s7  }
0x10: {  	[smem:$0x3F51] =	sst s8  }
0x11: {  	[smem:$0x3F52] =	sst s9;
	s0 =	simm.s32 @!p0 $0x0  }
0x12: {  	s1 =	sld [smem:$0x3F38];
	s0 =	simm.s32 @p0 $0x1  }
0x13: {  	[smem:$0x3F53] =	sst s0;
	s0 =	simm.s32 @!p1 $0x0  }
0x14: {  	s2 =	sld [smem:$0x3F37];
	s0 =	simm.s32 @p1 $0x1  }
0x15: {  	[smem:$0x3F54] =	sst s0;
	s0 =	simm.s32 @!p2 $0x0  }
0x16: {  	s3 =	sld [smem:$0x3FDB];
	s0 =	simm.s32 @p2 $0x1  }
0x17: {  	s4 =	simm.s32 $0x1BF5;
	[smem:$0x3F56] =	sst s0  }
0x18: {  	s0 =	sld [smem:$0x3F39];
	_ =	swait.ge [sflag:s4], $0x0  }
0x19: {  	s7 =	sld [smem:$0x3F3A]  }
0x1a: {  	s8 =	sadd.s32 $0xFFFFE003, lr  }
0x1b: {  	s9 =	sadd.s32 $0xFFFFFEF7, lr;
	s5 =	simm.s32 $0xFFFFFFFF;
	p2 =	slt.u32 s8, $0xFFFFF086  }
0x1c: {  	p1 =	slt.u32 s9, $0xF7A;
	s5 =	simm.s32 @!p2 $0x0  }
0x1d: {  	s5 =	simm.s32 @p1 $0x1;
	p0 =	seq.s32 s7, s2  }
0x1e: {  	s7 =	smul.u32 @!p0 $0xF7A, s2;
	p2 =	seq.s32 @!p0 s5, $0x0  }
0x1f: {  	s9 =	smul.u32 $0xF7A, s1;
	s8 =	simm.s32 @!p0 $0x1BF5;
	p2 =	por !p2, p0  }
0x20: {  	[sflag:s8] =	ssyncset.s32 @!p0 $0xFFFFF086;
	s6 =	sadd.s32 @!p0 s3, s7;
	s7 =	simm.s32 @!p0 $0x108  }
0x21: {  	s3 =	sadd.s32 s3, s9;
	s6 =	sadd.s32 @!p0 $0x88, s6;
	s7 =	simm.s32 @p2 $0x1082  }
0x22: {  	[simem:s7], [sflag:s8] =	dma.local @!p0 [hbm:s6], $0xF7A  }
0x23: {  	s9 =	sor.u32 $0xD0000000, s2;
	s6 =	simm.s32 $0x108;
	_ =	swait.ge @!p0 [sflag:s8], $0x0  }
0x24: {  	s3 =	sadd.s32 $0x88, s3;
	s6 =	simm.s32 @!p1 $0x1082;
	[sflag:s4] =	ssyncset.s32 $0xFFFFF086  }
0x25: {  	[simem:s6], [sflag:s4] =	dma.local [hbm:s3], $0xF7A  }
0x26: {  	[smem:$0x3F3A] =	sst s1;
	(tag) =	ssettag s2;
	_ =	strace s9  }
0x27: {  	s1 =	sld [smem:$0x3F4A]  }
0x28: {  	s2 =	sld [smem:$0x3F4B]  }
0x29: {  	s4 =	sld [smem:$0x3F4D]  }
0x2a: {  	p0 =	seq.s32 s5, $0x0;
	s5 =	sld [smem:$0x3F4E]  }
0x2b: {  	s6 =	sld [smem:$0x3F4F]  }
0x2c: {  	s7 =	sld [smem:$0x3F50]  }
0x2d: {  	s3 =	simm.s32 $0x108;
	s8 =	sld [smem:$0x3F51]  }
0x2e: {  	s3 =	simm.s32 @!p0 $0x1082;
	s9 =	sld [smem:$0x3F52]  }
0x2f: {  	lr =	sadd.s32 s0, s3;
	s0 =	sld [smem:$0x3F49]  }
0x30: {  	s3 =	sld [smem:$0x3F4C]  }
0x31: {  	[smem:$0x3F55] =	sst s10  }
0x32: {  	s10 =	sld [smem:$0x3F53];
	_ =	sdelay $0x3  }
0x33: {  	p0 =	seq.s32 s10, $0x1;
	s10 =	sld [smem:$0x3F55];
	_ =	sdelay $0x3  }
0x34: {  	[smem:$0x3F55] =	sst s10  }
0x35: {  	s10 =	sld [smem:$0x3F54];
	_ =	sdelay $0x3  }
0x36: {  	p1 =	seq.s32 s10, $0x1;
	s10 =	sld [smem:$0x3F55];
	_ =	sdelay $0x3  }
0x37: {  	[smem:$0x3F55] =	sst s10  }
0x38: {  	s10 =	sld [smem:$0x3F56]  }
0x39: {  	_ = 	snop;
	(pc) =	sbr.ind lr, $3  }
0x3a: {  	_ = 	snop  }
0x3b: {  	_ = 	snop  }
0x3c: {  	p2 =	seq.s32 s10, $0x1;
	s10 =	sld [smem:$0x3F55]  }
0x3d: {  	_ =	shalt  }
0x3e: {  	_ =	shalt  }
0x3f: {  	_ =	shalt  }
0x40: {  	_ =	shalt  }
0x41: {  	_ =	shalt  }
0x42: {  	_ =	shalt  }
0x43: {  	_ =	shalt  }
0x44: {  	_ =	shalt  }
0x45: {  	_ =	shalt  }
0x46: {  	_ =	shalt  }
0x47: {  	_ =	shalt  }
0x48: {  	_ =	shalt  }
0x49: {  	_ =	shalt  }
0x4a: {  	_ =	shalt  }
0x4b: {  	_ =	shalt  }
0x4c: {  	_ =	shalt  }
0x4d: {  	_ =	shalt  }
0x4e: {  	_ =	shalt  }
0x4f: {  	_ =	shalt  }
0x50: {  	_ =	shalt  }
0x51: {  	_ =	shalt  }
0x52: {  	_ =	shalt  }
0x53: {  	_ =	shalt  }
0x54: {  	_ =	shalt  }
0x55: {  	_ =	shalt  }
0x56: {  	_ =	shalt  }
0x57: {  	_ =	shalt  }
0x58: {  	_ =	shalt  }
0x59: {  	_ =	shalt  }
0x5a: {  	_ =	shalt  }
0x5b: {  	_ =	shalt  }
0x5c: {  	_ =	shalt  }
0x5d: {  	_ =	shalt  }
0x5e: {  	_ =	shalt  }
0x5f: {  	_ =	shalt  }
0x60: {  	_ =	shalt  }
0x61: {  	_ =	shalt  }
0x62: {  	_ =	shalt  }
0x63: {  	_ =	shalt  }
0x64: {  	_ =	shalt  }
0x65: {  	_ =	shalt  }
0x66: {  	_ =	shalt  }
0x67: {  	_ =	shalt  }
0x68: {  	_ =	shalt  }
0x69: {  	_ =	shalt  }
0x6a: {  	_ =	shalt  }
0x6b: {  	_ =	shalt  }
0x6c: {  	_ =	shalt  }
0x6d: {  	_ =	shalt  }
0x6e: {  	_ =	shalt  }
0x6f: {  	_ =	shalt  }
0x70: {  	_ =	shalt  }
0x71: {  	_ =	shalt  }
0x72: {  	_ =	shalt  }
0x73: {  	_ =	shalt  }
0x74: {  	_ =	shalt  }
0x75: {  	_ =	shalt  }
0x76: {  	_ =	shalt  }
0x77: {  	_ =	shalt  }
0x78: {  	_ =	shalt  }
0x79: {  	_ =	shalt  }
0x7a: {  	_ =	shalt  }
0x7b: {  	_ =	shalt  }
0x7c: {  	_ =	shalt  }
0x7d: {  	_ =	shalt  }
0x7e: {  	_ =	shalt  }
0x7f: {  	_ =	shalt  }
0x80: {  	_ =	shalt  }
0x81: {  	_ =	shalt  }
0x82: {  	_ =	shalt  }
0x83: {  	_ =	shalt  }
0x84: {  	_ =	shalt  }
0x85: {  	_ =	shalt  }
0x86: {  	_ =	shalt  }
0x87: {  	_ =	shalt  }
.Lfunc_end0:
.L_simem_size_0:
called_computation.5_lowered:
.L_overlay_start_0:
0x88: {  	s2 =	sld [smem:$0x3FD9]  }
0x89: {  	s3 =	sld [smem:$0x3FFE];
	_ =	sdelay $0x1  }
0x8a: {  	s1 =	srdreg.scid  }
0x8b: {  	s0 =	sand.u32 $0x1, s1  }
0x8c: {  	s16 =	sshll.u32 s0, $0xA;
	s2 =	sadd.s32 s3, s2  }
0x8d: {  	s2 =	sadd.s32 s2, s16  }
0x8e: {  	[smem:$0x3F61] =	sst s2  }
0x8f: {  	_ = 	snop  }
0x90: {  	(tm) =	ssettm $0x1  }
0x91: {  	s17 =	sld [smem:$0x3FFB];
	_ =	sdelay $0x3  }
0x92: {  	_ =	strace s17  }
0x93: {  	s2 =	sld [smem:$0x3FFC];
	_ =	sdelay $0x3  }
0x94: {  	_ =	strace s2  }
0x95: {  	s2 =	sld [smem:$0x3FFD];
	_ =	sdelay $0x3  }
0x96: {  	_ =	strace s2  }
0x97: {  	_ =	strace $0x8FFFFFFF  }
0x98: {  	s18 =	sld [smem:$0x3FDB];
	_ =	sdelay $0x1  }
0x99: {  	s19 =	simm.s32 $_scs_section_size  }
0x9a: {  	s4 =	simm.s32 $_size__tile_overlayer_lowered;
	s5 =	simm.s32 $_tile_overlayer_lowered  }
0x9b: {  	s22 =	simm.s32 $0x1BFF;
	s21 =	sshll.u32 s5, $0x1;
	s2 =	sadd.s32 s19, s18  }
0x9c: {  	s6 =	simm.s32 $0x0;
	s20 =	sshll.u32 s4, $0x1;
	s4 =	sadd.s32 s21, s2  }
0x9d: {  	[timem:s6], [sflag:s22] =	dma.local [hbm:s4], s20  }
0x9e: {  	_ =	swait.ge [sflag:s22], s20  }
0x9f: {  	s3 =	ssub.s32 $0x0, s20;
	[sflag:s22] =	ssyncset.done $0x0  }
0xa0: {  	[sflag:s22] =	ssyncadd.s32 s3;
	_ =	sdelay $0x1  }
0xa1: {  	s23 =	simm.s32 $0x1B8B  }
0xa2: {  	_ =	swait.ge [sflag:s23], $0x1  }
0xa3: {  	[sflag:s23] =	ssyncset.done $0x0  }
0xa4: {  	s25 =	simm.s32 $0x1B8E;
	s24 =	sld [smem:$0x3FFE];
	[sflag:s23] =	ssyncadd.s32 $0xFFFFFFFF  }
0xa5: {  	s26 =	simm.s32 $execute0_lowered;
	[smem:$0x3FD2] =	sst s25  }
0xa6: {  	s4 =	sshll.u32 s26, $0x1;
	_ =	strace $0x80000052;
	[dreg:$0x1] =	wrdreg $0xFFFFFFFF  }
0xa7: {  	s28 =	simm.s32 $_size_execute0_lowered;
	s2 =	sadd.s32 s2, s4;
	[dreg:$0x0] =	wrdreg $0x0  }
0xa8: {  	s4 =	sshll.u32 s28, $0x1;
	[dreg:$0x2] =	wrdreg s2  }
0xa9: {  	[dreg:$0x3] =	wrdreg s4  }
0xaa: {  	[dreg:$0x4] =	wrdreg $0xC0  }
0xab: {  	_ =	task [dreg:s6], $0x5FFFF  }
0xac: {  	[dreg:$0x1] =	wrdreg $0xFFFFFFFF  }
0xad: {  	[dreg:$0x0] =	wrdreg $0x60  }
0xae: {  	[dreg:$0x2] =	wrdreg s24  }
0xaf: {  	[dreg:$0x3] =	wrdreg $0x90000  }
0xb0: {  	[dreg:$0x4] =	wrdreg $0xA  }
0xb1: {  	_ =	task.clear_ibuf [dreg:s6], $0x5FFFF;
	_ =	strace $0x90000052  }
0xb2: {  	s29 =	simm.s32 $0xA;
	_ =	strace $0x80000054  }
0xb3: {  	_ =	swait.ge [sflag:s29], $0x1  }
0xb4: {  	[sflag:s29] =	ssyncadd.s32 $0xFFFFFFFF  }
0xb5: {  	_ =	strace $0x90000054  }
0xb6: {  	_ =	sfence  }
0xb7: {  	s30 =	sld [smem:$0x0];
	_ =	sdelay $0x2  }
0xb8: {  	s31 =	sshll.u32 s1, $0xD;
	s1 =	sshrl.u32 s1, $0x2  }
0xb9: {  	s3 =	sand.u32 $0x4000, s31;
	s1 =	sadd.s32 s1, s30  }
0xba: {  	s0 =	sor.u32 s3, s0;
	s1 =	sshll.u32 s1, $0x11  }
0xbb: {  	s0 =	sor.u32 s1, s0  }
0xbc: {  	s0 =	sadd.s32 $0x8F2B, s0  }
0xbd: {  	[sflag:s0] =	ssyncadd.remote.s32 $0x1  }
0xbe: {  	_ =	sfence.sel $0xFFFF  }
0xbf: {  	[dreg:$0x0] =	wrdreg $0xFFFFFFFF;
	(pc) =	sbr.abs _section_cstart, $3  }
0xc0: {  	[dreg:$0x1] =	wrdreg $0xFFFFFFFF  }
0xc1: {  	_ =	task.clear_ibuf [dreg:s6], $0x2FFFF;
	_ =	strace $0x9FFFFFFF  }
0xc2: {  	(tm) =	ssettm $0x7FFFFFFF  }
0xc3: {  	_ =	shalt  }
tec
execute0_lowered:
.L_overlay_start_1:
0x0: {  	(tag) =	ssettag $0x1  }
0x1: {  	s4 =	rddreg [dreg:$0x0]  }
0x2: {  	s1 =	rddreg [dreg:$0x1]  }
0x3: {  	s0 =	rddreg [dreg:$0x2]  }
0x4: {  	s3 =	simm.s32 $0x0;
	s5 =	srdreg.scid;
	s2 =	stileid.u32  }
0x5: {  	s16 =	simm.s32 $0x3E00;
	s17 =	simm.s32 $0x0;
	s7 =	smul.u32 $0x2800, s2  }
0x6: {  	[smem:$0x7FF] =	sst s3;
	s5 =	sand.u32 $0x1, s5;
	s11 =	smul.u32 $0x50000, s2  }
0x7: {  	s6 =	sshll.u32 s2, $0x1;
	s9 =	sadd.s32 $0x1D9EE00, s4;
	s14 =	smul.u32 $0x4E200, s2  }
0x8: {  	s30 =	sshll.u32 s2, $0x6;
	_ =	strace $0x80000053;
	s8 =	smul.u32 $0x28000, s5  }
0x9: {  	s6 =	sor.u32 s5, s6;
	s29 =	ssub.s32 $0x2, s5;
	s15 =	smul.u32 $0x27100, s5  }
0xa: {  	s5 =	sor.u32 $0x1C03, s30;
	s10 =	sshll.u32 s6, $0xB;
	s12 =	sshrl.u32 s29, $0x1  }
0xb: {  	s11 =	sshrl.u32 s11, $0x2;
	s13 =	smul.u32 $0x27100, s6;
	s31 =	sadd.s32 s14, s9  }
0xc: {  	s14 =	simm.s32 $0x50;
	s10 =	sadd.s32 s10, s4;
	s8 =	sadd.s32 s7, s8  }
0xd: {  	s7 =	sadd.s32 s7, s4;
	s12 =	ssub.s32 s29, s12;
	s11 =	sadd.s32 s11, s1  }
0xe: {  	s8 =	sadd.s32 s8, s4;
	s4 =	sadd.s32 $0x39000, s7;
	s6 =	sadd.s32 $0x13CAE00, s10  }
0xf: {  	s7 =	sadd.s32 s9, s13;
	s10 =	sadd.s32 s15, s31;
	s9 =	smax.u32 s12, $0x1  }
0x10: {  	s11 =	sshrl.u32 s11, $0x3;
	s12 =	simm.s32 $0x3;
	s13 =	simm.s32 $0x4000  }
0x11: {  	s15 =	simm.s32 $0x1;
	s8 =	sadd.s32 $0x88200, s8;
	s10 =	sadd.s32 $0x500, s10  }
.LBB2_1:
0x12: {  	[spmem:s11], [sflag:s5] =	dma.local [hbm:s4], $0x2800  }
0x13: {  	_ =	swait.ge [sflag:s12], $0x2800  }
0x14: {  	[sflag:s12] =	ssyncset.done $0x0  }
0x15: {  	[sflag:s12] =	ssyncadd.s32 $0xFFFFD800  }
0x16: {  	s18 =	sand.u32 $0x1, s15;
	[bflag:$0x0] =	sbarrier.arrive $0xFFFF  }
0x17: {  	[tilespmem:s3], [sflag:$0x3] =	stream.linear.gather [hbm4b:s6+s3], $0x3E80, $0x38;
	[tilespmem:$0x1D000] =	vst v63  }
0x18: {  	s20 =	simm.s32 $0x0;
	s19 =	smul.u32 $0xA000, s18;
	_ =	swait.ge [sflag:s12], $0x3E80  }
0x19: {  	s21 =	simm.s32 $0x2;
	s20 =	sand.u32 $0x1, s20;
	[sflag:s12] =	ssyncset.done $0x0  }
0x1a: {  	s18 =	sadd.s32 $0x1, s18;
	s19 =	sshrl.u32 s19, $0x2;
	[sflag:s12] =	ssyncadd.s32 $0xFFFFC180  }
0x1b: {  	[tilespmem:s13], [sflag:$0x1] =	stream.linear.gather [hbm4b:s7+s3], $0x2800, $0x38;
	[tilespmem:$0x1D000] =	vst v63  }
0x1c: {  	s22 =	sadd.s32 $0x1, s20;
	s20 =	smul.u32 $0xA000, s20;
	s19 =	sor.u32 $0x4000, s19  }
0x1d: {  	[tilespmem:s19], [sflag:s18] =	stream.linear.gather [hbm4b:s10+s3], $0x2800, $0x38;
	[tilespmem:$0x1D000] =	vst v63  }
0x1e: {  	s31 =	sshrl.u32 s20, $0x2;
	s20 =	sand.u32 $0x1, s21;
	_ =	swait.ge [sflag:s22], $0x2800  }
0x1f: {  	s23 =	smul.u32 $0xA000, s20;
	[sflag:s22] =	ssyncset.done $0x0  }
0x20: {  	s18 =	sor.u32 $0x4000, s31;
	s19 =	sadd.s32 $0x500, s10;
	[sflag:s22] =	ssyncadd.s32 $0xFFFFD800  }
0x21: {  	[spmem:s1] =	stream.indirect.scatter.add.f32 [tilespmem:s18], [sflag:$0x3], $0x80, s3, s14, $0xb8;
	[tilespmem:$0x1D000] =	vst v63  }
0x22: {  	s22 =	simm.s32 $0x3;
	s18 =	simm.s32 $0x0;
	_ =	swait.ge [sflag:s12], $0x2800  }
.LBB2_2:
0x23: {  	[sflag:s12] =	ssyncset.done $0x0  }
0x24: {  	s18 =	sadd.s32 $0x80, s18;
	s24 =	smov.u32 s22;
	s25 =	sadd.s32 $0x1, s22  }
0x25: {  	s21 =	sadd.s32 $0xFFFFFFFF, s21;
	s23 =	sshrl.u32 s23, $0x2;
	[sflag:s12] =	ssyncadd.s32 $0xFFFFD800  }
0x26: {  	s20 =	sadd.s32 $0x1, s20;
	s21 =	sand.u32 $0x1, s21;
	s23 =	sor.u32 $0x4000, s23  }
0x27: {  	p0 =	sne.s32 s22, $0x7C;
	s22 =	sadd.s32 $0x1, s21;
	s21 =	smul.u32 $0xA000, s21  }
0x28: {  	[tilespmem:s23], [sflag:s20] =	stream.linear.gather [hbm4b:s19+s3], $0x2800, $0x38;
	[tilespmem:$0x1D000] =	vst v63  }
.Ltmp0:
0x29: {  	s20 =	sshrl.u32 s21, $0x2;
	_ =	swait.ge [sflag:s22], $0x2800;
	(pc) =	sbr.rel @p0 .LBB2_2-.Ltmp0, $4  }
0x2a: {  	s21 =	smov.u32 s24;
	s23 =	sor.u32 $0x4000, s20;
	[sflag:s22] =	ssyncset.done $0x0  }
0x2b: {  	s19 =	sadd.s32 $0x500, s19;
	s20 =	sand.u32 $0x1, s21;
	[sflag:s22] =	ssyncadd.s32 $0xFFFFD800  }
0x2c: {  	[spmem:s1] =	stream.indirect.scatter.add.f32 [tilespmem:s23], [sflag:$0x3], $0x80, s18, s14, $0xb8;
	[tilespmem:$0x1D000] =	vst v63  }
0x2d: {  	s22 =	smov.u32 s25;
	s23 =	smul.u32 $0xA000, s20;
	_ =	swait.ge [sflag:s12], $0x2800  }
0x2e: {  	[sflag:s12] =	ssyncset.done $0x0;
	s21 =	sadd.s32 $0xFFFFFFFF, s21;
	s20 =	sadd.s32 $0x1, s20  }
0x2f: {  	s22 =	sshrl.u32 s23, $0x2;
	[sflag:s12] =	ssyncadd.s32 $0xFFFFD800;
	s21 =	sand.u32 $0x1, s21  }
0x30: {  	s22 =	sor.u32 $0x4000, s22;
	s30 =	sadd.s32 $0x1, s21;
	s21 =	smul.u32 $0xA000, s21  }
0x31: {  	[tilespmem:s22], [sflag:s20] =	stream.linear.gather [hbm4b:s19+s3], $0x2800, $0x38;
	[tilespmem:$0x1D000] =	vst v63  }
0x32: {  	_ =	swait.ge [sflag:s30], $0x2800  }
0x33: {  	s31 =	sshrl.u32 s21, $0x2;
	[sflag:s30] =	ssyncset.done $0x0  }
0x34: {  	s18 =	sadd.s32 $0x80, s18;
	s19 =	sor.u32 $0x4000, s31;
	[sflag:s30] =	ssyncadd.s32 $0xFFFFD800  }
0x35: {  	[spmem:s1] =	stream.indirect.scatter.add.f32 [tilespmem:s19], [sflag:$0x3], $0x80, s18, s14, $0xb8;
	[tilespmem:$0x1D000] =	vst v63  }
0x36: {  	_ =	swait.ge [sflag:s12], $0x2800  }
0x37: {  	[sflag:s12] =	ssyncset.done $0x0  }
0x38: {  	[sflag:s12] =	ssyncadd.s32 $0xFFFFD800  }
0x39: {  	_ =	swait.ge [sflag:s15], $0x2800  }
0x3a: {  	[sflag:s15] =	ssyncset.done $0x0  }
0x3b: {  	[sflag:s15] =	ssyncadd.s32 $0xFFFFD800  }
0x3c: {  	[spmem:s1] =	stream.indirect.scatter.add.f32 [tilespmem:s13], [sflag:$0x3], $0x80, s16, s14, $0xb8;
	[tilespmem:$0x1D000] =	vst v63  }
0x3d: {  	_ =	swait.ge [sflag:s12], $0x2800  }
0x3e: {  	s17 =	sadd.s32 $0x1, s17;
	[sflag:s12] =	ssyncset.done $0x0  }
0x3f: {  	p0 =	sne.s32 s17, s9;
	[sflag:s12] =	ssyncadd.s32 $0xFFFFD800  }
.Ltmp1:
0x40: {  	[bflag:$0x0] =	sbarrier.arrive $0xFFFF;
	(pc) =	sbr.rel @p0 .LBB2_1-.Ltmp1, $4  }
0x41: {  	[hbm:s8], [sflag:s5] =	dma.local [spmem:s11], $0x2800  }
0x42: {  	_ =	swait.ge [sflag:s12], $0x2800  }
0x43: {  	[sflag:s12] =	ssyncset.done $0x0  }
0x44: {  	[sflag:s12] =	ssyncadd.s32 $0xFFFFD800  }
0x45: {  	_ =	sfence.sel $0x180000  }
0x46: {  	[bflag:$0x0] =	sbarrier.arrive $0xFFFF  }
0x47: {  	p0 =	sne.s32 s2, $0x0;
	_ =	strace $0x90000053  }
0x48: {  	s0 =	sadd.s32 @!p0 $0x100000, s0;
	[bflag:$0x2] =	sbarrier.arrive $0xFFFF  }
0x49: {  	[sflag:s0] =	ssyncadd.tile.s32 @!p0 $0x1;
	_ =	shalt  }
.Lfunc_end2:
_tile_overlayer_lowered:
.L_overlay_start_2:
0x4a: {  	(tag) =	ssettag $0x2  }
0x4b: {  	s0 =	rddreg [dreg:$0x0];
	s2 =	stileid.u32  }
0x4c: {  	s1 =	rddreg [dreg:$0x1];
	p0 =	sne.s32 s2, $0x0  }
0x4d: {  	s3 =	rddreg [dreg:$0x2];
	[bflag:$0x3] =	sbarrier.arrive $0xFFFF;
	s2 =	simm.s32 @!p0 $0x1C03  }
0x4e: {  	[timem:s3], [sflag:s2] =	dma.local @!p0 [hbm:s0], s1  }
0x4f: {  	s0 =	simm.s32 @!p0 $0x3  }
0x50: {  	_ =	swait.ge @!p0 [sflag:s0], s1  }
0x51: {  	s1 =	ssub.s32 @!p0 $0x0, s1;
	[sflag:s0] =	ssyncset.done @!p0 $0x0  }
0x52: {  	[sflag:s0] =	ssyncadd.s32 @!p0 s1  }
0x53: {  	[bflag:$0x3] =	sbarrier.arrive $0xFFFF  }
0x54: {  	_ =	shalt  }

// kernel: kernel.40.cloned.1.call-start
scs
__scs_entry_jumppad:
0x0: {  	(pc) =	sbr.rel $0x88, $3  }
0x1: {  	(tag) =	ssettag $0x0;
	lr =	simm.s32 $0x1  }
0x2: {  	[smem:$0x3F3A] =	sst lr;
	_ =	strace $0xD0000000  }
0x3: {  	_ = 	snop  }
0x4: {  	_ = 	snop  }
0x5: {  	_ = 	snop  }
0x6: {  	_ = 	snop  }
0x7: {  	_ = 	snop  }
__scs_overlays_trampoline_lowered:
0x8: {  	[smem:$0x3F49] =	sst s0  }
0x9: {  	[smem:$0x3F4A] =	sst s1  }
0xa: {  	[smem:$0x3F4B] =	sst s2  }
0xb: {  	[smem:$0x3F4C] =	sst s3  }
0xc: {  	[smem:$0x3F4D] =	sst s4  }
0xd: {  	[smem:$0x3F4E] =	sst s5  }
0xe: {  	[smem:$0x3F4F] =	sst s6  }
0xf: {  	[smem:$0x3F50] =	sst s7  }
0x10: {  	[smem:$0x3F51] =	sst s8  }
0x11: {  	[smem:$0x3F52] =	sst s9;
	s0 =	simm.s32 @!p0 $0x0  }
0x12: {  	s1 =	sld [smem:$0x3F38];
	s0 =	simm.s32 @p0 $0x1  }
0x13: {  	[smem:$0x3F53] =	sst s0;
	s0 =	simm.s32 @!p1 $0x0  }
0x14: {  	s2 =	sld [smem:$0x3F37];
	s0 =	simm.s32 @p1 $0x1  }
0x15: {  	[smem:$0x3F54] =	sst s0;
	s0 =	simm.s32 @!p2 $0x0  }
0x16: {  	s3 =	sld [smem:$0x3FDB];
	s0 =	simm.s32 @p2 $0x1  }
0x17: {  	s4 =	simm.s32 $0x1BF5;
	[smem:$0x3F56] =	sst s0  }
0x18: {  	s0 =	sld [smem:$0x3F39];
	_ =	swait.ge [sflag:s4], $0x0  }
0x19: {  	s7 =	sld [smem:$0x3F3A]  }
0x1a: {  	s8 =	sadd.s32 $0xFFFFE003, lr  }
0x1b: {  	s9 =	sadd.s32 $0xFFFFFEF7, lr;
	s5 =	simm.s32 $0xFFFFFFFF;
	p2 =	slt.u32 s8, $0xFFFFF086  }
0x1c: {  	p1 =	slt.u32 s9, $0xF7A;
	s5 =	simm.s32 @!p2 $0x0  }
0x1d: {  	s5 =	simm.s32 @p1 $0x1;
	p0 =	seq.s32 s7, s2  }
0x1e: {  	s7 =	smul.u32 @!p0 $0xF7A, s2;
	p2 =	seq.s32 @!p0 s5, $0x0  }
0x1f: {  	s9 =	smul.u32 $0xF7A, s1;
	s8 =	simm.s32 @!p0 $0x1BF5;
	p2 =	por !p2, p0  }
0x20: {  	[sflag:s8] =	ssyncset.s32 @!p0 $0xFFFFF086;
	s6 =	sadd.s32 @!p0 s3, s7;
	s7 =	simm.s32 @!p0 $0x108  }
0x21: {  	s3 =	sadd.s32 s3, s9;
	s6 =	sadd.s32 @!p0 $0x88, s6;
	s7 =	simm.s32 @p2 $0x1082  }
0x22: {  	[simem:s7], [sflag:s8] =	dma.local @!p0 [hbm:s6], $0xF7A  }
0x23: {  	s9 =	sor.u32 $0xD0000000, s2;
	s6 =	simm.s32 $0x108;
	_ =	swait.ge @!p0 [sflag:s8], $0x0  }
0x24: {  	s3 =	sadd.s32 $0x88, s3;
	s6 =	simm.s32 @!p1 $0x1082;
	[sflag:s4] =	ssyncset.s32 $0xFFFFF086  }
0x25: {  	[simem:s6], [sflag:s4] =	dma.local [hbm:s3], $0xF7A  }
0x26: {  	[smem:$0x3F3A] =	sst s1;
	(tag) =	ssettag s2;
	_ =	strace s9  }
0x27: {  	s1 =	sld [smem:$0x3F4A]  }
0x28: {  	s2 =	sld [smem:$0x3F4B]  }
0x29: {  	s4 =	sld [smem:$0x3F4D]  }
0x2a: {  	p0 =	seq.s32 s5, $0x0;
	s5 =	sld [smem:$0x3F4E]  }
0x2b: {  	s6 =	sld [smem:$0x3F4F]  }
0x2c: {  	s7 =	sld [smem:$0x3F50]  }
0x2d: {  	s3 =	simm.s32 $0x108;
	s8 =	sld [smem:$0x3F51]  }
0x2e: {  	s3 =	simm.s32 @!p0 $0x1082;
	s9 =	sld [smem:$0x3F52]  }
0x2f: {  	lr =	sadd.s32 s0, s3;
	s0 =	sld [smem:$0x3F49]  }
0x30: {  	s3 =	sld [smem:$0x3F4C]  }
0x31: {  	[smem:$0x3F55] =	sst s10  }
0x32: {  	s10 =	sld [smem:$0x3F53];
	_ =	sdelay $0x3  }
0x33: {  	p0 =	seq.s32 s10, $0x1;
	s10 =	sld [smem:$0x3F55];
	_ =	sdelay $0x3  }
0x34: {  	[smem:$0x3F55] =	sst s10  }
0x35: {  	s10 =	sld [smem:$0x3F54];
	_ =	sdelay $0x3  }
0x36: {  	p1 =	seq.s32 s10, $0x1;
	s10 =	sld [smem:$0x3F55];
	_ =	sdelay $0x3  }
0x37: {  	[smem:$0x3F55] =	sst s10  }
0x38: {  	s10 =	sld [smem:$0x3F56]  }
0x39: {  	_ = 	snop;
	(pc) =	sbr.ind lr, $3  }
0x3a: {  	_ = 	snop  }
0x3b: {  	_ = 	snop  }
0x3c: {  	p2 =	seq.s32 s10, $0x1;
	s10 =	sld [smem:$0x3F55]  }
0x3d: {  	_ =	shalt  }
0x3e: {  	_ =	shalt  }
0x3f: {  	_ =	shalt  }
0x40: {  	_ =	shalt  }
0x41: {  	_ =	shalt  }
0x42: {  	_ =	shalt  }
0x43: {  	_ =	shalt  }
0x44: {  	_ =	shalt  }
0x45: {  	_ =	shalt  }
0x46: {  	_ =	shalt  }
0x47: {  	_ =	shalt  }
0x48: {  	_ =	shalt  }
0x49: {  	_ =	shalt  }
0x4a: {  	_ =	shalt  }
0x4b: {  	_ =	shalt  }
0x4c: {  	_ =	shalt  }
0x4d: {  	_ =	shalt  }
0x4e: {  	_ =	shalt  }
0x4f: {  	_ =	shalt  }
0x50: {  	_ =	shalt  }
0x51: {  	_ =	shalt  }
0x52: {  	_ =	shalt  }
0x53: {  	_ =	shalt  }
0x54: {  	_ =	shalt  }
0x55: {  	_ =	shalt  }
0x56: {  	_ =	shalt  }
0x57: {  	_ =	shalt  }
0x58: {  	_ =	shalt  }
0x59: {  	_ =	shalt  }
0x5a: {  	_ =	shalt  }
0x5b: {  	_ =	shalt  }
0x5c: {  	_ =	shalt  }
0x5d: {  	_ =	shalt  }
0x5e: {  	_ =	shalt  }
0x5f: {  	_ =	shalt  }
0x60: {  	_ =	shalt  }
0x61: {  	_ =	shalt  }
0x62: {  	_ =	shalt  }
0x63: {  	_ =	shalt  }
0x64: {  	_ =	shalt  }
0x65: {  	_ =	shalt  }
0x66: {  	_ =	shalt  }
0x67: {  	_ =	shalt  }
0x68: {  	_ =	shalt  }
0x69: {  	_ =	shalt  }
0x6a: {  	_ =	shalt  }
0x6b: {  	_ =	shalt  }
0x6c: {  	_ =	shalt  }
0x6d: {  	_ =	shalt  }
0x6e: {  	_ =	shalt  }
0x6f: {  	_ =	shalt  }
0x70: {  	_ =	shalt  }
0x71: {  	_ =	shalt  }
0x72: {  	_ =	shalt  }
0x73: {  	_ =	shalt  }
0x74: {  	_ =	shalt  }
0x75: {  	_ =	shalt  }
0x76: {  	_ =	shalt  }
0x77: {  	_ =	shalt  }
0x78: {  	_ =	shalt  }
0x79: {  	_ =	shalt  }
0x7a: {  	_ =	shalt  }
0x7b: {  	_ =	shalt  }
0x7c: {  	_ =	shalt  }
0x7d: {  	_ =	shalt  }
0x7e: {  	_ =	shalt  }
0x7f: {  	_ =	shalt  }
0x80: {  	_ =	shalt  }
0x81: {  	_ =	shalt  }
0x82: {  	_ =	shalt  }
0x83: {  	_ =	shalt  }
0x84: {  	_ =	shalt  }
0x85: {  	_ =	shalt  }
0x86: {  	_ =	shalt  }
0x87: {  	_ =	shalt  }
.Lfunc_end0:
.L_simem_size_0:
called_computation.6_lowered:
.L_overlay_start_0:
0x88: {  	s2 =	sld [smem:$0x3FD9]  }
0x89: {  	s3 =	sld [smem:$0x3FFE];
	_ =	sdelay $0x1  }
0x8a: {  	s1 =	srdreg.scid  }
0x8b: {  	s0 =	sand.u32 $0x1, s1  }
0x8c: {  	s16 =	sshll.u32 s0, $0xA;
	s2 =	sadd.s32 s3, s2  }
0x8d: {  	s2 =	sadd.s32 s2, s16  }
0x8e: {  	[smem:$0x3F61] =	sst s2  }
0x8f: {  	_ = 	snop  }
0x90: {  	(tm) =	ssettm $0x1  }
0x91: {  	s17 =	sld [smem:$0x3FFB];
	_ =	sdelay $0x3  }
0x92: {  	_ =	strace s17  }
0x93: {  	s2 =	sld [smem:$0x3FFC];
	_ =	sdelay $0x3  }
0x94: {  	_ =	strace s2  }
0x95: {  	s2 =	sld [smem:$0x3FFD];
	_ =	sdelay $0x3  }
0x96: {  	_ =	strace s2  }
0x97: {  	_ =	strace $0x8FFFFFFF  }
0x98: {  	s18 =	sld [smem:$0x3FDB];
	_ =	sdelay $0x1  }
0x99: {  	s19 =	simm.s32 $_scs_section_size  }
0x9a: {  	s4 =	simm.s32 $_size__tile_overlayer_lowered;
	s5 =	simm.s32 $_tile_overlayer_lowered  }
0x9b: {  	s22 =	simm.s32 $0x1BFF;
	s21 =	sshll.u32 s5, $0x1;
	s2 =	sadd.s32 s19, s18  }
0x9c: {  	s6 =	simm.s32 $0x0;
	s20 =	sshll.u32 s4, $0x1;
	s4 =	sadd.s32 s21, s2  }
0x9d: {  	[timem:s6], [sflag:s22] =	dma.local [hbm:s4], s20  }
0x9e: {  	_ =	swait.ge [sflag:s22], s20  }
0x9f: {  	s3 =	ssub.s32 $0x0, s20;
	[sflag:s22] =	ssyncset.done $0x0  }
0xa0: {  	[sflag:s22] =	ssyncadd.s32 s3;
	_ =	sdelay $0x1  }
0xa1: {  	s23 =	simm.s32 $0x1B8B  }
0xa2: {  	_ =	swait.ge [sflag:s23], $0x1  }
0xa3: {  	[sflag:s23] =	ssyncset.done $0x0  }
0xa4: {  	s25 =	simm.s32 $0x1B8E;
	s24 =	sld [smem:$0x3FFE];
	[sflag:s23] =	ssyncadd.s32 $0xFFFFFFFF  }
0xa5: {  	s26 =	simm.s32 $execute0_lowered;
	[smem:$0x3FD2] =	sst s25  }
0xa6: {  	s4 =	sshll.u32 s26, $0x1;
	_ =	strace $0x80000058;
	[dreg:$0x1] =	wrdreg $0xFFFFFFFF  }
0xa7: {  	s28 =	simm.s32 $_size_execute0_lowered;
	s2 =	sadd.s32 s2, s4;
	[dreg:$0x0] =	wrdreg $0x0  }
0xa8: {  	s4 =	sshll.u32 s28, $0x1;
	[dreg:$0x2] =	wrdreg s2  }
0xa9: {  	[dreg:$0x3] =	wrdreg s4  }
0xaa: {  	[dreg:$0x4] =	wrdreg $0xC0  }
0xab: {  	_ =	task [dreg:s6], $0x5FFFF  }
0xac: {  	[dreg:$0x1] =	wrdreg $0xFFFFFFFF  }
0xad: {  	[dreg:$0x0] =	wrdreg $0x60  }
0xae: {  	[dreg:$0x2] =	wrdreg s24  }
0xaf: {  	[dreg:$0x3] =	wrdreg $0x9  }
0xb0: {  	_ =	task.clear_ibuf [dreg:s6], $0x4FFFF;
	_ =	strace $0x90000058  }
0xb1: {  	s29 =	simm.s32 $0x9;
	_ =	strace $0x8000005A  }
0xb2: {  	_ =	swait.ge [sflag:s29], $0x1  }
0xb3: {  	[sflag:s29] =	ssyncadd.s32 $0xFFFFFFFF  }
0xb4: {  	_ =	strace $0x9000005A  }
0xb5: {  	_ =	sfence  }
0xb6: {  	s30 =	sld [smem:$0x0];
	_ =	sdelay $0x2  }
0xb7: {  	s31 =	sshll.u32 s1, $0xD;
	s1 =	sshrl.u32 s1, $0x2  }
0xb8: {  	s3 =	sand.u32 $0x4000, s31;
	s1 =	sadd.s32 s1, s30  }
0xb9: {  	s0 =	sor.u32 s3, s0;
	s1 =	sshll.u32 s1, $0x11  }
0xba: {  	s0 =	sor.u32 s1, s0  }
0xbb: {  	s0 =	sadd.s32 $0x8F2B, s0  }
0xbc: {  	[sflag:s0] =	ssyncadd.remote.s32 $0x1  }
0xbd: {  	_ =	sfence.sel $0xFFFF  }
0xbe: {  	[dreg:$0x0] =	wrdreg $0xFFFFFFFF;
	(pc) =	sbr.abs _section_cstart, $3  }
0xbf: {  	[dreg:$0x1] =	wrdreg $0xFFFFFFFF  }
0xc0: {  	_ =	task.clear_ibuf [dreg:s6], $0x2FFFF;
	_ =	strace $0x9FFFFFFF  }
0xc1: {  	(tm) =	ssettm $0x7FFFFFFF  }
tec
execute0_lowered:
.L_overlay_start_1:
0x0: {  	(tag) =	ssettag $0x1  }
0x1: {  	s4 =	rddreg [dreg:$0x0]  }
0x2: {  	s0 =	rddreg [dreg:$0x1]  }
0x3: {  	s2 =	simm.s32 $0x0;
	s3 =	srdreg.scid;
	s1 =	stileid.u32  }
0x4: {  	s12 =	simm.s32 $0xA800;
	s13 =	simm.s32 $0x0;
	[smem:$0x7FF] =	sst s2  }
0x5: {  	s5 =	sand.u32 $0x1, s3;
	s3 =	sadd.s32 $0x61000, s4;
	s10 =	smul.u32 $0x9C400, s1  }
0x6: {  	s6 =	sshll.u32 s1, $0x1;
	s11 =	sadd.s32 $0x18BCE00, s4;
	_ =	strace $0x80000059  }
0x7: {  	s6 =	sor.u32 s5, s6;
	s8 =	ssub.s32 $0x2, s5;
	s30 =	smul.u32 $0x4E200, s5  }
0x8: {  	s7 =	sshll.u32 s6, $0xC;
	s6 =	smul.u32 $0x4E200, s6;
	s9 =	sshrl.u32 s8, $0x1  }
0x9: {  	s31 =	sadd.s32 s10, s11;
	s10 =	simm.s32 $0x8000;
	s7 =	sadd.s32 s7, s4  }
0xa: {  	s8 =	ssub.s32 s8, s9;
	s9 =	simm.s32 $0x50;
	s4 =	sadd.s32 $0x19000, s7  }
0xb: {  	s6 =	sadd.s32 s11, s6;
	s5 =	smax.u32 s8, $0x1;
	s7 =	sadd.s32 s30, s31  }
0xc: {  	s8 =	simm.s32 $0x3;
	s11 =	simm.s32 $0x2;
	s6 =	sadd.s32 $0x4DD00, s6  }
.LBB2_1:
0xd: {  	[tilespmem:s2], [sflag:$0x3] =	stream.linear.gather [hbm4b:s4+s2], $0x7D00, $0x38;
	[tilespmem:$0xD000] =	vst v63  }
0xe: {  	s14 =	simm.s32 $0x1;
	_ =	swait.ge [sflag:s8], $0x7D00  }
0xf: {  	s16 =	simm.s32 $0x0;
	s14 =	sand.u32 $0x1, s14;
	[sflag:s8] =	ssyncset.done $0x0  }
0x10: {  	s17 =	simm.s32 $0x80;
	s15 =	smul.u32 $0xA000, s14;
	[sflag:s8] =	ssyncadd.s32 $0xFFFF8300  }
0x11: {  	[tilespmem:s10], [sflag:$0x1] =	stream.indirect.gather [hbm4b:s3+s9], $0x80, s2, s9, $0xb8;
	[tilespmem:$0xD000] =	vst v63  }
0x12: {  	s16 =	sand.u32 $0x1, s16;
	s14 =	sadd.s32 $0x1, s14;
	s15 =	sshrl.u32 s15, $0x2  }
0x13: {  	s18 =	sadd.s32 $0x1, s16;
	s16 =	smul.u32 $0xA000, s16;
	s15 =	sor.u32 $0x8000, s15  }
0x14: {  	[tilespmem:s15], [sflag:s14] =	stream.indirect.gather [hbm4b:s3+s9], $0x80, s17, s9, $0xb8;
	[tilespmem:$0xD000] =	vst v63  }
0x15: {  	s31 =	sshrl.u32 s16, $0x2;
	s17 =	simm.s32 $0x2;
	_ =	swait.ge [sflag:s18], $0x2800  }
0x16: {  	s14 =	sor.u32 $0x8000, s31;
	s16 =	sand.u32 $0x1, s17;
	[sflag:s18] =	ssyncset.done $0x0  }
0x17: {  	s15 =	simm.s32 $0x100;
	s19 =	smul.u32 $0xA000, s16;
	[sflag:s18] =	ssyncadd.s32 $0xFFFFD800  }
0x18: {  	[hbm4b:s7+s2] =	stream.linear.scatter [tilespmem:s14], [sflag:$0x3], $0x2800, $0x38;
	[tilespmem:$0xD000] =	vst v63  }
0x19: {  	s18 =	simm.s32 $0x3;
	s14 =	smov.u32 s7;
	_ =	swait.ge [sflag:s8], $0x2800  }
.LBB2_2:
0x1a: {  	[sflag:s8] =	ssyncset.done $0x0  }
0x1b: {  	s14 =	sadd.s32 $0x500, s14;
	s20 =	smov.u32 s18;
	s21 =	sadd.s32 $0x1, s18  }
0x1c: {  	s17 =	sadd.s32 $0xFFFFFFFF, s17;
	s19 =	sshrl.u32 s19, $0x2;
	[sflag:s8] =	ssyncadd.s32 $0xFFFFD800  }
0x1d: {  	s16 =	sadd.s32 $0x1, s16;
	s17 =	sand.u32 $0x1, s17;
	s19 =	sor.u32 $0x8000, s19  }
0x1e: {  	p0 =	sne.s32 s18, $0xF9;
	s18 =	sadd.s32 $0x1, s17;
	s17 =	smul.u32 $0xA000, s17  }
0x1f: {  	[tilespmem:s19], [sflag:s16] =	stream.indirect.gather [hbm4b:s3+s9], $0x80, s15, s9, $0xb8;
	[tilespmem:$0xD000] =	vst v63  }
.Ltmp0:
0x20: {  	s16 =	sshrl.u32 s17, $0x2;
	_ =	swait.ge [sflag:s18], $0x2800;
	(pc) =	sbr.rel @p0 .LBB2_2-.Ltmp0, $4  }
0x21: {  	s17 =	smov.u32 s20;
	s19 =	sor.u32 $0x8000, s16;
	[sflag:s18] =	ssyncset.done $0x0  }
0x22: {  	s15 =	sadd.s32 $0x80, s15;
	s16 =	sand.u32 $0x1, s17;
	[sflag:s18] =	ssyncadd.s32 $0xFFFFD800  }
0x23: {  	[hbm4b:s14+s2] =	stream.linear.scatter [tilespmem:s19], [sflag:$0x3], $0x2800, $0x38;
	[tilespmem:$0xD000] =	vst v63  }
0x24: {  	s18 =	smov.u32 s21;
	s19 =	smul.u32 $0xA000, s16;
	_ =	swait.ge [sflag:s8], $0x2800  }
0x25: {  	[sflag:s8] =	ssyncset.done $0x0;
	s17 =	sadd.s32 $0xFFFFFFFF, s17;
	s16 =	sadd.s32 $0x1, s16  }
0x26: {  	s18 =	sshrl.u32 s19, $0x2;
	[sflag:s8] =	ssyncadd.s32 $0xFFFFD800;
	s17 =	sand.u32 $0x1, s17  }
0x27: {  	s18 =	sor.u32 $0x8000, s18;
	s30 =	sadd.s32 $0x1, s17;
	s17 =	smul.u32 $0xA000, s17  }
0x28: {  	[tilespmem:s18], [sflag:s16] =	stream.indirect.gather [hbm4b:s3+s9], $0x80, s15, s9, $0xb8;
	[tilespmem:$0xD000] =	vst v63  }
0x29: {  	_ =	swait.ge [sflag:s30], $0x2800  }
0x2a: {  	s31 =	sshrl.u32 s17, $0x2;
	[sflag:s30] =	ssyncset.done $0x0  }
0x2b: {  	s14 =	sadd.s32 $0x500, s14;
	s15 =	sor.u32 $0x8000, s31;
	[sflag:s30] =	ssyncadd.s32 $0xFFFFD800  }
0x2c: {  	[hbm4b:s14+s2] =	stream.linear.scatter [tilespmem:s15], [sflag:$0x3], $0x2800, $0x38;
	[tilespmem:$0xD000] =	vst v63  }
0x2d: {  	_ =	swait.ge [sflag:s8], $0x2800  }
0x2e: {  	[sflag:s8] =	ssyncset.done $0x0  }
0x2f: {  	[sflag:s8] =	ssyncadd.s32 $0xFFFFD800  }
0x30: {  	s13 =	sadd.s32 $0x1, s13;
	_ =	swait.ge [sflag:s11], $0x2800  }
0x31: {  	p0 =	sne.s32 s13, s5;
	[sflag:s11] =	ssyncset.done $0x0  }
.Ltmp1:
0x32: {  	[sflag:s11] =	ssyncadd.s32 $0xFFFFD800;
	(pc) =	sbr.rel @p0 .LBB2_1-.Ltmp1, $4  }
0x33: {  	[hbm4b:s6+s2] =	stream.linear.scatter [tilespmem:s12], [sflag:$0x3], $0x2800, $0x38;
	[tilespmem:$0xD000] =	vst v63  }
0x34: {  	_ =	swait.ge [sflag:s8], $0x2800  }
0x35: {  	[sflag:s8] =	ssyncset.done $0x0  }
0x36: {  	[sflag:s8] =	ssyncadd.s32 $0xFFFFD800  }
0x37: {  	_ =	sfence.sel $0x180000  }
0x38: {  	[bflag:$0x0] =	sbarrier.arrive $0xFFFF  }
0x39: {  	p0 =	sne.s32 s1, $0x0;
	_ =	strace $0x90000059  }
0x3a: {  	s0 =	sadd.s32 @!p0 $0x100000, s0;
	[bflag:$0x2] =	sbarrier.arrive $0xFFFF  }
0x3b: {  	[sflag:s0] =	ssyncadd.tile.s32 @!p0 $0x1;
	_ =	shalt  }
.Lfunc_end2:
_tile_overlayer_lowered:
.L_overlay_start_2:
0x3c: {  	(tag) =	ssettag $0x2  }
0x3d: {  	s0 =	rddreg [dreg:$0x0];
	s2 =	stileid.u32  }
0x3e: {  	s1 =	rddreg [dreg:$0x1];
	p0 =	sne.s32 s2, $0x0  }
0x3f: {  	s3 =	rddreg [dreg:$0x2];
	[bflag:$0x3] =	sbarrier.arrive $0xFFFF;
	s2 =	simm.s32 @!p0 $0x1C03  }
0x40: {  	[timem:s3], [sflag:s2] =	dma.local @!p0 [hbm:s0], s1  }
0x41: {  	s0 =	simm.s32 @!p0 $0x3  }
0x42: {  	_ =	swait.ge @!p0 [sflag:s0], s1  }
0x43: {  	s1 =	ssub.s32 @!p0 $0x0, s1;
	[sflag:s0] =	ssyncset.done @!p0 $0x0  }
0x44: {  	[sflag:s0] =	ssyncadd.s32 @!p0 s1  }
0x45: {  	[bflag:$0x3] =	sbarrier.arrive $0xFFFF  }
0x46: {  	_ =	shalt  }

// kernel: kernel.43.cloned.1.call-start
scs
__scs_entry_jumppad:
0x0: {  	(pc) =	sbr.rel $0x88, $3  }
0x1: {  	(tag) =	ssettag $0x0;
	lr =	simm.s32 $0x1  }
0x2: {  	[smem:$0x3F3A] =	sst lr;
	_ =	strace $0xD0000000  }
0x3: {  	_ = 	snop  }
0x4: {  	_ = 	snop  }
0x5: {  	_ = 	snop  }
0x6: {  	_ = 	snop  }
0x7: {  	_ = 	snop  }
__scs_overlays_trampoline_lowered:
0x8: {  	[smem:$0x3F49] =	sst s0  }
0x9: {  	[smem:$0x3F4A] =	sst s1  }
0xa: {  	[smem:$0x3F4B] =	sst s2  }
0xb: {  	[smem:$0x3F4C] =	sst s3  }
0xc: {  	[smem:$0x3F4D] =	sst s4  }
0xd: {  	[smem:$0x3F4E] =	sst s5  }
0xe: {  	[smem:$0x3F4F] =	sst s6  }
0xf: {  	[smem:$0x3F50] =	sst s7  }
0x10: {  	[smem:$0x3F51] =	sst s8  }
0x11: {  	[smem:$0x3F52] =	sst s9;
	s0 =	simm.s32 @!p0 $0x0  }
0x12: {  	s1 =	sld [smem:$0x3F38];
	s0 =	simm.s32 @p0 $0x1  }
0x13: {  	[smem:$0x3F53] =	sst s0;
	s0 =	simm.s32 @!p1 $0x0  }
0x14: {  	s2 =	sld [smem:$0x3F37];
	s0 =	simm.s32 @p1 $0x1  }
0x15: {  	[smem:$0x3F54] =	sst s0;
	s0 =	simm.s32 @!p2 $0x0  }
0x16: {  	s3 =	sld [smem:$0x3FDB];
	s0 =	simm.s32 @p2 $0x1  }
0x17: {  	s4 =	simm.s32 $0x1BF5;
	[smem:$0x3F56] =	sst s0  }
0x18: {  	s0 =	sld [smem:$0x3F39];
	_ =	swait.ge [sflag:s4], $0x0  }
0x19: {  	s7 =	sld [smem:$0x3F3A]  }
0x1a: {  	s8 =	sadd.s32 $0xFFFFE003, lr  }
0x1b: {  	s9 =	sadd.s32 $0xFFFFFEF7, lr;
	s5 =	simm.s32 $0xFFFFFFFF;
	p2 =	slt.u32 s8, $0xFFFFF086  }
0x1c: {  	p1 =	slt.u32 s9, $0xF7A;
	s5 =	simm.s32 @!p2 $0x0  }
0x1d: {  	s5 =	simm.s32 @p1 $0x1;
	p0 =	seq.s32 s7, s2  }
0x1e: {  	s7 =	smul.u32 @!p0 $0xF7A, s2;
	p2 =	seq.s32 @!p0 s5, $0x0  }
0x1f: {  	s9 =	smul.u32 $0xF7A, s1;
	s8 =	simm.s32 @!p0 $0x1BF5;
	p2 =	por !p2, p0  }
0x20: {  	[sflag:s8] =	ssyncset.s32 @!p0 $0xFFFFF086;
	s6 =	sadd.s32 @!p0 s3, s7;
	s7 =	simm.s32 @!p0 $0x108  }
0x21: {  	s3 =	sadd.s32 s3, s9;
	s6 =	sadd.s32 @!p0 $0x88, s6;
	s7 =	simm.s32 @p2 $0x1082  }
0x22: {  	[simem:s7], [sflag:s8] =	dma.local @!p0 [hbm:s6], $0xF7A  }
0x23: {  	s9 =	sor.u32 $0xD0000000, s2;
	s6 =	simm.s32 $0x108;
	_ =	swait.ge @!p0 [sflag:s8], $0x0  }
0x24: {  	s3 =	sadd.s32 $0x88, s3;
	s6 =	simm.s32 @!p1 $0x1082;
	[sflag:s4] =	ssyncset.s32 $0xFFFFF086  }
0x25: {  	[simem:s6], [sflag:s4] =	dma.local [hbm:s3], $0xF7A  }
0x26: {  	[smem:$0x3F3A] =	sst s1;
	(tag) =	ssettag s2;
	_ =	strace s9  }
0x27: {  	s1 =	sld [smem:$0x3F4A]  }
0x28: {  	s2 =	sld [smem:$0x3F4B]  }
0x29: {  	s4 =	sld [smem:$0x3F4D]  }
0x2a: {  	p0 =	seq.s32 s5, $0x0;
	s5 =	sld [smem:$0x3F4E]  }
0x2b: {  	s6 =	sld [smem:$0x3F4F]  }
0x2c: {  	s7 =	sld [smem:$0x3F50]  }
0x2d: {  	s3 =	simm.s32 $0x108;
	s8 =	sld [smem:$0x3F51]  }
0x2e: {  	s3 =	simm.s32 @!p0 $0x1082;
	s9 =	sld [smem:$0x3F52]  }
0x2f: {  	lr =	sadd.s32 s0, s3;
	s0 =	sld [smem:$0x3F49]  }
0x30: {  	s3 =	sld [smem:$0x3F4C]  }
0x31: {  	[smem:$0x3F55] =	sst s10  }
0x32: {  	s10 =	sld [smem:$0x3F53];
	_ =	sdelay $0x3  }
0x33: {  	p0 =	seq.s32 s10, $0x1;
	s10 =	sld [smem:$0x3F55];
	_ =	sdelay $0x3  }
0x34: {  	[smem:$0x3F55] =	sst s10  }
0x35: {  	s10 =	sld [smem:$0x3F54];
	_ =	sdelay $0x3  }
0x36: {  	p1 =	seq.s32 s10, $0x1;
	s10 =	sld [smem:$0x3F55];
	_ =	sdelay $0x3  }
0x37: {  	[smem:$0x3F55] =	sst s10  }
0x38: {  	s10 =	sld [smem:$0x3F56]  }
0x39: {  	_ = 	snop;
	(pc) =	sbr.ind lr, $3  }
0x3a: {  	_ = 	snop  }
0x3b: {  	_ = 	snop  }
0x3c: {  	p2 =	seq.s32 s10, $0x1;
	s10 =	sld [smem:$0x3F55]  }
0x3d: {  	_ =	shalt  }
0x3e: {  	_ =	shalt  }
0x3f: {  	_ =	shalt  }
0x40: {  	_ =	shalt  }
0x41: {  	_ =	shalt  }
0x42: {  	_ =	shalt  }
0x43: {  	_ =	shalt  }
0x44: {  	_ =	shalt  }
0x45: {  	_ =	shalt  }
0x46: {  	_ =	shalt  }
0x47: {  	_ =	shalt  }
0x48: {  	_ =	shalt  }
0x49: {  	_ =	shalt  }
0x4a: {  	_ =	shalt  }
0x4b: {  	_ =	shalt  }
0x4c: {  	_ =	shalt  }
0x4d: {  	_ =	shalt  }
0x4e: {  	_ =	shalt  }
0x4f: {  	_ =	shalt  }
0x50: {  	_ =	shalt  }
0x51: {  	_ =	shalt  }
0x52: {  	_ =	shalt  }
0x53: {  	_ =	shalt  }
0x54: {  	_ =	shalt  }
0x55: {  	_ =	shalt  }
0x56: {  	_ =	shalt  }
0x57: {  	_ =	shalt  }
0x58: {  	_ =	shalt  }
0x59: {  	_ =	shalt  }
0x5a: {  	_ =	shalt  }
0x5b: {  	_ =	shalt  }
0x5c: {  	_ =	shalt  }
0x5d: {  	_ =	shalt  }
0x5e: {  	_ =	shalt  }
0x5f: {  	_ =	shalt  }
0x60: {  	_ =	shalt  }
0x61: {  	_ =	shalt  }
0x62: {  	_ =	shalt  }
0x63: {  	_ =	shalt  }
0x64: {  	_ =	shalt  }
0x65: {  	_ =	shalt  }
0x66: {  	_ =	shalt  }
0x67: {  	_ =	shalt  }
0x68: {  	_ =	shalt  }
0x69: {  	_ =	shalt  }
0x6a: {  	_ =	shalt  }
0x6b: {  	_ =	shalt  }
0x6c: {  	_ =	shalt  }
0x6d: {  	_ =	shalt  }
0x6e: {  	_ =	shalt  }
0x6f: {  	_ =	shalt  }
0x70: {  	_ =	shalt  }
0x71: {  	_ =	shalt  }
0x72: {  	_ =	shalt  }
0x73: {  	_ =	shalt  }
0x74: {  	_ =	shalt  }
0x75: {  	_ =	shalt  }
0x76: {  	_ =	shalt  }
0x77: {  	_ =	shalt  }
0x78: {  	_ =	shalt  }
0x79: {  	_ =	shalt  }
0x7a: {  	_ =	shalt  }
0x7b: {  	_ =	shalt  }
0x7c: {  	_ =	shalt  }
0x7d: {  	_ =	shalt  }
0x7e: {  	_ =	shalt  }
0x7f: {  	_ =	shalt  }
0x80: {  	_ =	shalt  }
0x81: {  	_ =	shalt  }
0x82: {  	_ =	shalt  }
0x83: {  	_ =	shalt  }
0x84: {  	_ =	shalt  }
0x85: {  	_ =	shalt  }
0x86: {  	_ =	shalt  }
0x87: {  	_ =	shalt  }
.Lfunc_end0:
.L_simem_size_0:
called_computation.7_lowered:
.L_overlay_start_0:
0x88: {  	s2 =	sld [smem:$0x3FD9]  }
0x89: {  	s3 =	sld [smem:$0x3FFE];
	_ =	sdelay $0x1  }
0x8a: {  	s1 =	srdreg.scid  }
0x8b: {  	s0 =	sand.u32 $0x1, s1  }
0x8c: {  	s17 =	sshll.u32 s0, $0xA;
	s2 =	sadd.s32 s3, s2  }
0x8d: {  	s2 =	sadd.s32 s2, s17  }
0x8e: {  	[smem:$0x3F61] =	sst s2  }
0x8f: {  	_ = 	snop  }
0x90: {  	(tm) =	ssettm $0x1  }
0x91: {  	s18 =	sld [smem:$0x3FFB];
	_ =	sdelay $0x3  }
0x92: {  	_ =	strace s18  }
0x93: {  	s2 =	sld [smem:$0x3FFC];
	_ =	sdelay $0x3  }
0x94: {  	_ =	strace s2  }
0x95: {  	s2 =	sld [smem:$0x3FFD];
	_ =	sdelay $0x3  }
0x96: {  	_ =	strace s2  }
0x97: {  	_ =	strace $0x8FFFFFFF  }
0x98: {  	s19 =	sld [smem:$0x3FDB];
	_ =	sdelay $0x1  }
0x99: {  	s20 =	simm.s32 $_scs_section_size  }
0x9a: {  	s4 =	simm.s32 $_size__tile_overlayer_lowered;
	s5 =	simm.s32 $_tile_overlayer_lowered  }
0x9b: {  	s6 =	simm.s32 $0x1BFF;
	s21 =	sshll.u32 s5, $0x1;
	s3 =	sadd.s32 s20, s19  }
0x9c: {  	s22 =	simm.s32 $0x0;
	s4 =	sshll.u32 s4, $0x1;
	s5 =	sadd.s32 s21, s3  }
0x9d: {  	[timem:s22], [sflag:s6] =	dma.local [hbm:s5], s4  }
0x9e: {  	_ =	swait.ge [sflag:s6], s4  }
0x9f: {  	s4 =	ssub.s32 $0x0, s4;
	[sflag:s6] =	ssyncset.done $0x0  }
0xa0: {  	[sflag:s6] =	ssyncadd.s32 s4;
	_ =	sdelay $0x1  }
0xa1: {  	s23 =	simm.s32 $0x1B8B  }
0xa2: {  	_ =	swait.ge [sflag:s23], $0x1  }
0xa3: {  	[sflag:s23] =	ssyncset.done $0x0  }
0xa4: {  	[sflag:s23] =	ssyncadd.s32 $0xFFFFFFFF  }
0xa5: {  	s4 =	sld [smem:$0x0]  }
0xa6: {  	s5 =	sand.u32 $0xFFFFFFFE, s1  }
0xa7: {  	p0 =	sne.s32 s1, s5  }
0xa8: {  	s5 =	sshll.u32 @p0 s5, $0xE  }
0xa9: {  	s5 =	sadd.s32 @p0 $0x11B8D, s5;
	s6 =	sshll.u32 @p0 s4, $0x11  }
0xaa: {  	s5 =	sor.u32 @p0 s6, s5  }
0xab: {  	[sflag:s5] =	ssyncadd.remote.s32 @p0 $0x1;
	_ =	sdelay $0x1  }
0xac: {  	s5 =	simm.s32 @p0 $0x1B8D  }
0xad: {  	_ =	swait.eq @p0 [sflag:s5], $0x1  }
0xae: {  	[sflag:s5] =	ssyncadd.s32 @p0 $0xFFFFFFFF  }
0xaf: {  	s6 =	sshll.u32 @!p0 s1, $0xE  }
0xb0: {  	s6 =	sor.u32 @!p0 $0x4000, s6;
	s5 =	simm.s32 @!p0 $0x1B8D  }
0xb1: {  	s4 =	sshll.u32 @!p0 s4, $0x11;
	s6 =	sadd.s32 @!p0 $0x11B8D, s6;
	_ =	swait.eq @!p0 [sflag:s5], $0x1  }
0xb2: {  	s4 =	sor.u32 @!p0 s4, s6;
	[sflag:s5] =	ssyncadd.s32 @!p0 $0xFFFFFFFF  }
0xb3: {  	s25 =	simm.s32 $0x1B8E;
	s24 =	sld [smem:$0x3FFE];
	[sflag:s4] =	ssyncadd.remote.s32 @!p0 $0x1  }
0xb4: {  	s26 =	simm.s32 $execute0_lowered;
	[smem:$0x3FD2] =	sst s25  }
0xb5: {  	s5 =	sshll.u32 s26, $0x1;
	_ =	strace $0x8000005E;
	[dreg:$0x1] =	wrdreg $0xFFFFFFFF  }
0xb6: {  	s28 =	simm.s32 $_size_execute0_lowered;
	s3 =	sadd.s32 s3, s5;
	[dreg:$0x0] =	wrdreg $0x0  }
0xb7: {  	s5 =	sshll.u32 s28, $0x1;
	[dreg:$0x2] =	wrdreg s3  }
0xb8: {  	[dreg:$0x3] =	wrdreg s5  }
0xb9: {  	[dreg:$0x4] =	wrdreg $0xC0  }
0xba: {  	_ =	task [dreg:s22], $0x5FFFF  }
0xbb: {  	[dreg:$0x1] =	wrdreg $0xFFFFFFFF  }
0xbc: {  	[dreg:$0x0] =	wrdreg $0x60  }
0xbd: {  	[dreg:$0x2] =	wrdreg s24  }
0xbe: {  	[dreg:$0x3] =	wrdreg $0x90000  }
0xbf: {  	[dreg:$0x4] =	wrdreg $0x9  }
0xc0: {  	_ =	task.clear_ibuf [dreg:s22], $0x5FFFF;
	_ =	strace $0x9000005E  }
0xc1: {  	s29 =	simm.s32 $0x9;
	_ =	strace $0x80000060  }
0xc2: {  	_ =	swait.ge [sflag:s29], $0x1  }
0xc3: {  	[sflag:s29] =	ssyncadd.s32 $0xFFFFFFFF  }
0xc4: {  	_ =	strace $0x90000060  }
0xc5: {  	_ =	sfence  }
0xc6: {  	s30 =	sld [smem:$0x0];
	_ =	sdelay $0x2  }
0xc7: {  	s31 =	sshll.u32 s1, $0xD;
	s1 =	sshrl.u32 s1, $0x2  }
0xc8: {  	s4 =	sand.u32 $0x4000, s31;
	s1 =	sadd.s32 s1, s30  }
0xc9: {  	s0 =	sor.u32 s4, s0;
	s1 =	sshll.u32 s1, $0x11  }
0xca: {  	s0 =	sor.u32 s1, s0  }
0xcb: {  	s0 =	sadd.s32 $0x8F2B, s0  }
0xcc: {  	[sflag:s0] =	ssyncadd.remote.s32 $0x1  }
0xcd: {  	_ =	sfence.sel $0xFFFF  }
0xce: {  	[dreg:$0x0] =	wrdreg $0xFFFFFFFF;
	(pc) =	sbr.abs _section_cstart, $3  }
0xcf: {  	[dreg:$0x1] =	wrdreg $0xFFFFFFFF  }
0xd0: {  	_ =	task.clear_ibuf [dreg:s22], $0x2FFFF;
	_ =	strace $0x9FFFFFFF  }
0xd1: {  	(tm) =	ssettm $0x7FFFFFFF  }
tec
execute0_lowered:
.L_overlay_start_1:
0x0: {  	(tag) =	ssettag $0x1  }
0x1: {  	s4 =	rddreg [dreg:$0x0]  }
0x2: {  	s1 =	rddreg [dreg:$0x1]  }
0x3: {  	s0 =	rddreg [dreg:$0x2]  }
0x4: {  	s3 =	simm.s32 $0x0;
	s5 =	srdreg.scid;
	s2 =	stileid.u32  }
0x5: {  	s16 =	simm.s32 $0x3E00;
	s17 =	simm.s32 $0x0;
	s7 =	smul.u32 $0x2800, s2  }
0x6: {  	[smem:$0x7FF] =	sst s3;
	s5 =	sand.u32 $0x1, s5;
	s11 =	smul.u32 $0x50000, s2  }
0x7: {  	s6 =	sshll.u32 s2, $0x1;
	s9 =	sadd.s32 $0x128200, s4;
	s14 =	smul.u32 $0x4E200, s2  }
0x8: {  	s30 =	sshll.u32 s2, $0x6;
	_ =	strace $0x8000005F;
	s8 =	smul.u32 $0x28000, s5  }
0x9: {  	s6 =	sor.u32 s5, s6;
	s29 =	ssub.s32 $0x2, s5;
	s15 =	smul.u32 $0x27100, s5  }
0xa: {  	s5 =	sor.u32 $0x1C03, s30;
	s10 =	sshll.u32 s6, $0xB;
	s12 =	sshrl.u32 s29, $0x1  }
0xb: {  	s11 =	sshrl.u32 s11, $0x2;
	s13 =	smul.u32 $0x27100, s6;
	s31 =	sadd.s32 s14, s9  }
0xc: {  	s14 =	simm.s32 $0x50;
	s10 =	sadd.s32 s10, s4;
	s8 =	sadd.s32 s7, s8  }
0xd: {  	s7 =	sadd.s32 s7, s4;
	s12 =	ssub.s32 s29, s12;
	s11 =	sadd.s32 s11, s1  }
0xe: {  	s8 =	sadd.s32 s8, s4;
	s4 =	sadd.s32 $0x39000, s7;
	s6 =	sadd.s32 $0x13CAE00, s10  }
0xf: {  	s7 =	sadd.s32 s9, s13;
	s10 =	sadd.s32 s15, s31;
	s9 =	smax.u32 s12, $0x1  }
0x10: {  	s11 =	sshrl.u32 s11, $0x3;
	s12 =	simm.s32 $0x3;
	s13 =	simm.s32 $0x4000  }
0x11: {  	s15 =	simm.s32 $0x1;
	s8 =	sadd.s32 $0x60A200, s8;
	s10 =	sadd.s32 $0x500, s10  }
.LBB2_1:
0x12: {  	[spmem:s11], [sflag:s5] =	dma.local [hbm:s4], $0x2800  }
0x13: {  	_ =	swait.ge [sflag:s12], $0x2800  }
0x14: {  	[sflag:s12] =	ssyncset.done $0x0  }
0x15: {  	[sflag:s12] =	ssyncadd.s32 $0xFFFFD800  }
0x16: {  	s18 =	sand.u32 $0x1, s15;
	[bflag:$0x0] =	sbarrier.arrive $0xFFFF  }
0x17: {  	[tilespmem:s3], [sflag:$0x3] =	stream.linear.gather [hbm4b:s6+s3], $0x3E80, $0x38;
	[tilespmem:$0x1D000] =	vst v63  }
0x18: {  	s20 =	simm.s32 $0x0;
	s19 =	smul.u32 $0xA000, s18;
	_ =	swait.ge [sflag:s12], $0x3E80  }
0x19: {  	s21 =	simm.s32 $0x2;
	s20 =	sand.u32 $0x1, s20;
	[sflag:s12] =	ssyncset.done $0x0  }
0x1a: {  	s18 =	sadd.s32 $0x1, s18;
	s19 =	sshrl.u32 s19, $0x2;
	[sflag:s12] =	ssyncadd.s32 $0xFFFFC180  }
0x1b: {  	[tilespmem:s13], [sflag:$0x1] =	stream.linear.gather [hbm4b:s7+s3], $0x2800, $0x38;
	[tilespmem:$0x1D000] =	vst v63  }
0x1c: {  	s22 =	sadd.s32 $0x1, s20;
	s20 =	smul.u32 $0xA000, s20;
	s19 =	sor.u32 $0x4000, s19  }
0x1d: {  	[tilespmem:s19], [sflag:s18] =	stream.linear.gather [hbm4b:s10+s3], $0x2800, $0x38;
	[tilespmem:$0x1D000] =	vst v63  }
0x1e: {  	s31 =	sshrl.u32 s20, $0x2;
	s20 =	sand.u32 $0x1, s21;
	_ =	swait.ge [sflag:s22], $0x2800  }
0x1f: {  	s23 =	smul.u32 $0xA000, s20;
	[sflag:s22] =	ssyncset.done $0x0  }
0x20: {  	s18 =	sor.u32 $0x4000, s31;
	s19 =	sadd.s32 $0x500, s10;
	[sflag:s22] =	ssyncadd.s32 $0xFFFFD800  }
0x21: {  	[spmem:s1] =	stream.indirect.scatter.add.f32 [tilespmem:s18], [sflag:$0x3], $0x80, s3, s14, $0xb8;
	[tilespmem:$0x1D000] =	vst v63  }
0x22: {  	s22 =	simm.s32 $0x3;
	s18 =	simm.s32 $0x0;
	_ =	swait.ge [sflag:s12], $0x2800  }
.LBB2_2:
0x23: {  	[sflag:s12] =	ssyncset.done $0x0  }
0x24: {  	s18 =	sadd.s32 $0x80, s18;
	s24 =	smov.u32 s22;
	s25 =	sadd.s32 $0x1, s22  }
0x25: {  	s21 =	sadd.s32 $0xFFFFFFFF, s21;
	s23 =	sshrl.u32 s23, $0x2;
	[sflag:s12] =	ssyncadd.s32 $0xFFFFD800  }
0x26: {  	s20 =	sadd.s32 $0x1, s20;
	s21 =	sand.u32 $0x1, s21;
	s23 =	sor.u32 $0x4000, s23  }
0x27: {  	p0 =	sne.s32 s22, $0x7C;
	s22 =	sadd.s32 $0x1, s21;
	s21 =	smul.u32 $0xA000, s21  }
0x28: {  	[tilespmem:s23], [sflag:s20] =	stream.linear.gather [hbm4b:s19+s3], $0x2800, $0x38;
	[tilespmem:$0x1D000] =	vst v63  }
.Ltmp0:
0x29: {  	s20 =	sshrl.u32 s21, $0x2;
	_ =	swait.ge [sflag:s22], $0x2800;
	(pc) =	sbr.rel @p0 .LBB2_2-.Ltmp0, $4  }
0x2a: {  	s21 =	smov.u32 s24;
	s23 =	sor.u32 $0x4000, s20;
	[sflag:s22] =	ssyncset.done $0x0  }
0x2b: {  	s19 =	sadd.s32 $0x500, s19;
	s20 =	sand.u32 $0x1, s21;
	[sflag:s22] =	ssyncadd.s32 $0xFFFFD800  }
0x2c: {  	[spmem:s1] =	stream.indirect.scatter.add.f32 [tilespmem:s23], [sflag:$0x3], $0x80, s18, s14, $0xb8;
	[tilespmem:$0x1D000] =	vst v63  }
0x2d: {  	s22 =	smov.u32 s25;
	s23 =	smul.u32 $0xA000, s20;
	_ =	swait.ge [sflag:s12], $0x2800  }
0x2e: {  	[sflag:s12] =	ssyncset.done $0x0;
	s21 =	sadd.s32 $0xFFFFFFFF, s21;
	s20 =	sadd.s32 $0x1, s20  }
0x2f: {  	s22 =	sshrl.u32 s23, $0x2;
	[sflag:s12] =	ssyncadd.s32 $0xFFFFD800;
	s21 =	sand.u32 $0x1, s21  }
0x30: {  	s22 =	sor.u32 $0x4000, s22;
	s30 =	sadd.s32 $0x1, s21;
	s21 =	smul.u32 $0xA000, s21  }
0x31: {  	[tilespmem:s22], [sflag:s20] =	stream.linear.gather [hbm4b:s19+s3], $0x2800, $0x38;
	[tilespmem:$0x1D000] =	vst v63  }
0x32: {  	_ =	swait.ge [sflag:s30], $0x2800  }
0x33: {  	s31 =	sshrl.u32 s21, $0x2;
	[sflag:s30] =	ssyncset.done $0x0  }
0x34: {  	s18 =	sadd.s32 $0x80, s18;
	s19 =	sor.u32 $0x4000, s31;
	[sflag:s30] =	ssyncadd.s32 $0xFFFFD800  }
0x35: {  	[spmem:s1] =	stream.indirect.scatter.add.f32 [tilespmem:s19], [sflag:$0x3], $0x80, s18, s14, $0xb8;
	[tilespmem:$0x1D000] =	vst v63  }
0x36: {  	_ =	swait.ge [sflag:s12], $0x2800  }
0x37: {  	[sflag:s12] =	ssyncset.done $0x0  }
0x38: {  	[sflag:s12] =	ssyncadd.s32 $0xFFFFD800  }
0x39: {  	_ =	swait.ge [sflag:s15], $0x2800  }
0x3a: {  	[sflag:s15] =	ssyncset.done $0x0  }
0x3b: {  	[sflag:s15] =	ssyncadd.s32 $0xFFFFD800  }
0x3c: {  	[spmem:s1] =	stream.indirect.scatter.add.f32 [tilespmem:s13], [sflag:$0x3], $0x80, s16, s14, $0xb8;
	[tilespmem:$0x1D000] =	vst v63  }
0x3d: {  	_ =	swait.ge [sflag:s12], $0x2800  }
0x3e: {  	s17 =	sadd.s32 $0x1, s17;
	[sflag:s12] =	ssyncset.done $0x0  }
0x3f: {  	p0 =	sne.s32 s17, s9;
	[sflag:s12] =	ssyncadd.s32 $0xFFFFD800  }
.Ltmp1:
0x40: {  	[bflag:$0x0] =	sbarrier.arrive $0xFFFF;
	(pc) =	sbr.rel @p0 .LBB2_1-.Ltmp1, $4  }
0x41: {  	[hbm:s8], [sflag:s5] =	dma.local [spmem:s11], $0x2800  }
0x42: {  	_ =	swait.ge [sflag:s12], $0x2800  }
0x43: {  	[sflag:s12] =	ssyncset.done $0x0  }
0x44: {  	[sflag:s12] =	ssyncadd.s32 $0xFFFFD800  }
0x45: {  	_ =	sfence.sel $0x180000  }
0x46: {  	[bflag:$0x0] =	sbarrier.arrive $0xFFFF  }
0x47: {  	p0 =	sne.s32 s2, $0x0;
	_ =	strace $0x9000005F  }
0x48: {  	s0 =	sadd.s32 @!p0 $0x100000, s0;
	[bflag:$0x2] =	sbarrier.arrive $0xFFFF  }
0x49: {  	[sflag:s0] =	ssyncadd.tile.s32 @!p0 $0x1;
	_ =	shalt  }
.Lfunc_end2:
_tile_overlayer_lowered:
.L_overlay_start_2:
0x4a: {  	(tag) =	ssettag $0x2  }
0x4b: {  	s0 =	rddreg [dreg:$0x0];
	s2 =	stileid.u32  }
0x4c: {  	s1 =	rddreg [dreg:$0x1];
	p0 =	sne.s32 s2, $0x0  }
0x4d: {  	s3 =	rddreg [dreg:$0x2];
	[bflag:$0x3] =	sbarrier.arrive $0xFFFF;
	s2 =	simm.s32 @!p0 $0x1C03  }
0x4e: {  	[timem:s3], [sflag:s2] =	dma.local @!p0 [hbm:s0], s1  }
0x4f: {  	s0 =	simm.s32 @!p0 $0x3  }
0x50: {  	_ =	swait.ge @!p0 [sflag:s0], s1  }
0x51: {  	s1 =	ssub.s32 @!p0 $0x0, s1;
	[sflag:s0] =	ssyncset.done @!p0 $0x0  }
0x52: {  	[sflag:s0] =	ssyncadd.s32 @!p0 s1  }
0x53: {  	[bflag:$0x3] =	sbarrier.arrive $0xFFFF  }
0x54: {  	_ =	shalt  }

// kernel: kernel.46.cloned.1.call-start
scs
__scs_entry_jumppad:
0x0: {  	(pc) =	sbr.rel $0x88, $3  }
0x1: {  	(tag) =	ssettag $0x0;
	lr =	simm.s32 $0x1  }
0x2: {  	[smem:$0x3F3A] =	sst lr;
	_ =	strace $0xD0000000  }
0x3: {  	_ = 	snop  }
0x4: {  	_ = 	snop  }
0x5: {  	_ = 	snop  }
0x6: {  	_ = 	snop  }
0x7: {  	_ = 	snop  }
__scs_overlays_trampoline_lowered:
0x8: {  	[smem:$0x3F49] =	sst s0  }
0x9: {  	[smem:$0x3F4A] =	sst s1  }
0xa: {  	[smem:$0x3F4B] =	sst s2  }
0xb: {  	[smem:$0x3F4C] =	sst s3  }
0xc: {  	[smem:$0x3F4D] =	sst s4  }
0xd: {  	[smem:$0x3F4E] =	sst s5  }
0xe: {  	[smem:$0x3F4F] =	sst s6  }
0xf: {  	[smem:$0x3F50] =	sst s7  }
0x10: {  	[smem:$0x3F51] =	sst s8  }
0x11: {  	[smem:$0x3F52] =	sst s9;
	s0 =	simm.s32 @!p0 $0x0  }
0x12: {  	s1 =	sld [smem:$0x3F38];
	s0 =	simm.s32 @p0 $0x1  }
0x13: {  	[smem:$0x3F53] =	sst s0;
	s0 =	simm.s32 @!p1 $0x0  }
0x14: {  	s2 =	sld [smem:$0x3F37];
	s0 =	simm.s32 @p1 $0x1  }
0x15: {  	[smem:$0x3F54] =	sst s0;
	s0 =	simm.s32 @!p2 $0x0  }
0x16: {  	s3 =	sld [smem:$0x3FDB];
	s0 =	simm.s32 @p2 $0x1  }
0x17: {  	s4 =	simm.s32 $0x1BF5;
	[smem:$0x3F56] =	sst s0  }
0x18: {  	s0 =	sld [smem:$0x3F39];
	_ =	swait.ge [sflag:s4], $0x0  }
0x19: {  	s7 =	sld [smem:$0x3F3A]  }
0x1a: {  	s8 =	sadd.s32 $0xFFFFE003, lr  }
0x1b: {  	s9 =	sadd.s32 $0xFFFFFEF7, lr;
	s5 =	simm.s32 $0xFFFFFFFF;
	p2 =	slt.u32 s8, $0xFFFFF086  }
0x1c: {  	p1 =	slt.u32 s9, $0xF7A;
	s5 =	simm.s32 @!p2 $0x0  }
0x1d: {  	s5 =	simm.s32 @p1 $0x1;
	p0 =	seq.s32 s7, s2  }
0x1e: {  	s7 =	smul.u32 @!p0 $0xF7A, s2;
	p2 =	seq.s32 @!p0 s5, $0x0  }
0x1f: {  	s9 =	smul.u32 $0xF7A, s1;
	s8 =	simm.s32 @!p0 $0x1BF5;
	p2 =	por !p2, p0  }
0x20: {  	[sflag:s8] =	ssyncset.s32 @!p0 $0xFFFFF086;
	s6 =	sadd.s32 @!p0 s3, s7;
	s7 =	simm.s32 @!p0 $0x108  }
0x21: {  	s3 =	sadd.s32 s3, s9;
	s6 =	sadd.s32 @!p0 $0x88, s6;
	s7 =	simm.s32 @p2 $0x1082  }
0x22: {  	[simem:s7], [sflag:s8] =	dma.local @!p0 [hbm:s6], $0xF7A  }
0x23: {  	s9 =	sor.u32 $0xD0000000, s2;
	s6 =	simm.s32 $0x108;
	_ =	swait.ge @!p0 [sflag:s8], $0x0  }
0x24: {  	s3 =	sadd.s32 $0x88, s3;
	s6 =	simm.s32 @!p1 $0x1082;
	[sflag:s4] =	ssyncset.s32 $0xFFFFF086  }
0x25: {  	[simem:s6], [sflag:s4] =	dma.local [hbm:s3], $0xF7A  }
0x26: {  	[smem:$0x3F3A] =	sst s1;
	(tag) =	ssettag s2;
	_ =	strace s9  }
0x27: {  	s1 =	sld [smem:$0x3F4A]  }
0x28: {  	s2 =	sld [smem:$0x3F4B]  }
0x29: {  	s4 =	sld [smem:$0x3F4D]  }
0x2a: {  	p0 =	seq.s32 s5, $0x0;
	s5 =	sld [smem:$0x3F4E]  }
0x2b: {  	s6 =	sld [smem:$0x3F4F]  }
0x2c: {  	s7 =	sld [smem:$0x3F50]  }
0x2d: {  	s3 =	simm.s32 $0x108;
	s8 =	sld [smem:$0x3F51]  }
0x2e: {  	s3 =	simm.s32 @!p0 $0x1082;
	s9 =	sld [smem:$0x3F52]  }
0x2f: {  	lr =	sadd.s32 s0, s3;
	s0 =	sld [smem:$0x3F49]  }
0x30: {  	s3 =	sld [smem:$0x3F4C]  }
0x31: {  	[smem:$0x3F55] =	sst s10  }
0x32: {  	s10 =	sld [smem:$0x3F53];
	_ =	sdelay $0x3  }
0x33: {  	p0 =	seq.s32 s10, $0x1;
	s10 =	sld [smem:$0x3F55];
	_ =	sdelay $0x3  }
0x34: {  	[smem:$0x3F55] =	sst s10  }
0x35: {  	s10 =	sld [smem:$0x3F54];
	_ =	sdelay $0x3  }
0x36: {  	p1 =	seq.s32 s10, $0x1;
	s10 =	sld [smem:$0x3F55];
	_ =	sdelay $0x3  }
0x37: {  	[smem:$0x3F55] =	sst s10  }
0x38: {  	s10 =	sld [smem:$0x3F56]  }
0x39: {  	_ = 	snop;
	(pc) =	sbr.ind lr, $3  }
0x3a: {  	_ = 	snop  }
0x3b: {  	_ = 	snop  }
0x3c: {  	p2 =	seq.s32 s10, $0x1;
	s10 =	sld [smem:$0x3F55]  }
0x3d: {  	_ =	shalt  }
0x3e: {  	_ =	shalt  }
0x3f: {  	_ =	shalt  }
0x40: {  	_ =	shalt  }
0x41: {  	_ =	shalt  }
0x42: {  	_ =	shalt  }
0x43: {  	_ =	shalt  }
0x44: {  	_ =	shalt  }
0x45: {  	_ =	shalt  }
0x46: {  	_ =	shalt  }
0x47: {  	_ =	shalt  }
0x48: {  	_ =	shalt  }
0x49: {  	_ =	shalt  }
0x4a: {  	_ =	shalt  }
0x4b: {  	_ =	shalt  }
0x4c: {  	_ =	shalt  }
0x4d: {  	_ =	shalt  }
0x4e: {  	_ =	shalt  }
0x4f: {  	_ =	shalt  }
0x50: {  	_ =	shalt  }
0x51: {  	_ =	shalt  }
0x52: {  	_ =	shalt  }
0x53: {  	_ =	shalt  }
0x54: {  	_ =	shalt  }
0x55: {  	_ =	shalt  }
0x56: {  	_ =	shalt  }
0x57: {  	_ =	shalt  }
0x58: {  	_ =	shalt  }
0x59: {  	_ =	shalt  }
0x5a: {  	_ =	shalt  }
0x5b: {  	_ =	shalt  }
0x5c: {  	_ =	shalt  }
0x5d: {  	_ =	shalt  }
0x5e: {  	_ =	shalt  }
0x5f: {  	_ =	shalt  }
0x60: {  	_ =	shalt  }
0x61: {  	_ =	shalt  }
0x62: {  	_ =	shalt  }
0x63: {  	_ =	shalt  }
0x64: {  	_ =	shalt  }
0x65: {  	_ =	shalt  }
0x66: {  	_ =	shalt  }
0x67: {  	_ =	shalt  }
0x68: {  	_ =	shalt  }
0x69: {  	_ =	shalt  }
0x6a: {  	_ =	shalt  }
0x6b: {  	_ =	shalt  }
0x6c: {  	_ =	shalt  }
0x6d: {  	_ =	shalt  }
0x6e: {  	_ =	shalt  }
0x6f: {  	_ =	shalt  }
0x70: {  	_ =	shalt  }
0x71: {  	_ =	shalt  }
0x72: {  	_ =	shalt  }
0x73: {  	_ =	shalt  }
0x74: {  	_ =	shalt  }
0x75: {  	_ =	shalt  }
0x76: {  	_ =	shalt  }
0x77: {  	_ =	shalt  }
0x78: {  	_ =	shalt  }
0x79: {  	_ =	shalt  }
0x7a: {  	_ =	shalt  }
0x7b: {  	_ =	shalt  }
0x7c: {  	_ =	shalt  }
0x7d: {  	_ =	shalt  }
0x7e: {  	_ =	shalt  }
0x7f: {  	_ =	shalt  }
0x80: {  	_ =	shalt  }
0x81: {  	_ =	shalt  }
0x82: {  	_ =	shalt  }
0x83: {  	_ =	shalt  }
0x84: {  	_ =	shalt  }
0x85: {  	_ =	shalt  }
0x86: {  	_ =	shalt  }
0x87: {  	_ =	shalt  }
.Lfunc_end0:
.L_simem_size_0:
called_computation.8_lowered:
.L_overlay_start_0:
0x88: {  	s2 =	sld [smem:$0x3FD9]  }
0x89: {  	s3 =	sld [smem:$0x3FFE];
	_ =	sdelay $0x1  }
0x8a: {  	s1 =	srdreg.scid  }
0x8b: {  	s0 =	sand.u32 $0x1, s1  }
0x8c: {  	s16 =	sshll.u32 s0, $0xA;
	s2 =	sadd.s32 s3, s2  }
0x8d: {  	s2 =	sadd.s32 s2, s16  }
0x8e: {  	[smem:$0x3F61] =	sst s2  }
0x8f: {  	_ = 	snop  }
0x90: {  	(tm) =	ssettm $0x1  }
0x91: {  	s17 =	sld [smem:$0x3FFB];
	_ =	sdelay $0x3  }
0x92: {  	_ =	strace s17  }
0x93: {  	s2 =	sld [smem:$0x3FFC];
	_ =	sdelay $0x3  }
0x94: {  	_ =	strace s2  }
0x95: {  	s2 =	sld [smem:$0x3FFD];
	_ =	sdelay $0x3  }
0x96: {  	_ =	strace s2  }
0x97: {  	_ =	strace $0x8FFFFFFF  }
0x98: {  	s18 =	sld [smem:$0x3FDB];
	_ =	sdelay $0x1  }
0x99: {  	s19 =	simm.s32 $_scs_section_size  }
0x9a: {  	s4 =	simm.s32 $_size__tile_overlayer_lowered;
	s5 =	simm.s32 $_tile_overlayer_lowered  }
0x9b: {  	s22 =	simm.s32 $0x1BFF;
	s21 =	sshll.u32 s5, $0x1;
	s2 =	sadd.s32 s19, s18  }
0x9c: {  	s6 =	simm.s32 $0x0;
	s20 =	sshll.u32 s4, $0x1;
	s4 =	sadd.s32 s21, s2  }
0x9d: {  	[timem:s6], [sflag:s22] =	dma.local [hbm:s4], s20  }
0x9e: {  	_ =	swait.ge [sflag:s22], s20  }
0x9f: {  	s3 =	ssub.s32 $0x0, s20;
	[sflag:s22] =	ssyncset.done $0x0  }
0xa0: {  	[sflag:s22] =	ssyncadd.s32 s3;
	_ =	sdelay $0x1  }
0xa1: {  	s23 =	simm.s32 $0x1B8B  }
0xa2: {  	_ =	swait.ge [sflag:s23], $0x1  }
0xa3: {  	[sflag:s23] =	ssyncset.done $0x0  }
0xa4: {  	s25 =	simm.s32 $0x1B8E;
	s24 =	sld [smem:$0x3FFE];
	[sflag:s23] =	ssyncadd.s32 $0xFFFFFFFF  }
0xa5: {  	s26 =	simm.s32 $execute0_lowered;
	[smem:$0x3FD2] =	sst s25  }
0xa6: {  	s4 =	sshll.u32 s26, $0x1;
	_ =	strace $0x8000005B;
	[dreg:$0x1] =	wrdreg $0xFFFFFFFF  }
0xa7: {  	s28 =	simm.s32 $_size_execute0_lowered;
	s2 =	sadd.s32 s2, s4;
	[dreg:$0x0] =	wrdreg $0x0  }
0xa8: {  	s4 =	sshll.u32 s28, $0x1;
	[dreg:$0x2] =	wrdreg s2  }
0xa9: {  	[dreg:$0x3] =	wrdreg s4  }
0xaa: {  	[dreg:$0x4] =	wrdreg $0xC0  }
0xab: {  	_ =	task [dreg:s6], $0x5FFFF  }
0xac: {  	[dreg:$0x1] =	wrdreg $0xFFFFFFFF  }
0xad: {  	[dreg:$0x0] =	wrdreg $0x60  }
0xae: {  	[dreg:$0x2] =	wrdreg s24  }
0xaf: {  	[dreg:$0x3] =	wrdreg $0x90000  }
0xb0: {  	[dreg:$0x4] =	wrdreg $0xA  }
0xb1: {  	_ =	task.clear_ibuf [dreg:s6], $0x5FFFF;
	_ =	strace $0x9000005B  }
0xb2: {  	s29 =	simm.s32 $0xA;
	_ =	strace $0x8000005D  }
0xb3: {  	_ =	swait.ge [sflag:s29], $0x1  }
0xb4: {  	[sflag:s29] =	ssyncadd.s32 $0xFFFFFFFF  }
0xb5: {  	_ =	strace $0x9000005D  }
0xb6: {  	_ =	sfence  }
0xb7: {  	s30 =	sld [smem:$0x0];
	_ =	sdelay $0x2  }
0xb8: {  	s31 =	sshll.u32 s1, $0xD;
	s1 =	sshrl.u32 s1, $0x2  }
0xb9: {  	s3 =	sand.u32 $0x4000, s31;
	s1 =	sadd.s32 s1, s30  }
0xba: {  	s0 =	sor.u32 s3, s0;
	s1 =	sshll.u32 s1, $0x11  }
0xbb: {  	s0 =	sor.u32 s1, s0  }
0xbc: {  	s0 =	sadd.s32 $0x8F2B, s0  }
0xbd: {  	[sflag:s0] =	ssyncadd.remote.s32 $0x1  }
0xbe: {  	_ =	sfence.sel $0xFFFF  }
0xbf: {  	[dreg:$0x0] =	wrdreg $0xFFFFFFFF;
	(pc) =	sbr.abs _section_cstart, $3  }
0xc0: {  	[dreg:$0x1] =	wrdreg $0xFFFFFFFF  }
0xc1: {  	_ =	task.clear_ibuf [dreg:s6], $0x2FFFF;
	_ =	strace $0x9FFFFFFF  }
0xc2: {  	(tm) =	ssettm $0x7FFFFFFF  }
0xc3: {  	_ =	shalt  }
tec
execute0_lowered:
.L_overlay_start_1:
0x0: {  	(tag) =	ssettag $0x1  }
0x1: {  	s4 =	rddreg [dreg:$0x0]  }
0x2: {  	s1 =	rddreg [dreg:$0x1]  }
0x3: {  	s0 =	rddreg [dreg:$0x2]  }
0x4: {  	s3 =	simm.s32 $0x0;
	s5 =	srdreg.scid;
	s2 =	stileid.u32  }
0x5: {  	s16 =	simm.s32 $0x3E00;
	s17 =	simm.s32 $0x0;
	s7 =	smul.u32 $0x2800, s2  }
0x6: {  	[smem:$0x7FF] =	sst s3;
	s5 =	sand.u32 $0x1, s5;
	s11 =	smul.u32 $0x50000, s2  }
0x7: {  	s6 =	sshll.u32 s2, $0x1;
	s9 =	sadd.s32 $0x18BCE00, s4;
	s14 =	smul.u32 $0x4E200, s2  }
0x8: {  	s30 =	sshll.u32 s2, $0x6;
	_ =	strace $0x8000005C;
	s8 =	smul.u32 $0x28000, s5  }
0x9: {  	s6 =	sor.u32 s5, s6;
	s29 =	ssub.s32 $0x2, s5;
	s15 =	smul.u32 $0x27100, s5  }
0xa: {  	s5 =	sor.u32 $0x1C03, s30;
	s10 =	sshll.u32 s6, $0xB;
	s12 =	sshrl.u32 s29, $0x1  }
0xb: {  	s11 =	sshrl.u32 s11, $0x2;
	s13 =	smul.u32 $0x27100, s6;
	s31 =	sadd.s32 s14, s9  }
0xc: {  	s14 =	simm.s32 $0x50;
	s10 =	sadd.s32 s10, s4;
	s8 =	sadd.s32 s7, s8  }
0xd: {  	s7 =	sadd.s32 s7, s4;
	s12 =	ssub.s32 s29, s12;
	s11 =	sadd.s32 s11, s1  }
0xe: {  	s8 =	sadd.s32 s8, s4;
	s4 =	sadd.s32 $0x39000, s7;
	s6 =	sadd.s32 $0x13CAE00, s10  }
0xf: {  	s7 =	sadd.s32 s9, s13;
	s10 =	sadd.s32 s15, s31;
	s9 =	smax.u32 s12, $0x1  }
0x10: {  	s11 =	sshrl.u32 s11, $0x3;
	s12 =	simm.s32 $0x3;
	s13 =	simm.s32 $0x4000  }
0x11: {  	s15 =	simm.s32 $0x1;
	s8 =	sadd.s32 $0x88200, s8;
	s10 =	sadd.s32 $0x500, s10  }
.LBB2_1:
0x12: {  	[spmem:s11], [sflag:s5] =	dma.local [hbm:s4], $0x2800  }
0x13: {  	_ =	swait.ge [sflag:s12], $0x2800  }
0x14: {  	[sflag:s12] =	ssyncset.done $0x0  }
0x15: {  	[sflag:s12] =	ssyncadd.s32 $0xFFFFD800  }
0x16: {  	s18 =	sand.u32 $0x1, s15;
	[bflag:$0x0] =	sbarrier.arrive $0xFFFF  }
0x17: {  	[tilespmem:s3], [sflag:$0x3] =	stream.linear.gather [hbm4b:s6+s3], $0x3E80, $0x38;
	[tilespmem:$0x1D000] =	vst v63  }
0x18: {  	s20 =	simm.s32 $0x0;
	s19 =	smul.u32 $0xA000, s18;
	_ =	swait.ge [sflag:s12], $0x3E80  }
0x19: {  	s21 =	simm.s32 $0x2;
	s20 =	sand.u32 $0x1, s20;
	[sflag:s12] =	ssyncset.done $0x0  }
0x1a: {  	s18 =	sadd.s32 $0x1, s18;
	s19 =	sshrl.u32 s19, $0x2;
	[sflag:s12] =	ssyncadd.s32 $0xFFFFC180  }
0x1b: {  	[tilespmem:s13], [sflag:$0x1] =	stream.linear.gather [hbm4b:s7+s3], $0x2800, $0x38;
	[tilespmem:$0x1D000] =	vst v63  }
0x1c: {  	s22 =	sadd.s32 $0x1, s20;
	s20 =	smul.u32 $0xA000, s20;
	s19 =	sor.u32 $0x4000, s19  }
0x1d: {  	[tilespmem:s19], [sflag:s18] =	stream.linear.gather [hbm4b:s10+s3], $0x2800, $0x38;
	[tilespmem:$0x1D000] =	vst v63  }
0x1e: {  	s31 =	sshrl.u32 s20, $0x2;
	s20 =	sand.u32 $0x1, s21;
	_ =	swait.ge [sflag:s22], $0x2800  }
0x1f: {  	s23 =	smul.u32 $0xA000, s20;
	[sflag:s22] =	ssyncset.done $0x0  }
0x20: {  	s18 =	sor.u32 $0x4000, s31;
	s19 =	sadd.s32 $0x500, s10;
	[sflag:s22] =	ssyncadd.s32 $0xFFFFD800  }
0x21: {  	[spmem:s1] =	stream.indirect.scatter.add.f32 [tilespmem:s18], [sflag:$0x3], $0x80, s3, s14, $0xb8;
	[tilespmem:$0x1D000] =	vst v63  }
0x22: {  	s22 =	simm.s32 $0x3;
	s18 =	simm.s32 $0x0;
	_ =	swait.ge [sflag:s12], $0x2800  }
.LBB2_2:
0x23: {  	[sflag:s12] =	ssyncset.done $0x0  }
0x24: {  	s18 =	sadd.s32 $0x80, s18;
	s24 =	smov.u32 s22;
	s25 =	sadd.s32 $0x1, s22  }
0x25: {  	s21 =	sadd.s32 $0xFFFFFFFF, s21;
	s23 =	sshrl.u32 s23, $0x2;
	[sflag:s12] =	ssyncadd.s32 $0xFFFFD800  }
0x26: {  	s20 =	sadd.s32 $0x1, s20;
	s21 =	sand.u32 $0x1, s21;
	s23 =	sor.u32 $0x4000, s23  }
0x27: {  	p0 =	sne.s32 s22, $0x7C;
	s22 =	sadd.s32 $0x1, s21;
	s21 =	smul.u32 $0xA000, s21  }
0x28: {  	[tilespmem:s23], [sflag:s20] =	stream.linear.gather [hbm4b:s19+s3], $0x2800, $0x38;
	[tilespmem:$0x1D000] =	vst v63  }
.Ltmp0:
0x29: {  	s20 =	sshrl.u32 s21, $0x2;
	_ =	swait.ge [sflag:s22], $0x2800;
	(pc) =	sbr.rel @p0 .LBB2_2-.Ltmp0, $4  }
0x2a: {  	s21 =	smov.u32 s24;
	s23 =	sor.u32 $0x4000, s20;
	[sflag:s22] =	ssyncset.done $0x0  }
0x2b: {  	s19 =	sadd.s32 $0x500, s19;
	s20 =	sand.u32 $0x1, s21;
	[sflag:s22] =	ssyncadd.s32 $0xFFFFD800  }
0x2c: {  	[spmem:s1] =	stream.indirect.scatter.add.f32 [tilespmem:s23], [sflag:$0x3], $0x80, s18, s14, $0xb8;
	[tilespmem:$0x1D000] =	vst v63  }
0x2d: {  	s22 =	smov.u32 s25;
	s23 =	smul.u32 $0xA000, s20;
	_ =	swait.ge [sflag:s12], $0x2800  }
0x2e: {  	[sflag:s12] =	ssyncset.done $0x0;
	s21 =	sadd.s32 $0xFFFFFFFF, s21;
	s20 =	sadd.s32 $0x1, s20  }
0x2f: {  	s22 =	sshrl.u32 s23, $0x2;
	[sflag:s12] =	ssyncadd.s32 $0xFFFFD800;
	s21 =	sand.u32 $0x1, s21  }
0x30: {  	s22 =	sor.u32 $0x4000, s22;
	s30 =	sadd.s32 $0x1, s21;
	s21 =	smul.u32 $0xA000, s21  }
0x31: {  	[tilespmem:s22], [sflag:s20] =	stream.linear.gather [hbm4b:s19+s3], $0x2800, $0x38;
	[tilespmem:$0x1D000] =	vst v63  }
0x32: {  	_ =	swait.ge [sflag:s30], $0x2800  }
0x33: {  	s31 =	sshrl.u32 s21, $0x2;
	[sflag:s30] =	ssyncset.done $0x0  }
0x34: {  	s18 =	sadd.s32 $0x80, s18;
	s19 =	sor.u32 $0x4000, s31;
	[sflag:s30] =	ssyncadd.s32 $0xFFFFD800  }
0x35: {  	[spmem:s1] =	stream.indirect.scatter.add.f32 [tilespmem:s19], [sflag:$0x3], $0x80, s18, s14, $0xb8;
	[tilespmem:$0x1D000] =	vst v63  }
0x36: {  	_ =	swait.ge [sflag:s12], $0x2800  }
0x37: {  	[sflag:s12] =	ssyncset.done $0x0  }
0x38: {  	[sflag:s12] =	ssyncadd.s32 $0xFFFFD800  }
0x39: {  	_ =	swait.ge [sflag:s15], $0x2800  }
0x3a: {  	[sflag:s15] =	ssyncset.done $0x0  }
0x3b: {  	[sflag:s15] =	ssyncadd.s32 $0xFFFFD800  }
0x3c: {  	[spmem:s1] =	stream.indirect.scatter.add.f32 [tilespmem:s13], [sflag:$0x3], $0x80, s16, s14, $0xb8;
	[tilespmem:$0x1D000] =	vst v63  }
0x3d: {  	_ =	swait.ge [sflag:s12], $0x2800  }
0x3e: {  	s17 =	sadd.s32 $0x1, s17;
	[sflag:s12] =	ssyncset.done $0x0  }
0x3f: {  	p0 =	sne.s32 s17, s9;
	[sflag:s12] =	ssyncadd.s32 $0xFFFFD800  }
.Ltmp1:
0x40: {  	[bflag:$0x0] =	sbarrier.arrive $0xFFFF;
	(pc) =	sbr.rel @p0 .LBB2_1-.Ltmp1, $4  }
0x41: {  	[hbm:s8], [sflag:s5] =	dma.local [spmem:s11], $0x2800  }
0x42: {  	_ =	swait.ge [sflag:s12], $0x2800  }
0x43: {  	[sflag:s12] =	ssyncset.done $0x0  }
0x44: {  	[sflag:s12] =	ssyncadd.s32 $0xFFFFD800  }
0x45: {  	_ =	sfence.sel $0x180000  }
0x46: {  	[bflag:$0x0] =	sbarrier.arrive $0xFFFF  }
0x47: {  	p0 =	sne.s32 s2, $0x0;
	_ =	strace $0x9000005C  }
0x48: {  	s0 =	sadd.s32 @!p0 $0x100000, s0;
	[bflag:$0x2] =	sbarrier.arrive $0xFFFF  }
0x49: {  	[sflag:s0] =	ssyncadd.tile.s32 @!p0 $0x1;
	_ =	shalt  }
.Lfunc_end2:
_tile_overlayer_lowered:
.L_overlay_start_2:
0x4a: {  	(tag) =	ssettag $0x2  }
0x4b: {  	s0 =	rddreg [dreg:$0x0];
	s2 =	stileid.u32  }
0x4c: {  	s1 =	rddreg [dreg:$0x1];
	p0 =	sne.s32 s2, $0x0  }
0x4d: {  	s3 =	rddreg [dreg:$0x2];
	[bflag:$0x3] =	sbarrier.arrive $0xFFFF;
	s2 =	simm.s32 @!p0 $0x1C03  }
0x4e: {  	[timem:s3], [sflag:s2] =	dma.local @!p0 [hbm:s0], s1  }
0x4f: {  	s0 =	simm.s32 @!p0 $0x3  }
0x50: {  	_ =	swait.ge @!p0 [sflag:s0], s1  }
0x51: {  	s1 =	ssub.s32 @!p0 $0x0, s1;
	[sflag:s0] =	ssyncset.done @!p0 $0x0  }
0x52: {  	[sflag:s0] =	ssyncadd.s32 @!p0 s1  }
0x53: {  	[bflag:$0x3] =	sbarrier.arrive $0xFFFF  }
0x54: {  	_ =	shalt  }

</sc_bundles>
